<compile_context>
chip_gen: v7x
topology: tpu7x:2x2x1
jax: 0.10.2.dev20260603
libtpu: 0.0.44.dev20260713+nightly
codegen_flags: <defaults>
</compile_context>

<pallas_src>
import functools

import jax
import jax.numpy as jnp
from jax import lax
from jax.experimental import pallas as pl
from jax.experimental.pallas import tpu as pltpu
from jax.experimental.pallas import tpu_sc as plsc

B = 16384
VOCAB = 4823
VPAD = 4864
VHALF = 2432
EMBED = 64
N_FIELDS = 26
HIDDEN = 256


def _prep_body(embt_ref, w4b_ref, pt_ref):
    ptf = lax.dot_general(
        w4b_ref[:], embt_ref[:], (((1,), (0,)), ((), ())),
        preferred_element_type=jnp.float32)
    lo = ptf[:, :VHALF]
    hi = ptf[:, VHALF:]
    lo_u = lax.bitcast_convert_type(
        lo.astype(jnp.bfloat16), jnp.uint16).astype(jnp.uint32)
    hi_u = lax.bitcast_convert_type(
        hi.astype(jnp.bfloat16), jnp.uint16).astype(jnp.uint32)
    pt_ref[:] = lax.bitcast_convert_type((hi_u << 16) | lo_u, jnp.int32)


def _mlp_body(xt_ref, w1_ref, w2_ref, w3_ref, w4a_ref, d_ref):
    w34 = lax.dot_general(
        w3_ref[:], w4a_ref[:], (((1,), (0,)), ((), ())),
        preferred_element_type=jnp.float32)
    h = jnp.maximum(
        lax.dot_general(w1_ref[:], xt_ref[:], (((0,), (0,)), ((), ())),
                        preferred_element_type=jnp.float32), 0.0)
    h = jnp.maximum(
        lax.dot_general(w2_ref[:], h, (((0,), (0,)), ((), ())),
                        preferred_element_type=jnp.float32), 0.0)
    d_ref[:] = jnp.sum(h * w34, axis=0)


def _combine_body(d_ref, s_ref, o_ref):
    o_ref[:] = jax.nn.sigmoid(d_ref[:] + s_ref[:])


def _make_sc_gather(num_workers, rows_per_w):
    mesh = plsc.VectorSubcoreMesh(core_axis_name="c", subcore_axis_name="s")
    groups = rows_per_w // 16

    @functools.partial(
        pl.kernel,
        mesh=mesh,
        out_type=jax.ShapeDtypeStruct((B,), jnp.float32),
        compiler_params=pltpu.CompilerParams(
            needs_layout_passes=False, use_tc_tiling_on_sc=False,
            disable_bounds_checks=True, skip_device_barrier=True),
        scratch_types=[
            pltpu.VMEM((N_FIELDS, VHALF), jnp.int32),
            pltpu.VMEM((N_FIELDS, rows_per_w), jnp.int32),
            pltpu.VMEM((rows_per_w,), jnp.float32),
            pltpu.SemaphoreType.DMA,
            pltpu.SemaphoreType.DMA,
        ],
    )
    def sc_gather(tab_hbm, idx_hbm, out_hbm, tab_v, idx_v, out_v,
                  tab_sem, idx_sem):
        nc = 2
        wid = lax.axis_index("s") * nc + lax.axis_index("c")
        base = wid * rows_per_w
        idx_cps = [
            pltpu.async_copy(idx_hbm.at[f, pl.ds(base, rows_per_w)],
                             idx_v.at[f], idx_sem)
            for f in range(N_FIELDS)
        ]
        tab_cps = [
            pltpu.async_copy(tab_hbm.at[f], tab_v.at[f], tab_sem)
            for f in range(N_FIELDS)
        ]

        for f in range(N_FIELDS):
            idx_cps[f].wait()
            tab_cps[f].wait()
            fv = jnp.full((16,), f, jnp.int32)

            def group_body(g, _, f=f, fv=fv):
                iv = idx_v[f, pl.ds(g * 16, 16)]
                hi_sel = iv >= VHALF
                u = jnp.where(hi_sel, iv - VHALF, iv)
                w = plsc.load_gather(tab_v, [fv, u])
                bits = jnp.where(hi_sel, w & jnp.int32(-65536), w << 16)
                val = plsc.bitcast(bits, jnp.float32)
                sl = pl.ds(g * 16, 16)
                if f == 0:
                    out_v[sl] = val
                else:
                    out_v[sl] = out_v[sl] + val
                return 0

            lax.fori_loop(0, groups, group_body, 0)
        pltpu.sync_copy(out_v, out_hbm.at[pl.ds(base, rows_per_w)])

    return sc_gather


def kernel(dense_input, sparse_input, emb_table, W1, W2, W3, W4):
    w4a = W4[:HIDDEN]
    w4b = W4[HIDDEN:, 0].reshape(N_FIELDS, EMBED)
    embt = emb_table.T

    pt = pl.pallas_call(
        _prep_body,
        grid=(1,),
        in_specs=[
            pl.BlockSpec((64, VPAD), lambda i: (0, 0)),
            pl.BlockSpec((N_FIELDS, EMBED), lambda i: (0, 0)),
        ],
        out_specs=pl.BlockSpec((N_FIELDS, VHALF), lambda i: (0, 0)),
        out_shape=jax.ShapeDtypeStruct((N_FIELDS, VHALF), jnp.int32),
        compiler_params=pltpu.CompilerParams(skip_device_barrier=True),
    )(embt, w4b)

    info = plsc.get_sparse_core_info()
    num_workers = info.num_cores * info.num_subcores
    rows_per_w = B // num_workers

    sc_gather = _make_sc_gather(num_workers, rows_per_w)
    s = sc_gather(pt, sparse_input.T)

    bm = 8192
    d = pl.pallas_call(
        _mlp_body,
        grid=(B // bm,),
        in_specs=[
            pl.BlockSpec((13, bm), lambda i: (0, i)),
            pl.BlockSpec((13, HIDDEN), lambda i: (0, 0)),
            pl.BlockSpec((HIDDEN, HIDDEN), lambda i: (0, 0)),
            pl.BlockSpec((HIDDEN, HIDDEN), lambda i: (0, 0)),
            pl.BlockSpec((HIDDEN, 1), lambda i: (0, 0)),
        ],
        out_specs=pl.BlockSpec((bm,), lambda i: (i,)),
        out_shape=jax.ShapeDtypeStruct((B,), jnp.float32),
        compiler_params=pltpu.CompilerParams(
            fuse_transposed_lhs_in_matmul=True, skip_device_barrier=True),
    )(dense_input.T, W1, W2, W3, w4a)

    out = pl.pallas_call(
        _combine_body,
        grid=(1,),
        in_specs=[
            pl.BlockSpec((B,), lambda i: (0,)),
            pl.BlockSpec((B,), lambda i: (0,)),
        ],
        out_specs=pl.BlockSpec((B,), lambda i: (0,)),
        out_shape=jax.ShapeDtypeStruct((B,), jnp.float32),
        compiler_params=pltpu.CompilerParams(skip_device_barrier=True),
    )(d, s)
    return out.reshape(B, 1)

# --- scband reference (transcript-rebuilt; emitter-appended) ---
"""Pipeline reference for scband-wdl-criteo-70935679861553 (READ-ONLY COPY).

The authoritative reference and input builder live on the scoring server;
editing this copy changes nothing except your own understanding.
"""

import jax, jax.numpy as jnp
import numpy as np

B = 16384
VOCAB = 4823  # round(feature_size_criteo[512]) = round(4822.7359)
EMBED = 64
N_FIELDS = 26


def setup_inputs(seed: int = 0) -> dict:
    key = jax.random.key(seed)
    ks = jax.random.split(key, 8)
    dense_input = jax.random.normal(ks[0], (B, 13), dtype=jnp.float32)
    sparse_input = jax.random.randint(ks[1], (B, N_FIELDS), 0, VOCAB, dtype=jnp.int32)
    emb_table = jax.random.normal(ks[2], (VOCAB, EMBED), dtype=jnp.float32) * 0.01
    W1 = jax.random.normal(ks[3], (13, 256), dtype=jnp.float32) * (1.0 / np.sqrt(13))
    W2 = jax.random.normal(ks[4], (256, 256), dtype=jnp.float32) * (1.0 / np.sqrt(256))
    W3 = jax.random.normal(ks[5], (256, 256), dtype=jnp.float32) * (1.0 / np.sqrt(256))
    W4 = jax.random.normal(ks[6], (256 + N_FIELDS * EMBED, 1), dtype=jnp.float32) * (1.0 / np.sqrt(256 + N_FIELDS * EMBED))
    return {
        "dense_input": dense_input,
        "sparse_input": sparse_input,
        "emb_table": emb_table,
        "W1": W1,
        "W2": W2,
        "W3": W3,
        "W4": W4,
    }


def reference(dense_input, sparse_input, emb_table, W1, W2, W3, W4):
    x = dense_input.astype(jnp.float32)
    # deep MLP tower: Linear -> ReLU -> Linear -> ReLU -> Linear (no final ReLU)
    y1 = jnp.maximum(x @ W1, 0.0)
    y1 = jnp.maximum(y1 @ W2, 0.0)
    y1 = y1 @ W3
    # embedding lookup (gather) over 26 sparse fields
    y2 = jnp.take(emb_table, sparse_input, axis=0)
    y2 = jnp.reshape(y2, (-1, N_FIELDS * EMBED))
    y3 = jnp.concatenate([y1, y2], axis=1)
    y4 = jax.nn.sigmoid(y3 @ W4)
    return y4

if __name__ == "__main__":
    import jax
    _d = setup_inputs()
    print(jax.jit(kernel)(*tuple(_d.values())))

</pallas_src>

<mosaic_0001>
#map = affine_map<(d0, d1) -> (0, 0)>
#map1 = affine_map<(d0, d1) -> (0)>
module attributes {stable_mosaic.version = 14 : i64} {
  func.func @sc_gather(%arg0: i32, %arg1: i32, %arg2: memref<26x2432xi32, #tpu.memory_space<hbm>>, %arg3: memref<26x16384xi32, #tpu.memory_space<hbm>>, %arg4: memref<16384xf32, #tpu.memory_space<hbm>>, %arg5: memref<26x2432xi32, #tpu.memory_space<vmem>>, %arg6: memref<26x512xi32, #tpu.memory_space<vmem>>, %arg7: memref<512xf32, #tpu.memory_space<vmem>>, %arg8: memref<!tpu.dma_semaphore, #tpu.memory_space<semaphore_mem>>, %arg9: memref<!tpu.dma_semaphore, #tpu.memory_space<semaphore_mem>>) attributes {dimension_semantics = [#tpu.dimension_semantics<core_parallel>, #tpu.dimension_semantics<subcore_parallel>], iteration_bounds = array<i64: 2, 16>, scalar_prefetch = 0 : i64, scratch_operands = 5 : i64, tpu.core_type = #tpu.core_type<sc_vector_subcore>, window_params = [{transform_indices = #map}, {transform_indices = #map}, {transform_indices = #map1}]} {
    %mul3A = arith.constant 2 : i32
    %mul3A_0 = arith.muli %arg1, %mul3A : i32
    %add3A = arith.addi %mul3A_0, %arg0 : i32
    %mul3A_1 = arith.constant 512 : i32
    %mul3A_2 = arith.muli %add3A, %mul3A_1 : i32
    %dma_start3A = arith.constant 0 : i32
    %dma_start3A_3 = arith.constant 0 : i32
    %dma_start3A_4 = arith.constant 0 : i32
    %dma_start3A_5 = tpu.memref_slice %arg6[%dma_start3A_3, %dma_start3A_4] : memref<26x512xi32, #tpu.memory_space<vmem>> -> memref<1x512xi32, #tpu.memory_space<vmem>>
    %dma_start3A_6 = tpu.memref_squeeze %dma_start3A_5 : memref<1x512xi32, #tpu.memory_space<vmem>> -> memref<512xi32, #tpu.memory_space<vmem>>
    %dma_start3A_7 = tpu.memref_slice %arg3[%dma_start3A, %mul3A_2] : memref<26x16384xi32, #tpu.memory_space<hbm>> -> memref<1x512xi32, #tpu.memory_space<hbm>>
    %dma_start3A_8 = tpu.memref_squeeze %dma_start3A_7 : memref<1x512xi32, #tpu.memory_space<hbm>> -> memref<512xi32, #tpu.memory_space<hbm>>
    %dma_start3A_9 = arith.constant 0 : i32
    %dma_start3A_10 = tpu.memref_slice %arg6[%dma_start3A_3, %dma_start3A_9] : memref<26x512xi32, #tpu.memory_space<vmem>> -> memref<1x512xi32, #tpu.memory_space<vmem>>
    %dma_start3A_11 = tpu.memref_squeeze %dma_start3A_10 : memref<1x512xi32, #tpu.memory_space<vmem>> -> memref<512xi32, #tpu.memory_space<vmem>>
    %dma_start3A_12 = tpu.memref_slice %arg3[%dma_start3A, %mul3A_2] : memref<26x16384xi32, #tpu.memory_space<hbm>> -> memref<1x512xi32, #tpu.memory_space<hbm>>
    %dma_start3A_13 = tpu.memref_squeeze %dma_start3A_12 : memref<1x512xi32, #tpu.memory_space<hbm>> -> memref<512xi32, #tpu.memory_space<hbm>>
    tpu.enqueue_dma source(%dma_start3A_13 : memref<512xi32, #tpu.memory_space<hbm>>) target(%dma_start3A_11 : memref<512xi32, #tpu.memory_space<vmem>>) target_semaphore(%arg9 : memref<!tpu.dma_semaphore, #tpu.memory_space<semaphore_mem>>)
    %dma_start3A_14 = arith.constant 1 : i32
    %dma_start3A_15 = arith.constant 1 : i32
    %dma_start3A_16 = arith.constant 0 : i32
    %dma_start3A_17 = tpu.memref_slice %arg6[%dma_start3A_15, %dma_start3A_16] : memref<26x512xi32, #tpu.memory_space<vmem>> -> memref<1x512xi32, #tpu.memory_space<vmem>>
    %dma_start3A_18 = tpu.memref_squeeze %dma_start3A_17 : memref<1x512xi32, #tpu.memory_space<vmem>> -> memref<512xi32, #tpu.memory_space<vmem>>
    %dma_start3A_19 = tpu.memref_slice %arg3[%dma_start3A_14, %mul3A_2] : memref<26x16384xi32, #tpu.memory_space<hbm>> -> memref<1x512xi32, #tpu.memory_space<hbm>>
    %dma_start3A_20 = tpu.memref_squeeze %dma_start3A_19 : memref<1x512xi32, #tpu.memory_space<hbm>> -> memref<512xi32, #tpu.memory_space<hbm>>
    %dma_start3A_21 = arith.constant 0 : i32
    %dma_start3A_22 = tpu.memref_slice %arg6[%dma_start3A_15, %dma_start3A_21] : memref<26x512xi32, #tpu.memory_space<vmem>> -> memref<1x512xi32, #tpu.memory_space<vmem>>
    %dma_start3A_23 = tpu.memref_squeeze %dma_start3A_22 : memref<1x512xi32, #tpu.memory_space<vmem>> -> memref<512xi32, #tpu.memory_space<vmem>>
    %dma_start3A_24 = tpu.memref_slice %arg3[%dma_start3A_14, %mul3A_2] : memref<26x16384xi32, #tpu.memory_space<hbm>> -> memref<1x512xi32, #tpu.memory_space<hbm>>
    %dma_start3A_25 = tpu.memref_squeeze %dma_start3A_24 : memref<1x512xi32, #tpu.memory_space<hbm>> -> memref<512xi32, #tpu.memory_space<hbm>>
    tpu.enqueue_dma source(%dma_start3A_25 : memref<512xi32, #tpu.memory_space<hbm>>) target(%dma_start3A_23 : memref<512xi32, #tpu.memory_space<vmem>>) target_semaphore(%arg9 : memref<!tpu.dma_semaphore, #tpu.memory_space<semaphore_mem>>)
    %dma_start3A_26 = arith.constant 2 : i32
    %dma_start3A_27 = arith.constant 2 : i32
    %dma_start3A_28 = arith.constant 0 : i32
    %dma_start3A_29 = tpu.memref_slice %arg6[%dma_start3A_27, %dma_start3A_28] : memref<26x512xi32, #tpu.memory_space<vmem>> -> memref<1x512xi32, #tpu.memory_space<vmem>>
    %dma_start3A_30 = tpu.memref_squeeze %dma_start3A_29 : memref<1x512xi32, #tpu.memory_space<vmem>> -> memref<512xi32, #tpu.memory_space<vmem>>
    %dma_start3A_31 = tpu.memref_slice %arg3[%dma_start3A_26, %mul3A_2] : memref<26x16384xi32, #tpu.memory_space<hbm>> -> memref<1x512xi32, #tpu.memory_space<hbm>>
    %dma_start3A_32 = tpu.memref_squeeze %dma_start3A_31 : memref<1x512xi32, #tpu.memory_space<hbm>> -> memref<512xi32, #tpu.memory_space<hbm>>
    %dma_start3A_33 = arith.constant 0 : i32
    %dma_start3A_34 = tpu.memref_slice %arg6[%dma_start3A_27, %dma_start3A_33] : memref<26x512xi32, #tpu.memory_space<vmem>> -> memref<1x512xi32, #tpu.memory_space<vmem>>
    %dma_start3A_35 = tpu.memref_squeeze %dma_start3A_34 : memref<1x512xi32, #tpu.memory_space<vmem>> -> memref<512xi32, #tpu.memory_space<vmem>>
    %dma_start3A_36 = tpu.memref_slice %arg3[%dma_start3A_26, %mul3A_2] : memref<26x16384xi32, #tpu.memory_space<hbm>> -> memref<1x512xi32, #tpu.memory_space<hbm>>
    %dma_start3A_37 = tpu.memref_squeeze %dma_start3A_36 : memref<1x512xi32, #tpu.memory_space<hbm>> -> memref<512xi32, #tpu.memory_space<hbm>>
    tpu.enqueue_dma source(%dma_start3A_37 : memref<512xi32, #tpu.memory_space<hbm>>) target(%dma_start3A_35 : memref<512xi32, #tpu.memory_space<vmem>>) target_semaphore(%arg9 : memref<!tpu.dma_semaphore, #tpu.memory_space<semaphore_mem>>)
    %dma_start3A_38 = arith.constant 3 : i32
    %dma_start3A_39 = arith.constant 3 : i32
    %dma_start3A_40 = arith.constant 0 : i32
    %dma_start3A_41 = tpu.memref_slice %arg6[%dma_start3A_39, %dma_start3A_40] : memref<26x512xi32, #tpu.memory_space<vmem>> -> memref<1x512xi32, #tpu.memory_space<vmem>>
    %dma_start3A_42 = tpu.memref_squeeze %dma_start3A_41 : memref<1x512xi32, #tpu.memory_space<vmem>> -> memref<512xi32, #tpu.memory_space<vmem>>
    %dma_start3A_43 = tpu.memref_slice %arg3[%dma_start3A_38, %mul3A_2] : memref<26x16384xi32, #tpu.memory_space<hbm>> -> memref<1x512xi32, #tpu.memory_space<hbm>>
    %dma_start3A_44 = tpu.memref_squeeze %dma_start3A_43 : memref<1x512xi32, #tpu.memory_space<hbm>> -> memref<512xi32, #tpu.memory_space<hbm>>
    %dma_start3A_45 = arith.constant 0 : i32
    %dma_start3A_46 = tpu.memref_slice %arg6[%dma_start3A_39, %dma_start3A_45] : memref<26x512xi32, #tpu.memory_space<vmem>> -> memref<1x512xi32, #tpu.memory_space<vmem>>
    %dma_start3A_47 = tpu.memref_squeeze %dma_start3A_46 : memref<1x512xi32, #tpu.memory_space<vmem>> -> memref<512xi32, #tpu.memory_space<vmem>>
    %dma_start3A_48 = tpu.memref_slice %arg3[%dma_start3A_38, %mul3A_2] : memref<26x16384xi32, #tpu.memory_space<hbm>> -> memref<1x512xi32, #tpu.memory_space<hbm>>
    %dma_start3A_49 = tpu.memref_squeeze %dma_start3A_48 : memref<1x512xi32, #tpu.memory_space<hbm>> -> memref<512xi32, #tpu.memory_space<hbm>>
    tpu.enqueue_dma source(%dma_start3A_49 : memref<512xi32, #tpu.memory_space<hbm>>) target(%dma_start3A_47 : memref<512xi32, #tpu.memory_space<vmem>>) target_semaphore(%arg9 : memref<!tpu.dma_semaphore, #tpu.memory_space<semaphore_mem>>)
    %dma_start3A_50 = arith.constant 4 : i32
    %dma_start3A_51 = arith.constant 4 : i32
    %dma_start3A_52 = arith.constant 0 : i32
    %dma_start3A_53 = tpu.memref_slice %arg6[%dma_start3A_51, %dma_start3A_52] : memref<26x512xi32, #tpu.memory_space<vmem>> -> memref<1x512xi32, #tpu.memory_space<vmem>>
    %dma_start3A_54 = tpu.memref_squeeze %dma_start3A_53 : memref<1x512xi32, #tpu.memory_space<vmem>> -> memref<512xi32, #tpu.memory_space<vmem>>
    %dma_start3A_55 = tpu.memref_slice %arg3[%dma_start3A_50, %mul3A_2] : memref<26x16384xi32, #tpu.memory_space<hbm>> -> memref<1x512xi32, #tpu.memory_space<hbm>>
    %dma_start3A_56 = tpu.memref_squeeze %dma_start3A_55 : memref<1x512xi32, #tpu.memory_space<hbm>> -> memref<512xi32, #tpu.memory_space<hbm>>
    %dma_start3A_57 = arith.constant 0 : i32
    %dma_start3A_58 = tpu.memref_slice %arg6[%dma_start3A_51, %dma_start3A_57] : memref<26x512xi32, #tpu.memory_space<vmem>> -> memref<1x512xi32, #tpu.memory_space<vmem>>
    %dma_start3A_59 = tpu.memref_squeeze %dma_start3A_58 : memref<1x512xi32, #tpu.memory_space<vmem>> -> memref<512xi32, #tpu.memory_space<vmem>>
    %dma_start3A_60 = tpu.memref_slice %arg3[%dma_start3A_50, %mul3A_2] : memref<26x16384xi32, #tpu.memory_space<hbm>> -> memref<1x512xi32, #tpu.memory_space<hbm>>
    %dma_start3A_61 = tpu.memref_squeeze %dma_start3A_60 : memref<1x512xi32, #tpu.memory_space<hbm>> -> memref<512xi32, #tpu.memory_space<hbm>>
    tpu.enqueue_dma source(%dma_start3A_61 : memref<512xi32, #tpu.memory_space<hbm>>) target(%dma_start3A_59 : memref<512xi32, #tpu.memory_space<vmem>>) target_semaphore(%arg9 : memref<!tpu.dma_semaphore, #tpu.memory_space<semaphore_mem>>)
    %dma_start3A_62 = arith.constant 5 : i32
    %dma_start3A_63 = arith.constant 5 : i32
    %dma_start3A_64 = arith.constant 0 : i32
    %dma_start3A_65 = tpu.memref_slice %arg6[%dma_start3A_63, %dma_start3A_64] : memref<26x512xi32, #tpu.memory_space<vmem>> -> memref<1x512xi32, #tpu.memory_space<vmem>>
    %dma_start3A_66 = tpu.memref_squeeze %dma_start3A_65 : memref<1x512xi32, #tpu.memory_space<vmem>> -> memref<512xi32, #tpu.memory_space<vmem>>
    %dma_start3A_67 = tpu.memref_slice %arg3[%dma_start3A_62, %mul3A_2] : memref<26x16384xi32, #tpu.memory_space<hbm>> -> memref<1x512xi32, #tpu.memory_space<hbm>>
    %dma_start3A_68 = tpu.memref_squeeze %dma_start3A_67 : memref<1x512xi32, #tpu.memory_space<hbm>> -> memref<512xi32, #tpu.memory_space<hbm>>
    %dma_start3A_69 = arith.constant 0 : i32
    %dma_start3A_70 = tpu.memref_slice %arg6[%dma_start3A_63, %dma_start3A_69] : memref<26x512xi32, #tpu.memory_space<vmem>> -> memref<1x512xi32, #tpu.memory_space<vmem>>
    %dma_start3A_71 = tpu.memref_squeeze %dma_start3A_70 : memref<1x512xi32, #tpu.memory_space<vmem>> -> memref<512xi32, #tpu.memory_space<vmem>>
    %dma_start3A_72 = tpu.memref_slice %arg3[%dma_start3A_62, %mul3A_2] : memref<26x16384xi32, #tpu.memory_space<hbm>> -> memref<1x512xi32, #tpu.memory_space<hbm>>
    %dma_start3A_73 = tpu.memref_squeeze %dma_start3A_72 : memref<1x512xi32, #tpu.memory_space<hbm>> -> memref<512xi32, #tpu.memory_space<hbm>>
    tpu.enqueue_dma source(%dma_start3A_73 : memref<512xi32, #tpu.memory_space<hbm>>) target(%dma_start3A_71 : memref<512xi32, #tpu.memory_space<vmem>>) target_semaphore(%arg9 : memref<!tpu.dma_semaphore, #tpu.memory_space<semaphore_mem>>)
    %dma_start3A_74 = arith.constant 6 : i32
    %dma_start3A_75 = arith.constant 6 : i32
    %dma_start3A_76 = arith.constant 0 : i32
    %dma_start3A_77 = tpu.memref_slice %arg6[%dma_start3A_75, %dma_start3A_76] : memref<26x512xi32, #tpu.memory_space<vmem>> -> memref<1x512xi32, #tpu.memory_space<vmem>>
    %dma_start3A_78 = tpu.memref_squeeze %dma_start3A_77 : memref<1x512xi32, #tpu.memory_space<vmem>> -> memref<512xi32, #tpu.memory_space<vmem>>
    %dma_start3A_79 = tpu.memref_slice %arg3[%dma_start3A_74, %mul3A_2] : memref<26x16384xi32, #tpu.memory_space<hbm>> -> memref<1x512xi32, #tpu.memory_space<hbm>>
    %dma_start3A_80 = tpu.memref_squeeze %dma_start3A_79 : memref<1x512xi32, #tpu.memory_space<hbm>> -> memref<512xi32, #tpu.memory_space<hbm>>
    %dma_start3A_81 = arith.constant 0 : i32
    %dma_start3A_82 = tpu.memref_slice %arg6[%dma_start3A_75, %dma_start3A_81] : memref<26x512xi32, #tpu.memory_space<vmem>> -> memref<1x512xi32, #tpu.memory_space<vmem>>
    %dma_start3A_83 = tpu.memref_squeeze %dma_start3A_82 : memref<1x512xi32, #tpu.memory_space<vmem>> -> memref<512xi32, #tpu.memory_space<vmem>>
    %dma_start3A_84 = tpu.memref_slice %arg3[%dma_start3A_74, %mul3A_2] : memref<26x16384xi32, #tpu.memory_space<hbm>> -> memref<1x512xi32, #tpu.memory_space<hbm>>
    %dma_start3A_85 = tpu.memref_squeeze %dma_start3A_84 : memref<1x512xi32, #tpu.memory_space<hbm>> -> memref<512xi32, #tpu.memory_space<hbm>>
    tpu.enqueue_dma source(%dma_start3A_85 : memref<512xi32, #tpu.memory_space<hbm>>) target(%dma_start3A_83 : memref<512xi32, #tpu.memory_space<vmem>>) target_semaphore(%arg9 : memref<!tpu.dma_semaphore, #tpu.memory_space<semaphore_mem>>)
    %dma_start3A_86 = arith.constant 7 : i32
    %dma_start3A_87 = arith.constant 7 : i32
    %dma_start3A_88 = arith.constant 0 : i32
    %dma_start3A_89 = tpu.memref_slice %arg6[%dma_start3A_87, %dma_start3A_88] : memref<26x512xi32, #tpu.memory_space<vmem>> -> memref<1x512xi32, #tpu.memory_space<vmem>>
    %dma_start3A_90 = tpu.memref_squeeze %dma_start3A_89 : memref<1x512xi32, #tpu.memory_space<vmem>> -> memref<512xi32, #tpu.memory_space<vmem>>
    %dma_start3A_91 = tpu.memref_slice %arg3[%dma_start3A_86, %mul3A_2] : memref<26x16384xi32, #tpu.memory_space<hbm>> -> memref<1x512xi32, #tpu.memory_space<hbm>>
    %dma_start3A_92 = tpu.memref_squeeze %dma_start3A_91 : memref<1x512xi32, #tpu.memory_space<hbm>> -> memref<512xi32, #tpu.memory_space<hbm>>
    %dma_start3A_93 = arith.constant 0 : i32
    %dma_start3A_94 = tpu.memref_slice %arg6[%dma_start3A_87, %dma_start3A_93] : memref<26x512xi32, #tpu.memory_space<vmem>> -> memref<1x512xi32, #tpu.memory_space<vmem>>
    %dma_start3A_95 = tpu.memref_squeeze %dma_start3A_94 : memref<1x512xi32, #tpu.memory_space<vmem>> -> memref<512xi32, #tpu.memory_space<vmem>>
    %dma_start3A_96 = tpu.memref_slice %arg3[%dma_start3A_86, %mul3A_2] : memref<26x16384xi32, #tpu.memory_space<hbm>> -> memref<1x512xi32, #tpu.memory_space<hbm>>
    %dma_start3A_97 = tpu.memref_squeeze %dma_start3A_96 : memref<1x512xi32, #tpu.memory_space<hbm>> -> memref<512xi32, #tpu.memory_space<hbm>>
    tpu.enqueue_dma source(%dma_start3A_97 : memref<512xi32, #tpu.memory_space<hbm>>) target(%dma_start3A_95 : memref<512xi32, #tpu.memory_space<vmem>>) target_semaphore(%arg9 : memref<!tpu.dma_semaphore, #tpu.memory_space<semaphore_mem>>)
    %dma_start3A_98 = arith.constant 8 : i32
    %dma_start3A_99 = arith.constant 8 : i32
    %dma_start3A_100 = arith.constant 0 : i32
    %dma_start3A_101 = tpu.memref_slice %arg6[%dma_start3A_99, %dma_start3A_100] : memref<26x512xi32, #tpu.memory_space<vmem>> -> memref<1x512xi32, #tpu.memory_space<vmem>>
    %dma_start3A_102 = tpu.memref_squeeze %dma_start3A_101 : memref<1x512xi32, #tpu.memory_space<vmem>> -> memref<512xi32, #tpu.memory_space<vmem>>
    %dma_start3A_103 = tpu.memref_slice %arg3[%dma_start3A_98, %mul3A_2] : memref<26x16384xi32, #tpu.memory_space<hbm>> -> memref<1x512xi32, #tpu.memory_space<hbm>>
    %dma_start3A_104 = tpu.memref_squeeze %dma_start3A_103 : memref<1x512xi32, #tpu.memory_space<hbm>> -> memref<512xi32, #tpu.memory_space<hbm>>
    %dma_start3A_105 = arith.constant 0 : i32
    %dma_start3A_106 = tpu.memref_slice %arg6[%dma_start3A_99, %dma_start3A_105] : memref<26x512xi32, #tpu.memory_space<vmem>> -> memref<1x512xi32, #tpu.memory_space<vmem>>
    %dma_start3A_107 = tpu.memref_squeeze %dma_start3A_106 : memref<1x512xi32, #tpu.memory_space<vmem>> -> memref<512xi32, #tpu.memory_space<vmem>>
    %dma_start3A_108 = tpu.memref_slice %arg3[%dma_start3A_98, %mul3A_2] : memref<26x16384xi32, #tpu.memory_space<hbm>> -> memref<1x512xi32, #tpu.memory_space<hbm>>
    %dma_start3A_109 = tpu.memref_squeeze %dma_start3A_108 : memref<1x512xi32, #tpu.memory_space<hbm>> -> memref<512xi32, #tpu.memory_space<hbm>>
    tpu.enqueue_dma source(%dma_start3A_109 : memref<512xi32, #tpu.memory_space<hbm>>) target(%dma_start3A_107 : memref<512xi32, #tpu.memory_space<vmem>>) target_semaphore(%arg9 : memref<!tpu.dma_semaphore, #tpu.memory_space<semaphore_mem>>)
    %dma_start3A_110 = arith.constant 9 : i32
    %dma_start3A_111 = arith.constant 9 : i32
    %dma_start3A_112 = arith.constant 0 : i32
    %dma_start3A_113 = tpu.memref_slice %arg6[%dma_start3A_111, %dma_start3A_112] : memref<26x512xi32, #tpu.memory_space<vmem>> -> memref<1x512xi32, #tpu.memory_space<vmem>>
    %dma_start3A_114 = tpu.memref_squeeze %dma_start3A_113 : memref<1x512xi32, #tpu.memory_space<vmem>> -> memref<512xi32, #tpu.memory_space<vmem>>
    %dma_start3A_115 = tpu.memref_slice %arg3[%dma_start3A_110, %mul3A_2] : memref<26x16384xi32, #tpu.memory_space<hbm>> -> memref<1x512xi32, #tpu.memory_space<hbm>>
    %dma_start3A_116 = tpu.memref_squeeze %dma_start3A_115 : memref<1x512xi32, #tpu.memory_space<hbm>> -> memref<512xi32, #tpu.memory_space<hbm>>
    %dma_start3A_117 = arith.constant 0 : i32
    %dma_start3A_118 = tpu.memref_slice %arg6[%dma_start3A_111, %dma_start3A_117] : memref<26x512xi32, #tpu.memory_space<vmem>> -> memref<1x512xi32, #tpu.memory_space<vmem>>
    %dma_start3A_119 = tpu.memref_squeeze %dma_start3A_118 : memref<1x512xi32, #tpu.memory_space<vmem>> -> memref<512xi32, #tpu.memory_space<vmem>>
    %dma_start3A_120 = tpu.memref_slice %arg3[%dma_start3A_110, %mul3A_2] : memref<26x16384xi32, #tpu.memory_space<hbm>> -> memref<1x512xi32, #tpu.memory_space<hbm>>
    %dma_start3A_121 = tpu.memref_squeeze %dma_start3A_120 : memref<1x512xi32, #tpu.memory_space<hbm>> -> memref<512xi32, #tpu.memory_space<hbm>>
    tpu.enqueue_dma source(%dma_start3A_121 : memref<512xi32, #tpu.memory_space<hbm>>) target(%dma_start3A_119 : memref<512xi32, #tpu.memory_space<vmem>>) target_semaphore(%arg9 : memref<!tpu.dma_semaphore, #tpu.memory_space<semaphore_mem>>)
    %dma_start3A_122 = arith.constant 10 : i32
    %dma_start3A_123 = arith.constant 10 : i32
    %dma_start3A_124 = arith.constant 0 : i32
    %dma_start3A_125 = tpu.memref_slice %arg6[%dma_start3A_123, %dma_start3A_124] : memref<26x512xi32, #tpu.memory_space<vmem>> -> memref<1x512xi32, #tpu.memory_space<vmem>>
    %dma_start3A_126 = tpu.memref_squeeze %dma_start3A_125 : memref<1x512xi32, #tpu.memory_space<vmem>> -> memref<512xi32, #tpu.memory_space<vmem>>
    %dma_start3A_127 = tpu.memref_slice %arg3[%dma_start3A_122, %mul3A_2] : memref<26x16384xi32, #tpu.memory_space<hbm>> -> memref<1x512xi32, #tpu.memory_space<hbm>>
    %dma_start3A_128 = tpu.memref_squeeze %dma_start3A_127 : memref<1x512xi32, #tpu.memory_space<hbm>> -> memref<512xi32, #tpu.memory_space<hbm>>
    %dma_start3A_129 = arith.constant 0 : i32
    %dma_start3A_130 = tpu.memref_slice %arg6[%dma_start3A_123, %dma_start3A_129] : memref<26x512xi32, #tpu.memory_space<vmem>> -> memref<1x512xi32, #tpu.memory_space<vmem>>
    %dma_start3A_131 = tpu.memref_squeeze %dma_start3A_130 : memref<1x512xi32, #tpu.memory_space<vmem>> -> memref<512xi32, #tpu.memory_space<vmem>>
    %dma_start3A_132 = tpu.memref_slice %arg3[%dma_start3A_122, %mul3A_2] : memref<26x16384xi32, #tpu.memory_space<hbm>> -> memref<1x512xi32, #tpu.memory_space<hbm>>
    %dma_start3A_133 = tpu.memref_squeeze %dma_start3A_132 : memref<1x512xi32, #tpu.memory_space<hbm>> -> memref<512xi32, #tpu.memory_space<hbm>>
    tpu.enqueue_dma source(%dma_start3A_133 : memref<512xi32, #tpu.memory_space<hbm>>) target(%dma_start3A_131 : memref<512xi32, #tpu.memory_space<vmem>>) target_semaphore(%arg9 : memref<!tpu.dma_semaphore, #tpu.memory_space<semaphore_mem>>)
    %dma_start3A_134 = arith.constant 11 : i32
    %dma_start3A_135 = arith.constant 11 : i32
    %dma_start3A_136 = arith.constant 0 : i32
    %dma_start3A_137 = tpu.memref_slice %arg6[%dma_start3A_135, %dma_start3A_136] : memref<26x512xi32, #tpu.memory_space<vmem>> -> memref<1x512xi32, #tpu.memory_space<vmem>>
    %dma_start3A_138 = tpu.memref_squeeze %dma_start3A_137 : memref<1x512xi32, #tpu.memory_space<vmem>> -> memref<512xi32, #tpu.memory_space<vmem>>
    %dma_start3A_139 = tpu.memref_slice %arg3[%dma_start3A_134, %mul3A_2] : memref<26x16384xi32, #tpu.memory_space<hbm>> -> memref<1x512xi32, #tpu.memory_space<hbm>>
    %dma_start3A_140 = tpu.memref_squeeze %dma_start3A_139 : memref<1x512xi32, #tpu.memory_space<hbm>> -> memref<512xi32, #tpu.memory_space<hbm>>
    %dma_start3A_141 = arith.constant 0 : i32
    %dma_start3A_142 = tpu.memref_slice %arg6[%dma_start3A_135, %dma_start3A_141] : memref<26x512xi32, #tpu.memory_space<vmem>> -> memref<1x512xi32, #tpu.memory_space<vmem>>
    %dma_start3A_143 = tpu.memref_squeeze %dma_start3A_142 : memref<1x512xi32, #tpu.memory_space<vmem>> -> memref<512xi32, #tpu.memory_space<vmem>>
    %dma_start3A_144 = tpu.memref_slice %arg3[%dma_start3A_134, %mul3A_2] : memref<26x16384xi32, #tpu.memory_space<hbm>> -> memref<1x512xi32, #tpu.memory_space<hbm>>
    %dma_start3A_145 = tpu.memref_squeeze %dma_start3A_144 : memref<1x512xi32, #tpu.memory_space<hbm>> -> memref<512xi32, #tpu.memory_space<hbm>>
    tpu.enqueue_dma source(%dma_start3A_145 : memref<512xi32, #tpu.memory_space<hbm>>) target(%dma_start3A_143 : memref<512xi32, #tpu.memory_space<vmem>>) target_semaphore(%arg9 : memref<!tpu.dma_semaphore, #tpu.memory_space<semaphore_mem>>)
    %dma_start3A_146 = arith.constant 12 : i32
    %dma_start3A_147 = arith.constant 12 : i32
    %dma_start3A_148 = arith.constant 0 : i32
    %dma_start3A_149 = tpu.memref_slice %arg6[%dma_start3A_147, %dma_start3A_148] : memref<26x512xi32, #tpu.memory_space<vmem>> -> memref<1x512xi32, #tpu.memory_space<vmem>>
    %dma_start3A_150 = tpu.memref_squeeze %dma_start3A_149 : memref<1x512xi32, #tpu.memory_space<vmem>> -> memref<512xi32, #tpu.memory_space<vmem>>
    %dma_start3A_151 = tpu.memref_slice %arg3[%dma_start3A_146, %mul3A_2] : memref<26x16384xi32, #tpu.memory_space<hbm>> -> memref<1x512xi32, #tpu.memory_space<hbm>>
    %dma_start3A_152 = tpu.memref_squeeze %dma_start3A_151 : memref<1x512xi32, #tpu.memory_space<hbm>> -> memref<512xi32, #tpu.memory_space<hbm>>
    %dma_start3A_153 = arith.constant 0 : i32
    %dma_start3A_154 = tpu.memref_slice %arg6[%dma_start3A_147, %dma_start3A_153] : memref<26x512xi32, #tpu.memory_space<vmem>> -> memref<1x512xi32, #tpu.memory_space<vmem>>
    %dma_start3A_155 = tpu.memref_squeeze %dma_start3A_154 : memref<1x512xi32, #tpu.memory_space<vmem>> -> memref<512xi32, #tpu.memory_space<vmem>>
    %dma_start3A_156 = tpu.memref_slice %arg3[%dma_start3A_146, %mul3A_2] : memref<26x16384xi32, #tpu.memory_space<hbm>> -> memref<1x512xi32, #tpu.memory_space<hbm>>
    %dma_start3A_157 = tpu.memref_squeeze %dma_start3A_156 : memref<1x512xi32, #tpu.memory_space<hbm>> -> memref<512xi32, #tpu.memory_space<hbm>>
    tpu.enqueue_dma source(%dma_start3A_157 : memref<512xi32, #tpu.memory_space<hbm>>) target(%dma_start3A_155 : memref<512xi32, #tpu.memory_space<vmem>>) target_semaphore(%arg9 : memref<!tpu.dma_semaphore, #tpu.memory_space<semaphore_mem>>)
    %dma_start3A_158 = arith.constant 13 : i32
    %dma_start3A_159 = arith.constant 13 : i32
    %dma_start3A_160 = arith.constant 0 : i32
    %dma_start3A_161 = tpu.memref_slice %arg6[%dma_start3A_159, %dma_start3A_160] : memref<26x512xi32, #tpu.memory_space<vmem>> -> memref<1x512xi32, #tpu.memory_space<vmem>>
    %dma_start3A_162 = tpu.memref_squeeze %dma_start3A_161 : memref<1x512xi32, #tpu.memory_space<vmem>> -> memref<512xi32, #tpu.memory_space<vmem>>
    %dma_start3A_163 = tpu.memref_slice %arg3[%dma_start3A_158, %mul3A_2] : memref<26x16384xi32, #tpu.memory_space<hbm>> -> memref<1x512xi32, #tpu.memory_space<hbm>>
    %dma_start3A_164 = tpu.memref_squeeze %dma_start3A_163 : memref<1x512xi32, #tpu.memory_space<hbm>> -> memref<512xi32, #tpu.memory_space<hbm>>
    %dma_start3A_165 = arith.constant 0 : i32
    %dma_start3A_166 = tpu.memref_slice %arg6[%dma_start3A_159, %dma_start3A_165] : memref<26x512xi32, #tpu.memory_space<vmem>> -> memref<1x512xi32, #tpu.memory_space<vmem>>
    %dma_start3A_167 = tpu.memref_squeeze %dma_start3A_166 : memref<1x512xi32, #tpu.memory_space<vmem>> -> memref<512xi32, #tpu.memory_space<vmem>>
    %dma_start3A_168 = tpu.memref_slice %arg3[%dma_start3A_158, %mul3A_2] : memref<26x16384xi32, #tpu.memory_space<hbm>> -> memref<1x512xi32, #tpu.memory_space<hbm>>
    %dma_start3A_169 = tpu.memref_squeeze %dma_start3A_168 : memref<1x512xi32, #tpu.memory_space<hbm>> -> memref<512xi32, #tpu.memory_space<hbm>>
    tpu.enqueue_dma source(%dma_start3A_169 : memref<512xi32, #tpu.memory_space<hbm>>) target(%dma_start3A_167 : memref<512xi32, #tpu.memory_space<vmem>>) target_semaphore(%arg9 : memref<!tpu.dma_semaphore, #tpu.memory_space<semaphore_mem>>)
    %dma_start3A_170 = arith.constant 14 : i32
    %dma_start3A_171 = arith.constant 14 : i32
    %dma_start3A_172 = arith.constant 0 : i32
    %dma_start3A_173 = tpu.memref_slice %arg6[%dma_start3A_171, %dma_start3A_172] : memref<26x512xi32, #tpu.memory_space<vmem>> -> memref<1x512xi32, #tpu.memory_space<vmem>>
    %dma_start3A_174 = tpu.memref_squeeze %dma_start3A_173 : memref<1x512xi32, #tpu.memory_space<vmem>> -> memref<512xi32, #tpu.memory_space<vmem>>
    %dma_start3A_175 = tpu.memref_slice %arg3[%dma_start3A_170, %mul3A_2] : memref<26x16384xi32, #tpu.memory_space<hbm>> -> memref<1x512xi32, #tpu.memory_space<hbm>>
    %dma_start3A_176 = tpu.memref_squeeze %dma_start3A_175 : memref<1x512xi32, #tpu.memory_space<hbm>> -> memref<512xi32, #tpu.memory_space<hbm>>
    %dma_start3A_177 = arith.constant 0 : i32
    %dma_start3A_178 = tpu.memref_slice %arg6[%dma_start3A_171, %dma_start3A_177] : memref<26x512xi32, #tpu.memory_space<vmem>> -> memref<1x512xi32, #tpu.memory_space<vmem>>
    %dma_start3A_179 = tpu.memref_squeeze %dma_start3A_178 : memref<1x512xi32, #tpu.memory_space<vmem>> -> memref<512xi32, #tpu.memory_space<vmem>>
    %dma_start3A_180 = tpu.memref_slice %arg3[%dma_start3A_170, %mul3A_2] : memref<26x16384xi32, #tpu.memory_space<hbm>> -> memref<1x512xi32, #tpu.memory_space<hbm>>
    %dma_start3A_181 = tpu.memref_squeeze %dma_start3A_180 : memref<1x512xi32, #tpu.memory_space<hbm>> -> memref<512xi32, #tpu.memory_space<hbm>>
    tpu.enqueue_dma source(%dma_start3A_181 : memref<512xi32, #tpu.memory_space<hbm>>) target(%dma_start3A_179 : memref<512xi32, #tpu.memory_space<vmem>>) target_semaphore(%arg9 : memref<!tpu.dma_semaphore, #tpu.memory_space<semaphore_mem>>)
    %dma_start3A_182 = arith.constant 15 : i32
    %dma_start3A_183 = arith.constant 15 : i32
    %dma_start3A_184 = arith.constant 0 : i32
    %dma_start3A_185 = tpu.memref_slice %arg6[%dma_start3A_183, %dma_start3A_184] : memref<26x512xi32, #tpu.memory_space<vmem>> -> memref<1x512xi32, #tpu.memory_space<vmem>>
    %dma_start3A_186 = tpu.memref_squeeze %dma_start3A_185 : memref<1x512xi32, #tpu.memory_space<vmem>> -> memref<512xi32, #tpu.memory_space<vmem>>
    %dma_start3A_187 = tpu.memref_slice %arg3[%dma_start3A_182, %mul3A_2] : memref<26x16384xi32, #tpu.memory_space<hbm>> -> memref<1x512xi32, #tpu.memory_space<hbm>>
    %dma_start3A_188 = tpu.memref_squeeze %dma_start3A_187 : memref<1x512xi32, #tpu.memory_space<hbm>> -> memref<512xi32, #tpu.memory_space<hbm>>
    %dma_start3A_189 = arith.constant 0 : i32
    %dma_start3A_190 = tpu.memref_slice %arg6[%dma_start3A_183, %dma_start3A_189] : memref<26x512xi32, #tpu.memory_space<vmem>> -> memref<1x512xi32, #tpu.memory_space<vmem>>
    %dma_start3A_191 = tpu.memref_squeeze %dma_start3A_190 : memref<1x512xi32, #tpu.memory_space<vmem>> -> memref<512xi32, #tpu.memory_space<vmem>>
    %dma_start3A_192 = tpu.memref_slice %arg3[%dma_start3A_182, %mul3A_2] : memref<26x16384xi32, #tpu.memory_space<hbm>> -> memref<1x512xi32, #tpu.memory_space<hbm>>
    %dma_start3A_193 = tpu.memref_squeeze %dma_start3A_192 : memref<1x512xi32, #tpu.memory_space<hbm>> -> memref<512xi32, #tpu.memory_space<hbm>>
    tpu.enqueue_dma source(%dma_start3A_193 : memref<512xi32, #tpu.memory_space<hbm>>) target(%dma_start3A_191 : memref<512xi32, #tpu.memory_space<vmem>>) target_semaphore(%arg9 : memref<!tpu.dma_semaphore, #tpu.memory_space<semaphore_mem>>)
    %dma_start3A_194 = arith.constant 16 : i32
    %dma_start3A_195 = arith.constant 16 : i32
    %dma_start3A_196 = arith.constant 0 : i32
    %dma_start3A_197 = tpu.memref_slice %arg6[%dma_start3A_195, %dma_start3A_196] : memref<26x512xi32, #tpu.memory_space<vmem>> -> memref<1x512xi32, #tpu.memory_space<vmem>>
    %dma_start3A_198 = tpu.memref_squeeze %dma_start3A_197 : memref<1x512xi32, #tpu.memory_space<vmem>> -> memref<512xi32, #tpu.memory_space<vmem>>
    %dma_start3A_199 = tpu.memref_slice %arg3[%dma_start3A_194, %mul3A_2] : memref<26x16384xi32, #tpu.memory_space<hbm>> -> memref<1x512xi32, #tpu.memory_space<hbm>>
    %dma_start3A_200 = tpu.memref_squeeze %dma_start3A_199 : memref<1x512xi32, #tpu.memory_space<hbm>> -> memref<512xi32, #tpu.memory_space<hbm>>
    %dma_start3A_201 = arith.constant 0 : i32
    %dma_start3A_202 = tpu.memref_slice %arg6[%dma_start3A_195, %dma_start3A_201] : memref<26x512xi32, #tpu.memory_space<vmem>> -> memref<1x512xi32, #tpu.memory_space<vmem>>
    %dma_start3A_203 = tpu.memref_squeeze %dma_start3A_202 : memref<1x512xi32, #tpu.memory_space<vmem>> -> memref<512xi32, #tpu.memory_space<vmem>>
    %dma_start3A_204 = tpu.memref_slice %arg3[%dma_start3A_194, %mul3A_2] : memref<26x16384xi32, #tpu.memory_space<hbm>> -> memref<1x512xi32, #tpu.memory_space<hbm>>
    %dma_start3A_205 = tpu.memref_squeeze %dma_start3A_204 : memref<1x512xi32, #tpu.memory_space<hbm>> -> memref<512xi32, #tpu.memory_space<hbm>>
    tpu.enqueue_dma source(%dma_start3A_205 : memref<512xi32, #tpu.memory_space<hbm>>) target(%dma_start3A_203 : memref<512xi32, #tpu.memory_space<vmem>>) target_semaphore(%arg9 : memref<!tpu.dma_semaphore, #tpu.memory_space<semaphore_mem>>)
    %dma_start3A_206 = arith.constant 17 : i32
    %dma_start3A_207 = arith.constant 17 : i32
    %dma_start3A_208 = arith.constant 0 : i32
    %dma_start3A_209 = tpu.memref_slice %arg6[%dma_start3A_207, %dma_start3A_208] : memref<26x512xi32, #tpu.memory_space<vmem>> -> memref<1x512xi32, #tpu.memory_space<vmem>>
    %dma_start3A_210 = tpu.memref_squeeze %dma_start3A_209 : memref<1x512xi32, #tpu.memory_space<vmem>> -> memref<512xi32, #tpu.memory_space<vmem>>
    %dma_start3A_211 = tpu.memref_slice %arg3[%dma_start3A_206, %mul3A_2] : memref<26x16384xi32, #tpu.memory_space<hbm>> -> memref<1x512xi32, #tpu.memory_space<hbm>>
    %dma_start3A_212 = tpu.memref_squeeze %dma_start3A_211 : memref<1x512xi32, #tpu.memory_space<hbm>> -> memref<512xi32, #tpu.memory_space<hbm>>
    %dma_start3A_213 = arith.constant 0 : i32
    %dma_start3A_214 = tpu.memref_slice %arg6[%dma_start3A_207, %dma_start3A_213] : memref<26x512xi32, #tpu.memory_space<vmem>> -> memref<1x512xi32, #tpu.memory_space<vmem>>
    %dma_start3A_215 = tpu.memref_squeeze %dma_start3A_214 : memref<1x512xi32, #tpu.memory_space<vmem>> -> memref<512xi32, #tpu.memory_space<vmem>>
    %dma_start3A_216 = tpu.memref_slice %arg3[%dma_start3A_206, %mul3A_2] : memref<26x16384xi32, #tpu.memory_space<hbm>> -> memref<1x512xi32, #tpu.memory_space<hbm>>
    %dma_start3A_217 = tpu.memref_squeeze %dma_start3A_216 : memref<1x512xi32, #tpu.memory_space<hbm>> -> memref<512xi32, #tpu.memory_space<hbm>>
    tpu.enqueue_dma source(%dma_start3A_217 : memref<512xi32, #tpu.memory_space<hbm>>) target(%dma_start3A_215 : memref<512xi32, #tpu.memory_space<vmem>>) target_semaphore(%arg9 : memref<!tpu.dma_semaphore, #tpu.memory_space<semaphore_mem>>)
    %dma_start3A_218 = arith.constant 18 : i32
    %dma_start3A_219 = arith.constant 18 : i32
    %dma_start3A_220 = arith.constant 0 : i32
    %dma_start3A_221 = tpu.memref_slice %arg6[%dma_start3A_219, %dma_start3A_220] : memref<26x512xi32, #tpu.memory_space<vmem>> -> memref<1x512xi32, #tpu.memory_space<vmem>>
    %dma_start3A_222 = tpu.memref_squeeze %dma_start3A_221 : memref<1x512xi32, #tpu.memory_space<vmem>> -> memref<512xi32, #tpu.memory_space<vmem>>
    %dma_start3A_223 = tpu.memref_slice %arg3[%dma_start3A_218, %mul3A_2] : memref<26x16384xi32, #tpu.memory_space<hbm>> -> memref<1x512xi32, #tpu.memory_space<hbm>>
    %dma_start3A_224 = tpu.memref_squeeze %dma_start3A_223 : memref<1x512xi32, #tpu.memory_space<hbm>> -> memref<512xi32, #tpu.memory_space<hbm>>
    %dma_start3A_225 = arith.constant 0 : i32
    %dma_start3A_226 = tpu.memref_slice %arg6[%dma_start3A_219, %dma_start3A_225] : memref<26x512xi32, #tpu.memory_space<vmem>> -> memref<1x512xi32, #tpu.memory_space<vmem>>
    %dma_start3A_227 = tpu.memref_squeeze %dma_start3A_226 : memref<1x512xi32, #tpu.memory_space<vmem>> -> memref<512xi32, #tpu.memory_space<vmem>>
    %dma_start3A_228 = tpu.memref_slice %arg3[%dma_start3A_218, %mul3A_2] : memref<26x16384xi32, #tpu.memory_space<hbm>> -> memref<1x512xi32, #tpu.memory_space<hbm>>
    %dma_start3A_229 = tpu.memref_squeeze %dma_start3A_228 : memref<1x512xi32, #tpu.memory_space<hbm>> -> memref<512xi32, #tpu.memory_space<hbm>>
    tpu.enqueue_dma source(%dma_start3A_229 : memref<512xi32, #tpu.memory_space<hbm>>) target(%dma_start3A_227 : memref<512xi32, #tpu.memory_space<vmem>>) target_semaphore(%arg9 : memref<!tpu.dma_semaphore, #tpu.memory_space<semaphore_mem>>)
    %dma_start3A_230 = arith.constant 19 : i32
    %dma_start3A_231 = arith.constant 19 : i32
    %dma_start3A_232 = arith.constant 0 : i32
    %dma_start3A_233 = tpu.memref_slice %arg6[%dma_start3A_231, %dma_start3A_232] : memref<26x512xi32, #tpu.memory_space<vmem>> -> memref<1x512xi32, #tpu.memory_space<vmem>>
    %dma_start3A_234 = tpu.memref_squeeze %dma_start3A_233 : memref<1x512xi32, #tpu.memory_space<vmem>> -> memref<512xi32, #tpu.memory_space<vmem>>
    %dma_start3A_235 = tpu.memref_slice %arg3[%dma_start3A_230, %mul3A_2] : memref<26x16384xi32, #tpu.memory_space<hbm>> -> memref<1x512xi32, #tpu.memory_space<hbm>>
    %dma_start3A_236 = tpu.memref_squeeze %dma_start3A_235 : memref<1x512xi32, #tpu.memory_space<hbm>> -> memref<512xi32, #tpu.memory_space<hbm>>
    %dma_start3A_237 = arith.constant 0 : i32
    %dma_start3A_238 = tpu.memref_slice %arg6[%dma_start3A_231, %dma_start3A_237] : memref<26x512xi32, #tpu.memory_space<vmem>> -> memref<1x512xi32, #tpu.memory_space<vmem>>
    %dma_start3A_239 = tpu.memref_squeeze %dma_start3A_238 : memref<1x512xi32, #tpu.memory_space<vmem>> -> memref<512xi32, #tpu.memory_space<vmem>>
    %dma_start3A_240 = tpu.memref_slice %arg3[%dma_start3A_230, %mul3A_2] : memref<26x16384xi32, #tpu.memory_space<hbm>> -> memref<1x512xi32, #tpu.memory_space<hbm>>
    %dma_start3A_241 = tpu.memref_squeeze %dma_start3A_240 : memref<1x512xi32, #tpu.memory_space<hbm>> -> memref<512xi32, #tpu.memory_space<hbm>>
    tpu.enqueue_dma source(%dma_start3A_241 : memref<512xi32, #tpu.memory_space<hbm>>) target(%dma_start3A_239 : memref<512xi32, #tpu.memory_space<vmem>>) target_semaphore(%arg9 : memref<!tpu.dma_semaphore, #tpu.memory_space<semaphore_mem>>)
    %dma_start3A_242 = arith.constant 20 : i32
    %dma_start3A_243 = arith.constant 20 : i32
    %dma_start3A_244 = arith.constant 0 : i32
    %dma_start3A_245 = tpu.memref_slice %arg6[%dma_start3A_243, %dma_start3A_244] : memref<26x512xi32, #tpu.memory_space<vmem>> -> memref<1x512xi32, #tpu.memory_space<vmem>>
    %dma_start3A_246 = tpu.memref_squeeze %dma_start3A_245 : memref<1x512xi32, #tpu.memory_space<vmem>> -> memref<512xi32, #tpu.memory_space<vmem>>
    %dma_start3A_247 = tpu.memref_slice %arg3[%dma_start3A_242, %mul3A_2] : memref<26x16384xi32, #tpu.memory_space<hbm>> -> memref<1x512xi32, #tpu.memory_space<hbm>>
    %dma_start3A_248 = tpu.memref_squeeze %dma_start3A_247 : memref<1x512xi32, #tpu.memory_space<hbm>> -> memref<512xi32, #tpu.memory_space<hbm>>
    %dma_start3A_249 = arith.constant 0 : i32
    %dma_start3A_250 = tpu.memref_slice %arg6[%dma_start3A_243, %dma_start3A_249] : memref<26x512xi32, #tpu.memory_space<vmem>> -> memref<1x512xi32, #tpu.memory_space<vmem>>
    %dma_start3A_251 = tpu.memref_squeeze %dma_start3A_250 : memref<1x512xi32, #tpu.memory_space<vmem>> -> memref<512xi32, #tpu.memory_space<vmem>>
    %dma_start3A_252 = tpu.memref_slice %arg3[%dma_start3A_242, %mul3A_2] : memref<26x16384xi32, #tpu.memory_space<hbm>> -> memref<1x512xi32, #tpu.memory_space<hbm>>
    %dma_start3A_253 = tpu.memref_squeeze %dma_start3A_252 : memref<1x512xi32, #tpu.memory_space<hbm>> -> memref<512xi32, #tpu.memory_space<hbm>>
    tpu.enqueue_dma source(%dma_start3A_253 : memref<512xi32, #tpu.memory_space<hbm>>) target(%dma_start3A_251 : memref<512xi32, #tpu.memory_space<vmem>>) target_semaphore(%arg9 : memref<!tpu.dma_semaphore, #tpu.memory_space<semaphore_mem>>)
    %dma_start3A_254 = arith.constant 21 : i32
    %dma_start3A_255 = arith.constant 21 : i32
    %dma_start3A_256 = arith.constant 0 : i32
    %dma_start3A_257 = tpu.memref_slice %arg6[%dma_start3A_255, %dma_start3A_256] : memref<26x512xi32, #tpu.memory_space<vmem>> -> memref<1x512xi32, #tpu.memory_space<vmem>>
    %dma_start3A_258 = tpu.memref_squeeze %dma_start3A_257 : memref<1x512xi32, #tpu.memory_space<vmem>> -> memref<512xi32, #tpu.memory_space<vmem>>
    %dma_start3A_259 = tpu.memref_slice %arg3[%dma_start3A_254, %mul3A_2] : memref<26x16384xi32, #tpu.memory_space<hbm>> -> memref<1x512xi32, #tpu.memory_space<hbm>>
    %dma_start3A_260 = tpu.memref_squeeze %dma_start3A_259 : memref<1x512xi32, #tpu.memory_space<hbm>> -> memref<512xi32, #tpu.memory_space<hbm>>
    %dma_start3A_261 = arith.constant 0 : i32
    %dma_start3A_262 = tpu.memref_slice %arg6[%dma_start3A_255, %dma_start3A_261] : memref<26x512xi32, #tpu.memory_space<vmem>> -> memref<1x512xi32, #tpu.memory_space<vmem>>
    %dma_start3A_263 = tpu.memref_squeeze %dma_start3A_262 : memref<1x512xi32, #tpu.memory_space<vmem>> -> memref<512xi32, #tpu.memory_space<vmem>>
    %dma_start3A_264 = tpu.memref_slice %arg3[%dma_start3A_254, %mul3A_2] : memref<26x16384xi32, #tpu.memory_space<hbm>> -> memref<1x512xi32, #tpu.memory_space<hbm>>
    %dma_start3A_265 = tpu.memref_squeeze %dma_start3A_264 : memref<1x512xi32, #tpu.memory_space<hbm>> -> memref<512xi32, #tpu.memory_space<hbm>>
    tpu.enqueue_dma source(%dma_start3A_265 : memref<512xi32, #tpu.memory_space<hbm>>) target(%dma_start3A_263 : memref<512xi32, #tpu.memory_space<vmem>>) target_semaphore(%arg9 : memref<!tpu.dma_semaphore, #tpu.memory_space<semaphore_mem>>)
    %dma_start3A_266 = arith.constant 22 : i32
    %dma_start3A_267 = arith.constant 22 : i32
    %dma_start3A_268 = arith.constant 0 : i32
    %dma_start3A_269 = tpu.memref_slice %arg6[%dma_start3A_267, %dma_start3A_268] : memref<26x512xi32, #tpu.memory_space<vmem>> -> memref<1x512xi32, #tpu.memory_space<vmem>>
    %dma_start3A_270 = tpu.memref_squeeze %dma_start3A_269 : memref<1x512xi32, #tpu.memory_space<vmem>> -> memref<512xi32, #tpu.memory_space<vmem>>
    %dma_start3A_271 = tpu.memref_slice %arg3[%dma_start3A_266, %mul3A_2] : memref<26x16384xi32, #tpu.memory_space<hbm>> -> memref<1x512xi32, #tpu.memory_space<hbm>>
    %dma_start3A_272 = tpu.memref_squeeze %dma_start3A_271 : memref<1x512xi32, #tpu.memory_space<hbm>> -> memref<512xi32, #tpu.memory_space<hbm>>
    %dma_start3A_273 = arith.constant 0 : i32
    %dma_start3A_274 = tpu.memref_slice %arg6[%dma_start3A_267, %dma_start3A_273] : memref<26x512xi32, #tpu.memory_space<vmem>> -> memref<1x512xi32, #tpu.memory_space<vmem>>
    %dma_start3A_275 = tpu.memref_squeeze %dma_start3A_274 : memref<1x512xi32, #tpu.memory_space<vmem>> -> memref<512xi32, #tpu.memory_space<vmem>>
    %dma_start3A_276 = tpu.memref_slice %arg3[%dma_start3A_266, %mul3A_2] : memref<26x16384xi32, #tpu.memory_space<hbm>> -> memref<1x512xi32, #tpu.memory_space<hbm>>
    %dma_start3A_277 = tpu.memref_squeeze %dma_start3A_276 : memref<1x512xi32, #tpu.memory_space<hbm>> -> memref<512xi32, #tpu.memory_space<hbm>>
    tpu.enqueue_dma source(%dma_start3A_277 : memref<512xi32, #tpu.memory_space<hbm>>) target(%dma_start3A_275 : memref<512xi32, #tpu.memory_space<vmem>>) target_semaphore(%arg9 : memref<!tpu.dma_semaphore, #tpu.memory_space<semaphore_mem>>)
    %dma_start3A_278 = arith.constant 23 : i32
    %dma_start3A_279 = arith.constant 23 : i32
    %dma_start3A_280 = arith.constant 0 : i32
    %dma_start3A_281 = tpu.memref_slice %arg6[%dma_start3A_279, %dma_start3A_280] : memref<26x512xi32, #tpu.memory_space<vmem>> -> memref<1x512xi32, #tpu.memory_space<vmem>>
    %dma_start3A_282 = tpu.memref_squeeze %dma_start3A_281 : memref<1x512xi32, #tpu.memory_space<vmem>> -> memref<512xi32, #tpu.memory_space<vmem>>
    %dma_start3A_283 = tpu.memref_slice %arg3[%dma_start3A_278, %mul3A_2] : memref<26x16384xi32, #tpu.memory_space<hbm>> -> memref<1x512xi32, #tpu.memory_space<hbm>>
    %dma_start3A_284 = tpu.memref_squeeze %dma_start3A_283 : memref<1x512xi32, #tpu.memory_space<hbm>> -> memref<512xi32, #tpu.memory_space<hbm>>
    %dma_start3A_285 = arith.constant 0 : i32
    %dma_start3A_286 = tpu.memref_slice %arg6[%dma_start3A_279, %dma_start3A_285] : memref<26x512xi32, #tpu.memory_space<vmem>> -> memref<1x512xi32, #tpu.memory_space<vmem>>
    %dma_start3A_287 = tpu.memref_squeeze %dma_start3A_286 : memref<1x512xi32, #tpu.memory_space<vmem>> -> memref<512xi32, #tpu.memory_space<vmem>>
    %dma_start3A_288 = tpu.memref_slice %arg3[%dma_start3A_278, %mul3A_2] : memref<26x16384xi32, #tpu.memory_space<hbm>> -> memref<1x512xi32, #tpu.memory_space<hbm>>
    %dma_start3A_289 = tpu.memref_squeeze %dma_start3A_288 : memref<1x512xi32, #tpu.memory_space<hbm>> -> memref<512xi32, #tpu.memory_space<hbm>>
    tpu.enqueue_dma source(%dma_start3A_289 : memref<512xi32, #tpu.memory_space<hbm>>) target(%dma_start3A_287 : memref<512xi32, #tpu.memory_space<vmem>>) target_semaphore(%arg9 : memref<!tpu.dma_semaphore, #tpu.memory_space<semaphore_mem>>)
    %dma_start3A_290 = arith.constant 24 : i32
    %dma_start3A_291 = arith.constant 24 : i32
    %dma_start3A_292 = arith.constant 0 : i32
    %dma_start3A_293 = tpu.memref_slice %arg6[%dma_start3A_291, %dma_start3A_292] : memref<26x512xi32, #tpu.memory_space<vmem>> -> memref<1x512xi32, #tpu.memory_space<vmem>>
    %dma_start3A_294 = tpu.memref_squeeze %dma_start3A_293 : memref<1x512xi32, #tpu.memory_space<vmem>> -> memref<512xi32, #tpu.memory_space<vmem>>
    %dma_start3A_295 = tpu.memref_slice %arg3[%dma_start3A_290, %mul3A_2] : memref<26x16384xi32, #tpu.memory_space<hbm>> -> memref<1x512xi32, #tpu.memory_space<hbm>>
    %dma_start3A_296 = tpu.memref_squeeze %dma_start3A_295 : memref<1x512xi32, #tpu.memory_space<hbm>> -> memref<512xi32, #tpu.memory_space<hbm>>
    %dma_start3A_297 = arith.constant 0 : i32
    %dma_start3A_298 = tpu.memref_slice %arg6[%dma_start3A_291, %dma_start3A_297] : memref<26x512xi32, #tpu.memory_space<vmem>> -> memref<1x512xi32, #tpu.memory_space<vmem>>
    %dma_start3A_299 = tpu.memref_squeeze %dma_start3A_298 : memref<1x512xi32, #tpu.memory_space<vmem>> -> memref<512xi32, #tpu.memory_space<vmem>>
    %dma_start3A_300 = tpu.memref_slice %arg3[%dma_start3A_290, %mul3A_2] : memref<26x16384xi32, #tpu.memory_space<hbm>> -> memref<1x512xi32, #tpu.memory_space<hbm>>
    %dma_start3A_301 = tpu.memref_squeeze %dma_start3A_300 : memref<1x512xi32, #tpu.memory_space<hbm>> -> memref<512xi32, #tpu.memory_space<hbm>>
    tpu.enqueue_dma source(%dma_start3A_301 : memref<512xi32, #tpu.memory_space<hbm>>) target(%dma_start3A_299 : memref<512xi32, #tpu.memory_space<vmem>>) target_semaphore(%arg9 : memref<!tpu.dma_semaphore, #tpu.memory_space<semaphore_mem>>)
    %dma_start3A_302 = arith.constant 25 : i32
    %dma_start3A_303 = arith.constant 25 : i32
    %dma_start3A_304 = arith.constant 0 : i32
    %dma_start3A_305 = tpu.memref_slice %arg6[%dma_start3A_303, %dma_start3A_304] : memref<26x512xi32, #tpu.memory_space<vmem>> -> memref<1x512xi32, #tpu.memory_space<vmem>>
    %dma_start3A_306 = tpu.memref_squeeze %dma_start3A_305 : memref<1x512xi32, #tpu.memory_space<vmem>> -> memref<512xi32, #tpu.memory_space<vmem>>
    %dma_start3A_307 = tpu.memref_slice %arg3[%dma_start3A_302, %mul3A_2] : memref<26x16384xi32, #tpu.memory_space<hbm>> -> memref<1x512xi32, #tpu.memory_space<hbm>>
    %dma_start3A_308 = tpu.memref_squeeze %dma_start3A_307 : memref<1x512xi32, #tpu.memory_space<hbm>> -> memref<512xi32, #tpu.memory_space<hbm>>
    %dma_start3A_309 = arith.constant 0 : i32
    %dma_start3A_310 = tpu.memref_slice %arg6[%dma_start3A_303, %dma_start3A_309] : memref<26x512xi32, #tpu.memory_space<vmem>> -> memref<1x512xi32, #tpu.memory_space<vmem>>
    %dma_start3A_311 = tpu.memref_squeeze %dma_start3A_310 : memref<1x512xi32, #tpu.memory_space<vmem>> -> memref<512xi32, #tpu.memory_space<vmem>>
    %dma_start3A_312 = tpu.memref_slice %arg3[%dma_start3A_302, %mul3A_2] : memref<26x16384xi32, #tpu.memory_space<hbm>> -> memref<1x512xi32, #tpu.memory_space<hbm>>
    %dma_start3A_313 = tpu.memref_squeeze %dma_start3A_312 : memref<1x512xi32, #tpu.memory_space<hbm>> -> memref<512xi32, #tpu.memory_space<hbm>>
    tpu.enqueue_dma source(%dma_start3A_313 : memref<512xi32, #tpu.memory_space<hbm>>) target(%dma_start3A_311 : memref<512xi32, #tpu.memory_space<vmem>>) target_semaphore(%arg9 : memref<!tpu.dma_semaphore, #tpu.memory_space<semaphore_mem>>)
    %dma_start3A_314 = arith.constant 0 : i32
    %dma_start3A_315 = arith.constant 0 : i32
    %dma_start3A_316 = arith.constant 0 : i32
    %dma_start3A_317 = tpu.memref_slice %arg5[%dma_start3A_315, %dma_start3A_316] : memref<26x2432xi32, #tpu.memory_space<vmem>> -> memref<1x2432xi32, #tpu.memory_space<vmem>>
    %dma_start3A_318 = tpu.memref_squeeze %dma_start3A_317 : memref<1x2432xi32, #tpu.memory_space<vmem>> -> memref<2432xi32, #tpu.memory_space<vmem>>
    %dma_start3A_319 = arith.constant 0 : i32
    %dma_start3A_320 = tpu.memref_slice %arg2[%dma_start3A_314, %dma_start3A_319] : memref<26x2432xi32, #tpu.memory_space<hbm>> -> memref<1x2432xi32, #tpu.memory_space<hbm>>
    %dma_start3A_321 = tpu.memref_squeeze %dma_start3A_320 : memref<1x2432xi32, #tpu.memory_space<hbm>> -> memref<2432xi32, #tpu.memory_space<hbm>>
    %dma_start3A_322 = arith.constant 0 : i32
    %dma_start3A_323 = tpu.memref_slice %arg5[%dma_start3A_315, %dma_start3A_322] : memref<26x2432xi32, #tpu.memory_space<vmem>> -> memref<1x2432xi32, #tpu.memory_space<vmem>>
    %dma_start3A_324 = tpu.memref_squeeze %dma_start3A_323 : memref<1x2432xi32, #tpu.memory_space<vmem>> -> memref<2432xi32, #tpu.memory_space<vmem>>
    %dma_start3A_325 = arith.constant 0 : i32
    %dma_start3A_326 = tpu.memref_slice %arg2[%dma_start3A_314, %dma_start3A_325] : memref<26x2432xi32, #tpu.memory_space<hbm>> -> memref<1x2432xi32, #tpu.memory_space<hbm>>
    %dma_start3A_327 = tpu.memref_squeeze %dma_start3A_326 : memref<1x2432xi32, #tpu.memory_space<hbm>> -> memref<2432xi32, #tpu.memory_space<hbm>>
    tpu.enqueue_dma source(%dma_start3A_327 : memref<2432xi32, #tpu.memory_space<hbm>>) target(%dma_start3A_324 : memref<2432xi32, #tpu.memory_space<vmem>>) target_semaphore(%arg8 : memref<!tpu.dma_semaphore, #tpu.memory_space<semaphore_mem>>)
    %dma_start3A_328 = arith.constant 1 : i32
    %dma_start3A_329 = arith.constant 1 : i32
    %dma_start3A_330 = arith.constant 0 : i32
    %dma_start3A_331 = tpu.memref_slice %arg5[%dma_start3A_329, %dma_start3A_330] : memref<26x2432xi32, #tpu.memory_space<vmem>> -> memref<1x2432xi32, #tpu.memory_space<vmem>>
    %dma_start3A_332 = tpu.memref_squeeze %dma_start3A_331 : memref<1x2432xi32, #tpu.memory_space<vmem>> -> memref<2432xi32, #tpu.memory_space<vmem>>
    %dma_start3A_333 = arith.constant 0 : i32
    %dma_start3A_334 = tpu.memref_slice %arg2[%dma_start3A_328, %dma_start3A_333] : memref<26x2432xi32, #tpu.memory_space<hbm>> -> memref<1x2432xi32, #tpu.memory_space<hbm>>
    %dma_start3A_335 = tpu.memref_squeeze %dma_start3A_334 : memref<1x2432xi32, #tpu.memory_space<hbm>> -> memref<2432xi32, #tpu.memory_space<hbm>>
    %dma_start3A_336 = arith.constant 0 : i32
    %dma_start3A_337 = tpu.memref_slice %arg5[%dma_start3A_329, %dma_start3A_336] : memref<26x2432xi32, #tpu.memory_space<vmem>> -> memref<1x2432xi32, #tpu.memory_space<vmem>>
    %dma_start3A_338 = tpu.memref_squeeze %dma_start3A_337 : memref<1x2432xi32, #tpu.memory_space<vmem>> -> memref<2432xi32, #tpu.memory_space<vmem>>
    %dma_start3A_339 = arith.constant 0 : i32
    %dma_start3A_340 = tpu.memref_slice %arg2[%dma_start3A_328, %dma_start3A_339] : memref<26x2432xi32, #tpu.memory_space<hbm>> -> memref<1x2432xi32, #tpu.memory_space<hbm>>
    %dma_start3A_341 = tpu.memref_squeeze %dma_start3A_340 : memref<1x2432xi32, #tpu.memory_space<hbm>> -> memref<2432xi32, #tpu.memory_space<hbm>>
    tpu.enqueue_dma source(%dma_start3A_341 : memref<2432xi32, #tpu.memory_space<hbm>>) target(%dma_start3A_338 : memref<2432xi32, #tpu.memory_space<vmem>>) target_semaphore(%arg8 : memref<!tpu.dma_semaphore, #tpu.memory_space<semaphore_mem>>)
    %dma_start3A_342 = arith.constant 2 : i32
    %dma_start3A_343 = arith.constant 2 : i32
    %dma_start3A_344 = arith.constant 0 : i32
    %dma_start3A_345 = tpu.memref_slice %arg5[%dma_start3A_343, %dma_start3A_344] : memref<26x2432xi32, #tpu.memory_space<vmem>> -> memref<1x2432xi32, #tpu.memory_space<vmem>>
    %dma_start3A_346 = tpu.memref_squeeze %dma_start3A_345 : memref<1x2432xi32, #tpu.memory_space<vmem>> -> memref<2432xi32, #tpu.memory_space<vmem>>
    %dma_start3A_347 = arith.constant 0 : i32
    %dma_start3A_348 = tpu.memref_slice %arg2[%dma_start3A_342, %dma_start3A_347] : memref<26x2432xi32, #tpu.memory_space<hbm>> -> memref<1x2432xi32, #tpu.memory_space<hbm>>
    %dma_start3A_349 = tpu.memref_squeeze %dma_start3A_348 : memref<1x2432xi32, #tpu.memory_space<hbm>> -> memref<2432xi32, #tpu.memory_space<hbm>>
    %dma_start3A_350 = arith.constant 0 : i32
    %dma_start3A_351 = tpu.memref_slice %arg5[%dma_start3A_343, %dma_start3A_350] : memref<26x2432xi32, #tpu.memory_space<vmem>> -> memref<1x2432xi32, #tpu.memory_space<vmem>>
    %dma_start3A_352 = tpu.memref_squeeze %dma_start3A_351 : memref<1x2432xi32, #tpu.memory_space<vmem>> -> memref<2432xi32, #tpu.memory_space<vmem>>
    %dma_start3A_353 = arith.constant 0 : i32
    %dma_start3A_354 = tpu.memref_slice %arg2[%dma_start3A_342, %dma_start3A_353] : memref<26x2432xi32, #tpu.memory_space<hbm>> -> memref<1x2432xi32, #tpu.memory_space<hbm>>
    %dma_start3A_355 = tpu.memref_squeeze %dma_start3A_354 : memref<1x2432xi32, #tpu.memory_space<hbm>> -> memref<2432xi32, #tpu.memory_space<hbm>>
    tpu.enqueue_dma source(%dma_start3A_355 : memref<2432xi32, #tpu.memory_space<hbm>>) target(%dma_start3A_352 : memref<2432xi32, #tpu.memory_space<vmem>>) target_semaphore(%arg8 : memref<!tpu.dma_semaphore, #tpu.memory_space<semaphore_mem>>)
    %dma_start3A_356 = arith.constant 3 : i32
    %dma_start3A_357 = arith.constant 3 : i32
    %dma_start3A_358 = arith.constant 0 : i32
    %dma_start3A_359 = tpu.memref_slice %arg5[%dma_start3A_357, %dma_start3A_358] : memref<26x2432xi32, #tpu.memory_space<vmem>> -> memref<1x2432xi32, #tpu.memory_space<vmem>>
    %dma_start3A_360 = tpu.memref_squeeze %dma_start3A_359 : memref<1x2432xi32, #tpu.memory_space<vmem>> -> memref<2432xi32, #tpu.memory_space<vmem>>
    %dma_start3A_361 = arith.constant 0 : i32
    %dma_start3A_362 = tpu.memref_slice %arg2[%dma_start3A_356, %dma_start3A_361] : memref<26x2432xi32, #tpu.memory_space<hbm>> -> memref<1x2432xi32, #tpu.memory_space<hbm>>
    %dma_start3A_363 = tpu.memref_squeeze %dma_start3A_362 : memref<1x2432xi32, #tpu.memory_space<hbm>> -> memref<2432xi32, #tpu.memory_space<hbm>>
    %dma_start3A_364 = arith.constant 0 : i32
    %dma_start3A_365 = tpu.memref_slice %arg5[%dma_start3A_357, %dma_start3A_364] : memref<26x2432xi32, #tpu.memory_space<vmem>> -> memref<1x2432xi32, #tpu.memory_space<vmem>>
    %dma_start3A_366 = tpu.memref_squeeze %dma_start3A_365 : memref<1x2432xi32, #tpu.memory_space<vmem>> -> memref<2432xi32, #tpu.memory_space<vmem>>
    %dma_start3A_367 = arith.constant 0 : i32
    %dma_start3A_368 = tpu.memref_slice %arg2[%dma_start3A_356, %dma_start3A_367] : memref<26x2432xi32, #tpu.memory_space<hbm>> -> memref<1x2432xi32, #tpu.memory_space<hbm>>
    %dma_start3A_369 = tpu.memref_squeeze %dma_start3A_368 : memref<1x2432xi32, #tpu.memory_space<hbm>> -> memref<2432xi32, #tpu.memory_space<hbm>>
    tpu.enqueue_dma source(%dma_start3A_369 : memref<2432xi32, #tpu.memory_space<hbm>>) target(%dma_start3A_366 : memref<2432xi32, #tpu.memory_space<vmem>>) target_semaphore(%arg8 : memref<!tpu.dma_semaphore, #tpu.memory_space<semaphore_mem>>)
    %dma_start3A_370 = arith.constant 4 : i32
    %dma_start3A_371 = arith.constant 4 : i32
    %dma_start3A_372 = arith.constant 0 : i32
    %dma_start3A_373 = tpu.memref_slice %arg5[%dma_start3A_371, %dma_start3A_372] : memref<26x2432xi32, #tpu.memory_space<vmem>> -> memref<1x2432xi32, #tpu.memory_space<vmem>>
    %dma_start3A_374 = tpu.memref_squeeze %dma_start3A_373 : memref<1x2432xi32, #tpu.memory_space<vmem>> -> memref<2432xi32, #tpu.memory_space<vmem>>
    %dma_start3A_375 = arith.constant 0 : i32
    %dma_start3A_376 = tpu.memref_slice %arg2[%dma_start3A_370, %dma_start3A_375] : memref<26x2432xi32, #tpu.memory_space<hbm>> -> memref<1x2432xi32, #tpu.memory_space<hbm>>
    %dma_start3A_377 = tpu.memref_squeeze %dma_start3A_376 : memref<1x2432xi32, #tpu.memory_space<hbm>> -> memref<2432xi32, #tpu.memory_space<hbm>>
    %dma_start3A_378 = arith.constant 0 : i32
    %dma_start3A_379 = tpu.memref_slice %arg5[%dma_start3A_371, %dma_start3A_378] : memref<26x2432xi32, #tpu.memory_space<vmem>> -> memref<1x2432xi32, #tpu.memory_space<vmem>>
    %dma_start3A_380 = tpu.memref_squeeze %dma_start3A_379 : memref<1x2432xi32, #tpu.memory_space<vmem>> -> memref<2432xi32, #tpu.memory_space<vmem>>
    %dma_start3A_381 = arith.constant 0 : i32
    %dma_start3A_382 = tpu.memref_slice %arg2[%dma_start3A_370, %dma_start3A_381] : memref<26x2432xi32, #tpu.memory_space<hbm>> -> memref<1x2432xi32, #tpu.memory_space<hbm>>
    %dma_start3A_383 = tpu.memref_squeeze %dma_start3A_382 : memref<1x2432xi32, #tpu.memory_space<hbm>> -> memref<2432xi32, #tpu.memory_space<hbm>>
    tpu.enqueue_dma source(%dma_start3A_383 : memref<2432xi32, #tpu.memory_space<hbm>>) target(%dma_start3A_380 : memref<2432xi32, #tpu.memory_space<vmem>>) target_semaphore(%arg8 : memref<!tpu.dma_semaphore, #tpu.memory_space<semaphore_mem>>)
    %dma_start3A_384 = arith.constant 5 : i32
    %dma_start3A_385 = arith.constant 5 : i32
    %dma_start3A_386 = arith.constant 0 : i32
    %dma_start3A_387 = tpu.memref_slice %arg5[%dma_start3A_385, %dma_start3A_386] : memref<26x2432xi32, #tpu.memory_space<vmem>> -> memref<1x2432xi32, #tpu.memory_space<vmem>>
    %dma_start3A_388 = tpu.memref_squeeze %dma_start3A_387 : memref<1x2432xi32, #tpu.memory_space<vmem>> -> memref<2432xi32, #tpu.memory_space<vmem>>
    %dma_start3A_389 = arith.constant 0 : i32
    %dma_start3A_390 = tpu.memref_slice %arg2[%dma_start3A_384, %dma_start3A_389] : memref<26x2432xi32, #tpu.memory_space<hbm>> -> memref<1x2432xi32, #tpu.memory_space<hbm>>
    %dma_start3A_391 = tpu.memref_squeeze %dma_start3A_390 : memref<1x2432xi32, #tpu.memory_space<hbm>> -> memref<2432xi32, #tpu.memory_space<hbm>>
    %dma_start3A_392 = arith.constant 0 : i32
    %dma_start3A_393 = tpu.memref_slice %arg5[%dma_start3A_385, %dma_start3A_392] : memref<26x2432xi32, #tpu.memory_space<vmem>> -> memref<1x2432xi32, #tpu.memory_space<vmem>>
    %dma_start3A_394 = tpu.memref_squeeze %dma_start3A_393 : memref<1x2432xi32, #tpu.memory_space<vmem>> -> memref<2432xi32, #tpu.memory_space<vmem>>
    %dma_start3A_395 = arith.constant 0 : i32
    %dma_start3A_396 = tpu.memref_slice %arg2[%dma_start3A_384, %dma_start3A_395] : memref<26x2432xi32, #tpu.memory_space<hbm>> -> memref<1x2432xi32, #tpu.memory_space<hbm>>
    %dma_start3A_397 = tpu.memref_squeeze %dma_start3A_396 : memref<1x2432xi32, #tpu.memory_space<hbm>> -> memref<2432xi32, #tpu.memory_space<hbm>>
    tpu.enqueue_dma source(%dma_start3A_397 : memref<2432xi32, #tpu.memory_space<hbm>>) target(%dma_start3A_394 : memref<2432xi32, #tpu.memory_space<vmem>>) target_semaphore(%arg8 : memref<!tpu.dma_semaphore, #tpu.memory_space<semaphore_mem>>)
    %dma_start3A_398 = arith.constant 6 : i32
    %dma_start3A_399 = arith.constant 6 : i32
    %dma_start3A_400 = arith.constant 0 : i32
    %dma_start3A_401 = tpu.memref_slice %arg5[%dma_start3A_399, %dma_start3A_400] : memref<26x2432xi32, #tpu.memory_space<vmem>> -> memref<1x2432xi32, #tpu.memory_space<vmem>>
    %dma_start3A_402 = tpu.memref_squeeze %dma_start3A_401 : memref<1x2432xi32, #tpu.memory_space<vmem>> -> memref<2432xi32, #tpu.memory_space<vmem>>
    %dma_start3A_403 = arith.constant 0 : i32
    %dma_start3A_404 = tpu.memref_slice %arg2[%dma_start3A_398, %dma_start3A_403] : memref<26x2432xi32, #tpu.memory_space<hbm>> -> memref<1x2432xi32, #tpu.memory_space<hbm>>
    %dma_start3A_405 = tpu.memref_squeeze %dma_start3A_404 : memref<1x2432xi32, #tpu.memory_space<hbm>> -> memref<2432xi32, #tpu.memory_space<hbm>>
    %dma_start3A_406 = arith.constant 0 : i32
    %dma_start3A_407 = tpu.memref_slice %arg5[%dma_start3A_399, %dma_start3A_406] : memref<26x2432xi32, #tpu.memory_space<vmem>> -> memref<1x2432xi32, #tpu.memory_space<vmem>>
    %dma_start3A_408 = tpu.memref_squeeze %dma_start3A_407 : memref<1x2432xi32, #tpu.memory_space<vmem>> -> memref<2432xi32, #tpu.memory_space<vmem>>
    %dma_start3A_409 = arith.constant 0 : i32
    %dma_start3A_410 = tpu.memref_slice %arg2[%dma_start3A_398, %dma_start3A_409] : memref<26x2432xi32, #tpu.memory_space<hbm>> -> memref<1x2432xi32, #tpu.memory_space<hbm>>
    %dma_start3A_411 = tpu.memref_squeeze %dma_start3A_410 : memref<1x2432xi32, #tpu.memory_space<hbm>> -> memref<2432xi32, #tpu.memory_space<hbm>>
    tpu.enqueue_dma source(%dma_start3A_411 : memref<2432xi32, #tpu.memory_space<hbm>>) target(%dma_start3A_408 : memref<2432xi32, #tpu.memory_space<vmem>>) target_semaphore(%arg8 : memref<!tpu.dma_semaphore, #tpu.memory_space<semaphore_mem>>)
    %dma_start3A_412 = arith.constant 7 : i32
    %dma_start3A_413 = arith.constant 7 : i32
    %dma_start3A_414 = arith.constant 0 : i32
    %dma_start3A_415 = tpu.memref_slice %arg5[%dma_start3A_413, %dma_start3A_414] : memref<26x2432xi32, #tpu.memory_space<vmem>> -> memref<1x2432xi32, #tpu.memory_space<vmem>>
    %dma_start3A_416 = tpu.memref_squeeze %dma_start3A_415 : memref<1x2432xi32, #tpu.memory_space<vmem>> -> memref<2432xi32, #tpu.memory_space<vmem>>
    %dma_start3A_417 = arith.constant 0 : i32
    %dma_start3A_418 = tpu.memref_slice %arg2[%dma_start3A_412, %dma_start3A_417] : memref<26x2432xi32, #tpu.memory_space<hbm>> -> memref<1x2432xi32, #tpu.memory_space<hbm>>
    %dma_start3A_419 = tpu.memref_squeeze %dma_start3A_418 : memref<1x2432xi32, #tpu.memory_space<hbm>> -> memref<2432xi32, #tpu.memory_space<hbm>>
    %dma_start3A_420 = arith.constant 0 : i32
    %dma_start3A_421 = tpu.memref_slice %arg5[%dma_start3A_413, %dma_start3A_420] : memref<26x2432xi32, #tpu.memory_space<vmem>> -> memref<1x2432xi32, #tpu.memory_space<vmem>>
    %dma_start3A_422 = tpu.memref_squeeze %dma_start3A_421 : memref<1x2432xi32, #tpu.memory_space<vmem>> -> memref<2432xi32, #tpu.memory_space<vmem>>
    %dma_start3A_423 = arith.constant 0 : i32
    %dma_start3A_424 = tpu.memref_slice %arg2[%dma_start3A_412, %dma_start3A_423] : memref<26x2432xi32, #tpu.memory_space<hbm>> -> memref<1x2432xi32, #tpu.memory_space<hbm>>
    %dma_start3A_425 = tpu.memref_squeeze %dma_start3A_424 : memref<1x2432xi32, #tpu.memory_space<hbm>> -> memref<2432xi32, #tpu.memory_space<hbm>>
    tpu.enqueue_dma source(%dma_start3A_425 : memref<2432xi32, #tpu.memory_space<hbm>>) target(%dma_start3A_422 : memref<2432xi32, #tpu.memory_space<vmem>>) target_semaphore(%arg8 : memref<!tpu.dma_semaphore, #tpu.memory_space<semaphore_mem>>)
    %dma_start3A_426 = arith.constant 8 : i32
    %dma_start3A_427 = arith.constant 8 : i32
    %dma_start3A_428 = arith.constant 0 : i32
    %dma_start3A_429 = tpu.memref_slice %arg5[%dma_start3A_427, %dma_start3A_428] : memref<26x2432xi32, #tpu.memory_space<vmem>> -> memref<1x2432xi32, #tpu.memory_space<vmem>>
    %dma_start3A_430 = tpu.memref_squeeze %dma_start3A_429 : memref<1x2432xi32, #tpu.memory_space<vmem>> -> memref<2432xi32, #tpu.memory_space<vmem>>
    %dma_start3A_431 = arith.constant 0 : i32
    %dma_start3A_432 = tpu.memref_slice %arg2[%dma_start3A_426, %dma_start3A_431] : memref<26x2432xi32, #tpu.memory_space<hbm>> -> memref<1x2432xi32, #tpu.memory_space<hbm>>
    %dma_start3A_433 = tpu.memref_squeeze %dma_start3A_432 : memref<1x2432xi32, #tpu.memory_space<hbm>> -> memref<2432xi32, #tpu.memory_space<hbm>>
    %dma_start3A_434 = arith.constant 0 : i32
    %dma_start3A_435 = tpu.memref_slice %arg5[%dma_start3A_427, %dma_start3A_434] : memref<26x2432xi32, #tpu.memory_space<vmem>> -> memref<1x2432xi32, #tpu.memory_space<vmem>>
    %dma_start3A_436 = tpu.memref_squeeze %dma_start3A_435 : memref<1x2432xi32, #tpu.memory_space<vmem>> -> memref<2432xi32, #tpu.memory_space<vmem>>
    %dma_start3A_437 = arith.constant 0 : i32
    %dma_start3A_438 = tpu.memref_slice %arg2[%dma_start3A_426, %dma_start3A_437] : memref<26x2432xi32, #tpu.memory_space<hbm>> -> memref<1x2432xi32, #tpu.memory_space<hbm>>
    %dma_start3A_439 = tpu.memref_squeeze %dma_start3A_438 : memref<1x2432xi32, #tpu.memory_space<hbm>> -> memref<2432xi32, #tpu.memory_space<hbm>>
    tpu.enqueue_dma source(%dma_start3A_439 : memref<2432xi32, #tpu.memory_space<hbm>>) target(%dma_start3A_436 : memref<2432xi32, #tpu.memory_space<vmem>>) target_semaphore(%arg8 : memref<!tpu.dma_semaphore, #tpu.memory_space<semaphore_mem>>)
    %dma_start3A_440 = arith.constant 9 : i32
    %dma_start3A_441 = arith.constant 9 : i32
    %dma_start3A_442 = arith.constant 0 : i32
    %dma_start3A_443 = tpu.memref_slice %arg5[%dma_start3A_441, %dma_start3A_442] : memref<26x2432xi32, #tpu.memory_space<vmem>> -> memref<1x2432xi32, #tpu.memory_space<vmem>>
    %dma_start3A_444 = tpu.memref_squeeze %dma_start3A_443 : memref<1x2432xi32, #tpu.memory_space<vmem>> -> memref<2432xi32, #tpu.memory_space<vmem>>
    %dma_start3A_445 = arith.constant 0 : i32
    %dma_start3A_446 = tpu.memref_slice %arg2[%dma_start3A_440, %dma_start3A_445] : memref<26x2432xi32, #tpu.memory_space<hbm>> -> memref<1x2432xi32, #tpu.memory_space<hbm>>
    %dma_start3A_447 = tpu.memref_squeeze %dma_start3A_446 : memref<1x2432xi32, #tpu.memory_space<hbm>> -> memref<2432xi32, #tpu.memory_space<hbm>>
    %dma_start3A_448 = arith.constant 0 : i32
    %dma_start3A_449 = tpu.memref_slice %arg5[%dma_start3A_441, %dma_start3A_448] : memref<26x2432xi32, #tpu.memory_space<vmem>> -> memref<1x2432xi32, #tpu.memory_space<vmem>>
    %dma_start3A_450 = tpu.memref_squeeze %dma_start3A_449 : memref<1x2432xi32, #tpu.memory_space<vmem>> -> memref<2432xi32, #tpu.memory_space<vmem>>
    %dma_start3A_451 = arith.constant 0 : i32
    %dma_start3A_452 = tpu.memref_slice %arg2[%dma_start3A_440, %dma_start3A_451] : memref<26x2432xi32, #tpu.memory_space<hbm>> -> memref<1x2432xi32, #tpu.memory_space<hbm>>
    %dma_start3A_453 = tpu.memref_squeeze %dma_start3A_452 : memref<1x2432xi32, #tpu.memory_space<hbm>> -> memref<2432xi32, #tpu.memory_space<hbm>>
    tpu.enqueue_dma source(%dma_start3A_453 : memref<2432xi32, #tpu.memory_space<hbm>>) target(%dma_start3A_450 : memref<2432xi32, #tpu.memory_space<vmem>>) target_semaphore(%arg8 : memref<!tpu.dma_semaphore, #tpu.memory_space<semaphore_mem>>)
    %dma_start3A_454 = arith.constant 10 : i32
    %dma_start3A_455 = arith.constant 10 : i32
    %dma_start3A_456 = arith.constant 0 : i32
    %dma_start3A_457 = tpu.memref_slice %arg5[%dma_start3A_455, %dma_start3A_456] : memref<26x2432xi32, #tpu.memory_space<vmem>> -> memref<1x2432xi32, #tpu.memory_space<vmem>>
    %dma_start3A_458 = tpu.memref_squeeze %dma_start3A_457 : memref<1x2432xi32, #tpu.memory_space<vmem>> -> memref<2432xi32, #tpu.memory_space<vmem>>
    %dma_start3A_459 = arith.constant 0 : i32
    %dma_start3A_460 = tpu.memref_slice %arg2[%dma_start3A_454, %dma_start3A_459] : memref<26x2432xi32, #tpu.memory_space<hbm>> -> memref<1x2432xi32, #tpu.memory_space<hbm>>
    %dma_start3A_461 = tpu.memref_squeeze %dma_start3A_460 : memref<1x2432xi32, #tpu.memory_space<hbm>> -> memref<2432xi32, #tpu.memory_space<hbm>>
    %dma_start3A_462 = arith.constant 0 : i32
    %dma_start3A_463 = tpu.memref_slice %arg5[%dma_start3A_455, %dma_start3A_462] : memref<26x2432xi32, #tpu.memory_space<vmem>> -> memref<1x2432xi32, #tpu.memory_space<vmem>>
    %dma_start3A_464 = tpu.memref_squeeze %dma_start3A_463 : memref<1x2432xi32, #tpu.memory_space<vmem>> -> memref<2432xi32, #tpu.memory_space<vmem>>
    %dma_start3A_465 = arith.constant 0 : i32
    %dma_start3A_466 = tpu.memref_slice %arg2[%dma_start3A_454, %dma_start3A_465] : memref<26x2432xi32, #tpu.memory_space<hbm>> -> memref<1x2432xi32, #tpu.memory_space<hbm>>
    %dma_start3A_467 = tpu.memref_squeeze %dma_start3A_466 : memref<1x2432xi32, #tpu.memory_space<hbm>> -> memref<2432xi32, #tpu.memory_space<hbm>>
    tpu.enqueue_dma source(%dma_start3A_467 : memref<2432xi32, #tpu.memory_space<hbm>>) target(%dma_start3A_464 : memref<2432xi32, #tpu.memory_space<vmem>>) target_semaphore(%arg8 : memref<!tpu.dma_semaphore, #tpu.memory_space<semaphore_mem>>)
    %dma_start3A_468 = arith.constant 11 : i32
    %dma_start3A_469 = arith.constant 11 : i32
    %dma_start3A_470 = arith.constant 0 : i32
    %dma_start3A_471 = tpu.memref_slice %arg5[%dma_start3A_469, %dma_start3A_470] : memref<26x2432xi32, #tpu.memory_space<vmem>> -> memref<1x2432xi32, #tpu.memory_space<vmem>>
    %dma_start3A_472 = tpu.memref_squeeze %dma_start3A_471 : memref<1x2432xi32, #tpu.memory_space<vmem>> -> memref<2432xi32, #tpu.memory_space<vmem>>
    %dma_start3A_473 = arith.constant 0 : i32
    %dma_start3A_474 = tpu.memref_slice %arg2[%dma_start3A_468, %dma_start3A_473] : memref<26x2432xi32, #tpu.memory_space<hbm>> -> memref<1x2432xi32, #tpu.memory_space<hbm>>
    %dma_start3A_475 = tpu.memref_squeeze %dma_start3A_474 : memref<1x2432xi32, #tpu.memory_space<hbm>> -> memref<2432xi32, #tpu.memory_space<hbm>>
    %dma_start3A_476 = arith.constant 0 : i32
    %dma_start3A_477 = tpu.memref_slice %arg5[%dma_start3A_469, %dma_start3A_476] : memref<26x2432xi32, #tpu.memory_space<vmem>> -> memref<1x2432xi32, #tpu.memory_space<vmem>>
    %dma_start3A_478 = tpu.memref_squeeze %dma_start3A_477 : memref<1x2432xi32, #tpu.memory_space<vmem>> -> memref<2432xi32, #tpu.memory_space<vmem>>
    %dma_start3A_479 = arith.constant 0 : i32
    %dma_start3A_480 = tpu.memref_slice %arg2[%dma_start3A_468, %dma_start3A_479] : memref<26x2432xi32, #tpu.memory_space<hbm>> -> memref<1x2432xi32, #tpu.memory_space<hbm>>
    %dma_start3A_481 = tpu.memref_squeeze %dma_start3A_480 : memref<1x2432xi32, #tpu.memory_space<hbm>> -> memref<2432xi32, #tpu.memory_space<hbm>>
    tpu.enqueue_dma source(%dma_start3A_481 : memref<2432xi32, #tpu.memory_space<hbm>>) target(%dma_start3A_478 : memref<2432xi32, #tpu.memory_space<vmem>>) target_semaphore(%arg8 : memref<!tpu.dma_semaphore, #tpu.memory_space<semaphore_mem>>)
    %dma_start3A_482 = arith.constant 12 : i32
    %dma_start3A_483 = arith.constant 12 : i32
    %dma_start3A_484 = arith.constant 0 : i32
    %dma_start3A_485 = tpu.memref_slice %arg5[%dma_start3A_483, %dma_start3A_484] : memref<26x2432xi32, #tpu.memory_space<vmem>> -> memref<1x2432xi32, #tpu.memory_space<vmem>>
    %dma_start3A_486 = tpu.memref_squeeze %dma_start3A_485 : memref<1x2432xi32, #tpu.memory_space<vmem>> -> memref<2432xi32, #tpu.memory_space<vmem>>
    %dma_start3A_487 = arith.constant 0 : i32
    %dma_start3A_488 = tpu.memref_slice %arg2[%dma_start3A_482, %dma_start3A_487] : memref<26x2432xi32, #tpu.memory_space<hbm>> -> memref<1x2432xi32, #tpu.memory_space<hbm>>
    %dma_start3A_489 = tpu.memref_squeeze %dma_start3A_488 : memref<1x2432xi32, #tpu.memory_space<hbm>> -> memref<2432xi32, #tpu.memory_space<hbm>>
    %dma_start3A_490 = arith.constant 0 : i32
    %dma_start3A_491 = tpu.memref_slice %arg5[%dma_start3A_483, %dma_start3A_490] : memref<26x2432xi32, #tpu.memory_space<vmem>> -> memref<1x2432xi32, #tpu.memory_space<vmem>>
    %dma_start3A_492 = tpu.memref_squeeze %dma_start3A_491 : memref<1x2432xi32, #tpu.memory_space<vmem>> -> memref<2432xi32, #tpu.memory_space<vmem>>
    %dma_start3A_493 = arith.constant 0 : i32
    %dma_start3A_494 = tpu.memref_slice %arg2[%dma_start3A_482, %dma_start3A_493] : memref<26x2432xi32, #tpu.memory_space<hbm>> -> memref<1x2432xi32, #tpu.memory_space<hbm>>
    %dma_start3A_495 = tpu.memref_squeeze %dma_start3A_494 : memref<1x2432xi32, #tpu.memory_space<hbm>> -> memref<2432xi32, #tpu.memory_space<hbm>>
    tpu.enqueue_dma source(%dma_start3A_495 : memref<2432xi32, #tpu.memory_space<hbm>>) target(%dma_start3A_492 : memref<2432xi32, #tpu.memory_space<vmem>>) target_semaphore(%arg8 : memref<!tpu.dma_semaphore, #tpu.memory_space<semaphore_mem>>)
    %dma_start3A_496 = arith.constant 13 : i32
    %dma_start3A_497 = arith.constant 13 : i32
    %dma_start3A_498 = arith.constant 0 : i32
    %dma_start3A_499 = tpu.memref_slice %arg5[%dma_start3A_497, %dma_start3A_498] : memref<26x2432xi32, #tpu.memory_space<vmem>> -> memref<1x2432xi32, #tpu.memory_space<vmem>>
    %dma_start3A_500 = tpu.memref_squeeze %dma_start3A_499 : memref<1x2432xi32, #tpu.memory_space<vmem>> -> memref<2432xi32, #tpu.memory_space<vmem>>
    %dma_start3A_501 = arith.constant 0 : i32
    %dma_start3A_502 = tpu.memref_slice %arg2[%dma_start3A_496, %dma_start3A_501] : memref<26x2432xi32, #tpu.memory_space<hbm>> -> memref<1x2432xi32, #tpu.memory_space<hbm>>
    %dma_start3A_503 = tpu.memref_squeeze %dma_start3A_502 : memref<1x2432xi32, #tpu.memory_space<hbm>> -> memref<2432xi32, #tpu.memory_space<hbm>>
    %dma_start3A_504 = arith.constant 0 : i32
    %dma_start3A_505 = tpu.memref_slice %arg5[%dma_start3A_497, %dma_start3A_504] : memref<26x2432xi32, #tpu.memory_space<vmem>> -> memref<1x2432xi32, #tpu.memory_space<vmem>>
    %dma_start3A_506 = tpu.memref_squeeze %dma_start3A_505 : memref<1x2432xi32, #tpu.memory_space<vmem>> -> memref<2432xi32, #tpu.memory_space<vmem>>
    %dma_start3A_507 = arith.constant 0 : i32
    %dma_start3A_508 = tpu.memref_slice %arg2[%dma_start3A_496, %dma_start3A_507] : memref<26x2432xi32, #tpu.memory_space<hbm>> -> memref<1x2432xi32, #tpu.memory_space<hbm>>
    %dma_start3A_509 = tpu.memref_squeeze %dma_start3A_508 : memref<1x2432xi32, #tpu.memory_space<hbm>> -> memref<2432xi32, #tpu.memory_space<hbm>>
    tpu.enqueue_dma source(%dma_start3A_509 : memref<2432xi32, #tpu.memory_space<hbm>>) target(%dma_start3A_506 : memref<2432xi32, #tpu.memory_space<vmem>>) target_semaphore(%arg8 : memref<!tpu.dma_semaphore, #tpu.memory_space<semaphore_mem>>)
    %dma_start3A_510 = arith.constant 14 : i32
    %dma_start3A_511 = arith.constant 14 : i32
    %dma_start3A_512 = arith.constant 0 : i32
    %dma_start3A_513 = tpu.memref_slice %arg5[%dma_start3A_511, %dma_start3A_512] : memref<26x2432xi32, #tpu.memory_space<vmem>> -> memref<1x2432xi32, #tpu.memory_space<vmem>>
    %dma_start3A_514 = tpu.memref_squeeze %dma_start3A_513 : memref<1x2432xi32, #tpu.memory_space<vmem>> -> memref<2432xi32, #tpu.memory_space<vmem>>
    %dma_start3A_515 = arith.constant 0 : i32
    %dma_start3A_516 = tpu.memref_slice %arg2[%dma_start3A_510, %dma_start3A_515] : memref<26x2432xi32, #tpu.memory_space<hbm>> -> memref<1x2432xi32, #tpu.memory_space<hbm>>
    %dma_start3A_517 = tpu.memref_squeeze %dma_start3A_516 : memref<1x2432xi32, #tpu.memory_space<hbm>> -> memref<2432xi32, #tpu.memory_space<hbm>>
    %dma_start3A_518 = arith.constant 0 : i32
    %dma_start3A_519 = tpu.memref_slice %arg5[%dma_start3A_511, %dma_start3A_518] : memref<26x2432xi32, #tpu.memory_space<vmem>> -> memref<1x2432xi32, #tpu.memory_space<vmem>>
    %dma_start3A_520 = tpu.memref_squeeze %dma_start3A_519 : memref<1x2432xi32, #tpu.memory_space<vmem>> -> memref<2432xi32, #tpu.memory_space<vmem>>
    %dma_start3A_521 = arith.constant 0 : i32
    %dma_start3A_522 = tpu.memref_slice %arg2[%dma_start3A_510, %dma_start3A_521] : memref<26x2432xi32, #tpu.memory_space<hbm>> -> memref<1x2432xi32, #tpu.memory_space<hbm>>
    %dma_start3A_523 = tpu.memref_squeeze %dma_start3A_522 : memref<1x2432xi32, #tpu.memory_space<hbm>> -> memref<2432xi32, #tpu.memory_space<hbm>>
    tpu.enqueue_dma source(%dma_start3A_523 : memref<2432xi32, #tpu.memory_space<hbm>>) target(%dma_start3A_520 : memref<2432xi32, #tpu.memory_space<vmem>>) target_semaphore(%arg8 : memref<!tpu.dma_semaphore, #tpu.memory_space<semaphore_mem>>)
    %dma_start3A_524 = arith.constant 15 : i32
    %dma_start3A_525 = arith.constant 15 : i32
    %dma_start3A_526 = arith.constant 0 : i32
    %dma_start3A_527 = tpu.memref_slice %arg5[%dma_start3A_525, %dma_start3A_526] : memref<26x2432xi32, #tpu.memory_space<vmem>> -> memref<1x2432xi32, #tpu.memory_space<vmem>>
    %dma_start3A_528 = tpu.memref_squeeze %dma_start3A_527 : memref<1x2432xi32, #tpu.memory_space<vmem>> -> memref<2432xi32, #tpu.memory_space<vmem>>
    %dma_start3A_529 = arith.constant 0 : i32
    %dma_start3A_530 = tpu.memref_slice %arg2[%dma_start3A_524, %dma_start3A_529] : memref<26x2432xi32, #tpu.memory_space<hbm>> -> memref<1x2432xi32, #tpu.memory_space<hbm>>
    %dma_start3A_531 = tpu.memref_squeeze %dma_start3A_530 : memref<1x2432xi32, #tpu.memory_space<hbm>> -> memref<2432xi32, #tpu.memory_space<hbm>>
    %dma_start3A_532 = arith.constant 0 : i32
    %dma_start3A_533 = tpu.memref_slice %arg5[%dma_start3A_525, %dma_start3A_532] : memref<26x2432xi32, #tpu.memory_space<vmem>> -> memref<1x2432xi32, #tpu.memory_space<vmem>>
    %dma_start3A_534 = tpu.memref_squeeze %dma_start3A_533 : memref<1x2432xi32, #tpu.memory_space<vmem>> -> memref<2432xi32, #tpu.memory_space<vmem>>
    %dma_start3A_535 = arith.constant 0 : i32
    %dma_start3A_536 = tpu.memref_slice %arg2[%dma_start3A_524, %dma_start3A_535] : memref<26x2432xi32, #tpu.memory_space<hbm>> -> memref<1x2432xi32, #tpu.memory_space<hbm>>
    %dma_start3A_537 = tpu.memref_squeeze %dma_start3A_536 : memref<1x2432xi32, #tpu.memory_space<hbm>> -> memref<2432xi32, #tpu.memory_space<hbm>>
    tpu.enqueue_dma source(%dma_start3A_537 : memref<2432xi32, #tpu.memory_space<hbm>>) target(%dma_start3A_534 : memref<2432xi32, #tpu.memory_space<vmem>>) target_semaphore(%arg8 : memref<!tpu.dma_semaphore, #tpu.memory_space<semaphore_mem>>)
    %dma_start3A_538 = arith.constant 16 : i32
    %dma_start3A_539 = arith.constant 16 : i32
    %dma_start3A_540 = arith.constant 0 : i32
    %dma_start3A_541 = tpu.memref_slice %arg5[%dma_start3A_539, %dma_start3A_540] : memref<26x2432xi32, #tpu.memory_space<vmem>> -> memref<1x2432xi32, #tpu.memory_space<vmem>>
    %dma_start3A_542 = tpu.memref_squeeze %dma_start3A_541 : memref<1x2432xi32, #tpu.memory_space<vmem>> -> memref<2432xi32, #tpu.memory_space<vmem>>
    %dma_start3A_543 = arith.constant 0 : i32
    %dma_start3A_544 = tpu.memref_slice %arg2[%dma_start3A_538, %dma_start3A_543] : memref<26x2432xi32, #tpu.memory_space<hbm>> -> memref<1x2432xi32, #tpu.memory_space<hbm>>
    %dma_start3A_545 = tpu.memref_squeeze %dma_start3A_544 : memref<1x2432xi32, #tpu.memory_space<hbm>> -> memref<2432xi32, #tpu.memory_space<hbm>>
    %dma_start3A_546 = arith.constant 0 : i32
    %dma_start3A_547 = tpu.memref_slice %arg5[%dma_start3A_539, %dma_start3A_546] : memref<26x2432xi32, #tpu.memory_space<vmem>> -> memref<1x2432xi32, #tpu.memory_space<vmem>>
    %dma_start3A_548 = tpu.memref_squeeze %dma_start3A_547 : memref<1x2432xi32, #tpu.memory_space<vmem>> -> memref<2432xi32, #tpu.memory_space<vmem>>
    %dma_start3A_549 = arith.constant 0 : i32
    %dma_start3A_550 = tpu.memref_slice %arg2[%dma_start3A_538, %dma_start3A_549] : memref<26x2432xi32, #tpu.memory_space<hbm>> -> memref<1x2432xi32, #tpu.memory_space<hbm>>
    %dma_start3A_551 = tpu.memref_squeeze %dma_start3A_550 : memref<1x2432xi32, #tpu.memory_space<hbm>> -> memref<2432xi32, #tpu.memory_space<hbm>>
    tpu.enqueue_dma source(%dma_start3A_551 : memref<2432xi32, #tpu.memory_space<hbm>>) target(%dma_start3A_548 : memref<2432xi32, #tpu.memory_space<vmem>>) target_semaphore(%arg8 : memref<!tpu.dma_semaphore, #tpu.memory_space<semaphore_mem>>)
    %dma_start3A_552 = arith.constant 17 : i32
    %dma_start3A_553 = arith.constant 17 : i32
    %dma_start3A_554 = arith.constant 0 : i32
    %dma_start3A_555 = tpu.memref_slice %arg5[%dma_start3A_553, %dma_start3A_554] : memref<26x2432xi32, #tpu.memory_space<vmem>> -> memref<1x2432xi32, #tpu.memory_space<vmem>>
    %dma_start3A_556 = tpu.memref_squeeze %dma_start3A_555 : memref<1x2432xi32, #tpu.memory_space<vmem>> -> memref<2432xi32, #tpu.memory_space<vmem>>
    %dma_start3A_557 = arith.constant 0 : i32
    %dma_start3A_558 = tpu.memref_slice %arg2[%dma_start3A_552, %dma_start3A_557] : memref<26x2432xi32, #tpu.memory_space<hbm>> -> memref<1x2432xi32, #tpu.memory_space<hbm>>
    %dma_start3A_559 = tpu.memref_squeeze %dma_start3A_558 : memref<1x2432xi32, #tpu.memory_space<hbm>> -> memref<2432xi32, #tpu.memory_space<hbm>>
    %dma_start3A_560 = arith.constant 0 : i32
    %dma_start3A_561 = tpu.memref_slice %arg5[%dma_start3A_553, %dma_start3A_560] : memref<26x2432xi32, #tpu.memory_space<vmem>> -> memref<1x2432xi32, #tpu.memory_space<vmem>>
    %dma_start3A_562 = tpu.memref_squeeze %dma_start3A_561 : memref<1x2432xi32, #tpu.memory_space<vmem>> -> memref<2432xi32, #tpu.memory_space<vmem>>
    %dma_start3A_563 = arith.constant 0 : i32
    %dma_start3A_564 = tpu.memref_slice %arg2[%dma_start3A_552, %dma_start3A_563] : memref<26x2432xi32, #tpu.memory_space<hbm>> -> memref<1x2432xi32, #tpu.memory_space<hbm>>
    %dma_start3A_565 = tpu.memref_squeeze %dma_start3A_564 : memref<1x2432xi32, #tpu.memory_space<hbm>> -> memref<2432xi32, #tpu.memory_space<hbm>>
    tpu.enqueue_dma source(%dma_start3A_565 : memref<2432xi32, #tpu.memory_space<hbm>>) target(%dma_start3A_562 : memref<2432xi32, #tpu.memory_space<vmem>>) target_semaphore(%arg8 : memref<!tpu.dma_semaphore, #tpu.memory_space<semaphore_mem>>)
    %dma_start3A_566 = arith.constant 18 : i32
    %dma_start3A_567 = arith.constant 18 : i32
    %dma_start3A_568 = arith.constant 0 : i32
    %dma_start3A_569 = tpu.memref_slice %arg5[%dma_start3A_567, %dma_start3A_568] : memref<26x2432xi32, #tpu.memory_space<vmem>> -> memref<1x2432xi32, #tpu.memory_space<vmem>>
    %dma_start3A_570 = tpu.memref_squeeze %dma_start3A_569 : memref<1x2432xi32, #tpu.memory_space<vmem>> -> memref<2432xi32, #tpu.memory_space<vmem>>
    %dma_start3A_571 = arith.constant 0 : i32
    %dma_start3A_572 = tpu.memref_slice %arg2[%dma_start3A_566, %dma_start3A_571] : memref<26x2432xi32, #tpu.memory_space<hbm>> -> memref<1x2432xi32, #tpu.memory_space<hbm>>
    %dma_start3A_573 = tpu.memref_squeeze %dma_start3A_572 : memref<1x2432xi32, #tpu.memory_space<hbm>> -> memref<2432xi32, #tpu.memory_space<hbm>>
    %dma_start3A_574 = arith.constant 0 : i32
    %dma_start3A_575 = tpu.memref_slice %arg5[%dma_start3A_567, %dma_start3A_574] : memref<26x2432xi32, #tpu.memory_space<vmem>> -> memref<1x2432xi32, #tpu.memory_space<vmem>>
    %dma_start3A_576 = tpu.memref_squeeze %dma_start3A_575 : memref<1x2432xi32, #tpu.memory_space<vmem>> -> memref<2432xi32, #tpu.memory_space<vmem>>
    %dma_start3A_577 = arith.constant 0 : i32
    %dma_start3A_578 = tpu.memref_slice %arg2[%dma_start3A_566, %dma_start3A_577] : memref<26x2432xi32, #tpu.memory_space<hbm>> -> memref<1x2432xi32, #tpu.memory_space<hbm>>
    %dma_start3A_579 = tpu.memref_squeeze %dma_start3A_578 : memref<1x2432xi32, #tpu.memory_space<hbm>> -> memref<2432xi32, #tpu.memory_space<hbm>>
    tpu.enqueue_dma source(%dma_start3A_579 : memref<2432xi32, #tpu.memory_space<hbm>>) target(%dma_start3A_576 : memref<2432xi32, #tpu.memory_space<vmem>>) target_semaphore(%arg8 : memref<!tpu.dma_semaphore, #tpu.memory_space<semaphore_mem>>)
    %dma_start3A_580 = arith.constant 19 : i32
    %dma_start3A_581 = arith.constant 19 : i32
    %dma_start3A_582 = arith.constant 0 : i32
    %dma_start3A_583 = tpu.memref_slice %arg5[%dma_start3A_581, %dma_start3A_582] : memref<26x2432xi32, #tpu.memory_space<vmem>> -> memref<1x2432xi32, #tpu.memory_space<vmem>>
    %dma_start3A_584 = tpu.memref_squeeze %dma_start3A_583 : memref<1x2432xi32, #tpu.memory_space<vmem>> -> memref<2432xi32, #tpu.memory_space<vmem>>
    %dma_start3A_585 = arith.constant 0 : i32
    %dma_start3A_586 = tpu.memref_slice %arg2[%dma_start3A_580, %dma_start3A_585] : memref<26x2432xi32, #tpu.memory_space<hbm>> -> memref<1x2432xi32, #tpu.memory_space<hbm>>
    %dma_start3A_587 = tpu.memref_squeeze %dma_start3A_586 : memref<1x2432xi32, #tpu.memory_space<hbm>> -> memref<2432xi32, #tpu.memory_space<hbm>>
    %dma_start3A_588 = arith.constant 0 : i32
    %dma_start3A_589 = tpu.memref_slice %arg5[%dma_start3A_581, %dma_start3A_588] : memref<26x2432xi32, #tpu.memory_space<vmem>> -> memref<1x2432xi32, #tpu.memory_space<vmem>>
    %dma_start3A_590 = tpu.memref_squeeze %dma_start3A_589 : memref<1x2432xi32, #tpu.memory_space<vmem>> -> memref<2432xi32, #tpu.memory_space<vmem>>
    %dma_start3A_591 = arith.constant 0 : i32
    %dma_start3A_592 = tpu.memref_slice %arg2[%dma_start3A_580, %dma_start3A_591] : memref<26x2432xi32, #tpu.memory_space<hbm>> -> memref<1x2432xi32, #tpu.memory_space<hbm>>
    %dma_start3A_593 = tpu.memref_squeeze %dma_start3A_592 : memref<1x2432xi32, #tpu.memory_space<hbm>> -> memref<2432xi32, #tpu.memory_space<hbm>>
    tpu.enqueue_dma source(%dma_start3A_593 : memref<2432xi32, #tpu.memory_space<hbm>>) target(%dma_start3A_590 : memref<2432xi32, #tpu.memory_space<vmem>>) target_semaphore(%arg8 : memref<!tpu.dma_semaphore, #tpu.memory_space<semaphore_mem>>)
    %dma_start3A_594 = arith.constant 20 : i32
    %dma_start3A_595 = arith.constant 20 : i32
    %dma_start3A_596 = arith.constant 0 : i32
    %dma_start3A_597 = tpu.memref_slice %arg5[%dma_start3A_595, %dma_start3A_596] : memref<26x2432xi32, #tpu.memory_space<vmem>> -> memref<1x2432xi32, #tpu.memory_space<vmem>>
    %dma_start3A_598 = tpu.memref_squeeze %dma_start3A_597 : memref<1x2432xi32, #tpu.memory_space<vmem>> -> memref<2432xi32, #tpu.memory_space<vmem>>
    %dma_start3A_599 = arith.constant 0 : i32
    %dma_start3A_600 = tpu.memref_slice %arg2[%dma_start3A_594, %dma_start3A_599] : memref<26x2432xi32, #tpu.memory_space<hbm>> -> memref<1x2432xi32, #tpu.memory_space<hbm>>
    %dma_start3A_601 = tpu.memref_squeeze %dma_start3A_600 : memref<1x2432xi32, #tpu.memory_space<hbm>> -> memref<2432xi32, #tpu.memory_space<hbm>>
    %dma_start3A_602 = arith.constant 0 : i32
    %dma_start3A_603 = tpu.memref_slice %arg5[%dma_start3A_595, %dma_start3A_602] : memref<26x2432xi32, #tpu.memory_space<vmem>> -> memref<1x2432xi32, #tpu.memory_space<vmem>>
    %dma_start3A_604 = tpu.memref_squeeze %dma_start3A_603 : memref<1x2432xi32, #tpu.memory_space<vmem>> -> memref<2432xi32, #tpu.memory_space<vmem>>
    %dma_start3A_605 = arith.constant 0 : i32
    %dma_start3A_606 = tpu.memref_slice %arg2[%dma_start3A_594, %dma_start3A_605] : memref<26x2432xi32, #tpu.memory_space<hbm>> -> memref<1x2432xi32, #tpu.memory_space<hbm>>
    %dma_start3A_607 = tpu.memref_squeeze %dma_start3A_606 : memref<1x2432xi32, #tpu.memory_space<hbm>> -> memref<2432xi32, #tpu.memory_space<hbm>>
    tpu.enqueue_dma source(%dma_start3A_607 : memref<2432xi32, #tpu.memory_space<hbm>>) target(%dma_start3A_604 : memref<2432xi32, #tpu.memory_space<vmem>>) target_semaphore(%arg8 : memref<!tpu.dma_semaphore, #tpu.memory_space<semaphore_mem>>)
    %dma_start3A_608 = arith.constant 21 : i32
    %dma_start3A_609 = arith.constant 21 : i32
    %dma_start3A_610 = arith.constant 0 : i32
    %dma_start3A_611 = tpu.memref_slice %arg5[%dma_start3A_609, %dma_start3A_610] : memref<26x2432xi32, #tpu.memory_space<vmem>> -> memref<1x2432xi32, #tpu.memory_space<vmem>>
    %dma_start3A_612 = tpu.memref_squeeze %dma_start3A_611 : memref<1x2432xi32, #tpu.memory_space<vmem>> -> memref<2432xi32, #tpu.memory_space<vmem>>
    %dma_start3A_613 = arith.constant 0 : i32
    %dma_start3A_614 = tpu.memref_slice %arg2[%dma_start3A_608, %dma_start3A_613] : memref<26x2432xi32, #tpu.memory_space<hbm>> -> memref<1x2432xi32, #tpu.memory_space<hbm>>
    %dma_start3A_615 = tpu.memref_squeeze %dma_start3A_614 : memref<1x2432xi32, #tpu.memory_space<hbm>> -> memref<2432xi32, #tpu.memory_space<hbm>>
    %dma_start3A_616 = arith.constant 0 : i32
    %dma_start3A_617 = tpu.memref_slice %arg5[%dma_start3A_609, %dma_start3A_616] : memref<26x2432xi32, #tpu.memory_space<vmem>> -> memref<1x2432xi32, #tpu.memory_space<vmem>>
    %dma_start3A_618 = tpu.memref_squeeze %dma_start3A_617 : memref<1x2432xi32, #tpu.memory_space<vmem>> -> memref<2432xi32, #tpu.memory_space<vmem>>
    %dma_start3A_619 = arith.constant 0 : i32
    %dma_start3A_620 = tpu.memref_slice %arg2[%dma_start3A_608, %dma_start3A_619] : memref<26x2432xi32, #tpu.memory_space<hbm>> -> memref<1x2432xi32, #tpu.memory_space<hbm>>
    %dma_start3A_621 = tpu.memref_squeeze %dma_start3A_620 : memref<1x2432xi32, #tpu.memory_space<hbm>> -> memref<2432xi32, #tpu.memory_space<hbm>>
    tpu.enqueue_dma source(%dma_start3A_621 : memref<2432xi32, #tpu.memory_space<hbm>>) target(%dma_start3A_618 : memref<2432xi32, #tpu.memory_space<vmem>>) target_semaphore(%arg8 : memref<!tpu.dma_semaphore, #tpu.memory_space<semaphore_mem>>)
    %dma_start3A_622 = arith.constant 22 : i32
    %dma_start3A_623 = arith.constant 22 : i32
    %dma_start3A_624 = arith.constant 0 : i32
    %dma_start3A_625 = tpu.memref_slice %arg5[%dma_start3A_623, %dma_start3A_624] : memref<26x2432xi32, #tpu.memory_space<vmem>> -> memref<1x2432xi32, #tpu.memory_space<vmem>>
    %dma_start3A_626 = tpu.memref_squeeze %dma_start3A_625 : memref<1x2432xi32, #tpu.memory_space<vmem>> -> memref<2432xi32, #tpu.memory_space<vmem>>
    %dma_start3A_627 = arith.constant 0 : i32
    %dma_start3A_628 = tpu.memref_slice %arg2[%dma_start3A_622, %dma_start3A_627] : memref<26x2432xi32, #tpu.memory_space<hbm>> -> memref<1x2432xi32, #tpu.memory_space<hbm>>
    %dma_start3A_629 = tpu.memref_squeeze %dma_start3A_628 : memref<1x2432xi32, #tpu.memory_space<hbm>> -> memref<2432xi32, #tpu.memory_space<hbm>>
    %dma_start3A_630 = arith.constant 0 : i32
    %dma_start3A_631 = tpu.memref_slice %arg5[%dma_start3A_623, %dma_start3A_630] : memref<26x2432xi32, #tpu.memory_space<vmem>> -> memref<1x2432xi32, #tpu.memory_space<vmem>>
    %dma_start3A_632 = tpu.memref_squeeze %dma_start3A_631 : memref<1x2432xi32, #tpu.memory_space<vmem>> -> memref<2432xi32, #tpu.memory_space<vmem>>
    %dma_start3A_633 = arith.constant 0 : i32
    %dma_start3A_634 = tpu.memref_slice %arg2[%dma_start3A_622, %dma_start3A_633] : memref<26x2432xi32, #tpu.memory_space<hbm>> -> memref<1x2432xi32, #tpu.memory_space<hbm>>
    %dma_start3A_635 = tpu.memref_squeeze %dma_start3A_634 : memref<1x2432xi32, #tpu.memory_space<hbm>> -> memref<2432xi32, #tpu.memory_space<hbm>>
    tpu.enqueue_dma source(%dma_start3A_635 : memref<2432xi32, #tpu.memory_space<hbm>>) target(%dma_start3A_632 : memref<2432xi32, #tpu.memory_space<vmem>>) target_semaphore(%arg8 : memref<!tpu.dma_semaphore, #tpu.memory_space<semaphore_mem>>)
    %dma_start3A_636 = arith.constant 23 : i32
    %dma_start3A_637 = arith.constant 23 : i32
    %dma_start3A_638 = arith.constant 0 : i32
    %dma_start3A_639 = tpu.memref_slice %arg5[%dma_start3A_637, %dma_start3A_638] : memref<26x2432xi32, #tpu.memory_space<vmem>> -> memref<1x2432xi32, #tpu.memory_space<vmem>>
    %dma_start3A_640 = tpu.memref_squeeze %dma_start3A_639 : memref<1x2432xi32, #tpu.memory_space<vmem>> -> memref<2432xi32, #tpu.memory_space<vmem>>
    %dma_start3A_641 = arith.constant 0 : i32
    %dma_start3A_642 = tpu.memref_slice %arg2[%dma_start3A_636, %dma_start3A_641] : memref<26x2432xi32, #tpu.memory_space<hbm>> -> memref<1x2432xi32, #tpu.memory_space<hbm>>
    %dma_start3A_643 = tpu.memref_squeeze %dma_start3A_642 : memref<1x2432xi32, #tpu.memory_space<hbm>> -> memref<2432xi32, #tpu.memory_space<hbm>>
    %dma_start3A_644 = arith.constant 0 : i32
    %dma_start3A_645 = tpu.memref_slice %arg5[%dma_start3A_637, %dma_start3A_644] : memref<26x2432xi32, #tpu.memory_space<vmem>> -> memref<1x2432xi32, #tpu.memory_space<vmem>>
    %dma_start3A_646 = tpu.memref_squeeze %dma_start3A_645 : memref<1x2432xi32, #tpu.memory_space<vmem>> -> memref<2432xi32, #tpu.memory_space<vmem>>
    %dma_start3A_647 = arith.constant 0 : i32
    %dma_start3A_648 = tpu.memref_slice %arg2[%dma_start3A_636, %dma_start3A_647] : memref<26x2432xi32, #tpu.memory_space<hbm>> -> memref<1x2432xi32, #tpu.memory_space<hbm>>
    %dma_start3A_649 = tpu.memref_squeeze %dma_start3A_648 : memref<1x2432xi32, #tpu.memory_space<hbm>> -> memref<2432xi32, #tpu.memory_space<hbm>>
    tpu.enqueue_dma source(%dma_start3A_649 : memref<2432xi32, #tpu.memory_space<hbm>>) target(%dma_start3A_646 : memref<2432xi32, #tpu.memory_space<vmem>>) target_semaphore(%arg8 : memref<!tpu.dma_semaphore, #tpu.memory_space<semaphore_mem>>)
    %dma_start3A_650 = arith.constant 24 : i32
    %dma_start3A_651 = arith.constant 24 : i32
    %dma_start3A_652 = arith.constant 0 : i32
    %dma_start3A_653 = tpu.memref_slice %arg5[%dma_start3A_651, %dma_start3A_652] : memref<26x2432xi32, #tpu.memory_space<vmem>> -> memref<1x2432xi32, #tpu.memory_space<vmem>>
    %dma_start3A_654 = tpu.memref_squeeze %dma_start3A_653 : memref<1x2432xi32, #tpu.memory_space<vmem>> -> memref<2432xi32, #tpu.memory_space<vmem>>
    %dma_start3A_655 = arith.constant 0 : i32
    %dma_start3A_656 = tpu.memref_slice %arg2[%dma_start3A_650, %dma_start3A_655] : memref<26x2432xi32, #tpu.memory_space<hbm>> -> memref<1x2432xi32, #tpu.memory_space<hbm>>
    %dma_start3A_657 = tpu.memref_squeeze %dma_start3A_656 : memref<1x2432xi32, #tpu.memory_space<hbm>> -> memref<2432xi32, #tpu.memory_space<hbm>>
    %dma_start3A_658 = arith.constant 0 : i32
    %dma_start3A_659 = tpu.memref_slice %arg5[%dma_start3A_651, %dma_start3A_658] : memref<26x2432xi32, #tpu.memory_space<vmem>> -> memref<1x2432xi32, #tpu.memory_space<vmem>>
    %dma_start3A_660 = tpu.memref_squeeze %dma_start3A_659 : memref<1x2432xi32, #tpu.memory_space<vmem>> -> memref<2432xi32, #tpu.memory_space<vmem>>
    %dma_start3A_661 = arith.constant 0 : i32
    %dma_start3A_662 = tpu.memref_slice %arg2[%dma_start3A_650, %dma_start3A_661] : memref<26x2432xi32, #tpu.memory_space<hbm>> -> memref<1x2432xi32, #tpu.memory_space<hbm>>
    %dma_start3A_663 = tpu.memref_squeeze %dma_start3A_662 : memref<1x2432xi32, #tpu.memory_space<hbm>> -> memref<2432xi32, #tpu.memory_space<hbm>>
    tpu.enqueue_dma source(%dma_start3A_663 : memref<2432xi32, #tpu.memory_space<hbm>>) target(%dma_start3A_660 : memref<2432xi32, #tpu.memory_space<vmem>>) target_semaphore(%arg8 : memref<!tpu.dma_semaphore, #tpu.memory_space<semaphore_mem>>)
    %dma_start3A_664 = arith.constant 25 : i32
    %dma_start3A_665 = arith.constant 25 : i32
    %dma_start3A_666 = arith.constant 0 : i32
    %dma_start3A_667 = tpu.memref_slice %arg5[%dma_start3A_665, %dma_start3A_666] : memref<26x2432xi32, #tpu.memory_space<vmem>> -> memref<1x2432xi32, #tpu.memory_space<vmem>>
    %dma_start3A_668 = tpu.memref_squeeze %dma_start3A_667 : memref<1x2432xi32, #tpu.memory_space<vmem>> -> memref<2432xi32, #tpu.memory_space<vmem>>
    %dma_start3A_669 = arith.constant 0 : i32
    %dma_start3A_670 = tpu.memref_slice %arg2[%dma_start3A_664, %dma_start3A_669] : memref<26x2432xi32, #tpu.memory_space<hbm>> -> memref<1x2432xi32, #tpu.memory_space<hbm>>
    %dma_start3A_671 = tpu.memref_squeeze %dma_start3A_670 : memref<1x2432xi32, #tpu.memory_space<hbm>> -> memref<2432xi32, #tpu.memory_space<hbm>>
    %dma_start3A_672 = arith.constant 0 : i32
    %dma_start3A_673 = tpu.memref_slice %arg5[%dma_start3A_665, %dma_start3A_672] : memref<26x2432xi32, #tpu.memory_space<vmem>> -> memref<1x2432xi32, #tpu.memory_space<vmem>>
    %dma_start3A_674 = tpu.memref_squeeze %dma_start3A_673 : memref<1x2432xi32, #tpu.memory_space<vmem>> -> memref<2432xi32, #tpu.memory_space<vmem>>
    %dma_start3A_675 = arith.constant 0 : i32
    %dma_start3A_676 = tpu.memref_slice %arg2[%dma_start3A_664, %dma_start3A_675] : memref<26x2432xi32, #tpu.memory_space<hbm>> -> memref<1x2432xi32, #tpu.memory_space<hbm>>
    %dma_start3A_677 = tpu.memref_squeeze %dma_start3A_676 : memref<1x2432xi32, #tpu.memory_space<hbm>> -> memref<2432xi32, #tpu.memory_space<hbm>>
    tpu.enqueue_dma source(%dma_start3A_677 : memref<2432xi32, #tpu.memory_space<hbm>>) target(%dma_start3A_674 : memref<2432xi32, #tpu.memory_space<vmem>>) target_semaphore(%arg8 : memref<!tpu.dma_semaphore, #tpu.memory_space<semaphore_mem>>)
    %dma_wait3A = arith.constant 0 : i32
    %dma_wait3A_678 = arith.constant 0 : i32
    %dma_wait3A_679 = arith.constant 0 : i32
    %dma_wait3A_680 = tpu.memref_slice %arg6[%dma_wait3A_678, %dma_wait3A_679] : memref<26x512xi32, #tpu.memory_space<vmem>> -> memref<1x512xi32, #tpu.memory_space<vmem>>
    %dma_wait3A_681 = tpu.memref_squeeze %dma_wait3A_680 : memref<1x512xi32, #tpu.memory_space<vmem>> -> memref<512xi32, #tpu.memory_space<vmem>>
    %dma_wait3A_682 = tpu.memref_slice %arg3[%dma_wait3A, %mul3A_2] : memref<26x16384xi32, #tpu.memory_space<hbm>> -> memref<1x512xi32, #tpu.memory_space<hbm>>
    %dma_wait3A_683 = tpu.memref_squeeze %dma_wait3A_682 : memref<1x512xi32, #tpu.memory_space<hbm>> -> memref<512xi32, #tpu.memory_space<hbm>>
    %dma_wait3A_684 = arith.constant 0 : i32
    %dma_wait3A_685 = tpu.memref_slice %arg6[%dma_wait3A_678, %dma_wait3A_684] : memref<26x512xi32, #tpu.memory_space<vmem>> -> memref<1x512xi32, #tpu.memory_space<vmem>>
    %dma_wait3A_686 = tpu.memref_squeeze %dma_wait3A_685 : memref<1x512xi32, #tpu.memory_space<vmem>> -> memref<512xi32, #tpu.memory_space<vmem>>
    %dma_wait3A_687 = tpu.memref_slice %arg3[%dma_wait3A, %mul3A_2] : memref<26x16384xi32, #tpu.memory_space<hbm>> -> memref<1x512xi32, #tpu.memory_space<hbm>>
    %dma_wait3A_688 = tpu.memref_squeeze %dma_wait3A_687 : memref<1x512xi32, #tpu.memory_space<hbm>> -> memref<512xi32, #tpu.memory_space<hbm>>
    tpu.wait_dma2 semaphore(%arg9 : memref<!tpu.dma_semaphore, #tpu.memory_space<semaphore_mem>>) src(%dma_wait3A_688 : memref<512xi32, #tpu.memory_space<hbm>>) dst(%dma_wait3A_686 : memref<512xi32, #tpu.memory_space<vmem>>)
    %dma_wait3A_689 = arith.constant 0 : i32
    %dma_wait3A_690 = arith.constant 0 : i32
    %dma_wait3A_691 = arith.constant 0 : i32
    %dma_wait3A_692 = tpu.memref_slice %arg5[%dma_wait3A_690, %dma_wait3A_691] : memref<26x2432xi32, #tpu.memory_space<vmem>> -> memref<1x2432xi32, #tpu.memory_space<vmem>>
    %dma_wait3A_693 = tpu.memref_squeeze %dma_wait3A_692 : memref<1x2432xi32, #tpu.memory_space<vmem>> -> memref<2432xi32, #tpu.memory_space<vmem>>
    %dma_wait3A_694 = arith.constant 0 : i32
    %dma_wait3A_695 = tpu.memref_slice %arg2[%dma_wait3A_689, %dma_wait3A_694] : memref<26x2432xi32, #tpu.memory_space<hbm>> -> memref<1x2432xi32, #tpu.memory_space<hbm>>
    %dma_wait3A_696 = tpu.memref_squeeze %dma_wait3A_695 : memref<1x2432xi32, #tpu.memory_space<hbm>> -> memref<2432xi32, #tpu.memory_space<hbm>>
    %dma_wait3A_697 = arith.constant 0 : i32
    %dma_wait3A_698 = tpu.memref_slice %arg5[%dma_wait3A_690, %dma_wait3A_697] : memref<26x2432xi32, #tpu.memory_space<vmem>> -> memref<1x2432xi32, #tpu.memory_space<vmem>>
    %dma_wait3A_699 = tpu.memref_squeeze %dma_wait3A_698 : memref<1x2432xi32, #tpu.memory_space<vmem>> -> memref<2432xi32, #tpu.memory_space<vmem>>
    %dma_wait3A_700 = arith.constant 0 : i32
    %dma_wait3A_701 = tpu.memref_slice %arg2[%dma_wait3A_689, %dma_wait3A_700] : memref<26x2432xi32, #tpu.memory_space<hbm>> -> memref<1x2432xi32, #tpu.memory_space<hbm>>
    %dma_wait3A_702 = tpu.memref_squeeze %dma_wait3A_701 : memref<1x2432xi32, #tpu.memory_space<hbm>> -> memref<2432xi32, #tpu.memory_space<hbm>>
    tpu.wait_dma2 semaphore(%arg8 : memref<!tpu.dma_semaphore, #tpu.memory_space<semaphore_mem>>) src(%dma_wait3A_702 : memref<2432xi32, #tpu.memory_space<hbm>>) dst(%dma_wait3A_699 : memref<2432xi32, #tpu.memory_space<vmem>>)
    %broadcast_in_dim3A = arith.constant 0 : i32
    %broadcast_in_dim3A_703 = vector.broadcast %broadcast_in_dim3A : i32 to vector<16xi32>
    %scan3A = arith.constant 0 : i32
    %scan3A_704 = arith.constant 0 : i32
    %scan3A_705 = arith.constant 32 : i32
    %scan3A_706 = arith.addi %scan3A_704, %scan3A_705 : i32
    %scan3A_707 = arith.constant 1 : i32
    %scan3A_708 = scf.for %scan3A_1585 = %scan3A_704 to %scan3A_706 step %scan3A_707 iter_args(%scan3A_1586 = %scan3A) -> (i32)  : i32 {
      %mul3A_1587 = arith.constant 16 : i32
      %mul3A_1588 = arith.muli %scan3A_1585, %mul3A_1587 : i32
      %get3A = arith.constant 0 : i32
      %get3A_1589 = arith.index_cast %get3A : i32 to index
      %get3A_1590 = arith.index_cast %mul3A_1588 : i32 to index
      %get3A_1591 = tpu.vector_load %arg6[%get3A_1589, %get3A_1590] {strides = array<i32>} : memref<26x512xi32, #tpu.memory_space<vmem>>, vector<16xi32>,
      %ge3A = arith.constant 2432 : i32
      %ge3A_1592 = vector.broadcast %ge3A : i32 to vector<16xi32>
      %ge3A_1593 = arith.cmpi sge, %get3A_1591, %ge3A_1592 : vector<16xi32>
      %sub3A = arith.constant 2432 : i32
      %sub3A_1594 = vector.broadcast %sub3A : i32 to vector<16xi32>
      %sub3A_1595 = arith.subi %get3A_1591, %sub3A_1594 : vector<16xi32>
      %select_n3A = arith.select %ge3A_1593, %sub3A_1595, %get3A_1591 : vector<16xi1>, vector<16xi32>
      %gather3A = tpu.vector_load_idx %arg5[%broadcast_in_dim3A_703, %select_n3A] : memref<26x2432xi32, #tpu.memory_space<vmem>>[vector<16xi32>, vector<16xi32>], vector<16xi32>,
      %and3A = arith.constant -65536 : i32
      %and3A_1596 = vector.broadcast %and3A : i32 to vector<16xi32>
      %and3A_1597 = arith.andi %gather3A, %and3A_1596 : vector<16xi32>
      %shift_left3A = arith.constant 16 : i32
      %shift_left3A_1598 = vector.broadcast %shift_left3A : i32 to vector<16xi32>
      %shift_left3A_1599 = arith.shli %gather3A, %shift_left3A_1598 : vector<16xi32>
      %select_n3A_1600 = arith.select %ge3A_1593, %and3A_1597, %shift_left3A_1599 : vector<16xi1>, vector<16xi32>
      %bitcast3A = vector.bitcast %select_n3A_1600 : vector<16xi32> to vector<16xf32>
      %mul3A_1601 = arith.constant 16 : i32
      %mul3A_1602 = arith.muli %scan3A_1585, %mul3A_1601 : i32
      %swap3A = arith.index_cast %mul3A_1602 : i32 to index
      %swap3A_1603 = tpu.vector_load %arg7[%swap3A] {strides = array<i32>} : memref<512xf32, #tpu.memory_space<vmem>>, vector<16xf32>,
      tpu.vector_store %arg7[%swap3A], %bitcast3A {strides = array<i32>} : memref<512xf32, #tpu.memory_space<vmem>>, vector<16xf32>,
      %scan3A_1604 = arith.constant 0 : i32
      scf.yield %scan3A_1604 : i32
    }
    %scan3A_709 = arith.constant 32 : i32
    %dma_wait3A_710 = arith.constant 1 : i32
    %dma_wait3A_711 = arith.constant 1 : i32
    %dma_wait3A_712 = arith.constant 0 : i32
    %dma_wait3A_713 = tpu.memref_slice %arg6[%dma_wait3A_711, %dma_wait3A_712] : memref<26x512xi32, #tpu.memory_space<vmem>> -> memref<1x512xi32, #tpu.memory_space<vmem>>
    %dma_wait3A_714 = tpu.memref_squeeze %dma_wait3A_713 : memref<1x512xi32, #tpu.memory_space<vmem>> -> memref<512xi32, #tpu.memory_space<vmem>>
    %dma_wait3A_715 = tpu.memref_slice %arg3[%dma_wait3A_710, %mul3A_2] : memref<26x16384xi32, #tpu.memory_space<hbm>> -> memref<1x512xi32, #tpu.memory_space<hbm>>
    %dma_wait3A_716 = tpu.memref_squeeze %dma_wait3A_715 : memref<1x512xi32, #tpu.memory_space<hbm>> -> memref<512xi32, #tpu.memory_space<hbm>>
    %dma_wait3A_717 = arith.constant 0 : i32
    %dma_wait3A_718 = tpu.memref_slice %arg6[%dma_wait3A_711, %dma_wait3A_717] : memref<26x512xi32, #tpu.memory_space<vmem>> -> memref<1x512xi32, #tpu.memory_space<vmem>>
    %dma_wait3A_719 = tpu.memref_squeeze %dma_wait3A_718 : memref<1x512xi32, #tpu.memory_space<vmem>> -> memref<512xi32, #tpu.memory_space<vmem>>
    %dma_wait3A_720 = tpu.memref_slice %arg3[%dma_wait3A_710, %mul3A_2] : memref<26x16384xi32, #tpu.memory_space<hbm>> -> memref<1x512xi32, #tpu.memory_space<hbm>>
    %dma_wait3A_721 = tpu.memref_squeeze %dma_wait3A_720 : memref<1x512xi32, #tpu.memory_space<hbm>> -> memref<512xi32, #tpu.memory_space<hbm>>
    tpu.wait_dma2 semaphore(%arg9 : memref<!tpu.dma_semaphore, #tpu.memory_space<semaphore_mem>>) src(%dma_wait3A_721 : memref<512xi32, #tpu.memory_space<hbm>>) dst(%dma_wait3A_719 : memref<512xi32, #tpu.memory_space<vmem>>)
    %dma_wait3A_722 = arith.constant 1 : i32
    %dma_wait3A_723 = arith.constant 1 : i32
    %dma_wait3A_724 = arith.constant 0 : i32
    %dma_wait3A_725 = tpu.memref_slice %arg5[%dma_wait3A_723, %dma_wait3A_724] : memref<26x2432xi32, #tpu.memory_space<vmem>> -> memref<1x2432xi32, #tpu.memory_space<vmem>>
    %dma_wait3A_726 = tpu.memref_squeeze %dma_wait3A_725 : memref<1x2432xi32, #tpu.memory_space<vmem>> -> memref<2432xi32, #tpu.memory_space<vmem>>
    %dma_wait3A_727 = arith.constant 0 : i32
    %dma_wait3A_728 = tpu.memref_slice %arg2[%dma_wait3A_722, %dma_wait3A_727] : memref<26x2432xi32, #tpu.memory_space<hbm>> -> memref<1x2432xi32, #tpu.memory_space<hbm>>
    %dma_wait3A_729 = tpu.memref_squeeze %dma_wait3A_728 : memref<1x2432xi32, #tpu.memory_space<hbm>> -> memref<2432xi32, #tpu.memory_space<hbm>>
    %dma_wait3A_730 = arith.constant 0 : i32
    %dma_wait3A_731 = tpu.memref_slice %arg5[%dma_wait3A_723, %dma_wait3A_730] : memref<26x2432xi32, #tpu.memory_space<vmem>> -> memref<1x2432xi32, #tpu.memory_space<vmem>>
    %dma_wait3A_732 = tpu.memref_squeeze %dma_wait3A_731 : memref<1x2432xi32, #tpu.memory_space<vmem>> -> memref<2432xi32, #tpu.memory_space<vmem>>
    %dma_wait3A_733 = arith.constant 0 : i32
    %dma_wait3A_734 = tpu.memref_slice %arg2[%dma_wait3A_722, %dma_wait3A_733] : memref<26x2432xi32, #tpu.memory_space<hbm>> -> memref<1x2432xi32, #tpu.memory_space<hbm>>
    %dma_wait3A_735 = tpu.memref_squeeze %dma_wait3A_734 : memref<1x2432xi32, #tpu.memory_space<hbm>> -> memref<2432xi32, #tpu.memory_space<hbm>>
    tpu.wait_dma2 semaphore(%arg8 : memref<!tpu.dma_semaphore, #tpu.memory_space<semaphore_mem>>) src(%dma_wait3A_735 : memref<2432xi32, #tpu.memory_space<hbm>>) dst(%dma_wait3A_732 : memref<2432xi32, #tpu.memory_space<vmem>>)
    %broadcast_in_dim3A_736 = arith.constant 1 : i32
    %broadcast_in_dim3A_737 = vector.broadcast %broadcast_in_dim3A_736 : i32 to vector<16xi32>
    %scan3A_738 = arith.constant 0 : i32
    %scan3A_739 = arith.constant 0 : i32
    %scan3A_740 = arith.constant 32 : i32
    %scan3A_741 = arith.addi %scan3A_739, %scan3A_740 : i32
    %scan3A_742 = arith.constant 1 : i32
    %scan3A_743 = scf.for %scan3A_1585 = %scan3A_739 to %scan3A_741 step %scan3A_742 iter_args(%scan3A_1586 = %scan3A_738) -> (i32)  : i32 {
      %mul3A_1587 = arith.constant 16 : i32
      %mul3A_1588 = arith.muli %scan3A_1585, %mul3A_1587 : i32
      %get3A = arith.constant 1 : i32
      %get3A_1589 = arith.index_cast %get3A : i32 to index
      %get3A_1590 = arith.index_cast %mul3A_1588 : i32 to index
      %get3A_1591 = tpu.vector_load %arg6[%get3A_1589, %get3A_1590] {strides = array<i32>} : memref<26x512xi32, #tpu.memory_space<vmem>>, vector<16xi32>,
      %ge3A = arith.constant 2432 : i32
      %ge3A_1592 = vector.broadcast %ge3A : i32 to vector<16xi32>
      %ge3A_1593 = arith.cmpi sge, %get3A_1591, %ge3A_1592 : vector<16xi32>
      %sub3A = arith.constant 2432 : i32
      %sub3A_1594 = vector.broadcast %sub3A : i32 to vector<16xi32>
      %sub3A_1595 = arith.subi %get3A_1591, %sub3A_1594 : vector<16xi32>
      %select_n3A = arith.select %ge3A_1593, %sub3A_1595, %get3A_1591 : vector<16xi1>, vector<16xi32>
      %gather3A = tpu.vector_load_idx %arg5[%broadcast_in_dim3A_737, %select_n3A] : memref<26x2432xi32, #tpu.memory_space<vmem>>[vector<16xi32>, vector<16xi32>], vector<16xi32>,
      %and3A = arith.constant -65536 : i32
      %and3A_1596 = vector.broadcast %and3A : i32 to vector<16xi32>
      %and3A_1597 = arith.andi %gather3A, %and3A_1596 : vector<16xi32>
      %shift_left3A = arith.constant 16 : i32
      %shift_left3A_1598 = vector.broadcast %shift_left3A : i32 to vector<16xi32>
      %shift_left3A_1599 = arith.shli %gather3A, %shift_left3A_1598 : vector<16xi32>
      %select_n3A_1600 = arith.select %ge3A_1593, %and3A_1597, %shift_left3A_1599 : vector<16xi1>, vector<16xi32>
      %bitcast3A = vector.bitcast %select_n3A_1600 : vector<16xi32> to vector<16xf32>
      %mul3A_1601 = arith.constant 16 : i32
      %mul3A_1602 = arith.muli %scan3A_1585, %mul3A_1601 : i32
      %get3A_1603 = arith.index_cast %mul3A_1602 : i32 to index
      %get3A_1604 = tpu.vector_load %arg7[%get3A_1603] {strides = array<i32>} : memref<512xf32, #tpu.memory_space<vmem>>, vector<16xf32>,
      %add3A_1605 = arith.addf %get3A_1604, %bitcast3A : vector<16xf32>
      %swap3A = arith.index_cast %mul3A_1602 : i32 to index
      %swap3A_1606 = tpu.vector_load %arg7[%swap3A] {strides = array<i32>} : memref<512xf32, #tpu.memory_space<vmem>>, vector<16xf32>,
      tpu.vector_store %arg7[%swap3A], %add3A_1605 {strides = array<i32>} : memref<512xf32, #tpu.memory_space<vmem>>, vector<16xf32>,
      %scan3A_1607 = arith.constant 0 : i32
      scf.yield %scan3A_1607 : i32
    }
    %scan3A_744 = arith.constant 32 : i32
    %dma_wait3A_745 = arith.constant 2 : i32
    %dma_wait3A_746 = arith.constant 2 : i32
    %dma_wait3A_747 = arith.constant 0 : i32
    %dma_wait3A_748 = tpu.memref_slice %arg6[%dma_wait3A_746, %dma_wait3A_747] : memref<26x512xi32, #tpu.memory_space<vmem>> -> memref<1x512xi32, #tpu.memory_space<vmem>>
    %dma_wait3A_749 = tpu.memref_squeeze %dma_wait3A_748 : memref<1x512xi32, #tpu.memory_space<vmem>> -> memref<512xi32, #tpu.memory_space<vmem>>
    %dma_wait3A_750 = tpu.memref_slice %arg3[%dma_wait3A_745, %mul3A_2] : memref<26x16384xi32, #tpu.memory_space<hbm>> -> memref<1x512xi32, #tpu.memory_space<hbm>>
    %dma_wait3A_751 = tpu.memref_squeeze %dma_wait3A_750 : memref<1x512xi32, #tpu.memory_space<hbm>> -> memref<512xi32, #tpu.memory_space<hbm>>
    %dma_wait3A_752 = arith.constant 0 : i32
    %dma_wait3A_753 = tpu.memref_slice %arg6[%dma_wait3A_746, %dma_wait3A_752] : memref<26x512xi32, #tpu.memory_space<vmem>> -> memref<1x512xi32, #tpu.memory_space<vmem>>
    %dma_wait3A_754 = tpu.memref_squeeze %dma_wait3A_753 : memref<1x512xi32, #tpu.memory_space<vmem>> -> memref<512xi32, #tpu.memory_space<vmem>>
    %dma_wait3A_755 = tpu.memref_slice %arg3[%dma_wait3A_745, %mul3A_2] : memref<26x16384xi32, #tpu.memory_space<hbm>> -> memref<1x512xi32, #tpu.memory_space<hbm>>
    %dma_wait3A_756 = tpu.memref_squeeze %dma_wait3A_755 : memref<1x512xi32, #tpu.memory_space<hbm>> -> memref<512xi32, #tpu.memory_space<hbm>>
    tpu.wait_dma2 semaphore(%arg9 : memref<!tpu.dma_semaphore, #tpu.memory_space<semaphore_mem>>) src(%dma_wait3A_756 : memref<512xi32, #tpu.memory_space<hbm>>) dst(%dma_wait3A_754 : memref<512xi32, #tpu.memory_space<vmem>>)
    %dma_wait3A_757 = arith.constant 2 : i32
    %dma_wait3A_758 = arith.constant 2 : i32
    %dma_wait3A_759 = arith.constant 0 : i32
    %dma_wait3A_760 = tpu.memref_slice %arg5[%dma_wait3A_758, %dma_wait3A_759] : memref<26x2432xi32, #tpu.memory_space<vmem>> -> memref<1x2432xi32, #tpu.memory_space<vmem>>
    %dma_wait3A_761 = tpu.memref_squeeze %dma_wait3A_760 : memref<1x2432xi32, #tpu.memory_space<vmem>> -> memref<2432xi32, #tpu.memory_space<vmem>>
    %dma_wait3A_762 = arith.constant 0 : i32
    %dma_wait3A_763 = tpu.memref_slice %arg2[%dma_wait3A_757, %dma_wait3A_762] : memref<26x2432xi32, #tpu.memory_space<hbm>> -> memref<1x2432xi32, #tpu.memory_space<hbm>>
    %dma_wait3A_764 = tpu.memref_squeeze %dma_wait3A_763 : memref<1x2432xi32, #tpu.memory_space<hbm>> -> memref<2432xi32, #tpu.memory_space<hbm>>
    %dma_wait3A_765 = arith.constant 0 : i32
    %dma_wait3A_766 = tpu.memref_slice %arg5[%dma_wait3A_758, %dma_wait3A_765] : memref<26x2432xi32, #tpu.memory_space<vmem>> -> memref<1x2432xi32, #tpu.memory_space<vmem>>
    %dma_wait3A_767 = tpu.memref_squeeze %dma_wait3A_766 : memref<1x2432xi32, #tpu.memory_space<vmem>> -> memref<2432xi32, #tpu.memory_space<vmem>>
    %dma_wait3A_768 = arith.constant 0 : i32
    %dma_wait3A_769 = tpu.memref_slice %arg2[%dma_wait3A_757, %dma_wait3A_768] : memref<26x2432xi32, #tpu.memory_space<hbm>> -> memref<1x2432xi32, #tpu.memory_space<hbm>>
    %dma_wait3A_770 = tpu.memref_squeeze %dma_wait3A_769 : memref<1x2432xi32, #tpu.memory_space<hbm>> -> memref<2432xi32, #tpu.memory_space<hbm>>
    tpu.wait_dma2 semaphore(%arg8 : memref<!tpu.dma_semaphore, #tpu.memory_space<semaphore_mem>>) src(%dma_wait3A_770 : memref<2432xi32, #tpu.memory_space<hbm>>) dst(%dma_wait3A_767 : memref<2432xi32, #tpu.memory_space<vmem>>)
    %broadcast_in_dim3A_771 = arith.constant 2 : i32
    %broadcast_in_dim3A_772 = vector.broadcast %broadcast_in_dim3A_771 : i32 to vector<16xi32>
    %scan3A_773 = arith.constant 0 : i32
    %scan3A_774 = arith.constant 0 : i32
    %scan3A_775 = arith.constant 32 : i32
    %scan3A_776 = arith.addi %scan3A_774, %scan3A_775 : i32
    %scan3A_777 = arith.constant 1 : i32
    %scan3A_778 = scf.for %scan3A_1585 = %scan3A_774 to %scan3A_776 step %scan3A_777 iter_args(%scan3A_1586 = %scan3A_773) -> (i32)  : i32 {
      %mul3A_1587 = arith.constant 16 : i32
      %mul3A_1588 = arith.muli %scan3A_1585, %mul3A_1587 : i32
      %get3A = arith.constant 2 : i32
      %get3A_1589 = arith.index_cast %get3A : i32 to index
      %get3A_1590 = arith.index_cast %mul3A_1588 : i32 to index
      %get3A_1591 = tpu.vector_load %arg6[%get3A_1589, %get3A_1590] {strides = array<i32>} : memref<26x512xi32, #tpu.memory_space<vmem>>, vector<16xi32>,
      %ge3A = arith.constant 2432 : i32
      %ge3A_1592 = vector.broadcast %ge3A : i32 to vector<16xi32>
      %ge3A_1593 = arith.cmpi sge, %get3A_1591, %ge3A_1592 : vector<16xi32>
      %sub3A = arith.constant 2432 : i32
      %sub3A_1594 = vector.broadcast %sub3A : i32 to vector<16xi32>
      %sub3A_1595 = arith.subi %get3A_1591, %sub3A_1594 : vector<16xi32>
      %select_n3A = arith.select %ge3A_1593, %sub3A_1595, %get3A_1591 : vector<16xi1>, vector<16xi32>
      %gather3A = tpu.vector_load_idx %arg5[%broadcast_in_dim3A_772, %select_n3A] : memref<26x2432xi32, #tpu.memory_space<vmem>>[vector<16xi32>, vector<16xi32>], vector<16xi32>,
      %and3A = arith.constant -65536 : i32
      %and3A_1596 = vector.broadcast %and3A : i32 to vector<16xi32>
      %and3A_1597 = arith.andi %gather3A, %and3A_1596 : vector<16xi32>
      %shift_left3A = arith.constant 16 : i32
      %shift_left3A_1598 = vector.broadcast %shift_left3A : i32 to vector<16xi32>
      %shift_left3A_1599 = arith.shli %gather3A, %shift_left3A_1598 : vector<16xi32>
      %select_n3A_1600 = arith.select %ge3A_1593, %and3A_1597, %shift_left3A_1599 : vector<16xi1>, vector<16xi32>
      %bitcast3A = vector.bitcast %select_n3A_1600 : vector<16xi32> to vector<16xf32>
      %mul3A_1601 = arith.constant 16 : i32
      %mul3A_1602 = arith.muli %scan3A_1585, %mul3A_1601 : i32
      %get3A_1603 = arith.index_cast %mul3A_1602 : i32 to index
      %get3A_1604 = tpu.vector_load %arg7[%get3A_1603] {strides = array<i32>} : memref<512xf32, #tpu.memory_space<vmem>>, vector<16xf32>,
      %add3A_1605 = arith.addf %get3A_1604, %bitcast3A : vector<16xf32>
      %swap3A = arith.index_cast %mul3A_1602 : i32 to index
      %swap3A_1606 = tpu.vector_load %arg7[%swap3A] {strides = array<i32>} : memref<512xf32, #tpu.memory_space<vmem>>, vector<16xf32>,
      tpu.vector_store %arg7[%swap3A], %add3A_1605 {strides = array<i32>} : memref<512xf32, #tpu.memory_space<vmem>>, vector<16xf32>,
      %scan3A_1607 = arith.constant 0 : i32
      scf.yield %scan3A_1607 : i32
    }
    %scan3A_779 = arith.constant 32 : i32
    %dma_wait3A_780 = arith.constant 3 : i32
    %dma_wait3A_781 = arith.constant 3 : i32
    %dma_wait3A_782 = arith.constant 0 : i32
    %dma_wait3A_783 = tpu.memref_slice %arg6[%dma_wait3A_781, %dma_wait3A_782] : memref<26x512xi32, #tpu.memory_space<vmem>> -> memref<1x512xi32, #tpu.memory_space<vmem>>
    %dma_wait3A_784 = tpu.memref_squeeze %dma_wait3A_783 : memref<1x512xi32, #tpu.memory_space<vmem>> -> memref<512xi32, #tpu.memory_space<vmem>>
    %dma_wait3A_785 = tpu.memref_slice %arg3[%dma_wait3A_780, %mul3A_2] : memref<26x16384xi32, #tpu.memory_space<hbm>> -> memref<1x512xi32, #tpu.memory_space<hbm>>
    %dma_wait3A_786 = tpu.memref_squeeze %dma_wait3A_785 : memref<1x512xi32, #tpu.memory_space<hbm>> -> memref<512xi32, #tpu.memory_space<hbm>>
    %dma_wait3A_787 = arith.constant 0 : i32
    %dma_wait3A_788 = tpu.memref_slice %arg6[%dma_wait3A_781, %dma_wait3A_787] : memref<26x512xi32, #tpu.memory_space<vmem>> -> memref<1x512xi32, #tpu.memory_space<vmem>>
    %dma_wait3A_789 = tpu.memref_squeeze %dma_wait3A_788 : memref<1x512xi32, #tpu.memory_space<vmem>> -> memref<512xi32, #tpu.memory_space<vmem>>
    %dma_wait3A_790 = tpu.memref_slice %arg3[%dma_wait3A_780, %mul3A_2] : memref<26x16384xi32, #tpu.memory_space<hbm>> -> memref<1x512xi32, #tpu.memory_space<hbm>>
    %dma_wait3A_791 = tpu.memref_squeeze %dma_wait3A_790 : memref<1x512xi32, #tpu.memory_space<hbm>> -> memref<512xi32, #tpu.memory_space<hbm>>
    tpu.wait_dma2 semaphore(%arg9 : memref<!tpu.dma_semaphore, #tpu.memory_space<semaphore_mem>>) src(%dma_wait3A_791 : memref<512xi32, #tpu.memory_space<hbm>>) dst(%dma_wait3A_789 : memref<512xi32, #tpu.memory_space<vmem>>)
    %dma_wait3A_792 = arith.constant 3 : i32
    %dma_wait3A_793 = arith.constant 3 : i32
    %dma_wait3A_794 = arith.constant 0 : i32
    %dma_wait3A_795 = tpu.memref_slice %arg5[%dma_wait3A_793, %dma_wait3A_794] : memref<26x2432xi32, #tpu.memory_space<vmem>> -> memref<1x2432xi32, #tpu.memory_space<vmem>>
    %dma_wait3A_796 = tpu.memref_squeeze %dma_wait3A_795 : memref<1x2432xi32, #tpu.memory_space<vmem>> -> memref<2432xi32, #tpu.memory_space<vmem>>
    %dma_wait3A_797 = arith.constant 0 : i32
    %dma_wait3A_798 = tpu.memref_slice %arg2[%dma_wait3A_792, %dma_wait3A_797] : memref<26x2432xi32, #tpu.memory_space<hbm>> -> memref<1x2432xi32, #tpu.memory_space<hbm>>
    %dma_wait3A_799 = tpu.memref_squeeze %dma_wait3A_798 : memref<1x2432xi32, #tpu.memory_space<hbm>> -> memref<2432xi32, #tpu.memory_space<hbm>>
    %dma_wait3A_800 = arith.constant 0 : i32
    %dma_wait3A_801 = tpu.memref_slice %arg5[%dma_wait3A_793, %dma_wait3A_800] : memref<26x2432xi32, #tpu.memory_space<vmem>> -> memref<1x2432xi32, #tpu.memory_space<vmem>>
    %dma_wait3A_802 = tpu.memref_squeeze %dma_wait3A_801 : memref<1x2432xi32, #tpu.memory_space<vmem>> -> memref<2432xi32, #tpu.memory_space<vmem>>
    %dma_wait3A_803 = arith.constant 0 : i32
    %dma_wait3A_804 = tpu.memref_slice %arg2[%dma_wait3A_792, %dma_wait3A_803] : memref<26x2432xi32, #tpu.memory_space<hbm>> -> memref<1x2432xi32, #tpu.memory_space<hbm>>
    %dma_wait3A_805 = tpu.memref_squeeze %dma_wait3A_804 : memref<1x2432xi32, #tpu.memory_space<hbm>> -> memref<2432xi32, #tpu.memory_space<hbm>>
    tpu.wait_dma2 semaphore(%arg8 : memref<!tpu.dma_semaphore, #tpu.memory_space<semaphore_mem>>) src(%dma_wait3A_805 : memref<2432xi32, #tpu.memory_space<hbm>>) dst(%dma_wait3A_802 : memref<2432xi32, #tpu.memory_space<vmem>>)
    %broadcast_in_dim3A_806 = arith.constant 3 : i32
    %broadcast_in_dim3A_807 = vector.broadcast %broadcast_in_dim3A_806 : i32 to vector<16xi32>
    %scan3A_808 = arith.constant 0 : i32
    %scan3A_809 = arith.constant 0 : i32
    %scan3A_810 = arith.constant 32 : i32
    %scan3A_811 = arith.addi %scan3A_809, %scan3A_810 : i32
    %scan3A_812 = arith.constant 1 : i32
    %scan3A_813 = scf.for %scan3A_1585 = %scan3A_809 to %scan3A_811 step %scan3A_812 iter_args(%scan3A_1586 = %scan3A_808) -> (i32)  : i32 {
      %mul3A_1587 = arith.constant 16 : i32
      %mul3A_1588 = arith.muli %scan3A_1585, %mul3A_1587 : i32
      %get3A = arith.constant 3 : i32
      %get3A_1589 = arith.index_cast %get3A : i32 to index
      %get3A_1590 = arith.index_cast %mul3A_1588 : i32 to index
      %get3A_1591 = tpu.vector_load %arg6[%get3A_1589, %get3A_1590] {strides = array<i32>} : memref<26x512xi32, #tpu.memory_space<vmem>>, vector<16xi32>,
      %ge3A = arith.constant 2432 : i32
      %ge3A_1592 = vector.broadcast %ge3A : i32 to vector<16xi32>
      %ge3A_1593 = arith.cmpi sge, %get3A_1591, %ge3A_1592 : vector<16xi32>
      %sub3A = arith.constant 2432 : i32
      %sub3A_1594 = vector.broadcast %sub3A : i32 to vector<16xi32>
      %sub3A_1595 = arith.subi %get3A_1591, %sub3A_1594 : vector<16xi32>
      %select_n3A = arith.select %ge3A_1593, %sub3A_1595, %get3A_1591 : vector<16xi1>, vector<16xi32>
      %gather3A = tpu.vector_load_idx %arg5[%broadcast_in_dim3A_807, %select_n3A] : memref<26x2432xi32, #tpu.memory_space<vmem>>[vector<16xi32>, vector<16xi32>], vector<16xi32>,
      %and3A = arith.constant -65536 : i32
      %and3A_1596 = vector.broadcast %and3A : i32 to vector<16xi32>
      %and3A_1597 = arith.andi %gather3A, %and3A_1596 : vector<16xi32>
      %shift_left3A = arith.constant 16 : i32
      %shift_left3A_1598 = vector.broadcast %shift_left3A : i32 to vector<16xi32>
      %shift_left3A_1599 = arith.shli %gather3A, %shift_left3A_1598 : vector<16xi32>
      %select_n3A_1600 = arith.select %ge3A_1593, %and3A_1597, %shift_left3A_1599 : vector<16xi1>, vector<16xi32>
      %bitcast3A = vector.bitcast %select_n3A_1600 : vector<16xi32> to vector<16xf32>
      %mul3A_1601 = arith.constant 16 : i32
      %mul3A_1602 = arith.muli %scan3A_1585, %mul3A_1601 : i32
      %get3A_1603 = arith.index_cast %mul3A_1602 : i32 to index
      %get3A_1604 = tpu.vector_load %arg7[%get3A_1603] {strides = array<i32>} : memref<512xf32, #tpu.memory_space<vmem>>, vector<16xf32>,
      %add3A_1605 = arith.addf %get3A_1604, %bitcast3A : vector<16xf32>
      %swap3A = arith.index_cast %mul3A_1602 : i32 to index
      %swap3A_1606 = tpu.vector_load %arg7[%swap3A] {strides = array<i32>} : memref<512xf32, #tpu.memory_space<vmem>>, vector<16xf32>,
      tpu.vector_store %arg7[%swap3A], %add3A_1605 {strides = array<i32>} : memref<512xf32, #tpu.memory_space<vmem>>, vector<16xf32>,
      %scan3A_1607 = arith.constant 0 : i32
      scf.yield %scan3A_1607 : i32
    }
    %scan3A_814 = arith.constant 32 : i32
    %dma_wait3A_815 = arith.constant 4 : i32
    %dma_wait3A_816 = arith.constant 4 : i32
    %dma_wait3A_817 = arith.constant 0 : i32
    %dma_wait3A_818 = tpu.memref_slice %arg6[%dma_wait3A_816, %dma_wait3A_817] : memref<26x512xi32, #tpu.memory_space<vmem>> -> memref<1x512xi32, #tpu.memory_space<vmem>>
    %dma_wait3A_819 = tpu.memref_squeeze %dma_wait3A_818 : memref<1x512xi32, #tpu.memory_space<vmem>> -> memref<512xi32, #tpu.memory_space<vmem>>
    %dma_wait3A_820 = tpu.memref_slice %arg3[%dma_wait3A_815, %mul3A_2] : memref<26x16384xi32, #tpu.memory_space<hbm>> -> memref<1x512xi32, #tpu.memory_space<hbm>>
    %dma_wait3A_821 = tpu.memref_squeeze %dma_wait3A_820 : memref<1x512xi32, #tpu.memory_space<hbm>> -> memref<512xi32, #tpu.memory_space<hbm>>
    %dma_wait3A_822 = arith.constant 0 : i32
    %dma_wait3A_823 = tpu.memref_slice %arg6[%dma_wait3A_816, %dma_wait3A_822] : memref<26x512xi32, #tpu.memory_space<vmem>> -> memref<1x512xi32, #tpu.memory_space<vmem>>
    %dma_wait3A_824 = tpu.memref_squeeze %dma_wait3A_823 : memref<1x512xi32, #tpu.memory_space<vmem>> -> memref<512xi32, #tpu.memory_space<vmem>>
    %dma_wait3A_825 = tpu.memref_slice %arg3[%dma_wait3A_815, %mul3A_2] : memref<26x16384xi32, #tpu.memory_space<hbm>> -> memref<1x512xi32, #tpu.memory_space<hbm>>
    %dma_wait3A_826 = tpu.memref_squeeze %dma_wait3A_825 : memref<1x512xi32, #tpu.memory_space<hbm>> -> memref<512xi32, #tpu.memory_space<hbm>>
    tpu.wait_dma2 semaphore(%arg9 : memref<!tpu.dma_semaphore, #tpu.memory_space<semaphore_mem>>) src(%dma_wait3A_826 : memref<512xi32, #tpu.memory_space<hbm>>) dst(%dma_wait3A_824 : memref<512xi32, #tpu.memory_space<vmem>>)
    %dma_wait3A_827 = arith.constant 4 : i32
    %dma_wait3A_828 = arith.constant 4 : i32
    %dma_wait3A_829 = arith.constant 0 : i32
    %dma_wait3A_830 = tpu.memref_slice %arg5[%dma_wait3A_828, %dma_wait3A_829] : memref<26x2432xi32, #tpu.memory_space<vmem>> -> memref<1x2432xi32, #tpu.memory_space<vmem>>
    %dma_wait3A_831 = tpu.memref_squeeze %dma_wait3A_830 : memref<1x2432xi32, #tpu.memory_space<vmem>> -> memref<2432xi32, #tpu.memory_space<vmem>>
    %dma_wait3A_832 = arith.constant 0 : i32
    %dma_wait3A_833 = tpu.memref_slice %arg2[%dma_wait3A_827, %dma_wait3A_832] : memref<26x2432xi32, #tpu.memory_space<hbm>> -> memref<1x2432xi32, #tpu.memory_space<hbm>>
    %dma_wait3A_834 = tpu.memref_squeeze %dma_wait3A_833 : memref<1x2432xi32, #tpu.memory_space<hbm>> -> memref<2432xi32, #tpu.memory_space<hbm>>
    %dma_wait3A_835 = arith.constant 0 : i32
    %dma_wait3A_836 = tpu.memref_slice %arg5[%dma_wait3A_828, %dma_wait3A_835] : memref<26x2432xi32, #tpu.memory_space<vmem>> -> memref<1x2432xi32, #tpu.memory_space<vmem>>
    %dma_wait3A_837 = tpu.memref_squeeze %dma_wait3A_836 : memref<1x2432xi32, #tpu.memory_space<vmem>> -> memref<2432xi32, #tpu.memory_space<vmem>>
    %dma_wait3A_838 = arith.constant 0 : i32
    %dma_wait3A_839 = tpu.memref_slice %arg2[%dma_wait3A_827, %dma_wait3A_838] : memref<26x2432xi32, #tpu.memory_space<hbm>> -> memref<1x2432xi32, #tpu.memory_space<hbm>>
    %dma_wait3A_840 = tpu.memref_squeeze %dma_wait3A_839 : memref<1x2432xi32, #tpu.memory_space<hbm>> -> memref<2432xi32, #tpu.memory_space<hbm>>
    tpu.wait_dma2 semaphore(%arg8 : memref<!tpu.dma_semaphore, #tpu.memory_space<semaphore_mem>>) src(%dma_wait3A_840 : memref<2432xi32, #tpu.memory_space<hbm>>) dst(%dma_wait3A_837 : memref<2432xi32, #tpu.memory_space<vmem>>)
    %broadcast_in_dim3A_841 = arith.constant 4 : i32
    %broadcast_in_dim3A_842 = vector.broadcast %broadcast_in_dim3A_841 : i32 to vector<16xi32>
    %scan3A_843 = arith.constant 0 : i32
    %scan3A_844 = arith.constant 0 : i32
    %scan3A_845 = arith.constant 32 : i32
    %scan3A_846 = arith.addi %scan3A_844, %scan3A_845 : i32
    %scan3A_847 = arith.constant 1 : i32
    %scan3A_848 = scf.for %scan3A_1585 = %scan3A_844 to %scan3A_846 step %scan3A_847 iter_args(%scan3A_1586 = %scan3A_843) -> (i32)  : i32 {
      %mul3A_1587 = arith.constant 16 : i32
      %mul3A_1588 = arith.muli %scan3A_1585, %mul3A_1587 : i32
      %get3A = arith.constant 4 : i32
      %get3A_1589 = arith.index_cast %get3A : i32 to index
      %get3A_1590 = arith.index_cast %mul3A_1588 : i32 to index
      %get3A_1591 = tpu.vector_load %arg6[%get3A_1589, %get3A_1590] {strides = array<i32>} : memref<26x512xi32, #tpu.memory_space<vmem>>, vector<16xi32>,
      %ge3A = arith.constant 2432 : i32
      %ge3A_1592 = vector.broadcast %ge3A : i32 to vector<16xi32>
      %ge3A_1593 = arith.cmpi sge, %get3A_1591, %ge3A_1592 : vector<16xi32>
      %sub3A = arith.constant 2432 : i32
      %sub3A_1594 = vector.broadcast %sub3A : i32 to vector<16xi32>
      %sub3A_1595 = arith.subi %get3A_1591, %sub3A_1594 : vector<16xi32>
      %select_n3A = arith.select %ge3A_1593, %sub3A_1595, %get3A_1591 : vector<16xi1>, vector<16xi32>
      %gather3A = tpu.vector_load_idx %arg5[%broadcast_in_dim3A_842, %select_n3A] : memref<26x2432xi32, #tpu.memory_space<vmem>>[vector<16xi32>, vector<16xi32>], vector<16xi32>,
      %and3A = arith.constant -65536 : i32
      %and3A_1596 = vector.broadcast %and3A : i32 to vector<16xi32>
      %and3A_1597 = arith.andi %gather3A, %and3A_1596 : vector<16xi32>
      %shift_left3A = arith.constant 16 : i32
      %shift_left3A_1598 = vector.broadcast %shift_left3A : i32 to vector<16xi32>
      %shift_left3A_1599 = arith.shli %gather3A, %shift_left3A_1598 : vector<16xi32>
      %select_n3A_1600 = arith.select %ge3A_1593, %and3A_1597, %shift_left3A_1599 : vector<16xi1>, vector<16xi32>
      %bitcast3A = vector.bitcast %select_n3A_1600 : vector<16xi32> to vector<16xf32>
      %mul3A_1601 = arith.constant 16 : i32
      %mul3A_1602 = arith.muli %scan3A_1585, %mul3A_1601 : i32
      %get3A_1603 = arith.index_cast %mul3A_1602 : i32 to index
      %get3A_1604 = tpu.vector_load %arg7[%get3A_1603] {strides = array<i32>} : memref<512xf32, #tpu.memory_space<vmem>>, vector<16xf32>,
      %add3A_1605 = arith.addf %get3A_1604, %bitcast3A : vector<16xf32>
      %swap3A = arith.index_cast %mul3A_1602 : i32 to index
      %swap3A_1606 = tpu.vector_load %arg7[%swap3A] {strides = array<i32>} : memref<512xf32, #tpu.memory_space<vmem>>, vector<16xf32>,
      tpu.vector_store %arg7[%swap3A], %add3A_1605 {strides = array<i32>} : memref<512xf32, #tpu.memory_space<vmem>>, vector<16xf32>,
      %scan3A_1607 = arith.constant 0 : i32
      scf.yield %scan3A_1607 : i32
    }
    %scan3A_849 = arith.constant 32 : i32
    %dma_wait3A_850 = arith.constant 5 : i32
    %dma_wait3A_851 = arith.constant 5 : i32
    %dma_wait3A_852 = arith.constant 0 : i32
    %dma_wait3A_853 = tpu.memref_slice %arg6[%dma_wait3A_851, %dma_wait3A_852] : memref<26x512xi32, #tpu.memory_space<vmem>> -> memref<1x512xi32, #tpu.memory_space<vmem>>
    %dma_wait3A_854 = tpu.memref_squeeze %dma_wait3A_853 : memref<1x512xi32, #tpu.memory_space<vmem>> -> memref<512xi32, #tpu.memory_space<vmem>>
    %dma_wait3A_855 = tpu.memref_slice %arg3[%dma_wait3A_850, %mul3A_2] : memref<26x16384xi32, #tpu.memory_space<hbm>> -> memref<1x512xi32, #tpu.memory_space<hbm>>
    %dma_wait3A_856 = tpu.memref_squeeze %dma_wait3A_855 : memref<1x512xi32, #tpu.memory_space<hbm>> -> memref<512xi32, #tpu.memory_space<hbm>>
    %dma_wait3A_857 = arith.constant 0 : i32
    %dma_wait3A_858 = tpu.memref_slice %arg6[%dma_wait3A_851, %dma_wait3A_857] : memref<26x512xi32, #tpu.memory_space<vmem>> -> memref<1x512xi32, #tpu.memory_space<vmem>>
    %dma_wait3A_859 = tpu.memref_squeeze %dma_wait3A_858 : memref<1x512xi32, #tpu.memory_space<vmem>> -> memref<512xi32, #tpu.memory_space<vmem>>
    %dma_wait3A_860 = tpu.memref_slice %arg3[%dma_wait3A_850, %mul3A_2] : memref<26x16384xi32, #tpu.memory_space<hbm>> -> memref<1x512xi32, #tpu.memory_space<hbm>>
    %dma_wait3A_861 = tpu.memref_squeeze %dma_wait3A_860 : memref<1x512xi32, #tpu.memory_space<hbm>> -> memref<512xi32, #tpu.memory_space<hbm>>
    tpu.wait_dma2 semaphore(%arg9 : memref<!tpu.dma_semaphore, #tpu.memory_space<semaphore_mem>>) src(%dma_wait3A_861 : memref<512xi32, #tpu.memory_space<hbm>>) dst(%dma_wait3A_859 : memref<512xi32, #tpu.memory_space<vmem>>)
    %dma_wait3A_862 = arith.constant 5 : i32
    %dma_wait3A_863 = arith.constant 5 : i32
    %dma_wait3A_864 = arith.constant 0 : i32
    %dma_wait3A_865 = tpu.memref_slice %arg5[%dma_wait3A_863, %dma_wait3A_864] : memref<26x2432xi32, #tpu.memory_space<vmem>> -> memref<1x2432xi32, #tpu.memory_space<vmem>>
    %dma_wait3A_866 = tpu.memref_squeeze %dma_wait3A_865 : memref<1x2432xi32, #tpu.memory_space<vmem>> -> memref<2432xi32, #tpu.memory_space<vmem>>
    %dma_wait3A_867 = arith.constant 0 : i32
    %dma_wait3A_868 = tpu.memref_slice %arg2[%dma_wait3A_862, %dma_wait3A_867] : memref<26x2432xi32, #tpu.memory_space<hbm>> -> memref<1x2432xi32, #tpu.memory_space<hbm>>
    %dma_wait3A_869 = tpu.memref_squeeze %dma_wait3A_868 : memref<1x2432xi32, #tpu.memory_space<hbm>> -> memref<2432xi32, #tpu.memory_space<hbm>>
    %dma_wait3A_870 = arith.constant 0 : i32
    %dma_wait3A_871 = tpu.memref_slice %arg5[%dma_wait3A_863, %dma_wait3A_870] : memref<26x2432xi32, #tpu.memory_space<vmem>> -> memref<1x2432xi32, #tpu.memory_space<vmem>>
    %dma_wait3A_872 = tpu.memref_squeeze %dma_wait3A_871 : memref<1x2432xi32, #tpu.memory_space<vmem>> -> memref<2432xi32, #tpu.memory_space<vmem>>
    %dma_wait3A_873 = arith.constant 0 : i32
    %dma_wait3A_874 = tpu.memref_slice %arg2[%dma_wait3A_862, %dma_wait3A_873] : memref<26x2432xi32, #tpu.memory_space<hbm>> -> memref<1x2432xi32, #tpu.memory_space<hbm>>
    %dma_wait3A_875 = tpu.memref_squeeze %dma_wait3A_874 : memref<1x2432xi32, #tpu.memory_space<hbm>> -> memref<2432xi32, #tpu.memory_space<hbm>>
    tpu.wait_dma2 semaphore(%arg8 : memref<!tpu.dma_semaphore, #tpu.memory_space<semaphore_mem>>) src(%dma_wait3A_875 : memref<2432xi32, #tpu.memory_space<hbm>>) dst(%dma_wait3A_872 : memref<2432xi32, #tpu.memory_space<vmem>>)
    %broadcast_in_dim3A_876 = arith.constant 5 : i32
    %broadcast_in_dim3A_877 = vector.broadcast %broadcast_in_dim3A_876 : i32 to vector<16xi32>
    %scan3A_878 = arith.constant 0 : i32
    %scan3A_879 = arith.constant 0 : i32
    %scan3A_880 = arith.constant 32 : i32
    %scan3A_881 = arith.addi %scan3A_879, %scan3A_880 : i32
    %scan3A_882 = arith.constant 1 : i32
    %scan3A_883 = scf.for %scan3A_1585 = %scan3A_879 to %scan3A_881 step %scan3A_882 iter_args(%scan3A_1586 = %scan3A_878) -> (i32)  : i32 {
      %mul3A_1587 = arith.constant 16 : i32
      %mul3A_1588 = arith.muli %scan3A_1585, %mul3A_1587 : i32
      %get3A = arith.constant 5 : i32
      %get3A_1589 = arith.index_cast %get3A : i32 to index
      %get3A_1590 = arith.index_cast %mul3A_1588 : i32 to index
      %get3A_1591 = tpu.vector_load %arg6[%get3A_1589, %get3A_1590] {strides = array<i32>} : memref<26x512xi32, #tpu.memory_space<vmem>>, vector<16xi32>,
      %ge3A = arith.constant 2432 : i32
      %ge3A_1592 = vector.broadcast %ge3A : i32 to vector<16xi32>
      %ge3A_1593 = arith.cmpi sge, %get3A_1591, %ge3A_1592 : vector<16xi32>
      %sub3A = arith.constant 2432 : i32
      %sub3A_1594 = vector.broadcast %sub3A : i32 to vector<16xi32>
      %sub3A_1595 = arith.subi %get3A_1591, %sub3A_1594 : vector<16xi32>
      %select_n3A = arith.select %ge3A_1593, %sub3A_1595, %get3A_1591 : vector<16xi1>, vector<16xi32>
      %gather3A = tpu.vector_load_idx %arg5[%broadcast_in_dim3A_877, %select_n3A] : memref<26x2432xi32, #tpu.memory_space<vmem>>[vector<16xi32>, vector<16xi32>], vector<16xi32>,
      %and3A = arith.constant -65536 : i32
      %and3A_1596 = vector.broadcast %and3A : i32 to vector<16xi32>
      %and3A_1597 = arith.andi %gather3A, %and3A_1596 : vector<16xi32>
      %shift_left3A = arith.constant 16 : i32
      %shift_left3A_1598 = vector.broadcast %shift_left3A : i32 to vector<16xi32>
      %shift_left3A_1599 = arith.shli %gather3A, %shift_left3A_1598 : vector<16xi32>
      %select_n3A_1600 = arith.select %ge3A_1593, %and3A_1597, %shift_left3A_1599 : vector<16xi1>, vector<16xi32>
      %bitcast3A = vector.bitcast %select_n3A_1600 : vector<16xi32> to vector<16xf32>
      %mul3A_1601 = arith.constant 16 : i32
      %mul3A_1602 = arith.muli %scan3A_1585, %mul3A_1601 : i32
      %get3A_1603 = arith.index_cast %mul3A_1602 : i32 to index
      %get3A_1604 = tpu.vector_load %arg7[%get3A_1603] {strides = array<i32>} : memref<512xf32, #tpu.memory_space<vmem>>, vector<16xf32>,
      %add3A_1605 = arith.addf %get3A_1604, %bitcast3A : vector<16xf32>
      %swap3A = arith.index_cast %mul3A_1602 : i32 to index
      %swap3A_1606 = tpu.vector_load %arg7[%swap3A] {strides = array<i32>} : memref<512xf32, #tpu.memory_space<vmem>>, vector<16xf32>,
      tpu.vector_store %arg7[%swap3A], %add3A_1605 {strides = array<i32>} : memref<512xf32, #tpu.memory_space<vmem>>, vector<16xf32>,
      %scan3A_1607 = arith.constant 0 : i32
      scf.yield %scan3A_1607 : i32
    }
    %scan3A_884 = arith.constant 32 : i32
    %dma_wait3A_885 = arith.constant 6 : i32
    %dma_wait3A_886 = arith.constant 6 : i32
    %dma_wait3A_887 = arith.constant 0 : i32
    %dma_wait3A_888 = tpu.memref_slice %arg6[%dma_wait3A_886, %dma_wait3A_887] : memref<26x512xi32, #tpu.memory_space<vmem>> -> memref<1x512xi32, #tpu.memory_space<vmem>>
    %dma_wait3A_889 = tpu.memref_squeeze %dma_wait3A_888 : memref<1x512xi32, #tpu.memory_space<vmem>> -> memref<512xi32, #tpu.memory_space<vmem>>
    %dma_wait3A_890 = tpu.memref_slice %arg3[%dma_wait3A_885, %mul3A_2] : memref<26x16384xi32, #tpu.memory_space<hbm>> -> memref<1x512xi32, #tpu.memory_space<hbm>>
    %dma_wait3A_891 = tpu.memref_squeeze %dma_wait3A_890 : memref<1x512xi32, #tpu.memory_space<hbm>> -> memref<512xi32, #tpu.memory_space<hbm>>
    %dma_wait3A_892 = arith.constant 0 : i32
    %dma_wait3A_893 = tpu.memref_slice %arg6[%dma_wait3A_886, %dma_wait3A_892] : memref<26x512xi32, #tpu.memory_space<vmem>> -> memref<1x512xi32, #tpu.memory_space<vmem>>
    %dma_wait3A_894 = tpu.memref_squeeze %dma_wait3A_893 : memref<1x512xi32, #tpu.memory_space<vmem>> -> memref<512xi32, #tpu.memory_space<vmem>>
    %dma_wait3A_895 = tpu.memref_slice %arg3[%dma_wait3A_885, %mul3A_2] : memref<26x16384xi32, #tpu.memory_space<hbm>> -> memref<1x512xi32, #tpu.memory_space<hbm>>
    %dma_wait3A_896 = tpu.memref_squeeze %dma_wait3A_895 : memref<1x512xi32, #tpu.memory_space<hbm>> -> memref<512xi32, #tpu.memory_space<hbm>>
    tpu.wait_dma2 semaphore(%arg9 : memref<!tpu.dma_semaphore, #tpu.memory_space<semaphore_mem>>) src(%dma_wait3A_896 : memref<512xi32, #tpu.memory_space<hbm>>) dst(%dma_wait3A_894 : memref<512xi32, #tpu.memory_space<vmem>>)
    %dma_wait3A_897 = arith.constant 6 : i32
    %dma_wait3A_898 = arith.constant 6 : i32
    %dma_wait3A_899 = arith.constant 0 : i32
    %dma_wait3A_900 = tpu.memref_slice %arg5[%dma_wait3A_898, %dma_wait3A_899] : memref<26x2432xi32, #tpu.memory_space<vmem>> -> memref<1x2432xi32, #tpu.memory_space<vmem>>
    %dma_wait3A_901 = tpu.memref_squeeze %dma_wait3A_900 : memref<1x2432xi32, #tpu.memory_space<vmem>> -> memref<2432xi32, #tpu.memory_space<vmem>>
    %dma_wait3A_902 = arith.constant 0 : i32
    %dma_wait3A_903 = tpu.memref_slice %arg2[%dma_wait3A_897, %dma_wait3A_902] : memref<26x2432xi32, #tpu.memory_space<hbm>> -> memref<1x2432xi32, #tpu.memory_space<hbm>>
    %dma_wait3A_904 = tpu.memref_squeeze %dma_wait3A_903 : memref<1x2432xi32, #tpu.memory_space<hbm>> -> memref<2432xi32, #tpu.memory_space<hbm>>
    %dma_wait3A_905 = arith.constant 0 : i32
    %dma_wait3A_906 = tpu.memref_slice %arg5[%dma_wait3A_898, %dma_wait3A_905] : memref<26x2432xi32, #tpu.memory_space<vmem>> -> memref<1x2432xi32, #tpu.memory_space<vmem>>
    %dma_wait3A_907 = tpu.memref_squeeze %dma_wait3A_906 : memref<1x2432xi32, #tpu.memory_space<vmem>> -> memref<2432xi32, #tpu.memory_space<vmem>>
    %dma_wait3A_908 = arith.constant 0 : i32
    %dma_wait3A_909 = tpu.memref_slice %arg2[%dma_wait3A_897, %dma_wait3A_908] : memref<26x2432xi32, #tpu.memory_space<hbm>> -> memref<1x2432xi32, #tpu.memory_space<hbm>>
    %dma_wait3A_910 = tpu.memref_squeeze %dma_wait3A_909 : memref<1x2432xi32, #tpu.memory_space<hbm>> -> memref<2432xi32, #tpu.memory_space<hbm>>
    tpu.wait_dma2 semaphore(%arg8 : memref<!tpu.dma_semaphore, #tpu.memory_space<semaphore_mem>>) src(%dma_wait3A_910 : memref<2432xi32, #tpu.memory_space<hbm>>) dst(%dma_wait3A_907 : memref<2432xi32, #tpu.memory_space<vmem>>)
    %broadcast_in_dim3A_911 = arith.constant 6 : i32
    %broadcast_in_dim3A_912 = vector.broadcast %broadcast_in_dim3A_911 : i32 to vector<16xi32>
    %scan3A_913 = arith.constant 0 : i32
    %scan3A_914 = arith.constant 0 : i32
    %scan3A_915 = arith.constant 32 : i32
    %scan3A_916 = arith.addi %scan3A_914, %scan3A_915 : i32
    %scan3A_917 = arith.constant 1 : i32
    %scan3A_918 = scf.for %scan3A_1585 = %scan3A_914 to %scan3A_916 step %scan3A_917 iter_args(%scan3A_1586 = %scan3A_913) -> (i32)  : i32 {
      %mul3A_1587 = arith.constant 16 : i32
      %mul3A_1588 = arith.muli %scan3A_1585, %mul3A_1587 : i32
      %get3A = arith.constant 6 : i32
      %get3A_1589 = arith.index_cast %get3A : i32 to index
      %get3A_1590 = arith.index_cast %mul3A_1588 : i32 to index
      %get3A_1591 = tpu.vector_load %arg6[%get3A_1589, %get3A_1590] {strides = array<i32>} : memref<26x512xi32, #tpu.memory_space<vmem>>, vector<16xi32>,
      %ge3A = arith.constant 2432 : i32
      %ge3A_1592 = vector.broadcast %ge3A : i32 to vector<16xi32>
      %ge3A_1593 = arith.cmpi sge, %get3A_1591, %ge3A_1592 : vector<16xi32>
      %sub3A = arith.constant 2432 : i32
      %sub3A_1594 = vector.broadcast %sub3A : i32 to vector<16xi32>
      %sub3A_1595 = arith.subi %get3A_1591, %sub3A_1594 : vector<16xi32>
      %select_n3A = arith.select %ge3A_1593, %sub3A_1595, %get3A_1591 : vector<16xi1>, vector<16xi32>
      %gather3A = tpu.vector_load_idx %arg5[%broadcast_in_dim3A_912, %select_n3A] : memref<26x2432xi32, #tpu.memory_space<vmem>>[vector<16xi32>, vector<16xi32>], vector<16xi32>,
      %and3A = arith.constant -65536 : i32
      %and3A_1596 = vector.broadcast %and3A : i32 to vector<16xi32>
      %and3A_1597 = arith.andi %gather3A, %and3A_1596 : vector<16xi32>
      %shift_left3A = arith.constant 16 : i32
      %shift_left3A_1598 = vector.broadcast %shift_left3A : i32 to vector<16xi32>
      %shift_left3A_1599 = arith.shli %gather3A, %shift_left3A_1598 : vector<16xi32>
      %select_n3A_1600 = arith.select %ge3A_1593, %and3A_1597, %shift_left3A_1599 : vector<16xi1>, vector<16xi32>
      %bitcast3A = vector.bitcast %select_n3A_1600 : vector<16xi32> to vector<16xf32>
      %mul3A_1601 = arith.constant 16 : i32
      %mul3A_1602 = arith.muli %scan3A_1585, %mul3A_1601 : i32
      %get3A_1603 = arith.index_cast %mul3A_1602 : i32 to index
      %get3A_1604 = tpu.vector_load %arg7[%get3A_1603] {strides = array<i32>} : memref<512xf32, #tpu.memory_space<vmem>>, vector<16xf32>,
      %add3A_1605 = arith.addf %get3A_1604, %bitcast3A : vector<16xf32>
      %swap3A = arith.index_cast %mul3A_1602 : i32 to index
      %swap3A_1606 = tpu.vector_load %arg7[%swap3A] {strides = array<i32>} : memref<512xf32, #tpu.memory_space<vmem>>, vector<16xf32>,
      tpu.vector_store %arg7[%swap3A], %add3A_1605 {strides = array<i32>} : memref<512xf32, #tpu.memory_space<vmem>>, vector<16xf32>,
      %scan3A_1607 = arith.constant 0 : i32
      scf.yield %scan3A_1607 : i32
    }
    %scan3A_919 = arith.constant 32 : i32
    %dma_wait3A_920 = arith.constant 7 : i32
    %dma_wait3A_921 = arith.constant 7 : i32
    %dma_wait3A_922 = arith.constant 0 : i32
    %dma_wait3A_923 = tpu.memref_slice %arg6[%dma_wait3A_921, %dma_wait3A_922] : memref<26x512xi32, #tpu.memory_space<vmem>> -> memref<1x512xi32, #tpu.memory_space<vmem>>
    %dma_wait3A_924 = tpu.memref_squeeze %dma_wait3A_923 : memref<1x512xi32, #tpu.memory_space<vmem>> -> memref<512xi32, #tpu.memory_space<vmem>>
    %dma_wait3A_925 = tpu.memref_slice %arg3[%dma_wait3A_920, %mul3A_2] : memref<26x16384xi32, #tpu.memory_space<hbm>> -> memref<1x512xi32, #tpu.memory_space<hbm>>
    %dma_wait3A_926 = tpu.memref_squeeze %dma_wait3A_925 : memref<1x512xi32, #tpu.memory_space<hbm>> -> memref<512xi32, #tpu.memory_space<hbm>>
    %dma_wait3A_927 = arith.constant 0 : i32
    %dma_wait3A_928 = tpu.memref_slice %arg6[%dma_wait3A_921, %dma_wait3A_927] : memref<26x512xi32, #tpu.memory_space<vmem>> -> memref<1x512xi32, #tpu.memory_space<vmem>>
    %dma_wait3A_929 = tpu.memref_squeeze %dma_wait3A_928 : memref<1x512xi32, #tpu.memory_space<vmem>> -> memref<512xi32, #tpu.memory_space<vmem>>
    %dma_wait3A_930 = tpu.memref_slice %arg3[%dma_wait3A_920, %mul3A_2] : memref<26x16384xi32, #tpu.memory_space<hbm>> -> memref<1x512xi32, #tpu.memory_space<hbm>>
    %dma_wait3A_931 = tpu.memref_squeeze %dma_wait3A_930 : memref<1x512xi32, #tpu.memory_space<hbm>> -> memref<512xi32, #tpu.memory_space<hbm>>
    tpu.wait_dma2 semaphore(%arg9 : memref<!tpu.dma_semaphore, #tpu.memory_space<semaphore_mem>>) src(%dma_wait3A_931 : memref<512xi32, #tpu.memory_space<hbm>>) dst(%dma_wait3A_929 : memref<512xi32, #tpu.memory_space<vmem>>)
    %dma_wait3A_932 = arith.constant 7 : i32
    %dma_wait3A_933 = arith.constant 7 : i32
    %dma_wait3A_934 = arith.constant 0 : i32
    %dma_wait3A_935 = tpu.memref_slice %arg5[%dma_wait3A_933, %dma_wait3A_934] : memref<26x2432xi32, #tpu.memory_space<vmem>> -> memref<1x2432xi32, #tpu.memory_space<vmem>>
    %dma_wait3A_936 = tpu.memref_squeeze %dma_wait3A_935 : memref<1x2432xi32, #tpu.memory_space<vmem>> -> memref<2432xi32, #tpu.memory_space<vmem>>
    %dma_wait3A_937 = arith.constant 0 : i32
    %dma_wait3A_938 = tpu.memref_slice %arg2[%dma_wait3A_932, %dma_wait3A_937] : memref<26x2432xi32, #tpu.memory_space<hbm>> -> memref<1x2432xi32, #tpu.memory_space<hbm>>
    %dma_wait3A_939 = tpu.memref_squeeze %dma_wait3A_938 : memref<1x2432xi32, #tpu.memory_space<hbm>> -> memref<2432xi32, #tpu.memory_space<hbm>>
    %dma_wait3A_940 = arith.constant 0 : i32
    %dma_wait3A_941 = tpu.memref_slice %arg5[%dma_wait3A_933, %dma_wait3A_940] : memref<26x2432xi32, #tpu.memory_space<vmem>> -> memref<1x2432xi32, #tpu.memory_space<vmem>>
    %dma_wait3A_942 = tpu.memref_squeeze %dma_wait3A_941 : memref<1x2432xi32, #tpu.memory_space<vmem>> -> memref<2432xi32, #tpu.memory_space<vmem>>
    %dma_wait3A_943 = arith.constant 0 : i32
    %dma_wait3A_944 = tpu.memref_slice %arg2[%dma_wait3A_932, %dma_wait3A_943] : memref<26x2432xi32, #tpu.memory_space<hbm>> -> memref<1x2432xi32, #tpu.memory_space<hbm>>
    %dma_wait3A_945 = tpu.memref_squeeze %dma_wait3A_944 : memref<1x2432xi32, #tpu.memory_space<hbm>> -> memref<2432xi32, #tpu.memory_space<hbm>>
    tpu.wait_dma2 semaphore(%arg8 : memref<!tpu.dma_semaphore, #tpu.memory_space<semaphore_mem>>) src(%dma_wait3A_945 : memref<2432xi32, #tpu.memory_space<hbm>>) dst(%dma_wait3A_942 : memref<2432xi32, #tpu.memory_space<vmem>>)
    %broadcast_in_dim3A_946 = arith.constant 7 : i32
    %broadcast_in_dim3A_947 = vector.broadcast %broadcast_in_dim3A_946 : i32 to vector<16xi32>
    %scan3A_948 = arith.constant 0 : i32
    %scan3A_949 = arith.constant 0 : i32
    %scan3A_950 = arith.constant 32 : i32
    %scan3A_951 = arith.addi %scan3A_949, %scan3A_950 : i32
    %scan3A_952 = arith.constant 1 : i32
    %scan3A_953 = scf.for %scan3A_1585 = %scan3A_949 to %scan3A_951 step %scan3A_952 iter_args(%scan3A_1586 = %scan3A_948) -> (i32)  : i32 {
      %mul3A_1587 = arith.constant 16 : i32
      %mul3A_1588 = arith.muli %scan3A_1585, %mul3A_1587 : i32
      %get3A = arith.constant 7 : i32
      %get3A_1589 = arith.index_cast %get3A : i32 to index
      %get3A_1590 = arith.index_cast %mul3A_1588 : i32 to index
      %get3A_1591 = tpu.vector_load %arg6[%get3A_1589, %get3A_1590] {strides = array<i32>} : memref<26x512xi32, #tpu.memory_space<vmem>>, vector<16xi32>,
      %ge3A = arith.constant 2432 : i32
      %ge3A_1592 = vector.broadcast %ge3A : i32 to vector<16xi32>
      %ge3A_1593 = arith.cmpi sge, %get3A_1591, %ge3A_1592 : vector<16xi32>
      %sub3A = arith.constant 2432 : i32
      %sub3A_1594 = vector.broadcast %sub3A : i32 to vector<16xi32>
      %sub3A_1595 = arith.subi %get3A_1591, %sub3A_1594 : vector<16xi32>
      %select_n3A = arith.select %ge3A_1593, %sub3A_1595, %get3A_1591 : vector<16xi1>, vector<16xi32>
      %gather3A = tpu.vector_load_idx %arg5[%broadcast_in_dim3A_947, %select_n3A] : memref<26x2432xi32, #tpu.memory_space<vmem>>[vector<16xi32>, vector<16xi32>], vector<16xi32>,
      %and3A = arith.constant -65536 : i32
      %and3A_1596 = vector.broadcast %and3A : i32 to vector<16xi32>
      %and3A_1597 = arith.andi %gather3A, %and3A_1596 : vector<16xi32>
      %shift_left3A = arith.constant 16 : i32
      %shift_left3A_1598 = vector.broadcast %shift_left3A : i32 to vector<16xi32>
      %shift_left3A_1599 = arith.shli %gather3A, %shift_left3A_1598 : vector<16xi32>
      %select_n3A_1600 = arith.select %ge3A_1593, %and3A_1597, %shift_left3A_1599 : vector<16xi1>, vector<16xi32>
      %bitcast3A = vector.bitcast %select_n3A_1600 : vector<16xi32> to vector<16xf32>
      %mul3A_1601 = arith.constant 16 : i32
      %mul3A_1602 = arith.muli %scan3A_1585, %mul3A_1601 : i32
      %get3A_1603 = arith.index_cast %mul3A_1602 : i32 to index
      %get3A_1604 = tpu.vector_load %arg7[%get3A_1603] {strides = array<i32>} : memref<512xf32, #tpu.memory_space<vmem>>, vector<16xf32>,
      %add3A_1605 = arith.addf %get3A_1604, %bitcast3A : vector<16xf32>
      %swap3A = arith.index_cast %mul3A_1602 : i32 to index
      %swap3A_1606 = tpu.vector_load %arg7[%swap3A] {strides = array<i32>} : memref<512xf32, #tpu.memory_space<vmem>>, vector<16xf32>,
      tpu.vector_store %arg7[%swap3A], %add3A_1605 {strides = array<i32>} : memref<512xf32, #tpu.memory_space<vmem>>, vector<16xf32>,
      %scan3A_1607 = arith.constant 0 : i32
      scf.yield %scan3A_1607 : i32
    }
    %scan3A_954 = arith.constant 32 : i32
    %dma_wait3A_955 = arith.constant 8 : i32
    %dma_wait3A_956 = arith.constant 8 : i32
    %dma_wait3A_957 = arith.constant 0 : i32
    %dma_wait3A_958 = tpu.memref_slice %arg6[%dma_wait3A_956, %dma_wait3A_957] : memref<26x512xi32, #tpu.memory_space<vmem>> -> memref<1x512xi32, #tpu.memory_space<vmem>>
    %dma_wait3A_959 = tpu.memref_squeeze %dma_wait3A_958 : memref<1x512xi32, #tpu.memory_space<vmem>> -> memref<512xi32, #tpu.memory_space<vmem>>
    %dma_wait3A_960 = tpu.memref_slice %arg3[%dma_wait3A_955, %mul3A_2] : memref<26x16384xi32, #tpu.memory_space<hbm>> -> memref<1x512xi32, #tpu.memory_space<hbm>>
    %dma_wait3A_961 = tpu.memref_squeeze %dma_wait3A_960 : memref<1x512xi32, #tpu.memory_space<hbm>> -> memref<512xi32, #tpu.memory_space<hbm>>
    %dma_wait3A_962 = arith.constant 0 : i32
    %dma_wait3A_963 = tpu.memref_slice %arg6[%dma_wait3A_956, %dma_wait3A_962] : memref<26x512xi32, #tpu.memory_space<vmem>> -> memref<1x512xi32, #tpu.memory_space<vmem>>
    %dma_wait3A_964 = tpu.memref_squeeze %dma_wait3A_963 : memref<1x512xi32, #tpu.memory_space<vmem>> -> memref<512xi32, #tpu.memory_space<vmem>>
    %dma_wait3A_965 = tpu.memref_slice %arg3[%dma_wait3A_955, %mul3A_2] : memref<26x16384xi32, #tpu.memory_space<hbm>> -> memref<1x512xi32, #tpu.memory_space<hbm>>
    %dma_wait3A_966 = tpu.memref_squeeze %dma_wait3A_965 : memref<1x512xi32, #tpu.memory_space<hbm>> -> memref<512xi32, #tpu.memory_space<hbm>>
    tpu.wait_dma2 semaphore(%arg9 : memref<!tpu.dma_semaphore, #tpu.memory_space<semaphore_mem>>) src(%dma_wait3A_966 : memref<512xi32, #tpu.memory_space<hbm>>) dst(%dma_wait3A_964 : memref<512xi32, #tpu.memory_space<vmem>>)
    %dma_wait3A_967 = arith.constant 8 : i32
    %dma_wait3A_968 = arith.constant 8 : i32
    %dma_wait3A_969 = arith.constant 0 : i32
    %dma_wait3A_970 = tpu.memref_slice %arg5[%dma_wait3A_968, %dma_wait3A_969] : memref<26x2432xi32, #tpu.memory_space<vmem>> -> memref<1x2432xi32, #tpu.memory_space<vmem>>
    %dma_wait3A_971 = tpu.memref_squeeze %dma_wait3A_970 : memref<1x2432xi32, #tpu.memory_space<vmem>> -> memref<2432xi32, #tpu.memory_space<vmem>>
    %dma_wait3A_972 = arith.constant 0 : i32
    %dma_wait3A_973 = tpu.memref_slice %arg2[%dma_wait3A_967, %dma_wait3A_972] : memref<26x2432xi32, #tpu.memory_space<hbm>> -> memref<1x2432xi32, #tpu.memory_space<hbm>>
    %dma_wait3A_974 = tpu.memref_squeeze %dma_wait3A_973 : memref<1x2432xi32, #tpu.memory_space<hbm>> -> memref<2432xi32, #tpu.memory_space<hbm>>
    %dma_wait3A_975 = arith.constant 0 : i32
    %dma_wait3A_976 = tpu.memref_slice %arg5[%dma_wait3A_968, %dma_wait3A_975] : memref<26x2432xi32, #tpu.memory_space<vmem>> -> memref<1x2432xi32, #tpu.memory_space<vmem>>
    %dma_wait3A_977 = tpu.memref_squeeze %dma_wait3A_976 : memref<1x2432xi32, #tpu.memory_space<vmem>> -> memref<2432xi32, #tpu.memory_space<vmem>>
    %dma_wait3A_978 = arith.constant 0 : i32
    %dma_wait3A_979 = tpu.memref_slice %arg2[%dma_wait3A_967, %dma_wait3A_978] : memref<26x2432xi32, #tpu.memory_space<hbm>> -> memref<1x2432xi32, #tpu.memory_space<hbm>>
    %dma_wait3A_980 = tpu.memref_squeeze %dma_wait3A_979 : memref<1x2432xi32, #tpu.memory_space<hbm>> -> memref<2432xi32, #tpu.memory_space<hbm>>
    tpu.wait_dma2 semaphore(%arg8 : memref<!tpu.dma_semaphore, #tpu.memory_space<semaphore_mem>>) src(%dma_wait3A_980 : memref<2432xi32, #tpu.memory_space<hbm>>) dst(%dma_wait3A_977 : memref<2432xi32, #tpu.memory_space<vmem>>)
    %broadcast_in_dim3A_981 = arith.constant 8 : i32
    %broadcast_in_dim3A_982 = vector.broadcast %broadcast_in_dim3A_981 : i32 to vector<16xi32>
    %scan3A_983 = arith.constant 0 : i32
    %scan3A_984 = arith.constant 0 : i32
    %scan3A_985 = arith.constant 32 : i32
    %scan3A_986 = arith.addi %scan3A_984, %scan3A_985 : i32
    %scan3A_987 = arith.constant 1 : i32
    %scan3A_988 = scf.for %scan3A_1585 = %scan3A_984 to %scan3A_986 step %scan3A_987 iter_args(%scan3A_1586 = %scan3A_983) -> (i32)  : i32 {
      %mul3A_1587 = arith.constant 16 : i32
      %mul3A_1588 = arith.muli %scan3A_1585, %mul3A_1587 : i32
      %get3A = arith.constant 8 : i32
      %get3A_1589 = arith.index_cast %get3A : i32 to index
      %get3A_1590 = arith.index_cast %mul3A_1588 : i32 to index
      %get3A_1591 = tpu.vector_load %arg6[%get3A_1589, %get3A_1590] {strides = array<i32>} : memref<26x512xi32, #tpu.memory_space<vmem>>, vector<16xi32>,
      %ge3A = arith.constant 2432 : i32
      %ge3A_1592 = vector.broadcast %ge3A : i32 to vector<16xi32>
      %ge3A_1593 = arith.cmpi sge, %get3A_1591, %ge3A_1592 : vector<16xi32>
      %sub3A = arith.constant 2432 : i32
      %sub3A_1594 = vector.broadcast %sub3A : i32 to vector<16xi32>
      %sub3A_1595 = arith.subi %get3A_1591, %sub3A_1594 : vector<16xi32>
      %select_n3A = arith.select %ge3A_1593, %sub3A_1595, %get3A_1591 : vector<16xi1>, vector<16xi32>
      %gather3A = tpu.vector_load_idx %arg5[%broadcast_in_dim3A_982, %select_n3A] : memref<26x2432xi32, #tpu.memory_space<vmem>>[vector<16xi32>, vector<16xi32>], vector<16xi32>,
      %and3A = arith.constant -65536 : i32
      %and3A_1596 = vector.broadcast %and3A : i32 to vector<16xi32>
      %and3A_1597 = arith.andi %gather3A, %and3A_1596 : vector<16xi32>
      %shift_left3A = arith.constant 16 : i32
      %shift_left3A_1598 = vector.broadcast %shift_left3A : i32 to vector<16xi32>
      %shift_left3A_1599 = arith.shli %gather3A, %shift_left3A_1598 : vector<16xi32>
      %select_n3A_1600 = arith.select %ge3A_1593, %and3A_1597, %shift_left3A_1599 : vector<16xi1>, vector<16xi32>
      %bitcast3A = vector.bitcast %select_n3A_1600 : vector<16xi32> to vector<16xf32>
      %mul3A_1601 = arith.constant 16 : i32
      %mul3A_1602 = arith.muli %scan3A_1585, %mul3A_1601 : i32
      %get3A_1603 = arith.index_cast %mul3A_1602 : i32 to index
      %get3A_1604 = tpu.vector_load %arg7[%get3A_1603] {strides = array<i32>} : memref<512xf32, #tpu.memory_space<vmem>>, vector<16xf32>,
      %add3A_1605 = arith.addf %get3A_1604, %bitcast3A : vector<16xf32>
      %swap3A = arith.index_cast %mul3A_1602 : i32 to index
      %swap3A_1606 = tpu.vector_load %arg7[%swap3A] {strides = array<i32>} : memref<512xf32, #tpu.memory_space<vmem>>, vector<16xf32>,
      tpu.vector_store %arg7[%swap3A], %add3A_1605 {strides = array<i32>} : memref<512xf32, #tpu.memory_space<vmem>>, vector<16xf32>,
      %scan3A_1607 = arith.constant 0 : i32
      scf.yield %scan3A_1607 : i32
    }
    %scan3A_989 = arith.constant 32 : i32
    %dma_wait3A_990 = arith.constant 9 : i32
    %dma_wait3A_991 = arith.constant 9 : i32
    %dma_wait3A_992 = arith.constant 0 : i32
    %dma_wait3A_993 = tpu.memref_slice %arg6[%dma_wait3A_991, %dma_wait3A_992] : memref<26x512xi32, #tpu.memory_space<vmem>> -> memref<1x512xi32, #tpu.memory_space<vmem>>
    %dma_wait3A_994 = tpu.memref_squeeze %dma_wait3A_993 : memref<1x512xi32, #tpu.memory_space<vmem>> -> memref<512xi32, #tpu.memory_space<vmem>>
    %dma_wait3A_995 = tpu.memref_slice %arg3[%dma_wait3A_990, %mul3A_2] : memref<26x16384xi32, #tpu.memory_space<hbm>> -> memref<1x512xi32, #tpu.memory_space<hbm>>
    %dma_wait3A_996 = tpu.memref_squeeze %dma_wait3A_995 : memref<1x512xi32, #tpu.memory_space<hbm>> -> memref<512xi32, #tpu.memory_space<hbm>>
    %dma_wait3A_997 = arith.constant 0 : i32
    %dma_wait3A_998 = tpu.memref_slice %arg6[%dma_wait3A_991, %dma_wait3A_997] : memref<26x512xi32, #tpu.memory_space<vmem>> -> memref<1x512xi32, #tpu.memory_space<vmem>>
    %dma_wait3A_999 = tpu.memref_squeeze %dma_wait3A_998 : memref<1x512xi32, #tpu.memory_space<vmem>> -> memref<512xi32, #tpu.memory_space<vmem>>
    %dma_wait3A_1000 = tpu.memref_slice %arg3[%dma_wait3A_990, %mul3A_2] : memref<26x16384xi32, #tpu.memory_space<hbm>> -> memref<1x512xi32, #tpu.memory_space<hbm>>
    %dma_wait3A_1001 = tpu.memref_squeeze %dma_wait3A_1000 : memref<1x512xi32, #tpu.memory_space<hbm>> -> memref<512xi32, #tpu.memory_space<hbm>>
    tpu.wait_dma2 semaphore(%arg9 : memref<!tpu.dma_semaphore, #tpu.memory_space<semaphore_mem>>) src(%dma_wait3A_1001 : memref<512xi32, #tpu.memory_space<hbm>>) dst(%dma_wait3A_999 : memref<512xi32, #tpu.memory_space<vmem>>)
    %dma_wait3A_1002 = arith.constant 9 : i32
    %dma_wait3A_1003 = arith.constant 9 : i32
    %dma_wait3A_1004 = arith.constant 0 : i32
    %dma_wait3A_1005 = tpu.memref_slice %arg5[%dma_wait3A_1003, %dma_wait3A_1004] : memref<26x2432xi32, #tpu.memory_space<vmem>> -> memref<1x2432xi32, #tpu.memory_space<vmem>>
    %dma_wait3A_1006 = tpu.memref_squeeze %dma_wait3A_1005 : memref<1x2432xi32, #tpu.memory_space<vmem>> -> memref<2432xi32, #tpu.memory_space<vmem>>
    %dma_wait3A_1007 = arith.constant 0 : i32
    %dma_wait3A_1008 = tpu.memref_slice %arg2[%dma_wait3A_1002, %dma_wait3A_1007] : memref<26x2432xi32, #tpu.memory_space<hbm>> -> memref<1x2432xi32, #tpu.memory_space<hbm>>
    %dma_wait3A_1009 = tpu.memref_squeeze %dma_wait3A_1008 : memref<1x2432xi32, #tpu.memory_space<hbm>> -> memref<2432xi32, #tpu.memory_space<hbm>>
    %dma_wait3A_1010 = arith.constant 0 : i32
    %dma_wait3A_1011 = tpu.memref_slice %arg5[%dma_wait3A_1003, %dma_wait3A_1010] : memref<26x2432xi32, #tpu.memory_space<vmem>> -> memref<1x2432xi32, #tpu.memory_space<vmem>>
    %dma_wait3A_1012 = tpu.memref_squeeze %dma_wait3A_1011 : memref<1x2432xi32, #tpu.memory_space<vmem>> -> memref<2432xi32, #tpu.memory_space<vmem>>
    %dma_wait3A_1013 = arith.constant 0 : i32
    %dma_wait3A_1014 = tpu.memref_slice %arg2[%dma_wait3A_1002, %dma_wait3A_1013] : memref<26x2432xi32, #tpu.memory_space<hbm>> -> memref<1x2432xi32, #tpu.memory_space<hbm>>
    %dma_wait3A_1015 = tpu.memref_squeeze %dma_wait3A_1014 : memref<1x2432xi32, #tpu.memory_space<hbm>> -> memref<2432xi32, #tpu.memory_space<hbm>>
    tpu.wait_dma2 semaphore(%arg8 : memref<!tpu.dma_semaphore, #tpu.memory_space<semaphore_mem>>) src(%dma_wait3A_1015 : memref<2432xi32, #tpu.memory_space<hbm>>) dst(%dma_wait3A_1012 : memref<2432xi32, #tpu.memory_space<vmem>>)
    %broadcast_in_dim3A_1016 = arith.constant 9 : i32
    %broadcast_in_dim3A_1017 = vector.broadcast %broadcast_in_dim3A_1016 : i32 to vector<16xi32>
    %scan3A_1018 = arith.constant 0 : i32
    %scan3A_1019 = arith.constant 0 : i32
    %scan3A_1020 = arith.constant 32 : i32
    %scan3A_1021 = arith.addi %scan3A_1019, %scan3A_1020 : i32
    %scan3A_1022 = arith.constant 1 : i32
    %scan3A_1023 = scf.for %scan3A_1585 = %scan3A_1019 to %scan3A_1021 step %scan3A_1022 iter_args(%scan3A_1586 = %scan3A_1018) -> (i32)  : i32 {
      %mul3A_1587 = arith.constant 16 : i32
      %mul3A_1588 = arith.muli %scan3A_1585, %mul3A_1587 : i32
      %get3A = arith.constant 9 : i32
      %get3A_1589 = arith.index_cast %get3A : i32 to index
      %get3A_1590 = arith.index_cast %mul3A_1588 : i32 to index
      %get3A_1591 = tpu.vector_load %arg6[%get3A_1589, %get3A_1590] {strides = array<i32>} : memref<26x512xi32, #tpu.memory_space<vmem>>, vector<16xi32>,
      %ge3A = arith.constant 2432 : i32
      %ge3A_1592 = vector.broadcast %ge3A : i32 to vector<16xi32>
      %ge3A_1593 = arith.cmpi sge, %get3A_1591, %ge3A_1592 : vector<16xi32>
      %sub3A = arith.constant 2432 : i32
      %sub3A_1594 = vector.broadcast %sub3A : i32 to vector<16xi32>
      %sub3A_1595 = arith.subi %get3A_1591, %sub3A_1594 : vector<16xi32>
      %select_n3A = arith.select %ge3A_1593, %sub3A_1595, %get3A_1591 : vector<16xi1>, vector<16xi32>
      %gather3A = tpu.vector_load_idx %arg5[%broadcast_in_dim3A_1017, %select_n3A] : memref<26x2432xi32, #tpu.memory_space<vmem>>[vector<16xi32>, vector<16xi32>], vector<16xi32>,
      %and3A = arith.constant -65536 : i32
      %and3A_1596 = vector.broadcast %and3A : i32 to vector<16xi32>
      %and3A_1597 = arith.andi %gather3A, %and3A_1596 : vector<16xi32>
      %shift_left3A = arith.constant 16 : i32
      %shift_left3A_1598 = vector.broadcast %shift_left3A : i32 to vector<16xi32>
      %shift_left3A_1599 = arith.shli %gather3A, %shift_left3A_1598 : vector<16xi32>
      %select_n3A_1600 = arith.select %ge3A_1593, %and3A_1597, %shift_left3A_1599 : vector<16xi1>, vector<16xi32>
      %bitcast3A = vector.bitcast %select_n3A_1600 : vector<16xi32> to vector<16xf32>
      %mul3A_1601 = arith.constant 16 : i32
      %mul3A_1602 = arith.muli %scan3A_1585, %mul3A_1601 : i32
      %get3A_1603 = arith.index_cast %mul3A_1602 : i32 to index
      %get3A_1604 = tpu.vector_load %arg7[%get3A_1603] {strides = array<i32>} : memref<512xf32, #tpu.memory_space<vmem>>, vector<16xf32>,
      %add3A_1605 = arith.addf %get3A_1604, %bitcast3A : vector<16xf32>
      %swap3A = arith.index_cast %mul3A_1602 : i32 to index
      %swap3A_1606 = tpu.vector_load %arg7[%swap3A] {strides = array<i32>} : memref<512xf32, #tpu.memory_space<vmem>>, vector<16xf32>,
      tpu.vector_store %arg7[%swap3A], %add3A_1605 {strides = array<i32>} : memref<512xf32, #tpu.memory_space<vmem>>, vector<16xf32>,
      %scan3A_1607 = arith.constant 0 : i32
      scf.yield %scan3A_1607 : i32
    }
    %scan3A_1024 = arith.constant 32 : i32
    %dma_wait3A_1025 = arith.constant 10 : i32
    %dma_wait3A_1026 = arith.constant 10 : i32
    %dma_wait3A_1027 = arith.constant 0 : i32
    %dma_wait3A_1028 = tpu.memref_slice %arg6[%dma_wait3A_1026, %dma_wait3A_1027] : memref<26x512xi32, #tpu.memory_space<vmem>> -> memref<1x512xi32, #tpu.memory_space<vmem>>
    %dma_wait3A_1029 = tpu.memref_squeeze %dma_wait3A_1028 : memref<1x512xi32, #tpu.memory_space<vmem>> -> memref<512xi32, #tpu.memory_space<vmem>>
    %dma_wait3A_1030 = tpu.memref_slice %arg3[%dma_wait3A_1025, %mul3A_2] : memref<26x16384xi32, #tpu.memory_space<hbm>> -> memref<1x512xi32, #tpu.memory_space<hbm>>
    %dma_wait3A_1031 = tpu.memref_squeeze %dma_wait3A_1030 : memref<1x512xi32, #tpu.memory_space<hbm>> -> memref<512xi32, #tpu.memory_space<hbm>>
    %dma_wait3A_1032 = arith.constant 0 : i32
    %dma_wait3A_1033 = tpu.memref_slice %arg6[%dma_wait3A_1026, %dma_wait3A_1032] : memref<26x512xi32, #tpu.memory_space<vmem>> -> memref<1x512xi32, #tpu.memory_space<vmem>>
    %dma_wait3A_1034 = tpu.memref_squeeze %dma_wait3A_1033 : memref<1x512xi32, #tpu.memory_space<vmem>> -> memref<512xi32, #tpu.memory_space<vmem>>
    %dma_wait3A_1035 = tpu.memref_slice %arg3[%dma_wait3A_1025, %mul3A_2] : memref<26x16384xi32, #tpu.memory_space<hbm>> -> memref<1x512xi32, #tpu.memory_space<hbm>>
    %dma_wait3A_1036 = tpu.memref_squeeze %dma_wait3A_1035 : memref<1x512xi32, #tpu.memory_space<hbm>> -> memref<512xi32, #tpu.memory_space<hbm>>
    tpu.wait_dma2 semaphore(%arg9 : memref<!tpu.dma_semaphore, #tpu.memory_space<semaphore_mem>>) src(%dma_wait3A_1036 : memref<512xi32, #tpu.memory_space<hbm>>) dst(%dma_wait3A_1034 : memref<512xi32, #tpu.memory_space<vmem>>)
    %dma_wait3A_1037 = arith.constant 10 : i32
    %dma_wait3A_1038 = arith.constant 10 : i32
    %dma_wait3A_1039 = arith.constant 0 : i32
    %dma_wait3A_1040 = tpu.memref_slice %arg5[%dma_wait3A_1038, %dma_wait3A_1039] : memref<26x2432xi32, #tpu.memory_space<vmem>> -> memref<1x2432xi32, #tpu.memory_space<vmem>>
    %dma_wait3A_1041 = tpu.memref_squeeze %dma_wait3A_1040 : memref<1x2432xi32, #tpu.memory_space<vmem>> -> memref<2432xi32, #tpu.memory_space<vmem>>
    %dma_wait3A_1042 = arith.constant 0 : i32
    %dma_wait3A_1043 = tpu.memref_slice %arg2[%dma_wait3A_1037, %dma_wait3A_1042] : memref<26x2432xi32, #tpu.memory_space<hbm>> -> memref<1x2432xi32, #tpu.memory_space<hbm>>
    %dma_wait3A_1044 = tpu.memref_squeeze %dma_wait3A_1043 : memref<1x2432xi32, #tpu.memory_space<hbm>> -> memref<2432xi32, #tpu.memory_space<hbm>>
    %dma_wait3A_1045 = arith.constant 0 : i32
    %dma_wait3A_1046 = tpu.memref_slice %arg5[%dma_wait3A_1038, %dma_wait3A_1045] : memref<26x2432xi32, #tpu.memory_space<vmem>> -> memref<1x2432xi32, #tpu.memory_space<vmem>>
    %dma_wait3A_1047 = tpu.memref_squeeze %dma_wait3A_1046 : memref<1x2432xi32, #tpu.memory_space<vmem>> -> memref<2432xi32, #tpu.memory_space<vmem>>
    %dma_wait3A_1048 = arith.constant 0 : i32
    %dma_wait3A_1049 = tpu.memref_slice %arg2[%dma_wait3A_1037, %dma_wait3A_1048] : memref<26x2432xi32, #tpu.memory_space<hbm>> -> memref<1x2432xi32, #tpu.memory_space<hbm>>
    %dma_wait3A_1050 = tpu.memref_squeeze %dma_wait3A_1049 : memref<1x2432xi32, #tpu.memory_space<hbm>> -> memref<2432xi32, #tpu.memory_space<hbm>>
    tpu.wait_dma2 semaphore(%arg8 : memref<!tpu.dma_semaphore, #tpu.memory_space<semaphore_mem>>) src(%dma_wait3A_1050 : memref<2432xi32, #tpu.memory_space<hbm>>) dst(%dma_wait3A_1047 : memref<2432xi32, #tpu.memory_space<vmem>>)
    %broadcast_in_dim3A_1051 = arith.constant 10 : i32
    %broadcast_in_dim3A_1052 = vector.broadcast %broadcast_in_dim3A_1051 : i32 to vector<16xi32>
    %scan3A_1053 = arith.constant 0 : i32
    %scan3A_1054 = arith.constant 0 : i32
    %scan3A_1055 = arith.constant 32 : i32
    %scan3A_1056 = arith.addi %scan3A_1054, %scan3A_1055 : i32
    %scan3A_1057 = arith.constant 1 : i32
    %scan3A_1058 = scf.for %scan3A_1585 = %scan3A_1054 to %scan3A_1056 step %scan3A_1057 iter_args(%scan3A_1586 = %scan3A_1053) -> (i32)  : i32 {
      %mul3A_1587 = arith.constant 16 : i32
      %mul3A_1588 = arith.muli %scan3A_1585, %mul3A_1587 : i32
      %get3A = arith.constant 10 : i32
      %get3A_1589 = arith.index_cast %get3A : i32 to index
      %get3A_1590 = arith.index_cast %mul3A_1588 : i32 to index
      %get3A_1591 = tpu.vector_load %arg6[%get3A_1589, %get3A_1590] {strides = array<i32>} : memref<26x512xi32, #tpu.memory_space<vmem>>, vector<16xi32>,
      %ge3A = arith.constant 2432 : i32
      %ge3A_1592 = vector.broadcast %ge3A : i32 to vector<16xi32>
      %ge3A_1593 = arith.cmpi sge, %get3A_1591, %ge3A_1592 : vector<16xi32>
      %sub3A = arith.constant 2432 : i32
      %sub3A_1594 = vector.broadcast %sub3A : i32 to vector<16xi32>
      %sub3A_1595 = arith.subi %get3A_1591, %sub3A_1594 : vector<16xi32>
      %select_n3A = arith.select %ge3A_1593, %sub3A_1595, %get3A_1591 : vector<16xi1>, vector<16xi32>
      %gather3A = tpu.vector_load_idx %arg5[%broadcast_in_dim3A_1052, %select_n3A] : memref<26x2432xi32, #tpu.memory_space<vmem>>[vector<16xi32>, vector<16xi32>], vector<16xi32>,
      %and3A = arith.constant -65536 : i32
      %and3A_1596 = vector.broadcast %and3A : i32 to vector<16xi32>
      %and3A_1597 = arith.andi %gather3A, %and3A_1596 : vector<16xi32>
      %shift_left3A = arith.constant 16 : i32
      %shift_left3A_1598 = vector.broadcast %shift_left3A : i32 to vector<16xi32>
      %shift_left3A_1599 = arith.shli %gather3A, %shift_left3A_1598 : vector<16xi32>
      %select_n3A_1600 = arith.select %ge3A_1593, %and3A_1597, %shift_left3A_1599 : vector<16xi1>, vector<16xi32>
      %bitcast3A = vector.bitcast %select_n3A_1600 : vector<16xi32> to vector<16xf32>
      %mul3A_1601 = arith.constant 16 : i32
      %mul3A_1602 = arith.muli %scan3A_1585, %mul3A_1601 : i32
      %get3A_1603 = arith.index_cast %mul3A_1602 : i32 to index
      %get3A_1604 = tpu.vector_load %arg7[%get3A_1603] {strides = array<i32>} : memref<512xf32, #tpu.memory_space<vmem>>, vector<16xf32>,
      %add3A_1605 = arith.addf %get3A_1604, %bitcast3A : vector<16xf32>
      %swap3A = arith.index_cast %mul3A_1602 : i32 to index
      %swap3A_1606 = tpu.vector_load %arg7[%swap3A] {strides = array<i32>} : memref<512xf32, #tpu.memory_space<vmem>>, vector<16xf32>,
      tpu.vector_store %arg7[%swap3A], %add3A_1605 {strides = array<i32>} : memref<512xf32, #tpu.memory_space<vmem>>, vector<16xf32>,
      %scan3A_1607 = arith.constant 0 : i32
      scf.yield %scan3A_1607 : i32
    }
    %scan3A_1059 = arith.constant 32 : i32
    %dma_wait3A_1060 = arith.constant 11 : i32
    %dma_wait3A_1061 = arith.constant 11 : i32
    %dma_wait3A_1062 = arith.constant 0 : i32
    %dma_wait3A_1063 = tpu.memref_slice %arg6[%dma_wait3A_1061, %dma_wait3A_1062] : memref<26x512xi32, #tpu.memory_space<vmem>> -> memref<1x512xi32, #tpu.memory_space<vmem>>
    %dma_wait3A_1064 = tpu.memref_squeeze %dma_wait3A_1063 : memref<1x512xi32, #tpu.memory_space<vmem>> -> memref<512xi32, #tpu.memory_space<vmem>>
    %dma_wait3A_1065 = tpu.memref_slice %arg3[%dma_wait3A_1060, %mul3A_2] : memref<26x16384xi32, #tpu.memory_space<hbm>> -> memref<1x512xi32, #tpu.memory_space<hbm>>
    %dma_wait3A_1066 = tpu.memref_squeeze %dma_wait3A_1065 : memref<1x512xi32, #tpu.memory_space<hbm>> -> memref<512xi32, #tpu.memory_space<hbm>>
    %dma_wait3A_1067 = arith.constant 0 : i32
    %dma_wait3A_1068 = tpu.memref_slice %arg6[%dma_wait3A_1061, %dma_wait3A_1067] : memref<26x512xi32, #tpu.memory_space<vmem>> -> memref<1x512xi32, #tpu.memory_space<vmem>>
    %dma_wait3A_1069 = tpu.memref_squeeze %dma_wait3A_1068 : memref<1x512xi32, #tpu.memory_space<vmem>> -> memref<512xi32, #tpu.memory_space<vmem>>
    %dma_wait3A_1070 = tpu.memref_slice %arg3[%dma_wait3A_1060, %mul3A_2] : memref<26x16384xi32, #tpu.memory_space<hbm>> -> memref<1x512xi32, #tpu.memory_space<hbm>>
    %dma_wait3A_1071 = tpu.memref_squeeze %dma_wait3A_1070 : memref<1x512xi32, #tpu.memory_space<hbm>> -> memref<512xi32, #tpu.memory_space<hbm>>
    tpu.wait_dma2 semaphore(%arg9 : memref<!tpu.dma_semaphore, #tpu.memory_space<semaphore_mem>>) src(%dma_wait3A_1071 : memref<512xi32, #tpu.memory_space<hbm>>) dst(%dma_wait3A_1069 : memref<512xi32, #tpu.memory_space<vmem>>)
    %dma_wait3A_1072 = arith.constant 11 : i32
    %dma_wait3A_1073 = arith.constant 11 : i32
    %dma_wait3A_1074 = arith.constant 0 : i32
    %dma_wait3A_1075 = tpu.memref_slice %arg5[%dma_wait3A_1073, %dma_wait3A_1074] : memref<26x2432xi32, #tpu.memory_space<vmem>> -> memref<1x2432xi32, #tpu.memory_space<vmem>>
    %dma_wait3A_1076 = tpu.memref_squeeze %dma_wait3A_1075 : memref<1x2432xi32, #tpu.memory_space<vmem>> -> memref<2432xi32, #tpu.memory_space<vmem>>
    %dma_wait3A_1077 = arith.constant 0 : i32
    %dma_wait3A_1078 = tpu.memref_slice %arg2[%dma_wait3A_1072, %dma_wait3A_1077] : memref<26x2432xi32, #tpu.memory_space<hbm>> -> memref<1x2432xi32, #tpu.memory_space<hbm>>
    %dma_wait3A_1079 = tpu.memref_squeeze %dma_wait3A_1078 : memref<1x2432xi32, #tpu.memory_space<hbm>> -> memref<2432xi32, #tpu.memory_space<hbm>>
    %dma_wait3A_1080 = arith.constant 0 : i32
    %dma_wait3A_1081 = tpu.memref_slice %arg5[%dma_wait3A_1073, %dma_wait3A_1080] : memref<26x2432xi32, #tpu.memory_space<vmem>> -> memref<1x2432xi32, #tpu.memory_space<vmem>>
    %dma_wait3A_1082 = tpu.memref_squeeze %dma_wait3A_1081 : memref<1x2432xi32, #tpu.memory_space<vmem>> -> memref<2432xi32, #tpu.memory_space<vmem>>
    %dma_wait3A_1083 = arith.constant 0 : i32
    %dma_wait3A_1084 = tpu.memref_slice %arg2[%dma_wait3A_1072, %dma_wait3A_1083] : memref<26x2432xi32, #tpu.memory_space<hbm>> -> memref<1x2432xi32, #tpu.memory_space<hbm>>
    %dma_wait3A_1085 = tpu.memref_squeeze %dma_wait3A_1084 : memref<1x2432xi32, #tpu.memory_space<hbm>> -> memref<2432xi32, #tpu.memory_space<hbm>>
    tpu.wait_dma2 semaphore(%arg8 : memref<!tpu.dma_semaphore, #tpu.memory_space<semaphore_mem>>) src(%dma_wait3A_1085 : memref<2432xi32, #tpu.memory_space<hbm>>) dst(%dma_wait3A_1082 : memref<2432xi32, #tpu.memory_space<vmem>>)
    %broadcast_in_dim3A_1086 = arith.constant 11 : i32
    %broadcast_in_dim3A_1087 = vector.broadcast %broadcast_in_dim3A_1086 : i32 to vector<16xi32>
    %scan3A_1088 = arith.constant 0 : i32
    %scan3A_1089 = arith.constant 0 : i32
    %scan3A_1090 = arith.constant 32 : i32
    %scan3A_1091 = arith.addi %scan3A_1089, %scan3A_1090 : i32
    %scan3A_1092 = arith.constant 1 : i32
    %scan3A_1093 = scf.for %scan3A_1585 = %scan3A_1089 to %scan3A_1091 step %scan3A_1092 iter_args(%scan3A_1586 = %scan3A_1088) -> (i32)  : i32 {
      %mul3A_1587 = arith.constant 16 : i32
      %mul3A_1588 = arith.muli %scan3A_1585, %mul3A_1587 : i32
      %get3A = arith.constant 11 : i32
      %get3A_1589 = arith.index_cast %get3A : i32 to index
      %get3A_1590 = arith.index_cast %mul3A_1588 : i32 to index
      %get3A_1591 = tpu.vector_load %arg6[%get3A_1589, %get3A_1590] {strides = array<i32>} : memref<26x512xi32, #tpu.memory_space<vmem>>, vector<16xi32>,
      %ge3A = arith.constant 2432 : i32
      %ge3A_1592 = vector.broadcast %ge3A : i32 to vector<16xi32>
      %ge3A_1593 = arith.cmpi sge, %get3A_1591, %ge3A_1592 : vector<16xi32>
      %sub3A = arith.constant 2432 : i32
      %sub3A_1594 = vector.broadcast %sub3A : i32 to vector<16xi32>
      %sub3A_1595 = arith.subi %get3A_1591, %sub3A_1594 : vector<16xi32>
      %select_n3A = arith.select %ge3A_1593, %sub3A_1595, %get3A_1591 : vector<16xi1>, vector<16xi32>
      %gather3A = tpu.vector_load_idx %arg5[%broadcast_in_dim3A_1087, %select_n3A] : memref<26x2432xi32, #tpu.memory_space<vmem>>[vector<16xi32>, vector<16xi32>], vector<16xi32>,
      %and3A = arith.constant -65536 : i32
      %and3A_1596 = vector.broadcast %and3A : i32 to vector<16xi32>
      %and3A_1597 = arith.andi %gather3A, %and3A_1596 : vector<16xi32>
      %shift_left3A = arith.constant 16 : i32
      %shift_left3A_1598 = vector.broadcast %shift_left3A : i32 to vector<16xi32>
      %shift_left3A_1599 = arith.shli %gather3A, %shift_left3A_1598 : vector<16xi32>
      %select_n3A_1600 = arith.select %ge3A_1593, %and3A_1597, %shift_left3A_1599 : vector<16xi1>, vector<16xi32>
      %bitcast3A = vector.bitcast %select_n3A_1600 : vector<16xi32> to vector<16xf32>
      %mul3A_1601 = arith.constant 16 : i32
      %mul3A_1602 = arith.muli %scan3A_1585, %mul3A_1601 : i32
      %get3A_1603 = arith.index_cast %mul3A_1602 : i32 to index
      %get3A_1604 = tpu.vector_load %arg7[%get3A_1603] {strides = array<i32>} : memref<512xf32, #tpu.memory_space<vmem>>, vector<16xf32>,
      %add3A_1605 = arith.addf %get3A_1604, %bitcast3A : vector<16xf32>
      %swap3A = arith.index_cast %mul3A_1602 : i32 to index
      %swap3A_1606 = tpu.vector_load %arg7[%swap3A] {strides = array<i32>} : memref<512xf32, #tpu.memory_space<vmem>>, vector<16xf32>,
      tpu.vector_store %arg7[%swap3A], %add3A_1605 {strides = array<i32>} : memref<512xf32, #tpu.memory_space<vmem>>, vector<16xf32>,
      %scan3A_1607 = arith.constant 0 : i32
      scf.yield %scan3A_1607 : i32
    }
    %scan3A_1094 = arith.constant 32 : i32
    %dma_wait3A_1095 = arith.constant 12 : i32
    %dma_wait3A_1096 = arith.constant 12 : i32
    %dma_wait3A_1097 = arith.constant 0 : i32
    %dma_wait3A_1098 = tpu.memref_slice %arg6[%dma_wait3A_1096, %dma_wait3A_1097] : memref<26x512xi32, #tpu.memory_space<vmem>> -> memref<1x512xi32, #tpu.memory_space<vmem>>
    %dma_wait3A_1099 = tpu.memref_squeeze %dma_wait3A_1098 : memref<1x512xi32, #tpu.memory_space<vmem>> -> memref<512xi32, #tpu.memory_space<vmem>>
    %dma_wait3A_1100 = tpu.memref_slice %arg3[%dma_wait3A_1095, %mul3A_2] : memref<26x16384xi32, #tpu.memory_space<hbm>> -> memref<1x512xi32, #tpu.memory_space<hbm>>
    %dma_wait3A_1101 = tpu.memref_squeeze %dma_wait3A_1100 : memref<1x512xi32, #tpu.memory_space<hbm>> -> memref<512xi32, #tpu.memory_space<hbm>>
    %dma_wait3A_1102 = arith.constant 0 : i32
    %dma_wait3A_1103 = tpu.memref_slice %arg6[%dma_wait3A_1096, %dma_wait3A_1102] : memref<26x512xi32, #tpu.memory_space<vmem>> -> memref<1x512xi32, #tpu.memory_space<vmem>>
    %dma_wait3A_1104 = tpu.memref_squeeze %dma_wait3A_1103 : memref<1x512xi32, #tpu.memory_space<vmem>> -> memref<512xi32, #tpu.memory_space<vmem>>
    %dma_wait3A_1105 = tpu.memref_slice %arg3[%dma_wait3A_1095, %mul3A_2] : memref<26x16384xi32, #tpu.memory_space<hbm>> -> memref<1x512xi32, #tpu.memory_space<hbm>>
    %dma_wait3A_1106 = tpu.memref_squeeze %dma_wait3A_1105 : memref<1x512xi32, #tpu.memory_space<hbm>> -> memref<512xi32, #tpu.memory_space<hbm>>
    tpu.wait_dma2 semaphore(%arg9 : memref<!tpu.dma_semaphore, #tpu.memory_space<semaphore_mem>>) src(%dma_wait3A_1106 : memref<512xi32, #tpu.memory_space<hbm>>) dst(%dma_wait3A_1104 : memref<512xi32, #tpu.memory_space<vmem>>)
    %dma_wait3A_1107 = arith.constant 12 : i32
    %dma_wait3A_1108 = arith.constant 12 : i32
    %dma_wait3A_1109 = arith.constant 0 : i32
    %dma_wait3A_1110 = tpu.memref_slice %arg5[%dma_wait3A_1108, %dma_wait3A_1109] : memref<26x2432xi32, #tpu.memory_space<vmem>> -> memref<1x2432xi32, #tpu.memory_space<vmem>>
    %dma_wait3A_1111 = tpu.memref_squeeze %dma_wait3A_1110 : memref<1x2432xi32, #tpu.memory_space<vmem>> -> memref<2432xi32, #tpu.memory_space<vmem>>
    %dma_wait3A_1112 = arith.constant 0 : i32
    %dma_wait3A_1113 = tpu.memref_slice %arg2[%dma_wait3A_1107, %dma_wait3A_1112] : memref<26x2432xi32, #tpu.memory_space<hbm>> -> memref<1x2432xi32, #tpu.memory_space<hbm>>
    %dma_wait3A_1114 = tpu.memref_squeeze %dma_wait3A_1113 : memref<1x2432xi32, #tpu.memory_space<hbm>> -> memref<2432xi32, #tpu.memory_space<hbm>>
    %dma_wait3A_1115 = arith.constant 0 : i32
    %dma_wait3A_1116 = tpu.memref_slice %arg5[%dma_wait3A_1108, %dma_wait3A_1115] : memref<26x2432xi32, #tpu.memory_space<vmem>> -> memref<1x2432xi32, #tpu.memory_space<vmem>>
    %dma_wait3A_1117 = tpu.memref_squeeze %dma_wait3A_1116 : memref<1x2432xi32, #tpu.memory_space<vmem>> -> memref<2432xi32, #tpu.memory_space<vmem>>
    %dma_wait3A_1118 = arith.constant 0 : i32
    %dma_wait3A_1119 = tpu.memref_slice %arg2[%dma_wait3A_1107, %dma_wait3A_1118] : memref<26x2432xi32, #tpu.memory_space<hbm>> -> memref<1x2432xi32, #tpu.memory_space<hbm>>
    %dma_wait3A_1120 = tpu.memref_squeeze %dma_wait3A_1119 : memref<1x2432xi32, #tpu.memory_space<hbm>> -> memref<2432xi32, #tpu.memory_space<hbm>>
    tpu.wait_dma2 semaphore(%arg8 : memref<!tpu.dma_semaphore, #tpu.memory_space<semaphore_mem>>) src(%dma_wait3A_1120 : memref<2432xi32, #tpu.memory_space<hbm>>) dst(%dma_wait3A_1117 : memref<2432xi32, #tpu.memory_space<vmem>>)
    %broadcast_in_dim3A_1121 = arith.constant 12 : i32
    %broadcast_in_dim3A_1122 = vector.broadcast %broadcast_in_dim3A_1121 : i32 to vector<16xi32>
    %scan3A_1123 = arith.constant 0 : i32
    %scan3A_1124 = arith.constant 0 : i32
    %scan3A_1125 = arith.constant 32 : i32
    %scan3A_1126 = arith.addi %scan3A_1124, %scan3A_1125 : i32
    %scan3A_1127 = arith.constant 1 : i32
    %scan3A_1128 = scf.for %scan3A_1585 = %scan3A_1124 to %scan3A_1126 step %scan3A_1127 iter_args(%scan3A_1586 = %scan3A_1123) -> (i32)  : i32 {
      %mul3A_1587 = arith.constant 16 : i32
      %mul3A_1588 = arith.muli %scan3A_1585, %mul3A_1587 : i32
      %get3A = arith.constant 12 : i32
      %get3A_1589 = arith.index_cast %get3A : i32 to index
      %get3A_1590 = arith.index_cast %mul3A_1588 : i32 to index
      %get3A_1591 = tpu.vector_load %arg6[%get3A_1589, %get3A_1590] {strides = array<i32>} : memref<26x512xi32, #tpu.memory_space<vmem>>, vector<16xi32>,
      %ge3A = arith.constant 2432 : i32
      %ge3A_1592 = vector.broadcast %ge3A : i32 to vector<16xi32>
      %ge3A_1593 = arith.cmpi sge, %get3A_1591, %ge3A_1592 : vector<16xi32>
      %sub3A = arith.constant 2432 : i32
      %sub3A_1594 = vector.broadcast %sub3A : i32 to vector<16xi32>
      %sub3A_1595 = arith.subi %get3A_1591, %sub3A_1594 : vector<16xi32>
      %select_n3A = arith.select %ge3A_1593, %sub3A_1595, %get3A_1591 : vector<16xi1>, vector<16xi32>
      %gather3A = tpu.vector_load_idx %arg5[%broadcast_in_dim3A_1122, %select_n3A] : memref<26x2432xi32, #tpu.memory_space<vmem>>[vector<16xi32>, vector<16xi32>], vector<16xi32>,
      %and3A = arith.constant -65536 : i32
      %and3A_1596 = vector.broadcast %and3A : i32 to vector<16xi32>
      %and3A_1597 = arith.andi %gather3A, %and3A_1596 : vector<16xi32>
      %shift_left3A = arith.constant 16 : i32
      %shift_left3A_1598 = vector.broadcast %shift_left3A : i32 to vector<16xi32>
      %shift_left3A_1599 = arith.shli %gather3A, %shift_left3A_1598 : vector<16xi32>
      %select_n3A_1600 = arith.select %ge3A_1593, %and3A_1597, %shift_left3A_1599 : vector<16xi1>, vector<16xi32>
      %bitcast3A = vector.bitcast %select_n3A_1600 : vector<16xi32> to vector<16xf32>
      %mul3A_1601 = arith.constant 16 : i32
      %mul3A_1602 = arith.muli %scan3A_1585, %mul3A_1601 : i32
      %get3A_1603 = arith.index_cast %mul3A_1602 : i32 to index
      %get3A_1604 = tpu.vector_load %arg7[%get3A_1603] {strides = array<i32>} : memref<512xf32, #tpu.memory_space<vmem>>, vector<16xf32>,
      %add3A_1605 = arith.addf %get3A_1604, %bitcast3A : vector<16xf32>
      %swap3A = arith.index_cast %mul3A_1602 : i32 to index
      %swap3A_1606 = tpu.vector_load %arg7[%swap3A] {strides = array<i32>} : memref<512xf32, #tpu.memory_space<vmem>>, vector<16xf32>,
      tpu.vector_store %arg7[%swap3A], %add3A_1605 {strides = array<i32>} : memref<512xf32, #tpu.memory_space<vmem>>, vector<16xf32>,
      %scan3A_1607 = arith.constant 0 : i32
      scf.yield %scan3A_1607 : i32
    }
    %scan3A_1129 = arith.constant 32 : i32
    %dma_wait3A_1130 = arith.constant 13 : i32
    %dma_wait3A_1131 = arith.constant 13 : i32
    %dma_wait3A_1132 = arith.constant 0 : i32
    %dma_wait3A_1133 = tpu.memref_slice %arg6[%dma_wait3A_1131, %dma_wait3A_1132] : memref<26x512xi32, #tpu.memory_space<vmem>> -> memref<1x512xi32, #tpu.memory_space<vmem>>
    %dma_wait3A_1134 = tpu.memref_squeeze %dma_wait3A_1133 : memref<1x512xi32, #tpu.memory_space<vmem>> -> memref<512xi32, #tpu.memory_space<vmem>>
    %dma_wait3A_1135 = tpu.memref_slice %arg3[%dma_wait3A_1130, %mul3A_2] : memref<26x16384xi32, #tpu.memory_space<hbm>> -> memref<1x512xi32, #tpu.memory_space<hbm>>
    %dma_wait3A_1136 = tpu.memref_squeeze %dma_wait3A_1135 : memref<1x512xi32, #tpu.memory_space<hbm>> -> memref<512xi32, #tpu.memory_space<hbm>>
    %dma_wait3A_1137 = arith.constant 0 : i32
    %dma_wait3A_1138 = tpu.memref_slice %arg6[%dma_wait3A_1131, %dma_wait3A_1137] : memref<26x512xi32, #tpu.memory_space<vmem>> -> memref<1x512xi32, #tpu.memory_space<vmem>>
    %dma_wait3A_1139 = tpu.memref_squeeze %dma_wait3A_1138 : memref<1x512xi32, #tpu.memory_space<vmem>> -> memref<512xi32, #tpu.memory_space<vmem>>
    %dma_wait3A_1140 = tpu.memref_slice %arg3[%dma_wait3A_1130, %mul3A_2] : memref<26x16384xi32, #tpu.memory_space<hbm>> -> memref<1x512xi32, #tpu.memory_space<hbm>>
    %dma_wait3A_1141 = tpu.memref_squeeze %dma_wait3A_1140 : memref<1x512xi32, #tpu.memory_space<hbm>> -> memref<512xi32, #tpu.memory_space<hbm>>
    tpu.wait_dma2 semaphore(%arg9 : memref<!tpu.dma_semaphore, #tpu.memory_space<semaphore_mem>>) src(%dma_wait3A_1141 : memref<512xi32, #tpu.memory_space<hbm>>) dst(%dma_wait3A_1139 : memref<512xi32, #tpu.memory_space<vmem>>)
    %dma_wait3A_1142 = arith.constant 13 : i32
    %dma_wait3A_1143 = arith.constant 13 : i32
    %dma_wait3A_1144 = arith.constant 0 : i32
    %dma_wait3A_1145 = tpu.memref_slice %arg5[%dma_wait3A_1143, %dma_wait3A_1144] : memref<26x2432xi32, #tpu.memory_space<vmem>> -> memref<1x2432xi32, #tpu.memory_space<vmem>>
    %dma_wait3A_1146 = tpu.memref_squeeze %dma_wait3A_1145 : memref<1x2432xi32, #tpu.memory_space<vmem>> -> memref<2432xi32, #tpu.memory_space<vmem>>
    %dma_wait3A_1147 = arith.constant 0 : i32
    %dma_wait3A_1148 = tpu.memref_slice %arg2[%dma_wait3A_1142, %dma_wait3A_1147] : memref<26x2432xi32, #tpu.memory_space<hbm>> -> memref<1x2432xi32, #tpu.memory_space<hbm>>
    %dma_wait3A_1149 = tpu.memref_squeeze %dma_wait3A_1148 : memref<1x2432xi32, #tpu.memory_space<hbm>> -> memref<2432xi32, #tpu.memory_space<hbm>>
    %dma_wait3A_1150 = arith.constant 0 : i32
    %dma_wait3A_1151 = tpu.memref_slice %arg5[%dma_wait3A_1143, %dma_wait3A_1150] : memref<26x2432xi32, #tpu.memory_space<vmem>> -> memref<1x2432xi32, #tpu.memory_space<vmem>>
    %dma_wait3A_1152 = tpu.memref_squeeze %dma_wait3A_1151 : memref<1x2432xi32, #tpu.memory_space<vmem>> -> memref<2432xi32, #tpu.memory_space<vmem>>
    %dma_wait3A_1153 = arith.constant 0 : i32
    %dma_wait3A_1154 = tpu.memref_slice %arg2[%dma_wait3A_1142, %dma_wait3A_1153] : memref<26x2432xi32, #tpu.memory_space<hbm>> -> memref<1x2432xi32, #tpu.memory_space<hbm>>
    %dma_wait3A_1155 = tpu.memref_squeeze %dma_wait3A_1154 : memref<1x2432xi32, #tpu.memory_space<hbm>> -> memref<2432xi32, #tpu.memory_space<hbm>>
    tpu.wait_dma2 semaphore(%arg8 : memref<!tpu.dma_semaphore, #tpu.memory_space<semaphore_mem>>) src(%dma_wait3A_1155 : memref<2432xi32, #tpu.memory_space<hbm>>) dst(%dma_wait3A_1152 : memref<2432xi32, #tpu.memory_space<vmem>>)
    %broadcast_in_dim3A_1156 = arith.constant 13 : i32
    %broadcast_in_dim3A_1157 = vector.broadcast %broadcast_in_dim3A_1156 : i32 to vector<16xi32>
    %scan3A_1158 = arith.constant 0 : i32
    %scan3A_1159 = arith.constant 0 : i32
    %scan3A_1160 = arith.constant 32 : i32
    %scan3A_1161 = arith.addi %scan3A_1159, %scan3A_1160 : i32
    %scan3A_1162 = arith.constant 1 : i32
    %scan3A_1163 = scf.for %scan3A_1585 = %scan3A_1159 to %scan3A_1161 step %scan3A_1162 iter_args(%scan3A_1586 = %scan3A_1158) -> (i32)  : i32 {
      %mul3A_1587 = arith.constant 16 : i32
      %mul3A_1588 = arith.muli %scan3A_1585, %mul3A_1587 : i32
      %get3A = arith.constant 13 : i32
      %get3A_1589 = arith.index_cast %get3A : i32 to index
      %get3A_1590 = arith.index_cast %mul3A_1588 : i32 to index
      %get3A_1591 = tpu.vector_load %arg6[%get3A_1589, %get3A_1590] {strides = array<i32>} : memref<26x512xi32, #tpu.memory_space<vmem>>, vector<16xi32>,
      %ge3A = arith.constant 2432 : i32
      %ge3A_1592 = vector.broadcast %ge3A : i32 to vector<16xi32>
      %ge3A_1593 = arith.cmpi sge, %get3A_1591, %ge3A_1592 : vector<16xi32>
      %sub3A = arith.constant 2432 : i32
      %sub3A_1594 = vector.broadcast %sub3A : i32 to vector<16xi32>
      %sub3A_1595 = arith.subi %get3A_1591, %sub3A_1594 : vector<16xi32>
      %select_n3A = arith.select %ge3A_1593, %sub3A_1595, %get3A_1591 : vector<16xi1>, vector<16xi32>
      %gather3A = tpu.vector_load_idx %arg5[%broadcast_in_dim3A_1157, %select_n3A] : memref<26x2432xi32, #tpu.memory_space<vmem>>[vector<16xi32>, vector<16xi32>], vector<16xi32>,
      %and3A = arith.constant -65536 : i32
      %and3A_1596 = vector.broadcast %and3A : i32 to vector<16xi32>
      %and3A_1597 = arith.andi %gather3A, %and3A_1596 : vector<16xi32>
      %shift_left3A = arith.constant 16 : i32
      %shift_left3A_1598 = vector.broadcast %shift_left3A : i32 to vector<16xi32>
      %shift_left3A_1599 = arith.shli %gather3A, %shift_left3A_1598 : vector<16xi32>
      %select_n3A_1600 = arith.select %ge3A_1593, %and3A_1597, %shift_left3A_1599 : vector<16xi1>, vector<16xi32>
      %bitcast3A = vector.bitcast %select_n3A_1600 : vector<16xi32> to vector<16xf32>
      %mul3A_1601 = arith.constant 16 : i32
      %mul3A_1602 = arith.muli %scan3A_1585, %mul3A_1601 : i32
      %get3A_1603 = arith.index_cast %mul3A_1602 : i32 to index
      %get3A_1604 = tpu.vector_load %arg7[%get3A_1603] {strides = array<i32>} : memref<512xf32, #tpu.memory_space<vmem>>, vector<16xf32>,
      %add3A_1605 = arith.addf %get3A_1604, %bitcast3A : vector<16xf32>
      %swap3A = arith.index_cast %mul3A_1602 : i32 to index
      %swap3A_1606 = tpu.vector_load %arg7[%swap3A] {strides = array<i32>} : memref<512xf32, #tpu.memory_space<vmem>>, vector<16xf32>,
      tpu.vector_store %arg7[%swap3A], %add3A_1605 {strides = array<i32>} : memref<512xf32, #tpu.memory_space<vmem>>, vector<16xf32>,
      %scan3A_1607 = arith.constant 0 : i32
      scf.yield %scan3A_1607 : i32
    }
    %scan3A_1164 = arith.constant 32 : i32
    %dma_wait3A_1165 = arith.constant 14 : i32
    %dma_wait3A_1166 = arith.constant 14 : i32
    %dma_wait3A_1167 = arith.constant 0 : i32
    %dma_wait3A_1168 = tpu.memref_slice %arg6[%dma_wait3A_1166, %dma_wait3A_1167] : memref<26x512xi32, #tpu.memory_space<vmem>> -> memref<1x512xi32, #tpu.memory_space<vmem>>
    %dma_wait3A_1169 = tpu.memref_squeeze %dma_wait3A_1168 : memref<1x512xi32, #tpu.memory_space<vmem>> -> memref<512xi32, #tpu.memory_space<vmem>>
    %dma_wait3A_1170 = tpu.memref_slice %arg3[%dma_wait3A_1165, %mul3A_2] : memref<26x16384xi32, #tpu.memory_space<hbm>> -> memref<1x512xi32, #tpu.memory_space<hbm>>
    %dma_wait3A_1171 = tpu.memref_squeeze %dma_wait3A_1170 : memref<1x512xi32, #tpu.memory_space<hbm>> -> memref<512xi32, #tpu.memory_space<hbm>>
    %dma_wait3A_1172 = arith.constant 0 : i32
    %dma_wait3A_1173 = tpu.memref_slice %arg6[%dma_wait3A_1166, %dma_wait3A_1172] : memref<26x512xi32, #tpu.memory_space<vmem>> -> memref<1x512xi32, #tpu.memory_space<vmem>>
    %dma_wait3A_1174 = tpu.memref_squeeze %dma_wait3A_1173 : memref<1x512xi32, #tpu.memory_space<vmem>> -> memref<512xi32, #tpu.memory_space<vmem>>
    %dma_wait3A_1175 = tpu.memref_slice %arg3[%dma_wait3A_1165, %mul3A_2] : memref<26x16384xi32, #tpu.memory_space<hbm>> -> memref<1x512xi32, #tpu.memory_space<hbm>>
    %dma_wait3A_1176 = tpu.memref_squeeze %dma_wait3A_1175 : memref<1x512xi32, #tpu.memory_space<hbm>> -> memref<512xi32, #tpu.memory_space<hbm>>
    tpu.wait_dma2 semaphore(%arg9 : memref<!tpu.dma_semaphore, #tpu.memory_space<semaphore_mem>>) src(%dma_wait3A_1176 : memref<512xi32, #tpu.memory_space<hbm>>) dst(%dma_wait3A_1174 : memref<512xi32, #tpu.memory_space<vmem>>)
    %dma_wait3A_1177 = arith.constant 14 : i32
    %dma_wait3A_1178 = arith.constant 14 : i32
    %dma_wait3A_1179 = arith.constant 0 : i32
    %dma_wait3A_1180 = tpu.memref_slice %arg5[%dma_wait3A_1178, %dma_wait3A_1179] : memref<26x2432xi32, #tpu.memory_space<vmem>> -> memref<1x2432xi32, #tpu.memory_space<vmem>>
    %dma_wait3A_1181 = tpu.memref_squeeze %dma_wait3A_1180 : memref<1x2432xi32, #tpu.memory_space<vmem>> -> memref<2432xi32, #tpu.memory_space<vmem>>
    %dma_wait3A_1182 = arith.constant 0 : i32
    %dma_wait3A_1183 = tpu.memref_slice %arg2[%dma_wait3A_1177, %dma_wait3A_1182] : memref<26x2432xi32, #tpu.memory_space<hbm>> -> memref<1x2432xi32, #tpu.memory_space<hbm>>
    %dma_wait3A_1184 = tpu.memref_squeeze %dma_wait3A_1183 : memref<1x2432xi32, #tpu.memory_space<hbm>> -> memref<2432xi32, #tpu.memory_space<hbm>>
    %dma_wait3A_1185 = arith.constant 0 : i32
    %dma_wait3A_1186 = tpu.memref_slice %arg5[%dma_wait3A_1178, %dma_wait3A_1185] : memref<26x2432xi32, #tpu.memory_space<vmem>> -> memref<1x2432xi32, #tpu.memory_space<vmem>>
    %dma_wait3A_1187 = tpu.memref_squeeze %dma_wait3A_1186 : memref<1x2432xi32, #tpu.memory_space<vmem>> -> memref<2432xi32, #tpu.memory_space<vmem>>
    %dma_wait3A_1188 = arith.constant 0 : i32
    %dma_wait3A_1189 = tpu.memref_slice %arg2[%dma_wait3A_1177, %dma_wait3A_1188] : memref<26x2432xi32, #tpu.memory_space<hbm>> -> memref<1x2432xi32, #tpu.memory_space<hbm>>
    %dma_wait3A_1190 = tpu.memref_squeeze %dma_wait3A_1189 : memref<1x2432xi32, #tpu.memory_space<hbm>> -> memref<2432xi32, #tpu.memory_space<hbm>>
    tpu.wait_dma2 semaphore(%arg8 : memref<!tpu.dma_semaphore, #tpu.memory_space<semaphore_mem>>) src(%dma_wait3A_1190 : memref<2432xi32, #tpu.memory_space<hbm>>) dst(%dma_wait3A_1187 : memref<2432xi32, #tpu.memory_space<vmem>>)
    %broadcast_in_dim3A_1191 = arith.constant 14 : i32
    %broadcast_in_dim3A_1192 = vector.broadcast %broadcast_in_dim3A_1191 : i32 to vector<16xi32>
    %scan3A_1193 = arith.constant 0 : i32
    %scan3A_1194 = arith.constant 0 : i32
    %scan3A_1195 = arith.constant 32 : i32
    %scan3A_1196 = arith.addi %scan3A_1194, %scan3A_1195 : i32
    %scan3A_1197 = arith.constant 1 : i32
    %scan3A_1198 = scf.for %scan3A_1585 = %scan3A_1194 to %scan3A_1196 step %scan3A_1197 iter_args(%scan3A_1586 = %scan3A_1193) -> (i32)  : i32 {
      %mul3A_1587 = arith.constant 16 : i32
      %mul3A_1588 = arith.muli %scan3A_1585, %mul3A_1587 : i32
      %get3A = arith.constant 14 : i32
      %get3A_1589 = arith.index_cast %get3A : i32 to index
      %get3A_1590 = arith.index_cast %mul3A_1588 : i32 to index
      %get3A_1591 = tpu.vector_load %arg6[%get3A_1589, %get3A_1590] {strides = array<i32>} : memref<26x512xi32, #tpu.memory_space<vmem>>, vector<16xi32>,
      %ge3A = arith.constant 2432 : i32
      %ge3A_1592 = vector.broadcast %ge3A : i32 to vector<16xi32>
      %ge3A_1593 = arith.cmpi sge, %get3A_1591, %ge3A_1592 : vector<16xi32>
      %sub3A = arith.constant 2432 : i32
      %sub3A_1594 = vector.broadcast %sub3A : i32 to vector<16xi32>
      %sub3A_1595 = arith.subi %get3A_1591, %sub3A_1594 : vector<16xi32>
      %select_n3A = arith.select %ge3A_1593, %sub3A_1595, %get3A_1591 : vector<16xi1>, vector<16xi32>
      %gather3A = tpu.vector_load_idx %arg5[%broadcast_in_dim3A_1192, %select_n3A] : memref<26x2432xi32, #tpu.memory_space<vmem>>[vector<16xi32>, vector<16xi32>], vector<16xi32>,
      %and3A = arith.constant -65536 : i32
      %and3A_1596 = vector.broadcast %and3A : i32 to vector<16xi32>
      %and3A_1597 = arith.andi %gather3A, %and3A_1596 : vector<16xi32>
      %shift_left3A = arith.constant 16 : i32
      %shift_left3A_1598 = vector.broadcast %shift_left3A : i32 to vector<16xi32>
      %shift_left3A_1599 = arith.shli %gather3A, %shift_left3A_1598 : vector<16xi32>
      %select_n3A_1600 = arith.select %ge3A_1593, %and3A_1597, %shift_left3A_1599 : vector<16xi1>, vector<16xi32>
      %bitcast3A = vector.bitcast %select_n3A_1600 : vector<16xi32> to vector<16xf32>
      %mul3A_1601 = arith.constant 16 : i32
      %mul3A_1602 = arith.muli %scan3A_1585, %mul3A_1601 : i32
      %get3A_1603 = arith.index_cast %mul3A_1602 : i32 to index
      %get3A_1604 = tpu.vector_load %arg7[%get3A_1603] {strides = array<i32>} : memref<512xf32, #tpu.memory_space<vmem>>, vector<16xf32>,
      %add3A_1605 = arith.addf %get3A_1604, %bitcast3A : vector<16xf32>
      %swap3A = arith.index_cast %mul3A_1602 : i32 to index
      %swap3A_1606 = tpu.vector_load %arg7[%swap3A] {strides = array<i32>} : memref<512xf32, #tpu.memory_space<vmem>>, vector<16xf32>,
      tpu.vector_store %arg7[%swap3A], %add3A_1605 {strides = array<i32>} : memref<512xf32, #tpu.memory_space<vmem>>, vector<16xf32>,
      %scan3A_1607 = arith.constant 0 : i32
      scf.yield %scan3A_1607 : i32
    }
    %scan3A_1199 = arith.constant 32 : i32
    %dma_wait3A_1200 = arith.constant 15 : i32
    %dma_wait3A_1201 = arith.constant 15 : i32
    %dma_wait3A_1202 = arith.constant 0 : i32
    %dma_wait3A_1203 = tpu.memref_slice %arg6[%dma_wait3A_1201, %dma_wait3A_1202] : memref<26x512xi32, #tpu.memory_space<vmem>> -> memref<1x512xi32, #tpu.memory_space<vmem>>
    %dma_wait3A_1204 = tpu.memref_squeeze %dma_wait3A_1203 : memref<1x512xi32, #tpu.memory_space<vmem>> -> memref<512xi32, #tpu.memory_space<vmem>>
    %dma_wait3A_1205 = tpu.memref_slice %arg3[%dma_wait3A_1200, %mul3A_2] : memref<26x16384xi32, #tpu.memory_space<hbm>> -> memref<1x512xi32, #tpu.memory_space<hbm>>
    %dma_wait3A_1206 = tpu.memref_squeeze %dma_wait3A_1205 : memref<1x512xi32, #tpu.memory_space<hbm>> -> memref<512xi32, #tpu.memory_space<hbm>>
    %dma_wait3A_1207 = arith.constant 0 : i32
    %dma_wait3A_1208 = tpu.memref_slice %arg6[%dma_wait3A_1201, %dma_wait3A_1207] : memref<26x512xi32, #tpu.memory_space<vmem>> -> memref<1x512xi32, #tpu.memory_space<vmem>>
    %dma_wait3A_1209 = tpu.memref_squeeze %dma_wait3A_1208 : memref<1x512xi32, #tpu.memory_space<vmem>> -> memref<512xi32, #tpu.memory_space<vmem>>
    %dma_wait3A_1210 = tpu.memref_slice %arg3[%dma_wait3A_1200, %mul3A_2] : memref<26x16384xi32, #tpu.memory_space<hbm>> -> memref<1x512xi32, #tpu.memory_space<hbm>>
    %dma_wait3A_1211 = tpu.memref_squeeze %dma_wait3A_1210 : memref<1x512xi32, #tpu.memory_space<hbm>> -> memref<512xi32, #tpu.memory_space<hbm>>
    tpu.wait_dma2 semaphore(%arg9 : memref<!tpu.dma_semaphore, #tpu.memory_space<semaphore_mem>>) src(%dma_wait3A_1211 : memref<512xi32, #tpu.memory_space<hbm>>) dst(%dma_wait3A_1209 : memref<512xi32, #tpu.memory_space<vmem>>)
    %dma_wait3A_1212 = arith.constant 15 : i32
    %dma_wait3A_1213 = arith.constant 15 : i32
    %dma_wait3A_1214 = arith.constant 0 : i32
    %dma_wait3A_1215 = tpu.memref_slice %arg5[%dma_wait3A_1213, %dma_wait3A_1214] : memref<26x2432xi32, #tpu.memory_space<vmem>> -> memref<1x2432xi32, #tpu.memory_space<vmem>>
    %dma_wait3A_1216 = tpu.memref_squeeze %dma_wait3A_1215 : memref<1x2432xi32, #tpu.memory_space<vmem>> -> memref<2432xi32, #tpu.memory_space<vmem>>
    %dma_wait3A_1217 = arith.constant 0 : i32
    %dma_wait3A_1218 = tpu.memref_slice %arg2[%dma_wait3A_1212, %dma_wait3A_1217] : memref<26x2432xi32, #tpu.memory_space<hbm>> -> memref<1x2432xi32, #tpu.memory_space<hbm>>
    %dma_wait3A_1219 = tpu.memref_squeeze %dma_wait3A_1218 : memref<1x2432xi32, #tpu.memory_space<hbm>> -> memref<2432xi32, #tpu.memory_space<hbm>>
    %dma_wait3A_1220 = arith.constant 0 : i32
    %dma_wait3A_1221 = tpu.memref_slice %arg5[%dma_wait3A_1213, %dma_wait3A_1220] : memref<26x2432xi32, #tpu.memory_space<vmem>> -> memref<1x2432xi32, #tpu.memory_space<vmem>>
    %dma_wait3A_1222 = tpu.memref_squeeze %dma_wait3A_1221 : memref<1x2432xi32, #tpu.memory_space<vmem>> -> memref<2432xi32, #tpu.memory_space<vmem>>
    %dma_wait3A_1223 = arith.constant 0 : i32
    %dma_wait3A_1224 = tpu.memref_slice %arg2[%dma_wait3A_1212, %dma_wait3A_1223] : memref<26x2432xi32, #tpu.memory_space<hbm>> -> memref<1x2432xi32, #tpu.memory_space<hbm>>
    %dma_wait3A_1225 = tpu.memref_squeeze %dma_wait3A_1224 : memref<1x2432xi32, #tpu.memory_space<hbm>> -> memref<2432xi32, #tpu.memory_space<hbm>>
    tpu.wait_dma2 semaphore(%arg8 : memref<!tpu.dma_semaphore, #tpu.memory_space<semaphore_mem>>) src(%dma_wait3A_1225 : memref<2432xi32, #tpu.memory_space<hbm>>) dst(%dma_wait3A_1222 : memref<2432xi32, #tpu.memory_space<vmem>>)
    %broadcast_in_dim3A_1226 = arith.constant 15 : i32
    %broadcast_in_dim3A_1227 = vector.broadcast %broadcast_in_dim3A_1226 : i32 to vector<16xi32>
    %scan3A_1228 = arith.constant 0 : i32
    %scan3A_1229 = arith.constant 0 : i32
    %scan3A_1230 = arith.constant 32 : i32
    %scan3A_1231 = arith.addi %scan3A_1229, %scan3A_1230 : i32
    %scan3A_1232 = arith.constant 1 : i32
    %scan3A_1233 = scf.for %scan3A_1585 = %scan3A_1229 to %scan3A_1231 step %scan3A_1232 iter_args(%scan3A_1586 = %scan3A_1228) -> (i32)  : i32 {
      %mul3A_1587 = arith.constant 16 : i32
      %mul3A_1588 = arith.muli %scan3A_1585, %mul3A_1587 : i32
      %get3A = arith.constant 15 : i32
      %get3A_1589 = arith.index_cast %get3A : i32 to index
      %get3A_1590 = arith.index_cast %mul3A_1588 : i32 to index
      %get3A_1591 = tpu.vector_load %arg6[%get3A_1589, %get3A_1590] {strides = array<i32>} : memref<26x512xi32, #tpu.memory_space<vmem>>, vector<16xi32>,
      %ge3A = arith.constant 2432 : i32
      %ge3A_1592 = vector.broadcast %ge3A : i32 to vector<16xi32>
      %ge3A_1593 = arith.cmpi sge, %get3A_1591, %ge3A_1592 : vector<16xi32>
      %sub3A = arith.constant 2432 : i32
      %sub3A_1594 = vector.broadcast %sub3A : i32 to vector<16xi32>
      %sub3A_1595 = arith.subi %get3A_1591, %sub3A_1594 : vector<16xi32>
      %select_n3A = arith.select %ge3A_1593, %sub3A_1595, %get3A_1591 : vector<16xi1>, vector<16xi32>
      %gather3A = tpu.vector_load_idx %arg5[%broadcast_in_dim3A_1227, %select_n3A] : memref<26x2432xi32, #tpu.memory_space<vmem>>[vector<16xi32>, vector<16xi32>], vector<16xi32>,
      %and3A = arith.constant -65536 : i32
      %and3A_1596 = vector.broadcast %and3A : i32 to vector<16xi32>
      %and3A_1597 = arith.andi %gather3A, %and3A_1596 : vector<16xi32>
      %shift_left3A = arith.constant 16 : i32
      %shift_left3A_1598 = vector.broadcast %shift_left3A : i32 to vector<16xi32>
      %shift_left3A_1599 = arith.shli %gather3A, %shift_left3A_1598 : vector<16xi32>
      %select_n3A_1600 = arith.select %ge3A_1593, %and3A_1597, %shift_left3A_1599 : vector<16xi1>, vector<16xi32>
      %bitcast3A = vector.bitcast %select_n3A_1600 : vector<16xi32> to vector<16xf32>
      %mul3A_1601 = arith.constant 16 : i32
      %mul3A_1602 = arith.muli %scan3A_1585, %mul3A_1601 : i32
      %get3A_1603 = arith.index_cast %mul3A_1602 : i32 to index
      %get3A_1604 = tpu.vector_load %arg7[%get3A_1603] {strides = array<i32>} : memref<512xf32, #tpu.memory_space<vmem>>, vector<16xf32>,
      %add3A_1605 = arith.addf %get3A_1604, %bitcast3A : vector<16xf32>
      %swap3A = arith.index_cast %mul3A_1602 : i32 to index
      %swap3A_1606 = tpu.vector_load %arg7[%swap3A] {strides = array<i32>} : memref<512xf32, #tpu.memory_space<vmem>>, vector<16xf32>,
      tpu.vector_store %arg7[%swap3A], %add3A_1605 {strides = array<i32>} : memref<512xf32, #tpu.memory_space<vmem>>, vector<16xf32>,
      %scan3A_1607 = arith.constant 0 : i32
      scf.yield %scan3A_1607 : i32
    }
    %scan3A_1234 = arith.constant 32 : i32
    %dma_wait3A_1235 = arith.constant 16 : i32
    %dma_wait3A_1236 = arith.constant 16 : i32
    %dma_wait3A_1237 = arith.constant 0 : i32
    %dma_wait3A_1238 = tpu.memref_slice %arg6[%dma_wait3A_1236, %dma_wait3A_1237] : memref<26x512xi32, #tpu.memory_space<vmem>> -> memref<1x512xi32, #tpu.memory_space<vmem>>
    %dma_wait3A_1239 = tpu.memref_squeeze %dma_wait3A_1238 : memref<1x512xi32, #tpu.memory_space<vmem>> -> memref<512xi32, #tpu.memory_space<vmem>>
    %dma_wait3A_1240 = tpu.memref_slice %arg3[%dma_wait3A_1235, %mul3A_2] : memref<26x16384xi32, #tpu.memory_space<hbm>> -> memref<1x512xi32, #tpu.memory_space<hbm>>
    %dma_wait3A_1241 = tpu.memref_squeeze %dma_wait3A_1240 : memref<1x512xi32, #tpu.memory_space<hbm>> -> memref<512xi32, #tpu.memory_space<hbm>>
    %dma_wait3A_1242 = arith.constant 0 : i32
    %dma_wait3A_1243 = tpu.memref_slice %arg6[%dma_wait3A_1236, %dma_wait3A_1242] : memref<26x512xi32, #tpu.memory_space<vmem>> -> memref<1x512xi32, #tpu.memory_space<vmem>>
    %dma_wait3A_1244 = tpu.memref_squeeze %dma_wait3A_1243 : memref<1x512xi32, #tpu.memory_space<vmem>> -> memref<512xi32, #tpu.memory_space<vmem>>
    %dma_wait3A_1245 = tpu.memref_slice %arg3[%dma_wait3A_1235, %mul3A_2] : memref<26x16384xi32, #tpu.memory_space<hbm>> -> memref<1x512xi32, #tpu.memory_space<hbm>>
    %dma_wait3A_1246 = tpu.memref_squeeze %dma_wait3A_1245 : memref<1x512xi32, #tpu.memory_space<hbm>> -> memref<512xi32, #tpu.memory_space<hbm>>
    tpu.wait_dma2 semaphore(%arg9 : memref<!tpu.dma_semaphore, #tpu.memory_space<semaphore_mem>>) src(%dma_wait3A_1246 : memref<512xi32, #tpu.memory_space<hbm>>) dst(%dma_wait3A_1244 : memref<512xi32, #tpu.memory_space<vmem>>)
    %dma_wait3A_1247 = arith.constant 16 : i32
    %dma_wait3A_1248 = arith.constant 16 : i32
    %dma_wait3A_1249 = arith.constant 0 : i32
    %dma_wait3A_1250 = tpu.memref_slice %arg5[%dma_wait3A_1248, %dma_wait3A_1249] : memref<26x2432xi32, #tpu.memory_space<vmem>> -> memref<1x2432xi32, #tpu.memory_space<vmem>>
    %dma_wait3A_1251 = tpu.memref_squeeze %dma_wait3A_1250 : memref<1x2432xi32, #tpu.memory_space<vmem>> -> memref<2432xi32, #tpu.memory_space<vmem>>
    %dma_wait3A_1252 = arith.constant 0 : i32
    %dma_wait3A_1253 = tpu.memref_slice %arg2[%dma_wait3A_1247, %dma_wait3A_1252] : memref<26x2432xi32, #tpu.memory_space<hbm>> -> memref<1x2432xi32, #tpu.memory_space<hbm>>
    %dma_wait3A_1254 = tpu.memref_squeeze %dma_wait3A_1253 : memref<1x2432xi32, #tpu.memory_space<hbm>> -> memref<2432xi32, #tpu.memory_space<hbm>>
    %dma_wait3A_1255 = arith.constant 0 : i32
    %dma_wait3A_1256 = tpu.memref_slice %arg5[%dma_wait3A_1248, %dma_wait3A_1255] : memref<26x2432xi32, #tpu.memory_space<vmem>> -> memref<1x2432xi32, #tpu.memory_space<vmem>>
    %dma_wait3A_1257 = tpu.memref_squeeze %dma_wait3A_1256 : memref<1x2432xi32, #tpu.memory_space<vmem>> -> memref<2432xi32, #tpu.memory_space<vmem>>
    %dma_wait3A_1258 = arith.constant 0 : i32
    %dma_wait3A_1259 = tpu.memref_slice %arg2[%dma_wait3A_1247, %dma_wait3A_1258] : memref<26x2432xi32, #tpu.memory_space<hbm>> -> memref<1x2432xi32, #tpu.memory_space<hbm>>
    %dma_wait3A_1260 = tpu.memref_squeeze %dma_wait3A_1259 : memref<1x2432xi32, #tpu.memory_space<hbm>> -> memref<2432xi32, #tpu.memory_space<hbm>>
    tpu.wait_dma2 semaphore(%arg8 : memref<!tpu.dma_semaphore, #tpu.memory_space<semaphore_mem>>) src(%dma_wait3A_1260 : memref<2432xi32, #tpu.memory_space<hbm>>) dst(%dma_wait3A_1257 : memref<2432xi32, #tpu.memory_space<vmem>>)
    %broadcast_in_dim3A_1261 = arith.constant 16 : i32
    %broadcast_in_dim3A_1262 = vector.broadcast %broadcast_in_dim3A_1261 : i32 to vector<16xi32>
    %scan3A_1263 = arith.constant 0 : i32
    %scan3A_1264 = arith.constant 0 : i32
    %scan3A_1265 = arith.constant 32 : i32
    %scan3A_1266 = arith.addi %scan3A_1264, %scan3A_1265 : i32
    %scan3A_1267 = arith.constant 1 : i32
    %scan3A_1268 = scf.for %scan3A_1585 = %scan3A_1264 to %scan3A_1266 step %scan3A_1267 iter_args(%scan3A_1586 = %scan3A_1263) -> (i32)  : i32 {
      %mul3A_1587 = arith.constant 16 : i32
      %mul3A_1588 = arith.muli %scan3A_1585, %mul3A_1587 : i32
      %get3A = arith.constant 16 : i32
      %get3A_1589 = arith.index_cast %get3A : i32 to index
      %get3A_1590 = arith.index_cast %mul3A_1588 : i32 to index
      %get3A_1591 = tpu.vector_load %arg6[%get3A_1589, %get3A_1590] {strides = array<i32>} : memref<26x512xi32, #tpu.memory_space<vmem>>, vector<16xi32>,
      %ge3A = arith.constant 2432 : i32
      %ge3A_1592 = vector.broadcast %ge3A : i32 to vector<16xi32>
      %ge3A_1593 = arith.cmpi sge, %get3A_1591, %ge3A_1592 : vector<16xi32>
      %sub3A = arith.constant 2432 : i32
      %sub3A_1594 = vector.broadcast %sub3A : i32 to vector<16xi32>
      %sub3A_1595 = arith.subi %get3A_1591, %sub3A_1594 : vector<16xi32>
      %select_n3A = arith.select %ge3A_1593, %sub3A_1595, %get3A_1591 : vector<16xi1>, vector<16xi32>
      %gather3A = tpu.vector_load_idx %arg5[%broadcast_in_dim3A_1262, %select_n3A] : memref<26x2432xi32, #tpu.memory_space<vmem>>[vector<16xi32>, vector<16xi32>], vector<16xi32>,
      %and3A = arith.constant -65536 : i32
      %and3A_1596 = vector.broadcast %and3A : i32 to vector<16xi32>
      %and3A_1597 = arith.andi %gather3A, %and3A_1596 : vector<16xi32>
      %shift_left3A = arith.constant 16 : i32
      %shift_left3A_1598 = vector.broadcast %shift_left3A : i32 to vector<16xi32>
      %shift_left3A_1599 = arith.shli %gather3A, %shift_left3A_1598 : vector<16xi32>
      %select_n3A_1600 = arith.select %ge3A_1593, %and3A_1597, %shift_left3A_1599 : vector<16xi1>, vector<16xi32>
      %bitcast3A = vector.bitcast %select_n3A_1600 : vector<16xi32> to vector<16xf32>
      %mul3A_1601 = arith.constant 16 : i32
      %mul3A_1602 = arith.muli %scan3A_1585, %mul3A_1601 : i32
      %get3A_1603 = arith.index_cast %mul3A_1602 : i32 to index
      %get3A_1604 = tpu.vector_load %arg7[%get3A_1603] {strides = array<i32>} : memref<512xf32, #tpu.memory_space<vmem>>, vector<16xf32>,
      %add3A_1605 = arith.addf %get3A_1604, %bitcast3A : vector<16xf32>
      %swap3A = arith.index_cast %mul3A_1602 : i32 to index
      %swap3A_1606 = tpu.vector_load %arg7[%swap3A] {strides = array<i32>} : memref<512xf32, #tpu.memory_space<vmem>>, vector<16xf32>,
      tpu.vector_store %arg7[%swap3A], %add3A_1605 {strides = array<i32>} : memref<512xf32, #tpu.memory_space<vmem>>, vector<16xf32>,
      %scan3A_1607 = arith.constant 0 : i32
      scf.yield %scan3A_1607 : i32
    }
    %scan3A_1269 = arith.constant 32 : i32
    %dma_wait3A_1270 = arith.constant 17 : i32
    %dma_wait3A_1271 = arith.constant 17 : i32
    %dma_wait3A_1272 = arith.constant 0 : i32
    %dma_wait3A_1273 = tpu.memref_slice %arg6[%dma_wait3A_1271, %dma_wait3A_1272] : memref<26x512xi32, #tpu.memory_space<vmem>> -> memref<1x512xi32, #tpu.memory_space<vmem>>
    %dma_wait3A_1274 = tpu.memref_squeeze %dma_wait3A_1273 : memref<1x512xi32, #tpu.memory_space<vmem>> -> memref<512xi32, #tpu.memory_space<vmem>>
    %dma_wait3A_1275 = tpu.memref_slice %arg3[%dma_wait3A_1270, %mul3A_2] : memref<26x16384xi32, #tpu.memory_space<hbm>> -> memref<1x512xi32, #tpu.memory_space<hbm>>
    %dma_wait3A_1276 = tpu.memref_squeeze %dma_wait3A_1275 : memref<1x512xi32, #tpu.memory_space<hbm>> -> memref<512xi32, #tpu.memory_space<hbm>>
    %dma_wait3A_1277 = arith.constant 0 : i32
    %dma_wait3A_1278 = tpu.memref_slice %arg6[%dma_wait3A_1271, %dma_wait3A_1277] : memref<26x512xi32, #tpu.memory_space<vmem>> -> memref<1x512xi32, #tpu.memory_space<vmem>>
    %dma_wait3A_1279 = tpu.memref_squeeze %dma_wait3A_1278 : memref<1x512xi32, #tpu.memory_space<vmem>> -> memref<512xi32, #tpu.memory_space<vmem>>
    %dma_wait3A_1280 = tpu.memref_slice %arg3[%dma_wait3A_1270, %mul3A_2] : memref<26x16384xi32, #tpu.memory_space<hbm>> -> memref<1x512xi32, #tpu.memory_space<hbm>>
    %dma_wait3A_1281 = tpu.memref_squeeze %dma_wait3A_1280 : memref<1x512xi32, #tpu.memory_space<hbm>> -> memref<512xi32, #tpu.memory_space<hbm>>
    tpu.wait_dma2 semaphore(%arg9 : memref<!tpu.dma_semaphore, #tpu.memory_space<semaphore_mem>>) src(%dma_wait3A_1281 : memref<512xi32, #tpu.memory_space<hbm>>) dst(%dma_wait3A_1279 : memref<512xi32, #tpu.memory_space<vmem>>)
    %dma_wait3A_1282 = arith.constant 17 : i32
    %dma_wait3A_1283 = arith.constant 17 : i32
    %dma_wait3A_1284 = arith.constant 0 : i32
    %dma_wait3A_1285 = tpu.memref_slice %arg5[%dma_wait3A_1283, %dma_wait3A_1284] : memref<26x2432xi32, #tpu.memory_space<vmem>> -> memref<1x2432xi32, #tpu.memory_space<vmem>>
    %dma_wait3A_1286 = tpu.memref_squeeze %dma_wait3A_1285 : memref<1x2432xi32, #tpu.memory_space<vmem>> -> memref<2432xi32, #tpu.memory_space<vmem>>
    %dma_wait3A_1287 = arith.constant 0 : i32
    %dma_wait3A_1288 = tpu.memref_slice %arg2[%dma_wait3A_1282, %dma_wait3A_1287] : memref<26x2432xi32, #tpu.memory_space<hbm>> -> memref<1x2432xi32, #tpu.memory_space<hbm>>
    %dma_wait3A_1289 = tpu.memref_squeeze %dma_wait3A_1288 : memref<1x2432xi32, #tpu.memory_space<hbm>> -> memref<2432xi32, #tpu.memory_space<hbm>>
    %dma_wait3A_1290 = arith.constant 0 : i32
    %dma_wait3A_1291 = tpu.memref_slice %arg5[%dma_wait3A_1283, %dma_wait3A_1290] : memref<26x2432xi32, #tpu.memory_space<vmem>> -> memref<1x2432xi32, #tpu.memory_space<vmem>>
    %dma_wait3A_1292 = tpu.memref_squeeze %dma_wait3A_1291 : memref<1x2432xi32, #tpu.memory_space<vmem>> -> memref<2432xi32, #tpu.memory_space<vmem>>
    %dma_wait3A_1293 = arith.constant 0 : i32
    %dma_wait3A_1294 = tpu.memref_slice %arg2[%dma_wait3A_1282, %dma_wait3A_1293] : memref<26x2432xi32, #tpu.memory_space<hbm>> -> memref<1x2432xi32, #tpu.memory_space<hbm>>
    %dma_wait3A_1295 = tpu.memref_squeeze %dma_wait3A_1294 : memref<1x2432xi32, #tpu.memory_space<hbm>> -> memref<2432xi32, #tpu.memory_space<hbm>>
    tpu.wait_dma2 semaphore(%arg8 : memref<!tpu.dma_semaphore, #tpu.memory_space<semaphore_mem>>) src(%dma_wait3A_1295 : memref<2432xi32, #tpu.memory_space<hbm>>) dst(%dma_wait3A_1292 : memref<2432xi32, #tpu.memory_space<vmem>>)
    %broadcast_in_dim3A_1296 = arith.constant 17 : i32
    %broadcast_in_dim3A_1297 = vector.broadcast %broadcast_in_dim3A_1296 : i32 to vector<16xi32>
    %scan3A_1298 = arith.constant 0 : i32
    %scan3A_1299 = arith.constant 0 : i32
    %scan3A_1300 = arith.constant 32 : i32
    %scan3A_1301 = arith.addi %scan3A_1299, %scan3A_1300 : i32
    %scan3A_1302 = arith.constant 1 : i32
    %scan3A_1303 = scf.for %scan3A_1585 = %scan3A_1299 to %scan3A_1301 step %scan3A_1302 iter_args(%scan3A_1586 = %scan3A_1298) -> (i32)  : i32 {
      %mul3A_1587 = arith.constant 16 : i32
      %mul3A_1588 = arith.muli %scan3A_1585, %mul3A_1587 : i32
      %get3A = arith.constant 17 : i32
      %get3A_1589 = arith.index_cast %get3A : i32 to index
      %get3A_1590 = arith.index_cast %mul3A_1588 : i32 to index
      %get3A_1591 = tpu.vector_load %arg6[%get3A_1589, %get3A_1590] {strides = array<i32>} : memref<26x512xi32, #tpu.memory_space<vmem>>, vector<16xi32>,
      %ge3A = arith.constant 2432 : i32
      %ge3A_1592 = vector.broadcast %ge3A : i32 to vector<16xi32>
      %ge3A_1593 = arith.cmpi sge, %get3A_1591, %ge3A_1592 : vector<16xi32>
      %sub3A = arith.constant 2432 : i32
      %sub3A_1594 = vector.broadcast %sub3A : i32 to vector<16xi32>
      %sub3A_1595 = arith.subi %get3A_1591, %sub3A_1594 : vector<16xi32>
      %select_n3A = arith.select %ge3A_1593, %sub3A_1595, %get3A_1591 : vector<16xi1>, vector<16xi32>
      %gather3A = tpu.vector_load_idx %arg5[%broadcast_in_dim3A_1297, %select_n3A] : memref<26x2432xi32, #tpu.memory_space<vmem>>[vector<16xi32>, vector<16xi32>], vector<16xi32>,
      %and3A = arith.constant -65536 : i32
      %and3A_1596 = vector.broadcast %and3A : i32 to vector<16xi32>
      %and3A_1597 = arith.andi %gather3A, %and3A_1596 : vector<16xi32>
      %shift_left3A = arith.constant 16 : i32
      %shift_left3A_1598 = vector.broadcast %shift_left3A : i32 to vector<16xi32>
      %shift_left3A_1599 = arith.shli %gather3A, %shift_left3A_1598 : vector<16xi32>
      %select_n3A_1600 = arith.select %ge3A_1593, %and3A_1597, %shift_left3A_1599 : vector<16xi1>, vector<16xi32>
      %bitcast3A = vector.bitcast %select_n3A_1600 : vector<16xi32> to vector<16xf32>
      %mul3A_1601 = arith.constant 16 : i32
      %mul3A_1602 = arith.muli %scan3A_1585, %mul3A_1601 : i32
      %get3A_1603 = arith.index_cast %mul3A_1602 : i32 to index
      %get3A_1604 = tpu.vector_load %arg7[%get3A_1603] {strides = array<i32>} : memref<512xf32, #tpu.memory_space<vmem>>, vector<16xf32>,
      %add3A_1605 = arith.addf %get3A_1604, %bitcast3A : vector<16xf32>
      %swap3A = arith.index_cast %mul3A_1602 : i32 to index
      %swap3A_1606 = tpu.vector_load %arg7[%swap3A] {strides = array<i32>} : memref<512xf32, #tpu.memory_space<vmem>>, vector<16xf32>,
      tpu.vector_store %arg7[%swap3A], %add3A_1605 {strides = array<i32>} : memref<512xf32, #tpu.memory_space<vmem>>, vector<16xf32>,
      %scan3A_1607 = arith.constant 0 : i32
      scf.yield %scan3A_1607 : i32
    }
    %scan3A_1304 = arith.constant 32 : i32
    %dma_wait3A_1305 = arith.constant 18 : i32
    %dma_wait3A_1306 = arith.constant 18 : i32
    %dma_wait3A_1307 = arith.constant 0 : i32
    %dma_wait3A_1308 = tpu.memref_slice %arg6[%dma_wait3A_1306, %dma_wait3A_1307] : memref<26x512xi32, #tpu.memory_space<vmem>> -> memref<1x512xi32, #tpu.memory_space<vmem>>
    %dma_wait3A_1309 = tpu.memref_squeeze %dma_wait3A_1308 : memref<1x512xi32, #tpu.memory_space<vmem>> -> memref<512xi32, #tpu.memory_space<vmem>>
    %dma_wait3A_1310 = tpu.memref_slice %arg3[%dma_wait3A_1305, %mul3A_2] : memref<26x16384xi32, #tpu.memory_space<hbm>> -> memref<1x512xi32, #tpu.memory_space<hbm>>
    %dma_wait3A_1311 = tpu.memref_squeeze %dma_wait3A_1310 : memref<1x512xi32, #tpu.memory_space<hbm>> -> memref<512xi32, #tpu.memory_space<hbm>>
    %dma_wait3A_1312 = arith.constant 0 : i32
    %dma_wait3A_1313 = tpu.memref_slice %arg6[%dma_wait3A_1306, %dma_wait3A_1312] : memref<26x512xi32, #tpu.memory_space<vmem>> -> memref<1x512xi32, #tpu.memory_space<vmem>>
    %dma_wait3A_1314 = tpu.memref_squeeze %dma_wait3A_1313 : memref<1x512xi32, #tpu.memory_space<vmem>> -> memref<512xi32, #tpu.memory_space<vmem>>
    %dma_wait3A_1315 = tpu.memref_slice %arg3[%dma_wait3A_1305, %mul3A_2] : memref<26x16384xi32, #tpu.memory_space<hbm>> -> memref<1x512xi32, #tpu.memory_space<hbm>>
    %dma_wait3A_1316 = tpu.memref_squeeze %dma_wait3A_1315 : memref<1x512xi32, #tpu.memory_space<hbm>> -> memref<512xi32, #tpu.memory_space<hbm>>
    tpu.wait_dma2 semaphore(%arg9 : memref<!tpu.dma_semaphore, #tpu.memory_space<semaphore_mem>>) src(%dma_wait3A_1316 : memref<512xi32, #tpu.memory_space<hbm>>) dst(%dma_wait3A_1314 : memref<512xi32, #tpu.memory_space<vmem>>)
    %dma_wait3A_1317 = arith.constant 18 : i32
    %dma_wait3A_1318 = arith.constant 18 : i32
    %dma_wait3A_1319 = arith.constant 0 : i32
    %dma_wait3A_1320 = tpu.memref_slice %arg5[%dma_wait3A_1318, %dma_wait3A_1319] : memref<26x2432xi32, #tpu.memory_space<vmem>> -> memref<1x2432xi32, #tpu.memory_space<vmem>>
    %dma_wait3A_1321 = tpu.memref_squeeze %dma_wait3A_1320 : memref<1x2432xi32, #tpu.memory_space<vmem>> -> memref<2432xi32, #tpu.memory_space<vmem>>
    %dma_wait3A_1322 = arith.constant 0 : i32
    %dma_wait3A_1323 = tpu.memref_slice %arg2[%dma_wait3A_1317, %dma_wait3A_1322] : memref<26x2432xi32, #tpu.memory_space<hbm>> -> memref<1x2432xi32, #tpu.memory_space<hbm>>
    %dma_wait3A_1324 = tpu.memref_squeeze %dma_wait3A_1323 : memref<1x2432xi32, #tpu.memory_space<hbm>> -> memref<2432xi32, #tpu.memory_space<hbm>>
    %dma_wait3A_1325 = arith.constant 0 : i32
    %dma_wait3A_1326 = tpu.memref_slice %arg5[%dma_wait3A_1318, %dma_wait3A_1325] : memref<26x2432xi32, #tpu.memory_space<vmem>> -> memref<1x2432xi32, #tpu.memory_space<vmem>>
    %dma_wait3A_1327 = tpu.memref_squeeze %dma_wait3A_1326 : memref<1x2432xi32, #tpu.memory_space<vmem>> -> memref<2432xi32, #tpu.memory_space<vmem>>
    %dma_wait3A_1328 = arith.constant 0 : i32
    %dma_wait3A_1329 = tpu.memref_slice %arg2[%dma_wait3A_1317, %dma_wait3A_1328] : memref<26x2432xi32, #tpu.memory_space<hbm>> -> memref<1x2432xi32, #tpu.memory_space<hbm>>
    %dma_wait3A_1330 = tpu.memref_squeeze %dma_wait3A_1329 : memref<1x2432xi32, #tpu.memory_space<hbm>> -> memref<2432xi32, #tpu.memory_space<hbm>>
    tpu.wait_dma2 semaphore(%arg8 : memref<!tpu.dma_semaphore, #tpu.memory_space<semaphore_mem>>) src(%dma_wait3A_1330 : memref<2432xi32, #tpu.memory_space<hbm>>) dst(%dma_wait3A_1327 : memref<2432xi32, #tpu.memory_space<vmem>>)
    %broadcast_in_dim3A_1331 = arith.constant 18 : i32
    %broadcast_in_dim3A_1332 = vector.broadcast %broadcast_in_dim3A_1331 : i32 to vector<16xi32>
    %scan3A_1333 = arith.constant 0 : i32
    %scan3A_1334 = arith.constant 0 : i32
    %scan3A_1335 = arith.constant 32 : i32
    %scan3A_1336 = arith.addi %scan3A_1334, %scan3A_1335 : i32
    %scan3A_1337 = arith.constant 1 : i32
    %scan3A_1338 = scf.for %scan3A_1585 = %scan3A_1334 to %scan3A_1336 step %scan3A_1337 iter_args(%scan3A_1586 = %scan3A_1333) -> (i32)  : i32 {
      %mul3A_1587 = arith.constant 16 : i32
      %mul3A_1588 = arith.muli %scan3A_1585, %mul3A_1587 : i32
      %get3A = arith.constant 18 : i32
      %get3A_1589 = arith.index_cast %get3A : i32 to index
      %get3A_1590 = arith.index_cast %mul3A_1588 : i32 to index
      %get3A_1591 = tpu.vector_load %arg6[%get3A_1589, %get3A_1590] {strides = array<i32>} : memref<26x512xi32, #tpu.memory_space<vmem>>, vector<16xi32>,
      %ge3A = arith.constant 2432 : i32
      %ge3A_1592 = vector.broadcast %ge3A : i32 to vector<16xi32>
      %ge3A_1593 = arith.cmpi sge, %get3A_1591, %ge3A_1592 : vector<16xi32>
      %sub3A = arith.constant 2432 : i32
      %sub3A_1594 = vector.broadcast %sub3A : i32 to vector<16xi32>
      %sub3A_1595 = arith.subi %get3A_1591, %sub3A_1594 : vector<16xi32>
      %select_n3A = arith.select %ge3A_1593, %sub3A_1595, %get3A_1591 : vector<16xi1>, vector<16xi32>
      %gather3A = tpu.vector_load_idx %arg5[%broadcast_in_dim3A_1332, %select_n3A] : memref<26x2432xi32, #tpu.memory_space<vmem>>[vector<16xi32>, vector<16xi32>], vector<16xi32>,
      %and3A = arith.constant -65536 : i32
      %and3A_1596 = vector.broadcast %and3A : i32 to vector<16xi32>
      %and3A_1597 = arith.andi %gather3A, %and3A_1596 : vector<16xi32>
      %shift_left3A = arith.constant 16 : i32
      %shift_left3A_1598 = vector.broadcast %shift_left3A : i32 to vector<16xi32>
      %shift_left3A_1599 = arith.shli %gather3A, %shift_left3A_1598 : vector<16xi32>
      %select_n3A_1600 = arith.select %ge3A_1593, %and3A_1597, %shift_left3A_1599 : vector<16xi1>, vector<16xi32>
      %bitcast3A = vector.bitcast %select_n3A_1600 : vector<16xi32> to vector<16xf32>
      %mul3A_1601 = arith.constant 16 : i32
      %mul3A_1602 = arith.muli %scan3A_1585, %mul3A_1601 : i32
      %get3A_1603 = arith.index_cast %mul3A_1602 : i32 to index
      %get3A_1604 = tpu.vector_load %arg7[%get3A_1603] {strides = array<i32>} : memref<512xf32, #tpu.memory_space<vmem>>, vector<16xf32>,
      %add3A_1605 = arith.addf %get3A_1604, %bitcast3A : vector<16xf32>
      %swap3A = arith.index_cast %mul3A_1602 : i32 to index
      %swap3A_1606 = tpu.vector_load %arg7[%swap3A] {strides = array<i32>} : memref<512xf32, #tpu.memory_space<vmem>>, vector<16xf32>,
      tpu.vector_store %arg7[%swap3A], %add3A_1605 {strides = array<i32>} : memref<512xf32, #tpu.memory_space<vmem>>, vector<16xf32>,
      %scan3A_1607 = arith.constant 0 : i32
      scf.yield %scan3A_1607 : i32
    }
    %scan3A_1339 = arith.constant 32 : i32
    %dma_wait3A_1340 = arith.constant 19 : i32
    %dma_wait3A_1341 = arith.constant 19 : i32
    %dma_wait3A_1342 = arith.constant 0 : i32
    %dma_wait3A_1343 = tpu.memref_slice %arg6[%dma_wait3A_1341, %dma_wait3A_1342] : memref<26x512xi32, #tpu.memory_space<vmem>> -> memref<1x512xi32, #tpu.memory_space<vmem>>
    %dma_wait3A_1344 = tpu.memref_squeeze %dma_wait3A_1343 : memref<1x512xi32, #tpu.memory_space<vmem>> -> memref<512xi32, #tpu.memory_space<vmem>>
    %dma_wait3A_1345 = tpu.memref_slice %arg3[%dma_wait3A_1340, %mul3A_2] : memref<26x16384xi32, #tpu.memory_space<hbm>> -> memref<1x512xi32, #tpu.memory_space<hbm>>
    %dma_wait3A_1346 = tpu.memref_squeeze %dma_wait3A_1345 : memref<1x512xi32, #tpu.memory_space<hbm>> -> memref<512xi32, #tpu.memory_space<hbm>>
    %dma_wait3A_1347 = arith.constant 0 : i32
    %dma_wait3A_1348 = tpu.memref_slice %arg6[%dma_wait3A_1341, %dma_wait3A_1347] : memref<26x512xi32, #tpu.memory_space<vmem>> -> memref<1x512xi32, #tpu.memory_space<vmem>>
    %dma_wait3A_1349 = tpu.memref_squeeze %dma_wait3A_1348 : memref<1x512xi32, #tpu.memory_space<vmem>> -> memref<512xi32, #tpu.memory_space<vmem>>
    %dma_wait3A_1350 = tpu.memref_slice %arg3[%dma_wait3A_1340, %mul3A_2] : memref<26x16384xi32, #tpu.memory_space<hbm>> -> memref<1x512xi32, #tpu.memory_space<hbm>>
    %dma_wait3A_1351 = tpu.memref_squeeze %dma_wait3A_1350 : memref<1x512xi32, #tpu.memory_space<hbm>> -> memref<512xi32, #tpu.memory_space<hbm>>
    tpu.wait_dma2 semaphore(%arg9 : memref<!tpu.dma_semaphore, #tpu.memory_space<semaphore_mem>>) src(%dma_wait3A_1351 : memref<512xi32, #tpu.memory_space<hbm>>) dst(%dma_wait3A_1349 : memref<512xi32, #tpu.memory_space<vmem>>)
    %dma_wait3A_1352 = arith.constant 19 : i32
    %dma_wait3A_1353 = arith.constant 19 : i32
    %dma_wait3A_1354 = arith.constant 0 : i32
    %dma_wait3A_1355 = tpu.memref_slice %arg5[%dma_wait3A_1353, %dma_wait3A_1354] : memref<26x2432xi32, #tpu.memory_space<vmem>> -> memref<1x2432xi32, #tpu.memory_space<vmem>>
    %dma_wait3A_1356 = tpu.memref_squeeze %dma_wait3A_1355 : memref<1x2432xi32, #tpu.memory_space<vmem>> -> memref<2432xi32, #tpu.memory_space<vmem>>
    %dma_wait3A_1357 = arith.constant 0 : i32
    %dma_wait3A_1358 = tpu.memref_slice %arg2[%dma_wait3A_1352, %dma_wait3A_1357] : memref<26x2432xi32, #tpu.memory_space<hbm>> -> memref<1x2432xi32, #tpu.memory_space<hbm>>
    %dma_wait3A_1359 = tpu.memref_squeeze %dma_wait3A_1358 : memref<1x2432xi32, #tpu.memory_space<hbm>> -> memref<2432xi32, #tpu.memory_space<hbm>>
    %dma_wait3A_1360 = arith.constant 0 : i32
    %dma_wait3A_1361 = tpu.memref_slice %arg5[%dma_wait3A_1353, %dma_wait3A_1360] : memref<26x2432xi32, #tpu.memory_space<vmem>> -> memref<1x2432xi32, #tpu.memory_space<vmem>>
    %dma_wait3A_1362 = tpu.memref_squeeze %dma_wait3A_1361 : memref<1x2432xi32, #tpu.memory_space<vmem>> -> memref<2432xi32, #tpu.memory_space<vmem>>
    %dma_wait3A_1363 = arith.constant 0 : i32
    %dma_wait3A_1364 = tpu.memref_slice %arg2[%dma_wait3A_1352, %dma_wait3A_1363] : memref<26x2432xi32, #tpu.memory_space<hbm>> -> memref<1x2432xi32, #tpu.memory_space<hbm>>
    %dma_wait3A_1365 = tpu.memref_squeeze %dma_wait3A_1364 : memref<1x2432xi32, #tpu.memory_space<hbm>> -> memref<2432xi32, #tpu.memory_space<hbm>>
    tpu.wait_dma2 semaphore(%arg8 : memref<!tpu.dma_semaphore, #tpu.memory_space<semaphore_mem>>) src(%dma_wait3A_1365 : memref<2432xi32, #tpu.memory_space<hbm>>) dst(%dma_wait3A_1362 : memref<2432xi32, #tpu.memory_space<vmem>>)
    %broadcast_in_dim3A_1366 = arith.constant 19 : i32
    %broadcast_in_dim3A_1367 = vector.broadcast %broadcast_in_dim3A_1366 : i32 to vector<16xi32>
    %scan3A_1368 = arith.constant 0 : i32
    %scan3A_1369 = arith.constant 0 : i32
    %scan3A_1370 = arith.constant 32 : i32
    %scan3A_1371 = arith.addi %scan3A_1369, %scan3A_1370 : i32
    %scan3A_1372 = arith.constant 1 : i32
    %scan3A_1373 = scf.for %scan3A_1585 = %scan3A_1369 to %scan3A_1371 step %scan3A_1372 iter_args(%scan3A_1586 = %scan3A_1368) -> (i32)  : i32 {
      %mul3A_1587 = arith.constant 16 : i32
      %mul3A_1588 = arith.muli %scan3A_1585, %mul3A_1587 : i32
      %get3A = arith.constant 19 : i32
      %get3A_1589 = arith.index_cast %get3A : i32 to index
      %get3A_1590 = arith.index_cast %mul3A_1588 : i32 to index
      %get3A_1591 = tpu.vector_load %arg6[%get3A_1589, %get3A_1590] {strides = array<i32>} : memref<26x512xi32, #tpu.memory_space<vmem>>, vector<16xi32>,
      %ge3A = arith.constant 2432 : i32
      %ge3A_1592 = vector.broadcast %ge3A : i32 to vector<16xi32>
      %ge3A_1593 = arith.cmpi sge, %get3A_1591, %ge3A_1592 : vector<16xi32>
      %sub3A = arith.constant 2432 : i32
      %sub3A_1594 = vector.broadcast %sub3A : i32 to vector<16xi32>
      %sub3A_1595 = arith.subi %get3A_1591, %sub3A_1594 : vector<16xi32>
      %select_n3A = arith.select %ge3A_1593, %sub3A_1595, %get3A_1591 : vector<16xi1>, vector<16xi32>
      %gather3A = tpu.vector_load_idx %arg5[%broadcast_in_dim3A_1367, %select_n3A] : memref<26x2432xi32, #tpu.memory_space<vmem>>[vector<16xi32>, vector<16xi32>], vector<16xi32>,
      %and3A = arith.constant -65536 : i32
      %and3A_1596 = vector.broadcast %and3A : i32 to vector<16xi32>
      %and3A_1597 = arith.andi %gather3A, %and3A_1596 : vector<16xi32>
      %shift_left3A = arith.constant 16 : i32
      %shift_left3A_1598 = vector.broadcast %shift_left3A : i32 to vector<16xi32>
      %shift_left3A_1599 = arith.shli %gather3A, %shift_left3A_1598 : vector<16xi32>
      %select_n3A_1600 = arith.select %ge3A_1593, %and3A_1597, %shift_left3A_1599 : vector<16xi1>, vector<16xi32>
      %bitcast3A = vector.bitcast %select_n3A_1600 : vector<16xi32> to vector<16xf32>
      %mul3A_1601 = arith.constant 16 : i32
      %mul3A_1602 = arith.muli %scan3A_1585, %mul3A_1601 : i32
      %get3A_1603 = arith.index_cast %mul3A_1602 : i32 to index
      %get3A_1604 = tpu.vector_load %arg7[%get3A_1603] {strides = array<i32>} : memref<512xf32, #tpu.memory_space<vmem>>, vector<16xf32>,
      %add3A_1605 = arith.addf %get3A_1604, %bitcast3A : vector<16xf32>
      %swap3A = arith.index_cast %mul3A_1602 : i32 to index
      %swap3A_1606 = tpu.vector_load %arg7[%swap3A] {strides = array<i32>} : memref<512xf32, #tpu.memory_space<vmem>>, vector<16xf32>,
      tpu.vector_store %arg7[%swap3A], %add3A_1605 {strides = array<i32>} : memref<512xf32, #tpu.memory_space<vmem>>, vector<16xf32>,
      %scan3A_1607 = arith.constant 0 : i32
      scf.yield %scan3A_1607 : i32
    }
    %scan3A_1374 = arith.constant 32 : i32
    %dma_wait3A_1375 = arith.constant 20 : i32
    %dma_wait3A_1376 = arith.constant 20 : i32
    %dma_wait3A_1377 = arith.constant 0 : i32
    %dma_wait3A_1378 = tpu.memref_slice %arg6[%dma_wait3A_1376, %dma_wait3A_1377] : memref<26x512xi32, #tpu.memory_space<vmem>> -> memref<1x512xi32, #tpu.memory_space<vmem>>
    %dma_wait3A_1379 = tpu.memref_squeeze %dma_wait3A_1378 : memref<1x512xi32, #tpu.memory_space<vmem>> -> memref<512xi32, #tpu.memory_space<vmem>>
    %dma_wait3A_1380 = tpu.memref_slice %arg3[%dma_wait3A_1375, %mul3A_2] : memref<26x16384xi32, #tpu.memory_space<hbm>> -> memref<1x512xi32, #tpu.memory_space<hbm>>
    %dma_wait3A_1381 = tpu.memref_squeeze %dma_wait3A_1380 : memref<1x512xi32, #tpu.memory_space<hbm>> -> memref<512xi32, #tpu.memory_space<hbm>>
    %dma_wait3A_1382 = arith.constant 0 : i32
    %dma_wait3A_1383 = tpu.memref_slice %arg6[%dma_wait3A_1376, %dma_wait3A_1382] : memref<26x512xi32, #tpu.memory_space<vmem>> -> memref<1x512xi32, #tpu.memory_space<vmem>>
    %dma_wait3A_1384 = tpu.memref_squeeze %dma_wait3A_1383 : memref<1x512xi32, #tpu.memory_space<vmem>> -> memref<512xi32, #tpu.memory_space<vmem>>
    %dma_wait3A_1385 = tpu.memref_slice %arg3[%dma_wait3A_1375, %mul3A_2] : memref<26x16384xi32, #tpu.memory_space<hbm>> -> memref<1x512xi32, #tpu.memory_space<hbm>>
    %dma_wait3A_1386 = tpu.memref_squeeze %dma_wait3A_1385 : memref<1x512xi32, #tpu.memory_space<hbm>> -> memref<512xi32, #tpu.memory_space<hbm>>
    tpu.wait_dma2 semaphore(%arg9 : memref<!tpu.dma_semaphore, #tpu.memory_space<semaphore_mem>>) src(%dma_wait3A_1386 : memref<512xi32, #tpu.memory_space<hbm>>) dst(%dma_wait3A_1384 : memref<512xi32, #tpu.memory_space<vmem>>)
    %dma_wait3A_1387 = arith.constant 20 : i32
    %dma_wait3A_1388 = arith.constant 20 : i32
    %dma_wait3A_1389 = arith.constant 0 : i32
    %dma_wait3A_1390 = tpu.memref_slice %arg5[%dma_wait3A_1388, %dma_wait3A_1389] : memref<26x2432xi32, #tpu.memory_space<vmem>> -> memref<1x2432xi32, #tpu.memory_space<vmem>>
    %dma_wait3A_1391 = tpu.memref_squeeze %dma_wait3A_1390 : memref<1x2432xi32, #tpu.memory_space<vmem>> -> memref<2432xi32, #tpu.memory_space<vmem>>
    %dma_wait3A_1392 = arith.constant 0 : i32
    %dma_wait3A_1393 = tpu.memref_slice %arg2[%dma_wait3A_1387, %dma_wait3A_1392] : memref<26x2432xi32, #tpu.memory_space<hbm>> -> memref<1x2432xi32, #tpu.memory_space<hbm>>
    %dma_wait3A_1394 = tpu.memref_squeeze %dma_wait3A_1393 : memref<1x2432xi32, #tpu.memory_space<hbm>> -> memref<2432xi32, #tpu.memory_space<hbm>>
    %dma_wait3A_1395 = arith.constant 0 : i32
    %dma_wait3A_1396 = tpu.memref_slice %arg5[%dma_wait3A_1388, %dma_wait3A_1395] : memref<26x2432xi32, #tpu.memory_space<vmem>> -> memref<1x2432xi32, #tpu.memory_space<vmem>>
    %dma_wait3A_1397 = tpu.memref_squeeze %dma_wait3A_1396 : memref<1x2432xi32, #tpu.memory_space<vmem>> -> memref<2432xi32, #tpu.memory_space<vmem>>
    %dma_wait3A_1398 = arith.constant 0 : i32
    %dma_wait3A_1399 = tpu.memref_slice %arg2[%dma_wait3A_1387, %dma_wait3A_1398] : memref<26x2432xi32, #tpu.memory_space<hbm>> -> memref<1x2432xi32, #tpu.memory_space<hbm>>
    %dma_wait3A_1400 = tpu.memref_squeeze %dma_wait3A_1399 : memref<1x2432xi32, #tpu.memory_space<hbm>> -> memref<2432xi32, #tpu.memory_space<hbm>>
    tpu.wait_dma2 semaphore(%arg8 : memref<!tpu.dma_semaphore, #tpu.memory_space<semaphore_mem>>) src(%dma_wait3A_1400 : memref<2432xi32, #tpu.memory_space<hbm>>) dst(%dma_wait3A_1397 : memref<2432xi32, #tpu.memory_space<vmem>>)
    %broadcast_in_dim3A_1401 = arith.constant 20 : i32
    %broadcast_in_dim3A_1402 = vector.broadcast %broadcast_in_dim3A_1401 : i32 to vector<16xi32>
    %scan3A_1403 = arith.constant 0 : i32
    %scan3A_1404 = arith.constant 0 : i32
    %scan3A_1405 = arith.constant 32 : i32
    %scan3A_1406 = arith.addi %scan3A_1404, %scan3A_1405 : i32
    %scan3A_1407 = arith.constant 1 : i32
    %scan3A_1408 = scf.for %scan3A_1585 = %scan3A_1404 to %scan3A_1406 step %scan3A_1407 iter_args(%scan3A_1586 = %scan3A_1403) -> (i32)  : i32 {
      %mul3A_1587 = arith.constant 16 : i32
      %mul3A_1588 = arith.muli %scan3A_1585, %mul3A_1587 : i32
      %get3A = arith.constant 20 : i32
      %get3A_1589 = arith.index_cast %get3A : i32 to index
      %get3A_1590 = arith.index_cast %mul3A_1588 : i32 to index
      %get3A_1591 = tpu.vector_load %arg6[%get3A_1589, %get3A_1590] {strides = array<i32>} : memref<26x512xi32, #tpu.memory_space<vmem>>, vector<16xi32>,
      %ge3A = arith.constant 2432 : i32
      %ge3A_1592 = vector.broadcast %ge3A : i32 to vector<16xi32>
      %ge3A_1593 = arith.cmpi sge, %get3A_1591, %ge3A_1592 : vector<16xi32>
      %sub3A = arith.constant 2432 : i32
      %sub3A_1594 = vector.broadcast %sub3A : i32 to vector<16xi32>
      %sub3A_1595 = arith.subi %get3A_1591, %sub3A_1594 : vector<16xi32>
      %select_n3A = arith.select %ge3A_1593, %sub3A_1595, %get3A_1591 : vector<16xi1>, vector<16xi32>
      %gather3A = tpu.vector_load_idx %arg5[%broadcast_in_dim3A_1402, %select_n3A] : memref<26x2432xi32, #tpu.memory_space<vmem>>[vector<16xi32>, vector<16xi32>], vector<16xi32>,
      %and3A = arith.constant -65536 : i32
      %and3A_1596 = vector.broadcast %and3A : i32 to vector<16xi32>
      %and3A_1597 = arith.andi %gather3A, %and3A_1596 : vector<16xi32>
      %shift_left3A = arith.constant 16 : i32
      %shift_left3A_1598 = vector.broadcast %shift_left3A : i32 to vector<16xi32>
      %shift_left3A_1599 = arith.shli %gather3A, %shift_left3A_1598 : vector<16xi32>
      %select_n3A_1600 = arith.select %ge3A_1593, %and3A_1597, %shift_left3A_1599 : vector<16xi1>, vector<16xi32>
      %bitcast3A = vector.bitcast %select_n3A_1600 : vector<16xi32> to vector<16xf32>
      %mul3A_1601 = arith.constant 16 : i32
      %mul3A_1602 = arith.muli %scan3A_1585, %mul3A_1601 : i32
      %get3A_1603 = arith.index_cast %mul3A_1602 : i32 to index
      %get3A_1604 = tpu.vector_load %arg7[%get3A_1603] {strides = array<i32>} : memref<512xf32, #tpu.memory_space<vmem>>, vector<16xf32>,
      %add3A_1605 = arith.addf %get3A_1604, %bitcast3A : vector<16xf32>
      %swap3A = arith.index_cast %mul3A_1602 : i32 to index
      %swap3A_1606 = tpu.vector_load %arg7[%swap3A] {strides = array<i32>} : memref<512xf32, #tpu.memory_space<vmem>>, vector<16xf32>,
      tpu.vector_store %arg7[%swap3A], %add3A_1605 {strides = array<i32>} : memref<512xf32, #tpu.memory_space<vmem>>, vector<16xf32>,
      %scan3A_1607 = arith.constant 0 : i32
      scf.yield %scan3A_1607 : i32
    }
    %scan3A_1409 = arith.constant 32 : i32
    %dma_wait3A_1410 = arith.constant 21 : i32
    %dma_wait3A_1411 = arith.constant 21 : i32
    %dma_wait3A_1412 = arith.constant 0 : i32
    %dma_wait3A_1413 = tpu.memref_slice %arg6[%dma_wait3A_1411, %dma_wait3A_1412] : memref<26x512xi32, #tpu.memory_space<vmem>> -> memref<1x512xi32, #tpu.memory_space<vmem>>
    %dma_wait3A_1414 = tpu.memref_squeeze %dma_wait3A_1413 : memref<1x512xi32, #tpu.memory_space<vmem>> -> memref<512xi32, #tpu.memory_space<vmem>>
    %dma_wait3A_1415 = tpu.memref_slice %arg3[%dma_wait3A_1410, %mul3A_2] : memref<26x16384xi32, #tpu.memory_space<hbm>> -> memref<1x512xi32, #tpu.memory_space<hbm>>
    %dma_wait3A_1416 = tpu.memref_squeeze %dma_wait3A_1415 : memref<1x512xi32, #tpu.memory_space<hbm>> -> memref<512xi32, #tpu.memory_space<hbm>>
    %dma_wait3A_1417 = arith.constant 0 : i32
    %dma_wait3A_1418 = tpu.memref_slice %arg6[%dma_wait3A_1411, %dma_wait3A_1417] : memref<26x512xi32, #tpu.memory_space<vmem>> -> memref<1x512xi32, #tpu.memory_space<vmem>>
    %dma_wait3A_1419 = tpu.memref_squeeze %dma_wait3A_1418 : memref<1x512xi32, #tpu.memory_space<vmem>> -> memref<512xi32, #tpu.memory_space<vmem>>
    %dma_wait3A_1420 = tpu.memref_slice %arg3[%dma_wait3A_1410, %mul3A_2] : memref<26x16384xi32, #tpu.memory_space<hbm>> -> memref<1x512xi32, #tpu.memory_space<hbm>>
    %dma_wait3A_1421 = tpu.memref_squeeze %dma_wait3A_1420 : memref<1x512xi32, #tpu.memory_space<hbm>> -> memref<512xi32, #tpu.memory_space<hbm>>
    tpu.wait_dma2 semaphore(%arg9 : memref<!tpu.dma_semaphore, #tpu.memory_space<semaphore_mem>>) src(%dma_wait3A_1421 : memref<512xi32, #tpu.memory_space<hbm>>) dst(%dma_wait3A_1419 : memref<512xi32, #tpu.memory_space<vmem>>)
    %dma_wait3A_1422 = arith.constant 21 : i32
    %dma_wait3A_1423 = arith.constant 21 : i32
    %dma_wait3A_1424 = arith.constant 0 : i32
    %dma_wait3A_1425 = tpu.memref_slice %arg5[%dma_wait3A_1423, %dma_wait3A_1424] : memref<26x2432xi32, #tpu.memory_space<vmem>> -> memref<1x2432xi32, #tpu.memory_space<vmem>>
    %dma_wait3A_1426 = tpu.memref_squeeze %dma_wait3A_1425 : memref<1x2432xi32, #tpu.memory_space<vmem>> -> memref<2432xi32, #tpu.memory_space<vmem>>
    %dma_wait3A_1427 = arith.constant 0 : i32
    %dma_wait3A_1428 = tpu.memref_slice %arg2[%dma_wait3A_1422, %dma_wait3A_1427] : memref<26x2432xi32, #tpu.memory_space<hbm>> -> memref<1x2432xi32, #tpu.memory_space<hbm>>
    %dma_wait3A_1429 = tpu.memref_squeeze %dma_wait3A_1428 : memref<1x2432xi32, #tpu.memory_space<hbm>> -> memref<2432xi32, #tpu.memory_space<hbm>>
    %dma_wait3A_1430 = arith.constant 0 : i32
    %dma_wait3A_1431 = tpu.memref_slice %arg5[%dma_wait3A_1423, %dma_wait3A_1430] : memref<26x2432xi32, #tpu.memory_space<vmem>> -> memref<1x2432xi32, #tpu.memory_space<vmem>>
    %dma_wait3A_1432 = tpu.memref_squeeze %dma_wait3A_1431 : memref<1x2432xi32, #tpu.memory_space<vmem>> -> memref<2432xi32, #tpu.memory_space<vmem>>
    %dma_wait3A_1433 = arith.constant 0 : i32
    %dma_wait3A_1434 = tpu.memref_slice %arg2[%dma_wait3A_1422, %dma_wait3A_1433] : memref<26x2432xi32, #tpu.memory_space<hbm>> -> memref<1x2432xi32, #tpu.memory_space<hbm>>
    %dma_wait3A_1435 = tpu.memref_squeeze %dma_wait3A_1434 : memref<1x2432xi32, #tpu.memory_space<hbm>> -> memref<2432xi32, #tpu.memory_space<hbm>>
    tpu.wait_dma2 semaphore(%arg8 : memref<!tpu.dma_semaphore, #tpu.memory_space<semaphore_mem>>) src(%dma_wait3A_1435 : memref<2432xi32, #tpu.memory_space<hbm>>) dst(%dma_wait3A_1432 : memref<2432xi32, #tpu.memory_space<vmem>>)
    %broadcast_in_dim3A_1436 = arith.constant 21 : i32
    %broadcast_in_dim3A_1437 = vector.broadcast %broadcast_in_dim3A_1436 : i32 to vector<16xi32>
    %scan3A_1438 = arith.constant 0 : i32
    %scan3A_1439 = arith.constant 0 : i32
    %scan3A_1440 = arith.constant 32 : i32
    %scan3A_1441 = arith.addi %scan3A_1439, %scan3A_1440 : i32
    %scan3A_1442 = arith.constant 1 : i32
    %scan3A_1443 = scf.for %scan3A_1585 = %scan3A_1439 to %scan3A_1441 step %scan3A_1442 iter_args(%scan3A_1586 = %scan3A_1438) -> (i32)  : i32 {
      %mul3A_1587 = arith.constant 16 : i32
      %mul3A_1588 = arith.muli %scan3A_1585, %mul3A_1587 : i32
      %get3A = arith.constant 21 : i32
      %get3A_1589 = arith.index_cast %get3A : i32 to index
      %get3A_1590 = arith.index_cast %mul3A_1588 : i32 to index
      %get3A_1591 = tpu.vector_load %arg6[%get3A_1589, %get3A_1590] {strides = array<i32>} : memref<26x512xi32, #tpu.memory_space<vmem>>, vector<16xi32>,
      %ge3A = arith.constant 2432 : i32
      %ge3A_1592 = vector.broadcast %ge3A : i32 to vector<16xi32>
      %ge3A_1593 = arith.cmpi sge, %get3A_1591, %ge3A_1592 : vector<16xi32>
      %sub3A = arith.constant 2432 : i32
      %sub3A_1594 = vector.broadcast %sub3A : i32 to vector<16xi32>
      %sub3A_1595 = arith.subi %get3A_1591, %sub3A_1594 : vector<16xi32>
      %select_n3A = arith.select %ge3A_1593, %sub3A_1595, %get3A_1591 : vector<16xi1>, vector<16xi32>
      %gather3A = tpu.vector_load_idx %arg5[%broadcast_in_dim3A_1437, %select_n3A] : memref<26x2432xi32, #tpu.memory_space<vmem>>[vector<16xi32>, vector<16xi32>], vector<16xi32>,
      %and3A = arith.constant -65536 : i32
      %and3A_1596 = vector.broadcast %and3A : i32 to vector<16xi32>
      %and3A_1597 = arith.andi %gather3A, %and3A_1596 : vector<16xi32>
      %shift_left3A = arith.constant 16 : i32
      %shift_left3A_1598 = vector.broadcast %shift_left3A : i32 to vector<16xi32>
      %shift_left3A_1599 = arith.shli %gather3A, %shift_left3A_1598 : vector<16xi32>
      %select_n3A_1600 = arith.select %ge3A_1593, %and3A_1597, %shift_left3A_1599 : vector<16xi1>, vector<16xi32>
      %bitcast3A = vector.bitcast %select_n3A_1600 : vector<16xi32> to vector<16xf32>
      %mul3A_1601 = arith.constant 16 : i32
      %mul3A_1602 = arith.muli %scan3A_1585, %mul3A_1601 : i32
      %get3A_1603 = arith.index_cast %mul3A_1602 : i32 to index
      %get3A_1604 = tpu.vector_load %arg7[%get3A_1603] {strides = array<i32>} : memref<512xf32, #tpu.memory_space<vmem>>, vector<16xf32>,
      %add3A_1605 = arith.addf %get3A_1604, %bitcast3A : vector<16xf32>
      %swap3A = arith.index_cast %mul3A_1602 : i32 to index
      %swap3A_1606 = tpu.vector_load %arg7[%swap3A] {strides = array<i32>} : memref<512xf32, #tpu.memory_space<vmem>>, vector<16xf32>,
      tpu.vector_store %arg7[%swap3A], %add3A_1605 {strides = array<i32>} : memref<512xf32, #tpu.memory_space<vmem>>, vector<16xf32>,
      %scan3A_1607 = arith.constant 0 : i32
      scf.yield %scan3A_1607 : i32
    }
    %scan3A_1444 = arith.constant 32 : i32
    %dma_wait3A_1445 = arith.constant 22 : i32
    %dma_wait3A_1446 = arith.constant 22 : i32
    %dma_wait3A_1447 = arith.constant 0 : i32
    %dma_wait3A_1448 = tpu.memref_slice %arg6[%dma_wait3A_1446, %dma_wait3A_1447] : memref<26x512xi32, #tpu.memory_space<vmem>> -> memref<1x512xi32, #tpu.memory_space<vmem>>
    %dma_wait3A_1449 = tpu.memref_squeeze %dma_wait3A_1448 : memref<1x512xi32, #tpu.memory_space<vmem>> -> memref<512xi32, #tpu.memory_space<vmem>>
    %dma_wait3A_1450 = tpu.memref_slice %arg3[%dma_wait3A_1445, %mul3A_2] : memref<26x16384xi32, #tpu.memory_space<hbm>> -> memref<1x512xi32, #tpu.memory_space<hbm>>
    %dma_wait3A_1451 = tpu.memref_squeeze %dma_wait3A_1450 : memref<1x512xi32, #tpu.memory_space<hbm>> -> memref<512xi32, #tpu.memory_space<hbm>>
    %dma_wait3A_1452 = arith.constant 0 : i32
    %dma_wait3A_1453 = tpu.memref_slice %arg6[%dma_wait3A_1446, %dma_wait3A_1452] : memref<26x512xi32, #tpu.memory_space<vmem>> -> memref<1x512xi32, #tpu.memory_space<vmem>>
    %dma_wait3A_1454 = tpu.memref_squeeze %dma_wait3A_1453 : memref<1x512xi32, #tpu.memory_space<vmem>> -> memref<512xi32, #tpu.memory_space<vmem>>
    %dma_wait3A_1455 = tpu.memref_slice %arg3[%dma_wait3A_1445, %mul3A_2] : memref<26x16384xi32, #tpu.memory_space<hbm>> -> memref<1x512xi32, #tpu.memory_space<hbm>>
    %dma_wait3A_1456 = tpu.memref_squeeze %dma_wait3A_1455 : memref<1x512xi32, #tpu.memory_space<hbm>> -> memref<512xi32, #tpu.memory_space<hbm>>
    tpu.wait_dma2 semaphore(%arg9 : memref<!tpu.dma_semaphore, #tpu.memory_space<semaphore_mem>>) src(%dma_wait3A_1456 : memref<512xi32, #tpu.memory_space<hbm>>) dst(%dma_wait3A_1454 : memref<512xi32, #tpu.memory_space<vmem>>)
    %dma_wait3A_1457 = arith.constant 22 : i32
    %dma_wait3A_1458 = arith.constant 22 : i32
    %dma_wait3A_1459 = arith.constant 0 : i32
    %dma_wait3A_1460 = tpu.memref_slice %arg5[%dma_wait3A_1458, %dma_wait3A_1459] : memref<26x2432xi32, #tpu.memory_space<vmem>> -> memref<1x2432xi32, #tpu.memory_space<vmem>>
    %dma_wait3A_1461 = tpu.memref_squeeze %dma_wait3A_1460 : memref<1x2432xi32, #tpu.memory_space<vmem>> -> memref<2432xi32, #tpu.memory_space<vmem>>
    %dma_wait3A_1462 = arith.constant 0 : i32
    %dma_wait3A_1463 = tpu.memref_slice %arg2[%dma_wait3A_1457, %dma_wait3A_1462] : memref<26x2432xi32, #tpu.memory_space<hbm>> -> memref<1x2432xi32, #tpu.memory_space<hbm>>
    %dma_wait3A_1464 = tpu.memref_squeeze %dma_wait3A_1463 : memref<1x2432xi32, #tpu.memory_space<hbm>> -> memref<2432xi32, #tpu.memory_space<hbm>>
    %dma_wait3A_1465 = arith.constant 0 : i32
    %dma_wait3A_1466 = tpu.memref_slice %arg5[%dma_wait3A_1458, %dma_wait3A_1465] : memref<26x2432xi32, #tpu.memory_space<vmem>> -> memref<1x2432xi32, #tpu.memory_space<vmem>>
    %dma_wait3A_1467 = tpu.memref_squeeze %dma_wait3A_1466 : memref<1x2432xi32, #tpu.memory_space<vmem>> -> memref<2432xi32, #tpu.memory_space<vmem>>
    %dma_wait3A_1468 = arith.constant 0 : i32
    %dma_wait3A_1469 = tpu.memref_slice %arg2[%dma_wait3A_1457, %dma_wait3A_1468] : memref<26x2432xi32, #tpu.memory_space<hbm>> -> memref<1x2432xi32, #tpu.memory_space<hbm>>
    %dma_wait3A_1470 = tpu.memref_squeeze %dma_wait3A_1469 : memref<1x2432xi32, #tpu.memory_space<hbm>> -> memref<2432xi32, #tpu.memory_space<hbm>>
    tpu.wait_dma2 semaphore(%arg8 : memref<!tpu.dma_semaphore, #tpu.memory_space<semaphore_mem>>) src(%dma_wait3A_1470 : memref<2432xi32, #tpu.memory_space<hbm>>) dst(%dma_wait3A_1467 : memref<2432xi32, #tpu.memory_space<vmem>>)
    %broadcast_in_dim3A_1471 = arith.constant 22 : i32
    %broadcast_in_dim3A_1472 = vector.broadcast %broadcast_in_dim3A_1471 : i32 to vector<16xi32>
    %scan3A_1473 = arith.constant 0 : i32
    %scan3A_1474 = arith.constant 0 : i32
    %scan3A_1475 = arith.constant 32 : i32
    %scan3A_1476 = arith.addi %scan3A_1474, %scan3A_1475 : i32
    %scan3A_1477 = arith.constant 1 : i32
    %scan3A_1478 = scf.for %scan3A_1585 = %scan3A_1474 to %scan3A_1476 step %scan3A_1477 iter_args(%scan3A_1586 = %scan3A_1473) -> (i32)  : i32 {
      %mul3A_1587 = arith.constant 16 : i32
      %mul3A_1588 = arith.muli %scan3A_1585, %mul3A_1587 : i32
      %get3A = arith.constant 22 : i32
      %get3A_1589 = arith.index_cast %get3A : i32 to index
      %get3A_1590 = arith.index_cast %mul3A_1588 : i32 to index
      %get3A_1591 = tpu.vector_load %arg6[%get3A_1589, %get3A_1590] {strides = array<i32>} : memref<26x512xi32, #tpu.memory_space<vmem>>, vector<16xi32>,
      %ge3A = arith.constant 2432 : i32
      %ge3A_1592 = vector.broadcast %ge3A : i32 to vector<16xi32>
      %ge3A_1593 = arith.cmpi sge, %get3A_1591, %ge3A_1592 : vector<16xi32>
      %sub3A = arith.constant 2432 : i32
      %sub3A_1594 = vector.broadcast %sub3A : i32 to vector<16xi32>
      %sub3A_1595 = arith.subi %get3A_1591, %sub3A_1594 : vector<16xi32>
      %select_n3A = arith.select %ge3A_1593, %sub3A_1595, %get3A_1591 : vector<16xi1>, vector<16xi32>
      %gather3A = tpu.vector_load_idx %arg5[%broadcast_in_dim3A_1472, %select_n3A] : memref<26x2432xi32, #tpu.memory_space<vmem>>[vector<16xi32>, vector<16xi32>], vector<16xi32>,
      %and3A = arith.constant -65536 : i32
      %and3A_1596 = vector.broadcast %and3A : i32 to vector<16xi32>
      %and3A_1597 = arith.andi %gather3A, %and3A_1596 : vector<16xi32>
      %shift_left3A = arith.constant 16 : i32
      %shift_left3A_1598 = vector.broadcast %shift_left3A : i32 to vector<16xi32>
      %shift_left3A_1599 = arith.shli %gather3A, %shift_left3A_1598 : vector<16xi32>
      %select_n3A_1600 = arith.select %ge3A_1593, %and3A_1597, %shift_left3A_1599 : vector<16xi1>, vector<16xi32>
      %bitcast3A = vector.bitcast %select_n3A_1600 : vector<16xi32> to vector<16xf32>
      %mul3A_1601 = arith.constant 16 : i32
      %mul3A_1602 = arith.muli %scan3A_1585, %mul3A_1601 : i32
      %get3A_1603 = arith.index_cast %mul3A_1602 : i32 to index
      %get3A_1604 = tpu.vector_load %arg7[%get3A_1603] {strides = array<i32>} : memref<512xf32, #tpu.memory_space<vmem>>, vector<16xf32>,
      %add3A_1605 = arith.addf %get3A_1604, %bitcast3A : vector<16xf32>
      %swap3A = arith.index_cast %mul3A_1602 : i32 to index
      %swap3A_1606 = tpu.vector_load %arg7[%swap3A] {strides = array<i32>} : memref<512xf32, #tpu.memory_space<vmem>>, vector<16xf32>,
      tpu.vector_store %arg7[%swap3A], %add3A_1605 {strides = array<i32>} : memref<512xf32, #tpu.memory_space<vmem>>, vector<16xf32>,
      %scan3A_1607 = arith.constant 0 : i32
      scf.yield %scan3A_1607 : i32
    }
    %scan3A_1479 = arith.constant 32 : i32
    %dma_wait3A_1480 = arith.constant 23 : i32
    %dma_wait3A_1481 = arith.constant 23 : i32
    %dma_wait3A_1482 = arith.constant 0 : i32
    %dma_wait3A_1483 = tpu.memref_slice %arg6[%dma_wait3A_1481, %dma_wait3A_1482] : memref<26x512xi32, #tpu.memory_space<vmem>> -> memref<1x512xi32, #tpu.memory_space<vmem>>
    %dma_wait3A_1484 = tpu.memref_squeeze %dma_wait3A_1483 : memref<1x512xi32, #tpu.memory_space<vmem>> -> memref<512xi32, #tpu.memory_space<vmem>>
    %dma_wait3A_1485 = tpu.memref_slice %arg3[%dma_wait3A_1480, %mul3A_2] : memref<26x16384xi32, #tpu.memory_space<hbm>> -> memref<1x512xi32, #tpu.memory_space<hbm>>
    %dma_wait3A_1486 = tpu.memref_squeeze %dma_wait3A_1485 : memref<1x512xi32, #tpu.memory_space<hbm>> -> memref<512xi32, #tpu.memory_space<hbm>>
    %dma_wait3A_1487 = arith.constant 0 : i32
    %dma_wait3A_1488 = tpu.memref_slice %arg6[%dma_wait3A_1481, %dma_wait3A_1487] : memref<26x512xi32, #tpu.memory_space<vmem>> -> memref<1x512xi32, #tpu.memory_space<vmem>>
    %dma_wait3A_1489 = tpu.memref_squeeze %dma_wait3A_1488 : memref<1x512xi32, #tpu.memory_space<vmem>> -> memref<512xi32, #tpu.memory_space<vmem>>
    %dma_wait3A_1490 = tpu.memref_slice %arg3[%dma_wait3A_1480, %mul3A_2] : memref<26x16384xi32, #tpu.memory_space<hbm>> -> memref<1x512xi32, #tpu.memory_space<hbm>>
    %dma_wait3A_1491 = tpu.memref_squeeze %dma_wait3A_1490 : memref<1x512xi32, #tpu.memory_space<hbm>> -> memref<512xi32, #tpu.memory_space<hbm>>
    tpu.wait_dma2 semaphore(%arg9 : memref<!tpu.dma_semaphore, #tpu.memory_space<semaphore_mem>>) src(%dma_wait3A_1491 : memref<512xi32, #tpu.memory_space<hbm>>) dst(%dma_wait3A_1489 : memref<512xi32, #tpu.memory_space<vmem>>)
    %dma_wait3A_1492 = arith.constant 23 : i32
    %dma_wait3A_1493 = arith.constant 23 : i32
    %dma_wait3A_1494 = arith.constant 0 : i32
    %dma_wait3A_1495 = tpu.memref_slice %arg5[%dma_wait3A_1493, %dma_wait3A_1494] : memref<26x2432xi32, #tpu.memory_space<vmem>> -> memref<1x2432xi32, #tpu.memory_space<vmem>>
    %dma_wait3A_1496 = tpu.memref_squeeze %dma_wait3A_1495 : memref<1x2432xi32, #tpu.memory_space<vmem>> -> memref<2432xi32, #tpu.memory_space<vmem>>
    %dma_wait3A_1497 = arith.constant 0 : i32
    %dma_wait3A_1498 = tpu.memref_slice %arg2[%dma_wait3A_1492, %dma_wait3A_1497] : memref<26x2432xi32, #tpu.memory_space<hbm>> -> memref<1x2432xi32, #tpu.memory_space<hbm>>
    %dma_wait3A_1499 = tpu.memref_squeeze %dma_wait3A_1498 : memref<1x2432xi32, #tpu.memory_space<hbm>> -> memref<2432xi32, #tpu.memory_space<hbm>>
    %dma_wait3A_1500 = arith.constant 0 : i32
    %dma_wait3A_1501 = tpu.memref_slice %arg5[%dma_wait3A_1493, %dma_wait3A_1500] : memref<26x2432xi32, #tpu.memory_space<vmem>> -> memref<1x2432xi32, #tpu.memory_space<vmem>>
    %dma_wait3A_1502 = tpu.memref_squeeze %dma_wait3A_1501 : memref<1x2432xi32, #tpu.memory_space<vmem>> -> memref<2432xi32, #tpu.memory_space<vmem>>
    %dma_wait3A_1503 = arith.constant 0 : i32
    %dma_wait3A_1504 = tpu.memref_slice %arg2[%dma_wait3A_1492, %dma_wait3A_1503] : memref<26x2432xi32, #tpu.memory_space<hbm>> -> memref<1x2432xi32, #tpu.memory_space<hbm>>
    %dma_wait3A_1505 = tpu.memref_squeeze %dma_wait3A_1504 : memref<1x2432xi32, #tpu.memory_space<hbm>> -> memref<2432xi32, #tpu.memory_space<hbm>>
    tpu.wait_dma2 semaphore(%arg8 : memref<!tpu.dma_semaphore, #tpu.memory_space<semaphore_mem>>) src(%dma_wait3A_1505 : memref<2432xi32, #tpu.memory_space<hbm>>) dst(%dma_wait3A_1502 : memref<2432xi32, #tpu.memory_space<vmem>>)
    %broadcast_in_dim3A_1506 = arith.constant 23 : i32
    %broadcast_in_dim3A_1507 = vector.broadcast %broadcast_in_dim3A_1506 : i32 to vector<16xi32>
    %scan3A_1508 = arith.constant 0 : i32
    %scan3A_1509 = arith.constant 0 : i32
    %scan3A_1510 = arith.constant 32 : i32
    %scan3A_1511 = arith.addi %scan3A_1509, %scan3A_1510 : i32
    %scan3A_1512 = arith.constant 1 : i32
    %scan3A_1513 = scf.for %scan3A_1585 = %scan3A_1509 to %scan3A_1511 step %scan3A_1512 iter_args(%scan3A_1586 = %scan3A_1508) -> (i32)  : i32 {
      %mul3A_1587 = arith.constant 16 : i32
      %mul3A_1588 = arith.muli %scan3A_1585, %mul3A_1587 : i32
      %get3A = arith.constant 23 : i32
      %get3A_1589 = arith.index_cast %get3A : i32 to index
      %get3A_1590 = arith.index_cast %mul3A_1588 : i32 to index
      %get3A_1591 = tpu.vector_load %arg6[%get3A_1589, %get3A_1590] {strides = array<i32>} : memref<26x512xi32, #tpu.memory_space<vmem>>, vector<16xi32>,
      %ge3A = arith.constant 2432 : i32
      %ge3A_1592 = vector.broadcast %ge3A : i32 to vector<16xi32>
      %ge3A_1593 = arith.cmpi sge, %get3A_1591, %ge3A_1592 : vector<16xi32>
      %sub3A = arith.constant 2432 : i32
      %sub3A_1594 = vector.broadcast %sub3A : i32 to vector<16xi32>
      %sub3A_1595 = arith.subi %get3A_1591, %sub3A_1594 : vector<16xi32>
      %select_n3A = arith.select %ge3A_1593, %sub3A_1595, %get3A_1591 : vector<16xi1>, vector<16xi32>
      %gather3A = tpu.vector_load_idx %arg5[%broadcast_in_dim3A_1507, %select_n3A] : memref<26x2432xi32, #tpu.memory_space<vmem>>[vector<16xi32>, vector<16xi32>], vector<16xi32>,
      %and3A = arith.constant -65536 : i32
      %and3A_1596 = vector.broadcast %and3A : i32 to vector<16xi32>
      %and3A_1597 = arith.andi %gather3A, %and3A_1596 : vector<16xi32>
      %shift_left3A = arith.constant 16 : i32
      %shift_left3A_1598 = vector.broadcast %shift_left3A : i32 to vector<16xi32>
      %shift_left3A_1599 = arith.shli %gather3A, %shift_left3A_1598 : vector<16xi32>
      %select_n3A_1600 = arith.select %ge3A_1593, %and3A_1597, %shift_left3A_1599 : vector<16xi1>, vector<16xi32>
      %bitcast3A = vector.bitcast %select_n3A_1600 : vector<16xi32> to vector<16xf32>
      %mul3A_1601 = arith.constant 16 : i32
      %mul3A_1602 = arith.muli %scan3A_1585, %mul3A_1601 : i32
      %get3A_1603 = arith.index_cast %mul3A_1602 : i32 to index
      %get3A_1604 = tpu.vector_load %arg7[%get3A_1603] {strides = array<i32>} : memref<512xf32, #tpu.memory_space<vmem>>, vector<16xf32>,
      %add3A_1605 = arith.addf %get3A_1604, %bitcast3A : vector<16xf32>
      %swap3A = arith.index_cast %mul3A_1602 : i32 to index
      %swap3A_1606 = tpu.vector_load %arg7[%swap3A] {strides = array<i32>} : memref<512xf32, #tpu.memory_space<vmem>>, vector<16xf32>,
      tpu.vector_store %arg7[%swap3A], %add3A_1605 {strides = array<i32>} : memref<512xf32, #tpu.memory_space<vmem>>, vector<16xf32>,
      %scan3A_1607 = arith.constant 0 : i32
      scf.yield %scan3A_1607 : i32
    }
    %scan3A_1514 = arith.constant 32 : i32
    %dma_wait3A_1515 = arith.constant 24 : i32
    %dma_wait3A_1516 = arith.constant 24 : i32
    %dma_wait3A_1517 = arith.constant 0 : i32
    %dma_wait3A_1518 = tpu.memref_slice %arg6[%dma_wait3A_1516, %dma_wait3A_1517] : memref<26x512xi32, #tpu.memory_space<vmem>> -> memref<1x512xi32, #tpu.memory_space<vmem>>
    %dma_wait3A_1519 = tpu.memref_squeeze %dma_wait3A_1518 : memref<1x512xi32, #tpu.memory_space<vmem>> -> memref<512xi32, #tpu.memory_space<vmem>>
    %dma_wait3A_1520 = tpu.memref_slice %arg3[%dma_wait3A_1515, %mul3A_2] : memref<26x16384xi32, #tpu.memory_space<hbm>> -> memref<1x512xi32, #tpu.memory_space<hbm>>
    %dma_wait3A_1521 = tpu.memref_squeeze %dma_wait3A_1520 : memref<1x512xi32, #tpu.memory_space<hbm>> -> memref<512xi32, #tpu.memory_space<hbm>>
    %dma_wait3A_1522 = arith.constant 0 : i32
    %dma_wait3A_1523 = tpu.memref_slice %arg6[%dma_wait3A_1516, %dma_wait3A_1522] : memref<26x512xi32, #tpu.memory_space<vmem>> -> memref<1x512xi32, #tpu.memory_space<vmem>>
    %dma_wait3A_1524 = tpu.memref_squeeze %dma_wait3A_1523 : memref<1x512xi32, #tpu.memory_space<vmem>> -> memref<512xi32, #tpu.memory_space<vmem>>
    %dma_wait3A_1525 = tpu.memref_slice %arg3[%dma_wait3A_1515, %mul3A_2] : memref<26x16384xi32, #tpu.memory_space<hbm>> -> memref<1x512xi32, #tpu.memory_space<hbm>>
    %dma_wait3A_1526 = tpu.memref_squeeze %dma_wait3A_1525 : memref<1x512xi32, #tpu.memory_space<hbm>> -> memref<512xi32, #tpu.memory_space<hbm>>
    tpu.wait_dma2 semaphore(%arg9 : memref<!tpu.dma_semaphore, #tpu.memory_space<semaphore_mem>>) src(%dma_wait3A_1526 : memref<512xi32, #tpu.memory_space<hbm>>) dst(%dma_wait3A_1524 : memref<512xi32, #tpu.memory_space<vmem>>)
    %dma_wait3A_1527 = arith.constant 24 : i32
    %dma_wait3A_1528 = arith.constant 24 : i32
    %dma_wait3A_1529 = arith.constant 0 : i32
    %dma_wait3A_1530 = tpu.memref_slice %arg5[%dma_wait3A_1528, %dma_wait3A_1529] : memref<26x2432xi32, #tpu.memory_space<vmem>> -> memref<1x2432xi32, #tpu.memory_space<vmem>>
    %dma_wait3A_1531 = tpu.memref_squeeze %dma_wait3A_1530 : memref<1x2432xi32, #tpu.memory_space<vmem>> -> memref<2432xi32, #tpu.memory_space<vmem>>
    %dma_wait3A_1532 = arith.constant 0 : i32
    %dma_wait3A_1533 = tpu.memref_slice %arg2[%dma_wait3A_1527, %dma_wait3A_1532] : memref<26x2432xi32, #tpu.memory_space<hbm>> -> memref<1x2432xi32, #tpu.memory_space<hbm>>
    %dma_wait3A_1534 = tpu.memref_squeeze %dma_wait3A_1533 : memref<1x2432xi32, #tpu.memory_space<hbm>> -> memref<2432xi32, #tpu.memory_space<hbm>>
    %dma_wait3A_1535 = arith.constant 0 : i32
    %dma_wait3A_1536 = tpu.memref_slice %arg5[%dma_wait3A_1528, %dma_wait3A_1535] : memref<26x2432xi32, #tpu.memory_space<vmem>> -> memref<1x2432xi32, #tpu.memory_space<vmem>>
    %dma_wait3A_1537 = tpu.memref_squeeze %dma_wait3A_1536 : memref<1x2432xi32, #tpu.memory_space<vmem>> -> memref<2432xi32, #tpu.memory_space<vmem>>
    %dma_wait3A_1538 = arith.constant 0 : i32
    %dma_wait3A_1539 = tpu.memref_slice %arg2[%dma_wait3A_1527, %dma_wait3A_1538] : memref<26x2432xi32, #tpu.memory_space<hbm>> -> memref<1x2432xi32, #tpu.memory_space<hbm>>
    %dma_wait3A_1540 = tpu.memref_squeeze %dma_wait3A_1539 : memref<1x2432xi32, #tpu.memory_space<hbm>> -> memref<2432xi32, #tpu.memory_space<hbm>>
    tpu.wait_dma2 semaphore(%arg8 : memref<!tpu.dma_semaphore, #tpu.memory_space<semaphore_mem>>) src(%dma_wait3A_1540 : memref<2432xi32, #tpu.memory_space<hbm>>) dst(%dma_wait3A_1537 : memref<2432xi32, #tpu.memory_space<vmem>>)
    %broadcast_in_dim3A_1541 = arith.constant 24 : i32
    %broadcast_in_dim3A_1542 = vector.broadcast %broadcast_in_dim3A_1541 : i32 to vector<16xi32>
    %scan3A_1543 = arith.constant 0 : i32
    %scan3A_1544 = arith.constant 0 : i32
    %scan3A_1545 = arith.constant 32 : i32
    %scan3A_1546 = arith.addi %scan3A_1544, %scan3A_1545 : i32
    %scan3A_1547 = arith.constant 1 : i32
    %scan3A_1548 = scf.for %scan3A_1585 = %scan3A_1544 to %scan3A_1546 step %scan3A_1547 iter_args(%scan3A_1586 = %scan3A_1543) -> (i32)  : i32 {
      %mul3A_1587 = arith.constant 16 : i32
      %mul3A_1588 = arith.muli %scan3A_1585, %mul3A_1587 : i32
      %get3A = arith.constant 24 : i32
      %get3A_1589 = arith.index_cast %get3A : i32 to index
      %get3A_1590 = arith.index_cast %mul3A_1588 : i32 to index
      %get3A_1591 = tpu.vector_load %arg6[%get3A_1589, %get3A_1590] {strides = array<i32>} : memref<26x512xi32, #tpu.memory_space<vmem>>, vector<16xi32>,
      %ge3A = arith.constant 2432 : i32
      %ge3A_1592 = vector.broadcast %ge3A : i32 to vector<16xi32>
      %ge3A_1593 = arith.cmpi sge, %get3A_1591, %ge3A_1592 : vector<16xi32>
      %sub3A = arith.constant 2432 : i32
      %sub3A_1594 = vector.broadcast %sub3A : i32 to vector<16xi32>
      %sub3A_1595 = arith.subi %get3A_1591, %sub3A_1594 : vector<16xi32>
      %select_n3A = arith.select %ge3A_1593, %sub3A_1595, %get3A_1591 : vector<16xi1>, vector<16xi32>
      %gather3A = tpu.vector_load_idx %arg5[%broadcast_in_dim3A_1542, %select_n3A] : memref<26x2432xi32, #tpu.memory_space<vmem>>[vector<16xi32>, vector<16xi32>], vector<16xi32>,
      %and3A = arith.constant -65536 : i32
      %and3A_1596 = vector.broadcast %and3A : i32 to vector<16xi32>
      %and3A_1597 = arith.andi %gather3A, %and3A_1596 : vector<16xi32>
      %shift_left3A = arith.constant 16 : i32
      %shift_left3A_1598 = vector.broadcast %shift_left3A : i32 to vector<16xi32>
      %shift_left3A_1599 = arith.shli %gather3A, %shift_left3A_1598 : vector<16xi32>
      %select_n3A_1600 = arith.select %ge3A_1593, %and3A_1597, %shift_left3A_1599 : vector<16xi1>, vector<16xi32>
      %bitcast3A = vector.bitcast %select_n3A_1600 : vector<16xi32> to vector<16xf32>
      %mul3A_1601 = arith.constant 16 : i32
      %mul3A_1602 = arith.muli %scan3A_1585, %mul3A_1601 : i32
      %get3A_1603 = arith.index_cast %mul3A_1602 : i32 to index
      %get3A_1604 = tpu.vector_load %arg7[%get3A_1603] {strides = array<i32>} : memref<512xf32, #tpu.memory_space<vmem>>, vector<16xf32>,
      %add3A_1605 = arith.addf %get3A_1604, %bitcast3A : vector<16xf32>
      %swap3A = arith.index_cast %mul3A_1602 : i32 to index
      %swap3A_1606 = tpu.vector_load %arg7[%swap3A] {strides = array<i32>} : memref<512xf32, #tpu.memory_space<vmem>>, vector<16xf32>,
      tpu.vector_store %arg7[%swap3A], %add3A_1605 {strides = array<i32>} : memref<512xf32, #tpu.memory_space<vmem>>, vector<16xf32>,
      %scan3A_1607 = arith.constant 0 : i32
      scf.yield %scan3A_1607 : i32
    }
    %scan3A_1549 = arith.constant 32 : i32
    %dma_wait3A_1550 = arith.constant 25 : i32
    %dma_wait3A_1551 = arith.constant 25 : i32
    %dma_wait3A_1552 = arith.constant 0 : i32
    %dma_wait3A_1553 = tpu.memref_slice %arg6[%dma_wait3A_1551, %dma_wait3A_1552] : memref<26x512xi32, #tpu.memory_space<vmem>> -> memref<1x512xi32, #tpu.memory_space<vmem>>
    %dma_wait3A_1554 = tpu.memref_squeeze %dma_wait3A_1553 : memref<1x512xi32, #tpu.memory_space<vmem>> -> memref<512xi32, #tpu.memory_space<vmem>>
    %dma_wait3A_1555 = tpu.memref_slice %arg3[%dma_wait3A_1550, %mul3A_2] : memref<26x16384xi32, #tpu.memory_space<hbm>> -> memref<1x512xi32, #tpu.memory_space<hbm>>
    %dma_wait3A_1556 = tpu.memref_squeeze %dma_wait3A_1555 : memref<1x512xi32, #tpu.memory_space<hbm>> -> memref<512xi32, #tpu.memory_space<hbm>>
    %dma_wait3A_1557 = arith.constant 0 : i32
    %dma_wait3A_1558 = tpu.memref_slice %arg6[%dma_wait3A_1551, %dma_wait3A_1557] : memref<26x512xi32, #tpu.memory_space<vmem>> -> memref<1x512xi32, #tpu.memory_space<vmem>>
    %dma_wait3A_1559 = tpu.memref_squeeze %dma_wait3A_1558 : memref<1x512xi32, #tpu.memory_space<vmem>> -> memref<512xi32, #tpu.memory_space<vmem>>
    %dma_wait3A_1560 = tpu.memref_slice %arg3[%dma_wait3A_1550, %mul3A_2] : memref<26x16384xi32, #tpu.memory_space<hbm>> -> memref<1x512xi32, #tpu.memory_space<hbm>>
    %dma_wait3A_1561 = tpu.memref_squeeze %dma_wait3A_1560 : memref<1x512xi32, #tpu.memory_space<hbm>> -> memref<512xi32, #tpu.memory_space<hbm>>
    tpu.wait_dma2 semaphore(%arg9 : memref<!tpu.dma_semaphore, #tpu.memory_space<semaphore_mem>>) src(%dma_wait3A_1561 : memref<512xi32, #tpu.memory_space<hbm>>) dst(%dma_wait3A_1559 : memref<512xi32, #tpu.memory_space<vmem>>)
    %dma_wait3A_1562 = arith.constant 25 : i32
    %dma_wait3A_1563 = arith.constant 25 : i32
    %dma_wait3A_1564 = arith.constant 0 : i32
    %dma_wait3A_1565 = tpu.memref_slice %arg5[%dma_wait3A_1563, %dma_wait3A_1564] : memref<26x2432xi32, #tpu.memory_space<vmem>> -> memref<1x2432xi32, #tpu.memory_space<vmem>>
    %dma_wait3A_1566 = tpu.memref_squeeze %dma_wait3A_1565 : memref<1x2432xi32, #tpu.memory_space<vmem>> -> memref<2432xi32, #tpu.memory_space<vmem>>
    %dma_wait3A_1567 = arith.constant 0 : i32
    %dma_wait3A_1568 = tpu.memref_slice %arg2[%dma_wait3A_1562, %dma_wait3A_1567] : memref<26x2432xi32, #tpu.memory_space<hbm>> -> memref<1x2432xi32, #tpu.memory_space<hbm>>
    %dma_wait3A_1569 = tpu.memref_squeeze %dma_wait3A_1568 : memref<1x2432xi32, #tpu.memory_space<hbm>> -> memref<2432xi32, #tpu.memory_space<hbm>>
    %dma_wait3A_1570 = arith.constant 0 : i32
    %dma_wait3A_1571 = tpu.memref_slice %arg5[%dma_wait3A_1563, %dma_wait3A_1570] : memref<26x2432xi32, #tpu.memory_space<vmem>> -> memref<1x2432xi32, #tpu.memory_space<vmem>>
    %dma_wait3A_1572 = tpu.memref_squeeze %dma_wait3A_1571 : memref<1x2432xi32, #tpu.memory_space<vmem>> -> memref<2432xi32, #tpu.memory_space<vmem>>
    %dma_wait3A_1573 = arith.constant 0 : i32
    %dma_wait3A_1574 = tpu.memref_slice %arg2[%dma_wait3A_1562, %dma_wait3A_1573] : memref<26x2432xi32, #tpu.memory_space<hbm>> -> memref<1x2432xi32, #tpu.memory_space<hbm>>
    %dma_wait3A_1575 = tpu.memref_squeeze %dma_wait3A_1574 : memref<1x2432xi32, #tpu.memory_space<hbm>> -> memref<2432xi32, #tpu.memory_space<hbm>>
    tpu.wait_dma2 semaphore(%arg8 : memref<!tpu.dma_semaphore, #tpu.memory_space<semaphore_mem>>) src(%dma_wait3A_1575 : memref<2432xi32, #tpu.memory_space<hbm>>) dst(%dma_wait3A_1572 : memref<2432xi32, #tpu.memory_space<vmem>>)
    %broadcast_in_dim3A_1576 = arith.constant 25 : i32
    %broadcast_in_dim3A_1577 = vector.broadcast %broadcast_in_dim3A_1576 : i32 to vector<16xi32>
    %scan3A_1578 = arith.constant 0 : i32
    %scan3A_1579 = arith.constant 0 : i32
    %scan3A_1580 = arith.constant 32 : i32
    %scan3A_1581 = arith.addi %scan3A_1579, %scan3A_1580 : i32
    %scan3A_1582 = arith.constant 1 : i32
    %scan3A_1583 = scf.for %scan3A_1585 = %scan3A_1579 to %scan3A_1581 step %scan3A_1582 iter_args(%scan3A_1586 = %scan3A_1578) -> (i32)  : i32 {
      %mul3A_1587 = arith.constant 16 : i32
      %mul3A_1588 = arith.muli %scan3A_1585, %mul3A_1587 : i32
      %get3A = arith.constant 25 : i32
      %get3A_1589 = arith.index_cast %get3A : i32 to index
      %get3A_1590 = arith.index_cast %mul3A_1588 : i32 to index
      %get3A_1591 = tpu.vector_load %arg6[%get3A_1589, %get3A_1590] {strides = array<i32>} : memref<26x512xi32, #tpu.memory_space<vmem>>, vector<16xi32>,
      %ge3A = arith.constant 2432 : i32
      %ge3A_1592 = vector.broadcast %ge3A : i32 to vector<16xi32>
      %ge3A_1593 = arith.cmpi sge, %get3A_1591, %ge3A_1592 : vector<16xi32>
      %sub3A = arith.constant 2432 : i32
      %sub3A_1594 = vector.broadcast %sub3A : i32 to vector<16xi32>
      %sub3A_1595 = arith.subi %get3A_1591, %sub3A_1594 : vector<16xi32>
      %select_n3A = arith.select %ge3A_1593, %sub3A_1595, %get3A_1591 : vector<16xi1>, vector<16xi32>
      %gather3A = tpu.vector_load_idx %arg5[%broadcast_in_dim3A_1577, %select_n3A] : memref<26x2432xi32, #tpu.memory_space<vmem>>[vector<16xi32>, vector<16xi32>], vector<16xi32>,
      %and3A = arith.constant -65536 : i32
      %and3A_1596 = vector.broadcast %and3A : i32 to vector<16xi32>
      %and3A_1597 = arith.andi %gather3A, %and3A_1596 : vector<16xi32>
      %shift_left3A = arith.constant 16 : i32
      %shift_left3A_1598 = vector.broadcast %shift_left3A : i32 to vector<16xi32>
      %shift_left3A_1599 = arith.shli %gather3A, %shift_left3A_1598 : vector<16xi32>
      %select_n3A_1600 = arith.select %ge3A_1593, %and3A_1597, %shift_left3A_1599 : vector<16xi1>, vector<16xi32>
      %bitcast3A = vector.bitcast %select_n3A_1600 : vector<16xi32> to vector<16xf32>
      %mul3A_1601 = arith.constant 16 : i32
      %mul3A_1602 = arith.muli %scan3A_1585, %mul3A_1601 : i32
      %get3A_1603 = arith.index_cast %mul3A_1602 : i32 to index
      %get3A_1604 = tpu.vector_load %arg7[%get3A_1603] {strides = array<i32>} : memref<512xf32, #tpu.memory_space<vmem>>, vector<16xf32>,
      %add3A_1605 = arith.addf %get3A_1604, %bitcast3A : vector<16xf32>
      %swap3A = arith.index_cast %mul3A_1602 : i32 to index
      %swap3A_1606 = tpu.vector_load %arg7[%swap3A] {strides = array<i32>} : memref<512xf32, #tpu.memory_space<vmem>>, vector<16xf32>,
      tpu.vector_store %arg7[%swap3A], %add3A_1605 {strides = array<i32>} : memref<512xf32, #tpu.memory_space<vmem>>, vector<16xf32>,
      %scan3A_1607 = arith.constant 0 : i32
      scf.yield %scan3A_1607 : i32
    }
    %scan3A_1584 = arith.constant 32 : i32
    "tpu.region"() ({
      %run_scoped3A = tpu.sem_alloc : memref<!tpu.dma_semaphore, #tpu.memory_space<semaphore_mem>>
      %dma_start3A_1585 = tpu.memref_slice %arg4[%mul3A_2] : memref<16384xf32, #tpu.memory_space<hbm>> -> memref<512xf32, #tpu.memory_space<hbm>>
      %dma_start3A_1586 = tpu.memref_slice %arg4[%mul3A_2] : memref<16384xf32, #tpu.memory_space<hbm>> -> memref<512xf32, #tpu.memory_space<hbm>>
      tpu.enqueue_dma source(%arg7 : memref<512xf32, #tpu.memory_space<vmem>>) target(%dma_start3A_1586 : memref<512xf32, #tpu.memory_space<hbm>>) target_semaphore(%run_scoped3A : memref<!tpu.dma_semaphore, #tpu.memory_space<semaphore_mem>>)
      %dma_wait3A_1587 = tpu.memref_slice %arg4[%mul3A_2] : memref<16384xf32, #tpu.memory_space<hbm>> -> memref<512xf32, #tpu.memory_space<hbm>>
      %dma_wait3A_1588 = tpu.memref_slice %arg4[%mul3A_2] : memref<16384xf32, #tpu.memory_space<hbm>> -> memref<512xf32, #tpu.memory_space<hbm>>
      tpu.wait_dma2 semaphore(%run_scoped3A : memref<!tpu.dma_semaphore, #tpu.memory_space<semaphore_mem>>) src(%arg7 : memref<512xf32, #tpu.memory_space<vmem>>) dst(%dma_wait3A_1588 : memref<512xf32, #tpu.memory_space<hbm>>)
      tpu.yield
    }) : () -> ()
    return
  }
}

module attributes {stable_mosaic.version = 14 : i64} {
  func.func @_prep_body(%arg0: i32, %arg1: memref<64x4864xf32, #tpu.memory_space<vmem>>, %arg2: memref<26x64xf32, #tpu.memory_space<vmem>>, %arg3: memref<26x2432xi32, #tpu.memory_space<vmem>>) attributes {dimension_semantics = [#tpu.dimension_semantics<arbitrary>], iteration_bounds = array<i64: 1>, scalar_prefetch = 0 : i64, scratch_operands = 0 : i64, tpu.core_type = #tpu.core_type<tc>, window_params = [{transform_indices = @transform_0, window_bounds = array<i64: 64, 4864>}, {pipeline_mode = #tpu.pipeline_mode<synchronous>, transform_indices = @transform_1, window_bounds = array<i64: 26, 64>}, {pipeline_mode = #tpu.pipeline_mode<synchronous>, transform_indices = @transform_2, window_bounds = array<i64: 26, 2432>}]} {
    %get3A = arith.constant 0 : index
    %get3A_0 = arith.constant 0 : index
    %get3A_1 = vector.load %arg2[%get3A, %get3A_0] : memref<26x64xf32, #tpu.memory_space<vmem>>, vector<26x64xf32>
    %get3A_2 = arith.constant 0 : index
    %get3A_3 = arith.constant 0 : index
    %get3A_4 = vector.load %arg1[%get3A_2, %get3A_3] : memref<64x4864xf32, #tpu.memory_space<vmem>>, vector<64x4864xf32>
    %dot_general3A = arith.constant dense<0.000000e+00> : vector<26x4864xf32>
    %dot_general3A_5 = tpu.matmul %get3A_1, %get3A_4, %dot_general3A {dimension_numbers = #tpu.dot_dimension_numbers<[1], [0], [0], [1], [0, 0, 1, 1], [], []>, transpose_lhs_hint = false} : vector<26x64xf32>, vector<64x4864xf32>, vector<26x4864xf32> -> vector<26x4864xf32>
    %slice3A = vector.extract_strided_slice %dot_general3A_5 {offsets = [0, 0], sizes = [26, 2432], strides = [1, 1]} : vector<26x4864xf32> to vector<26x2432xf32>
    %slice3A_6 = vector.extract_strided_slice %dot_general3A_5 {offsets = [0, 2432], sizes = [26, 2432], strides = [1, 1]} : vector<26x4864xf32> to vector<26x2432xf32>
    %convert_element_type3A = arith.truncf %slice3A : vector<26x2432xf32> to vector<26x2432xbf16>
    %bitcast_convert_type3A = tpu.bitcast %convert_element_type3A : vector<26x2432xbf16> -> vector<26x2432xi16>
    %convert_element_type3A_7 = arith.extui %bitcast_convert_type3A : vector<26x2432xi16> to vector<26x2432xi32>
    %convert_element_type3A_8 = arith.truncf %slice3A_6 : vector<26x2432xf32> to vector<26x2432xbf16>
    %bitcast_convert_type3A_9 = tpu.bitcast %convert_element_type3A_8 : vector<26x2432xbf16> -> vector<26x2432xi16>
    %convert_element_type3A_10 = arith.extui %bitcast_convert_type3A_9 : vector<26x2432xi16> to vector<26x2432xi32>
    %shift_left3A = arith.constant 16 : i32
    %shift_left3A_11 = vector.broadcast %shift_left3A : i32 to vector<26x2432xi32>
    %shift_left3A_12 = arith.shli %convert_element_type3A_10, %shift_left3A_11 : vector<26x2432xi32>
    %or3A = arith.ori %shift_left3A_12, %convert_element_type3A_7 : vector<26x2432xi32>
    %bitcast_convert_type3A_13 = tpu.bitcast %or3A : vector<26x2432xi32> -> vector<26x2432xi32>
    %swap3A = arith.constant 0 : index
    %swap3A_14 = arith.constant 0 : index
    %swap3A_15 = vector.load %arg3[%swap3A, %swap3A_14] : memref<26x2432xi32, #tpu.memory_space<vmem>>, vector<26x2432xi32>
    tpu.vector_store %arg3[%swap3A, %swap3A_14], %bitcast_convert_type3A_13 {strides = array<i32>} : memref<26x2432xi32, #tpu.memory_space<vmem>>, vector<26x2432xi32>,
    return
  }
  func.func @transform_0(%arg0: i32) -> (i32, i32) {
    %c0_i32 = arith.constant 0 : i32
    %c0_i32_0 = arith.constant 0 : i32
    %c0_i32_1 = arith.constant 0 : i32
    return %c0_i32, %c0_i32_0 : i32, i32
  }
  func.func @transform_1(%arg0: i32) -> (i32, i32) {
    %c0_i32 = arith.constant 0 : i32
    %c0_i32_0 = arith.constant 0 : i32
    %c0_i32_1 = arith.constant 0 : i32
    return %c0_i32, %c0_i32_0 : i32, i32
  }
  func.func @transform_2(%arg0: i32) -> (i32, i32) {
    %c0_i32 = arith.constant 0 : i32
    %c0_i32_0 = arith.constant 0 : i32
    %c0_i32_1 = arith.constant 0 : i32
    return %c0_i32, %c0_i32_0 : i32, i32
  }
}

module attributes {stable_mosaic.version = 14 : i64} {
  func.func @_mlp_body(%arg0: i32, %arg1: memref<13x8192xf32, #tpu.memory_space<vmem>>, %arg2: memref<13x256xf32, #tpu.memory_space<vmem>>, %arg3: memref<256x256xf32, #tpu.memory_space<vmem>>, %arg4: memref<256x256xf32, #tpu.memory_space<vmem>>, %arg5: memref<256x1xf32, #tpu.memory_space<vmem>>, %arg6: memref<8192xf32, #tpu.memory_space<vmem>>) attributes {dimension_semantics = [#tpu.dimension_semantics<arbitrary>], iteration_bounds = array<i64: 2>, scalar_prefetch = 0 : i64, scratch_operands = 0 : i64, tpu.core_type = #tpu.core_type<tc>, window_params = [{transform_indices = @transform_0, window_bounds = array<i64: 13, 8192>}, {pipeline_mode = #tpu.pipeline_mode<synchronous>, transform_indices = @transform_1, window_bounds = array<i64: 13, 256>}, {pipeline_mode = #tpu.pipeline_mode<synchronous>, transform_indices = @transform_2, window_bounds = array<i64: 256, 256>}, {pipeline_mode = #tpu.pipeline_mode<synchronous>, transform_indices = @transform_3, window_bounds = array<i64: 256, 256>}, {pipeline_mode = #tpu.pipeline_mode<synchronous>, transform_indices = @transform_4, window_bounds = array<i64: 256, 1>}, {transform_indices = @transform_5, window_bounds = array<i64: 8192>}]} {
    %get3A = arith.constant 0 : index
    %get3A_0 = arith.constant 0 : index
    %get3A_1 = vector.load %arg4[%get3A, %get3A_0] : memref<256x256xf32, #tpu.memory_space<vmem>>, vector<256x256xf32>
    %get3A_2 = arith.constant 0 : index
    %get3A_3 = arith.constant 0 : index
    %get3A_4 = vector.load %arg5[%get3A_2, %get3A_3] : memref<256x1xf32, #tpu.memory_space<vmem>>, vector<256x1xf32>
    %dot_general3A = arith.constant dense<0.000000e+00> : vector<256x1xf32>
    %dot_general3A_5 = tpu.matmul %get3A_1, %get3A_4, %dot_general3A {dimension_numbers = #tpu.dot_dimension_numbers<[1], [0], [0], [1], [0, 0, 1, 1], [], []>, transpose_lhs_hint = false} : vector<256x256xf32>, vector<256x1xf32>, vector<256x1xf32> -> vector<256x1xf32>
    %get3A_6 = arith.constant 0 : index
    %get3A_7 = arith.constant 0 : index
    %get3A_8 = vector.load %arg2[%get3A_6, %get3A_7] : memref<13x256xf32, #tpu.memory_space<vmem>>, vector<13x256xf32>
    %get3A_9 = arith.constant 0 : index
    %get3A_10 = arith.constant 0 : index
    %get3A_11 = vector.load %arg1[%get3A_9, %get3A_10] : memref<13x8192xf32, #tpu.memory_space<vmem>>, vector<13x8192xf32>
    %dot_general3A_12 = arith.constant dense<0.000000e+00> : vector<256x8192xf32>
    %dot_general3A_13 = tpu.matmul %get3A_8, %get3A_11, %dot_general3A_12 {dimension_numbers = #tpu.dot_dimension_numbers<[0], [0], [1], [1], [0, 1, 1, 1], [], []>, transpose_lhs_hint = true} : vector<13x256xf32>, vector<13x8192xf32>, vector<256x8192xf32> -> vector<256x8192xf32>
    %max3A = arith.constant 0.000000e+00 : f32
    %max3A_14 = vector.broadcast %max3A : f32 to vector<256x8192xf32>
    %max3A_15 = arith.maximumf %dot_general3A_13, %max3A_14 : vector<256x8192xf32>
    %get3A_16 = arith.constant 0 : index
    %get3A_17 = arith.constant 0 : index
    %get3A_18 = vector.load %arg3[%get3A_16, %get3A_17] : memref<256x256xf32, #tpu.memory_space<vmem>>, vector<256x256xf32>
    %dot_general3A_19 = arith.constant dense<0.000000e+00> : vector<256x8192xf32>
    %dot_general3A_20 = tpu.matmul %get3A_18, %max3A_15, %dot_general3A_19 {dimension_numbers = #tpu.dot_dimension_numbers<[0], [0], [1], [1], [0, 1, 1, 1], [], []>, transpose_lhs_hint = true} : vector<256x256xf32>, vector<256x8192xf32>, vector<256x8192xf32> -> vector<256x8192xf32>
    %max3A_21 = arith.constant 0.000000e+00 : f32
    %max3A_22 = vector.broadcast %max3A_21 : f32 to vector<256x8192xf32>
    %max3A_23 = arith.maximumf %dot_general3A_20, %max3A_22 : vector<256x8192xf32>
    %mul3A = vector.broadcast %dot_general3A_5 : vector<256x1xf32> to vector<256x8192xf32>
    %mul3A_24 = arith.mulf %max3A_23, %mul3A : vector<256x8192xf32>
    %reduce_sum3A = arith.constant dense<0.000000e+00> : vector<8192xf32>
    %reduce_sum3A_25 = vector.multi_reduction <add>, %mul3A_24, %reduce_sum3A [0] : vector<256x8192xf32> to vector<8192xf32>
    %swap3A = arith.constant 0 : index
    %swap3A_26 = vector.load %arg6[%swap3A] : memref<8192xf32, #tpu.memory_space<vmem>>, vector<8192xf32>
    tpu.vector_store %arg6[%swap3A], %reduce_sum3A_25 {strides = array<i32>} : memref<8192xf32, #tpu.memory_space<vmem>>, vector<8192xf32>,
    return
  }
  func.func @transform_0(%arg0: i32) -> (i32, i32) {
    %c0_i32 = arith.constant 0 : i32
    %c0_i32_0 = arith.constant 0 : i32
    return %c0_i32, %arg0 : i32, i32
  }
  func.func @transform_1(%arg0: i32) -> (i32, i32) {
    %c0_i32 = arith.constant 0 : i32
    %c0_i32_0 = arith.constant 0 : i32
    %c0_i32_1 = arith.constant 0 : i32
    return %c0_i32, %c0_i32_0 : i32, i32
  }
  func.func @transform_2(%arg0: i32) -> (i32, i32) {
    %c0_i32 = arith.constant 0 : i32
    %c0_i32_0 = arith.constant 0 : i32
    %c0_i32_1 = arith.constant 0 : i32
    return %c0_i32, %c0_i32_0 : i32, i32
  }
  func.func @transform_3(%arg0: i32) -> (i32, i32) {
    %c0_i32 = arith.constant 0 : i32
    %c0_i32_0 = arith.constant 0 : i32
    %c0_i32_1 = arith.constant 0 : i32
    return %c0_i32, %c0_i32_0 : i32, i32
  }
  func.func @transform_4(%arg0: i32) -> (i32, i32) {
    %c0_i32 = arith.constant 0 : i32
    %c0_i32_0 = arith.constant 0 : i32
    %c0_i32_1 = arith.constant 0 : i32
    return %c0_i32, %c0_i32_0 : i32, i32
  }
  func.func @transform_5(%arg0: i32) -> i32 {
    %c0_i32 = arith.constant 0 : i32
    return %arg0 : i32
  }
}

module attributes {stable_mosaic.version = 14 : i64} {
  func.func @_combine_body(%arg0: i32, %arg1: memref<16384xf32, #tpu.memory_space<vmem>>, %arg2: memref<16384xf32, #tpu.memory_space<vmem>>, %arg3: memref<16384xf32, #tpu.memory_space<vmem>>) attributes {dimension_semantics = [#tpu.dimension_semantics<arbitrary>], iteration_bounds = array<i64: 1>, scalar_prefetch = 0 : i64, scratch_operands = 0 : i64, tpu.core_type = #tpu.core_type<tc>, window_params = [{pipeline_mode = #tpu.pipeline_mode<synchronous>, transform_indices = @transform_0, window_bounds = array<i64: 16384>}, {pipeline_mode = #tpu.pipeline_mode<synchronous>, transform_indices = @transform_1, window_bounds = array<i64: 16384>}, {pipeline_mode = #tpu.pipeline_mode<synchronous>, transform_indices = @transform_2, window_bounds = array<i64: 16384>}]} {
    %get3A = arith.constant 0 : index
    %get3A_0 = vector.load %arg1[%get3A] : memref<16384xf32, #tpu.memory_space<vmem>>, vector<16384xf32>
    %get3A_1 = arith.constant 0 : index
    %get3A_2 = vector.load %arg2[%get3A_1] : memref<16384xf32, #tpu.memory_space<vmem>>, vector<16384xf32>
    %add3A = arith.addf %get3A_0, %get3A_2 : vector<16384xf32>
    %logistic3A = arith.negf %add3A : vector<16384xf32>
    %logistic3A_3 = math.exp %logistic3A : vector<16384xf32>
    %logistic3A_4 = arith.constant 1.000000e+00 : f32
    %logistic3A_5 = vector.broadcast %logistic3A_4 : f32 to vector<16384xf32>
    %logistic3A_6 = arith.addf %logistic3A_5, %logistic3A_3 : vector<16384xf32>
    %logistic3A_7 = arith.divf %logistic3A_5, %logistic3A_6 : vector<16384xf32>
    %swap3A = arith.constant 0 : index
    %swap3A_8 = vector.load %arg3[%swap3A] : memref<16384xf32, #tpu.memory_space<vmem>>, vector<16384xf32>
    tpu.vector_store %arg3[%swap3A], %logistic3A_7 {strides = array<i32>} : memref<16384xf32, #tpu.memory_space<vmem>>, vector<16384xf32>,
    return
  }
  func.func @transform_0(%arg0: i32) -> i32 {
    %c0_i32 = arith.constant 0 : i32
    %c0_i32_0 = arith.constant 0 : i32
    return %c0_i32 : i32
  }
  func.func @transform_1(%arg0: i32) -> i32 {
    %c0_i32 = arith.constant 0 : i32
    %c0_i32_0 = arith.constant 0 : i32
    return %c0_i32 : i32
  }
  func.func @transform_2(%arg0: i32) -> i32 {
    %c0_i32 = arith.constant 0 : i32
    %c0_i32_0 = arith.constant 0 : i32
    return %c0_i32 : i32
  }
}

</mosaic_0001>

<sc_bundles>
// kernel: kernel.6.cloned.1.call-start
scs
__scs_entry_jumppad:
0x0: {  	(pc) =	sbr.rel $0x88, $3  }
0x1: {  	(tag) =	ssettag $0x0;
	lr =	simm.s32 $0x1  }
0x2: {  	[smem:$0x3F9A] =	sst lr;
	_ =	strace $0xD0000000  }
0x3: {  	_ = 	snop  }
0x4: {  	_ = 	snop  }
0x5: {  	_ = 	snop  }
0x6: {  	_ = 	snop  }
0x7: {  	_ = 	snop  }
__scs_overlays_trampoline_lowered:
0x8: {  	[smem:$0x3FA9] =	sst s0  }
0x9: {  	[smem:$0x3FAA] =	sst s1  }
0xa: {  	[smem:$0x3FAB] =	sst s2  }
0xb: {  	[smem:$0x3FAC] =	sst s3  }
0xc: {  	[smem:$0x3FAD] =	sst s4  }
0xd: {  	[smem:$0x3FAE] =	sst s5  }
0xe: {  	[smem:$0x3FAF] =	sst s6  }
0xf: {  	[smem:$0x3FB0] =	sst s7  }
0x10: {  	[smem:$0x3FB1] =	sst s8  }
0x11: {  	[smem:$0x3FB2] =	sst s9;
	s0 =	simm.s32 @!p0 $0x0  }
0x12: {  	s1 =	sld [smem:$0x3F98];
	s0 =	simm.s32 @p0 $0x1  }
0x13: {  	[smem:$0x3FB3] =	sst s0;
	s0 =	simm.s32 @!p1 $0x0  }
0x14: {  	s2 =	sld [smem:$0x3F97];
	s0 =	simm.s32 @p1 $0x1  }
0x15: {  	[smem:$0x3FB4] =	sst s0;
	s0 =	simm.s32 @!p2 $0x0  }
0x16: {  	s3 =	sld [smem:$0x3FDB];
	s0 =	simm.s32 @p2 $0x1  }
0x17: {  	s4 =	simm.s32 $0x1BF5;
	[smem:$0x3FB6] =	sst s0  }
0x18: {  	s0 =	sld [smem:$0x3F99];
	_ =	swait.ge [sflag:s4], $0x0  }
0x19: {  	s7 =	sld [smem:$0x3F9A]  }
0x1a: {  	s8 =	sadd.s32 $0xFFFFE003, lr  }
0x1b: {  	s9 =	sadd.s32 $0xFFFFFEF7, lr;
	s5 =	simm.s32 $0xFFFFFFFF;
	p2 =	slt.u32 s8, $0xFFFFF086  }
0x1c: {  	p1 =	slt.u32 s9, $0xF7A;
	s5 =	simm.s32 @!p2 $0x0  }
0x1d: {  	s5 =	simm.s32 @p1 $0x1;
	p0 =	seq.s32 s7, s2  }
0x1e: {  	s7 =	smul.u32 @!p0 $0xF7A, s2;
	p2 =	seq.s32 @!p0 s5, $0x0  }
0x1f: {  	s9 =	smul.u32 $0xF7A, s1;
	s8 =	simm.s32 @!p0 $0x1BF5;
	p2 =	por !p2, p0  }
0x20: {  	[sflag:s8] =	ssyncset.s32 @!p0 $0xFFFFF086;
	s6 =	sadd.s32 @!p0 s3, s7;
	s7 =	simm.s32 @!p0 $0x108  }
0x21: {  	s3 =	sadd.s32 s3, s9;
	s6 =	sadd.s32 @!p0 $0x88, s6;
	s7 =	simm.s32 @p2 $0x1082  }
0x22: {  	[simem:s7], [sflag:s8] =	dma.local @!p0 [hbm:s6], $0xF7A  }
0x23: {  	s9 =	sor.u32 $0xD0000000, s2;
	s6 =	simm.s32 $0x108;
	_ =	swait.ge @!p0 [sflag:s8], $0x0  }
0x24: {  	s3 =	sadd.s32 $0x88, s3;
	s6 =	simm.s32 @!p1 $0x1082;
	[sflag:s4] =	ssyncset.s32 $0xFFFFF086  }
0x25: {  	[simem:s6], [sflag:s4] =	dma.local [hbm:s3], $0xF7A  }
0x26: {  	[smem:$0x3F9A] =	sst s1;
	(tag) =	ssettag s2;
	_ =	strace s9  }
0x27: {  	s1 =	sld [smem:$0x3FAA]  }
0x28: {  	s2 =	sld [smem:$0x3FAB]  }
0x29: {  	s4 =	sld [smem:$0x3FAD]  }
0x2a: {  	p0 =	seq.s32 s5, $0x0;
	s5 =	sld [smem:$0x3FAE]  }
0x2b: {  	s6 =	sld [smem:$0x3FAF]  }
0x2c: {  	s7 =	sld [smem:$0x3FB0]  }
0x2d: {  	s3 =	simm.s32 $0x108;
	s8 =	sld [smem:$0x3FB1]  }
0x2e: {  	s3 =	simm.s32 @!p0 $0x1082;
	s9 =	sld [smem:$0x3FB2]  }
0x2f: {  	lr =	sadd.s32 s0, s3;
	s0 =	sld [smem:$0x3FA9]  }
0x30: {  	s3 =	sld [smem:$0x3FAC]  }
0x31: {  	[smem:$0x3FB5] =	sst s10  }
0x32: {  	s10 =	sld [smem:$0x3FB3];
	_ =	sdelay $0x3  }
0x33: {  	p0 =	seq.s32 s10, $0x1;
	s10 =	sld [smem:$0x3FB5];
	_ =	sdelay $0x3  }
0x34: {  	[smem:$0x3FB5] =	sst s10  }
0x35: {  	s10 =	sld [smem:$0x3FB4];
	_ =	sdelay $0x3  }
0x36: {  	p1 =	seq.s32 s10, $0x1;
	s10 =	sld [smem:$0x3FB5];
	_ =	sdelay $0x3  }
0x37: {  	[smem:$0x3FB5] =	sst s10  }
0x38: {  	s10 =	sld [smem:$0x3FB6]  }
0x39: {  	_ = 	snop;
	(pc) =	sbr.ind lr, $3  }
0x3a: {  	_ = 	snop  }
0x3b: {  	_ = 	snop  }
0x3c: {  	p2 =	seq.s32 s10, $0x1;
	s10 =	sld [smem:$0x3FB5]  }
0x3d: {  	_ =	shalt  }
0x3e: {  	_ =	shalt  }
0x3f: {  	_ =	shalt  }
0x40: {  	_ =	shalt  }
0x41: {  	_ =	shalt  }
0x42: {  	_ =	shalt  }
0x43: {  	_ =	shalt  }
0x44: {  	_ =	shalt  }
0x45: {  	_ =	shalt  }
0x46: {  	_ =	shalt  }
0x47: {  	_ =	shalt  }
0x48: {  	_ =	shalt  }
0x49: {  	_ =	shalt  }
0x4a: {  	_ =	shalt  }
0x4b: {  	_ =	shalt  }
0x4c: {  	_ =	shalt  }
0x4d: {  	_ =	shalt  }
0x4e: {  	_ =	shalt  }
0x4f: {  	_ =	shalt  }
0x50: {  	_ =	shalt  }
0x51: {  	_ =	shalt  }
0x52: {  	_ =	shalt  }
0x53: {  	_ =	shalt  }
0x54: {  	_ =	shalt  }
0x55: {  	_ =	shalt  }
0x56: {  	_ =	shalt  }
0x57: {  	_ =	shalt  }
0x58: {  	_ =	shalt  }
0x59: {  	_ =	shalt  }
0x5a: {  	_ =	shalt  }
0x5b: {  	_ =	shalt  }
0x5c: {  	_ =	shalt  }
0x5d: {  	_ =	shalt  }
0x5e: {  	_ =	shalt  }
0x5f: {  	_ =	shalt  }
0x60: {  	_ =	shalt  }
0x61: {  	_ =	shalt  }
0x62: {  	_ =	shalt  }
0x63: {  	_ =	shalt  }
0x64: {  	_ =	shalt  }
0x65: {  	_ =	shalt  }
0x66: {  	_ =	shalt  }
0x67: {  	_ =	shalt  }
0x68: {  	_ =	shalt  }
0x69: {  	_ =	shalt  }
0x6a: {  	_ =	shalt  }
0x6b: {  	_ =	shalt  }
0x6c: {  	_ =	shalt  }
0x6d: {  	_ =	shalt  }
0x6e: {  	_ =	shalt  }
0x6f: {  	_ =	shalt  }
0x70: {  	_ =	shalt  }
0x71: {  	_ =	shalt  }
0x72: {  	_ =	shalt  }
0x73: {  	_ =	shalt  }
0x74: {  	_ =	shalt  }
0x75: {  	_ =	shalt  }
0x76: {  	_ =	shalt  }
0x77: {  	_ =	shalt  }
0x78: {  	_ =	shalt  }
0x79: {  	_ =	shalt  }
0x7a: {  	_ =	shalt  }
0x7b: {  	_ =	shalt  }
0x7c: {  	_ =	shalt  }
0x7d: {  	_ =	shalt  }
0x7e: {  	_ =	shalt  }
0x7f: {  	_ =	shalt  }
0x80: {  	_ =	shalt  }
0x81: {  	_ =	shalt  }
0x82: {  	_ =	shalt  }
0x83: {  	_ =	shalt  }
0x84: {  	_ =	shalt  }
0x85: {  	_ =	shalt  }
0x86: {  	_ =	shalt  }
0x87: {  	_ =	shalt  }
.Lfunc_end0:
.L_simem_size_0:
called_computation_lowered:
.L_overlay_start_0:
0x88: {  	s2 =	sld [smem:$0x3FD9]  }
0x89: {  	s3 =	sld [smem:$0x3FFE];
	_ =	sdelay $0x1  }
0x8a: {  	s1 =	srdreg.scid  }
0x8b: {  	s0 =	sand.u32 $0x1, s1  }
0x8c: {  	s17 =	sshll.u32 s0, $0xA;
	s2 =	sadd.s32 s3, s2  }
0x8d: {  	s2 =	sadd.s32 s2, s17  }
0x8e: {  	[smem:$0x3FC1] =	sst s2  }
0x8f: {  	_ = 	snop  }
0x90: {  	s2 =	sld [smem:$0x3FD0];
	(tm) =	ssettm $0x1  }
0x91: {  	s18 =	sld [smem:$0x3FFB];
	_ =	sdelay $0x3  }
0x92: {  	_ =	strace s18  }
0x93: {  	s3 =	sld [smem:$0x3FFC];
	_ =	sdelay $0x3  }
0x94: {  	_ =	strace s3  }
0x95: {  	s3 =	sld [smem:$0x3FFD];
	_ =	sdelay $0x3  }
0x96: {  	_ =	strace s3  }
0x97: {  	_ =	strace $0x8FFFFFFF  }
0x98: {  	s19 =	sld [smem:$0x3FDB];
	_ =	sdelay $0x1  }
0x99: {  	s4 =	simm.s32 $_scs_section_size  }
0x9a: {  	s5 =	simm.s32 $_size__tile_overlayer_lowered;
	s6 =	simm.s32 $_tile_overlayer_lowered  }
0x9b: {  	s22 =	simm.s32 $0x1BFF;
	s21 =	sshll.u32 s6, $0x1;
	s3 =	sadd.s32 s4, s19  }
0x9c: {  	s7 =	simm.s32 $0x0;
	s20 =	sshll.u32 s5, $0x1;
	s5 =	sadd.s32 s21, s3  }
0x9d: {  	[timem:s7], [sflag:s22] =	dma.local [hbm:s5], s20  }
0x9e: {  	_ =	swait.ge [sflag:s22], s20  }
0x9f: {  	s4 =	ssub.s32 $0x0, s20;
	[sflag:s22] =	ssyncset.done $0x0  }
0xa0: {  	[sflag:s22] =	ssyncadd.s32 s4;
	_ =	sdelay $0x1  }
0xa1: {  	s23 =	simm.s32 $0x1B8B  }
0xa2: {  	_ =	swait.ge [sflag:s23], $0x1  }
0xa3: {  	[sflag:s23] =	ssyncset.done $0x0  }
0xa4: {  	s25 =	simm.s32 $0x1B8E;
	s24 =	sld [smem:$0x3FFE];
	[sflag:s23] =	ssyncadd.s32 $0xFFFFFFFF  }
0xa5: {  	s26 =	simm.s32 $execute0_lowered;
	[smem:$0x3FD2] =	sst s25  }
0xa6: {  	s5 =	sshll.u32 s26, $0x1;
	_ =	strace $0x80000046;
	[dreg:$0x1] =	wrdreg $0xFFFFFFFF  }
0xa7: {  	s28 =	simm.s32 $_size_execute0_lowered;
	s3 =	sadd.s32 s3, s5;
	[dreg:$0x0] =	wrdreg $0x0  }
0xa8: {  	s5 =	sshll.u32 s28, $0x1;
	[dreg:$0x2] =	wrdreg s3  }
0xa9: {  	[dreg:$0x3] =	wrdreg s5  }
0xaa: {  	[dreg:$0x4] =	wrdreg $0xC0  }
0xab: {  	_ =	task [dreg:s7], $0x5FFFF  }
0xac: {  	[dreg:$0x1] =	wrdreg $0xFFFFFFFF  }
0xad: {  	[dreg:$0x0] =	wrdreg $0x60  }
0xae: {  	[dreg:$0x2] =	wrdreg s24  }
0xaf: {  	[dreg:$0x3] =	wrdreg s2  }
0xb0: {  	[dreg:$0x4] =	wrdreg $0x9  }
0xb1: {  	_ =	task.clear_ibuf [dreg:s7], $0x5FFFF;
	_ =	strace $0x90000046  }
0xb2: {  	s29 =	simm.s32 $0x9;
	_ =	strace $0x80000048  }
0xb3: {  	_ =	swait.ge [sflag:s29], $0x1  }
0xb4: {  	[sflag:s29] =	ssyncadd.s32 $0xFFFFFFFF  }
0xb5: {  	_ =	strace $0x90000048  }
0xb6: {  	_ =	sfence  }
0xb7: {  	s30 =	sld [smem:$0x0];
	_ =	sdelay $0x2  }
0xb8: {  	s31 =	sshll.u32 s1, $0xD;
	s1 =	sshrl.u32 s1, $0x2  }
0xb9: {  	s3 =	sand.u32 $0x4000, s31;
	s1 =	sadd.s32 s1, s30  }
0xba: {  	s0 =	sor.u32 s3, s0;
	s1 =	sshll.u32 s1, $0x11  }
0xbb: {  	s0 =	sor.u32 s1, s0  }
0xbc: {  	s0 =	sadd.s32 $0x8F2B, s0  }
0xbd: {  	[sflag:s0] =	ssyncadd.remote.s32 $0x1  }
0xbe: {  	_ =	sfence.sel $0xFFFF  }
0xbf: {  	[dreg:$0x0] =	wrdreg $0xFFFFFFFF;
	(pc) =	sbr.abs _section_cstart, $3  }
0xc0: {  	[dreg:$0x1] =	wrdreg $0xFFFFFFFF  }
0xc1: {  	_ =	task.clear_ibuf [dreg:s7], $0x2FFFF;
	_ =	strace $0x9FFFFFFF  }
0xc2: {  	(tm) =	ssettm $0x7FFFFFFF  }
0xc3: {  	_ =	shalt  }
tec
execute0_lowered:
.L_overlay_start_1:
0x0: {  	(tag) =	ssettag $0x1  }
0x1: {  	s1 =	srdreg.scid  }
0x2: {  	s3 =	stileid.u32;
	s1 =	sand.u32 $0x1, s1  }
0x3: {  	s25 =	rddreg [dreg:$0x0];
	s3 =	sshll.u32 s3, $0x7;
	s4 =	sshll.u32 s1, $0x6  }
0x4: {  	s0 =	rddreg [dreg:$0x1];
	s2 =	simm.s32 $0x0;
	s3 =	sor.u32 s4, s3  }
0x5: {  	[smem:$0x7FF] =	sst s2;
	s4 =	sadd.s32 s3, s25;
	s0 =	sadd.s32 s0, s3  }
0x6: {  	_ =	strace $0x80000047;
	s15 =	sadd.s32 $0x3200, s4;
	[dreg:$0x15] =	wrdreg s0  }
0x7: {  	s16 =	sadd.s32 $0x3A00, s4;
	[dreg:$0x3] =	wrdreg s15  }
0x8: {  	s17 =	sadd.s32 $0x4200, s4;
	[dreg:$0x4] =	wrdreg s16  }
0x9: {  	s18 =	sadd.s32 $0x4A00, s4;
	[dreg:$0x5] =	wrdreg s17  }
0xa: {  	s19 =	sadd.s32 $0x5200, s4;
	[dreg:$0x6] =	wrdreg s18  }
0xb: {  	s20 =	sadd.s32 $0x5A00, s4;
	[dreg:$0x7] =	wrdreg s19  }
0xc: {  	s21 =	sadd.s32 $0x6200, s4;
	[dreg:$0x8] =	wrdreg s20  }
0xd: {  	s22 =	sadd.s32 $0x6A00, s4;
	[dreg:$0x9] =	wrdreg s21  }
0xe: {  	s23 =	sadd.s32 $0x7200, s4;
	[dreg:$0xa] =	wrdreg s22  }
0xf: {  	s24 =	sadd.s32 $0x7A00, s4;
	[dreg:$0xb] =	wrdreg s23  }
0x10: {  	s26 =	sadd.s32 $0x8200, s4;
	[dreg:$0xc] =	wrdreg s24  }
0x11: {  	s6 =	sadd.s32 $0x8A00, s4;
	[dreg:$0xd] =	wrdreg s26  }
0x12: {  	s7 =	sadd.s32 $0x9200, s4;
	[dreg:$0xe] =	wrdreg s6  }
0x13: {  	s8 =	sadd.s32 $0x9A00, s4;
	[dreg:$0xf] =	wrdreg s7  }
0x14: {  	s9 =	sadd.s32 $0xA200, s4;
	[dreg:$0x10] =	wrdreg s8  }
0x15: {  	s10 =	sadd.s32 $0xAA00, s4;
	[dreg:$0x11] =	wrdreg s9  }
0x16: {  	s28 =	simm.s32 $0x2;
	s11 =	sadd.s32 $0xB200, s4;
	[dreg:$0x12] =	wrdreg s10  }
0x17: {  	s29 =	simm.s32 $0x1;
	s12 =	sadd.s32 $0xBA00, s4;
	[dreg:$0x13] =	wrdreg s11  }
0x18: {  	s30 =	simm.s32 $0x3;
	s13 =	sadd.s32 $0xC200, s4;
	[dreg:$0x14] =	wrdreg s12  }
0x19: {  	s31 =	simm.s32 $0x0;
	s14 =	sadd.s32 $0xCA00, s4;
	[dreg:$0x16] =	wrdreg s13  }
0x1a: {  	s1 =	ssub.s32 $0x2, s1;
	[dreg:$0x17] =	wrdreg s14;
	s15 =	sadd.s32 $0xD200, s4  }
0x1b: {  	s5 =	sshrl.u32 s1, $0x1;
	s16 =	sadd.s32 $0xDA00, s4;
	[dreg:$0x18] =	wrdreg s15  }
0x1c: {  	s1 =	ssub.s32 s1, s5;
	s17 =	sadd.s32 $0xE200, s4;
	[dreg:$0x19] =	wrdreg s16  }
0x1d: {  	s5 =	sadd.s32 $0x17F0, s25;
	s18 =	sadd.s32 $0xEA00, s4;
	[dreg:$0x1a] =	wrdreg s17  }
0x1e: {  	s19 =	sadd.s32 $0xF200, s4;
	s20 =	sadd.s32 $0xFA00, s4;
	[dreg:$0x1b] =	wrdreg s18  }
0x1f: {  	s21 =	sadd.s32 $0x1200, s25;
	s22 =	sadd.s32 $0x1330, s25;
	[dreg:$0x1c] =	wrdreg s19  }
0x20: {  	s23 =	sadd.s32 $0x1460, s25;
	s24 =	sadd.s32 $0x1590, s25;
	[dreg:$0x1d] =	wrdreg s20  }
0x21: {  	s26 =	sadd.s32 $0x16C0, s25;
	s6 =	sadd.s32 $0x1920, s25;
	[dreg:$0x1e] =	wrdreg s21  }
0x22: {  	s7 =	sadd.s32 $0x1A50, s25;
	s8 =	sadd.s32 $0x1B80, s25;
	[dreg:$0x1f] =	wrdreg s22  }
0x23: {  	s9 =	sadd.s32 $0x1CB0, s25;
	s10 =	sadd.s32 $0x1DE0, s25;
	[smem:$0x7FB] =	sst s23  }
0x24: {  	s11 =	sadd.s32 $0x1F10, s25;
	s12 =	sadd.s32 $0x2040, s25;
	[smem:$0x7FC] =	sst s24  }
0x25: {  	s13 =	sadd.s32 $0x2170, s25;
	s14 =	sadd.s32 $0x22A0, s25;
	[smem:$0x7FD] =	sst s26  }
0x26: {  	s15 =	sadd.s32 $0x23D0, s25;
	s16 =	sadd.s32 $0x2500, s25;
	s17 =	sadd.s32 $0x2630, s25  }
0x27: {  	s18 =	sadd.s32 $0x2760, s25;
	s19 =	sadd.s32 $0x2890, s25;
	s20 =	sadd.s32 $0x29C0, s25  }
0x28: {  	s21 =	sadd.s32 $0x2AF0, s25;
	s22 =	sadd.s32 $0x2C20, s25;
	s23 =	sadd.s32 $0x2D50, s25  }
0x29: {  	s24 =	sadd.s32 $0x2E80, s25;
	s25 =	sadd.s32 $0x2FB0, s25;
	s26 =	smax.u32 s1, $0x1  }
.LBB2_1:
0x2a: {  	s0 =	rddreg [dreg:$0x3];
	s1 =	simm.s32 $0xF700  }
0x2b: {  	[tilespmem:s1], [sflag:$0x2] =	stream.linear.gather [hbm4b:s0+s2], $0x200, $0x38;
	[tilespmem:$0x12D00] =	vst v63  }
0x2c: {  	s3 =	rddreg [dreg:$0x4];
	s4 =	simm.s32 $0xF900  }
0x2d: {  	[tilespmem:s4], [sflag:$0x2] =	stream.linear.gather [hbm4b:s3+s2], $0x200, $0x38;
	[tilespmem:$0x12D00] =	vst v63  }
0x2e: {  	s3 =	rddreg [dreg:$0x5];
	s4 =	simm.s32 $0xFB00  }
0x2f: {  	[tilespmem:s4], [sflag:$0x2] =	stream.linear.gather [hbm4b:s3+s2], $0x200, $0x38;
	[tilespmem:$0x12D00] =	vst v63  }
0x30: {  	s3 =	rddreg [dreg:$0x6];
	s4 =	simm.s32 $0xFD00  }
0x31: {  	[tilespmem:s4], [sflag:$0x2] =	stream.linear.gather [hbm4b:s3+s2], $0x200, $0x38;
	[tilespmem:$0x12D00] =	vst v63  }
0x32: {  	s3 =	rddreg [dreg:$0x7];
	s4 =	simm.s32 $0xFF00  }
0x33: {  	[tilespmem:s4], [sflag:$0x2] =	stream.linear.gather [hbm4b:s3+s2], $0x200, $0x38;
	[tilespmem:$0x12D00] =	vst v63  }
0x34: {  	s3 =	rddreg [dreg:$0x8];
	s4 =	simm.s32 $0x10100  }
0x35: {  	[tilespmem:s4], [sflag:$0x2] =	stream.linear.gather [hbm4b:s3+s2], $0x200, $0x38;
	[tilespmem:$0x12D00] =	vst v63  }
0x36: {  	s3 =	rddreg [dreg:$0x9];
	s4 =	simm.s32 $0x10300  }
0x37: {  	[tilespmem:s4], [sflag:$0x2] =	stream.linear.gather [hbm4b:s3+s2], $0x200, $0x38;
	[tilespmem:$0x12D00] =	vst v63  }
0x38: {  	s3 =	rddreg [dreg:$0xa];
	s4 =	simm.s32 $0x10500  }
0x39: {  	[tilespmem:s4], [sflag:$0x2] =	stream.linear.gather [hbm4b:s3+s2], $0x200, $0x38;
	[tilespmem:$0x12D00] =	vst v63  }
0x3a: {  	s3 =	rddreg [dreg:$0xb];
	s4 =	simm.s32 $0x10700  }
0x3b: {  	[tilespmem:s4], [sflag:$0x2] =	stream.linear.gather [hbm4b:s3+s2], $0x200, $0x38;
	[tilespmem:$0x12D00] =	vst v63  }
0x3c: {  	s3 =	rddreg [dreg:$0xc];
	s4 =	simm.s32 $0x10900  }
0x3d: {  	[tilespmem:s4], [sflag:$0x2] =	stream.linear.gather [hbm4b:s3+s2], $0x200, $0x38;
	[tilespmem:$0x12D00] =	vst v63  }
0x3e: {  	s3 =	rddreg [dreg:$0xd];
	s4 =	simm.s32 $0x10B00  }
0x3f: {  	[tilespmem:s4], [sflag:$0x2] =	stream.linear.gather [hbm4b:s3+s2], $0x200, $0x38;
	[tilespmem:$0x12D00] =	vst v63  }
0x40: {  	s3 =	rddreg [dreg:$0xe];
	s4 =	simm.s32 $0x10D00  }
0x41: {  	[tilespmem:s4], [sflag:$0x2] =	stream.linear.gather [hbm4b:s3+s2], $0x200, $0x38;
	[tilespmem:$0x12D00] =	vst v63  }
0x42: {  	s3 =	rddreg [dreg:$0xf];
	s4 =	simm.s32 $0x10F00  }
0x43: {  	[tilespmem:s4], [sflag:$0x2] =	stream.linear.gather [hbm4b:s3+s2], $0x200, $0x38;
	[tilespmem:$0x12D00] =	vst v63  }
0x44: {  	s3 =	rddreg [dreg:$0x10];
	s4 =	simm.s32 $0x11100  }
0x45: {  	[tilespmem:s4], [sflag:$0x2] =	stream.linear.gather [hbm4b:s3+s2], $0x200, $0x38;
	[tilespmem:$0x12D00] =	vst v63  }
0x46: {  	s3 =	rddreg [dreg:$0x11];
	s4 =	simm.s32 $0x11300  }
0x47: {  	[tilespmem:s4], [sflag:$0x2] =	stream.linear.gather [hbm4b:s3+s2], $0x200, $0x38;
	[tilespmem:$0x12D00] =	vst v63  }
0x48: {  	s3 =	rddreg [dreg:$0x12];
	s4 =	simm.s32 $0x11500  }
0x49: {  	[tilespmem:s4], [sflag:$0x2] =	stream.linear.gather [hbm4b:s3+s2], $0x200, $0x38;
	[tilespmem:$0x12D00] =	vst v63  }
0x4a: {  	s3 =	rddreg [dreg:$0x13];
	s4 =	simm.s32 $0x11700  }
0x4b: {  	[tilespmem:s4], [sflag:$0x2] =	stream.linear.gather [hbm4b:s3+s2], $0x200, $0x38;
	[tilespmem:$0x12D00] =	vst v63  }
0x4c: {  	s3 =	rddreg [dreg:$0x14];
	s4 =	simm.s32 $0x11900  }
0x4d: {  	[tilespmem:s4], [sflag:$0x2] =	stream.linear.gather [hbm4b:s3+s2], $0x200, $0x38;
	[tilespmem:$0x12D00] =	vst v63  }
0x4e: {  	s3 =	rddreg [dreg:$0x16];
	s4 =	simm.s32 $0x11B00  }
0x4f: {  	[tilespmem:s4], [sflag:$0x2] =	stream.linear.gather [hbm4b:s3+s2], $0x200, $0x38;
	[tilespmem:$0x12D00] =	vst v63  }
0x50: {  	s3 =	rddreg [dreg:$0x17];
	s4 =	simm.s32 $0x11D00  }
0x51: {  	[tilespmem:s4], [sflag:$0x2] =	stream.linear.gather [hbm4b:s3+s2], $0x200, $0x38;
	[tilespmem:$0x12D00] =	vst v63  }
0x52: {  	s3 =	rddreg [dreg:$0x18];
	s4 =	simm.s32 $0x11F00  }
0x53: {  	[tilespmem:s4], [sflag:$0x2] =	stream.linear.gather [hbm4b:s3+s2], $0x200, $0x38;
	[tilespmem:$0x12D00] =	vst v63  }
0x54: {  	s3 =	rddreg [dreg:$0x19];
	s4 =	simm.s32 $0x12100  }
0x55: {  	[tilespmem:s4], [sflag:$0x2] =	stream.linear.gather [hbm4b:s3+s2], $0x200, $0x38;
	[tilespmem:$0x12D00] =	vst v63  }
0x56: {  	s3 =	rddreg [dreg:$0x1a];
	s4 =	simm.s32 $0x12300  }
0x57: {  	[tilespmem:s4], [sflag:$0x2] =	stream.linear.gather [hbm4b:s3+s2], $0x200, $0x38;
	[tilespmem:$0x12D00] =	vst v63  }
0x58: {  	s3 =	rddreg [dreg:$0x1b];
	s4 =	simm.s32 $0x12500  }
0x59: {  	[tilespmem:s4], [sflag:$0x2] =	stream.linear.gather [hbm4b:s3+s2], $0x200, $0x38;
	[tilespmem:$0x12D00] =	vst v63  }
0x5a: {  	s3 =	rddreg [dreg:$0x1c];
	s4 =	simm.s32 $0x12700  }
0x5b: {  	[tilespmem:s4], [sflag:$0x2] =	stream.linear.gather [hbm4b:s3+s2], $0x200, $0x38;
	[tilespmem:$0x12D00] =	vst v63  }
0x5c: {  	s3 =	rddreg [dreg:$0x1d];
	s4 =	simm.s32 $0x12900  }
0x5d: {  	[tilespmem:s4], [sflag:$0x2] =	stream.linear.gather [hbm4b:s3+s2], $0x200, $0x38;
	[tilespmem:$0x12D00] =	vst v63  }
0x5e: {  	s1 =	rddreg [dreg:$0x1e]  }
0x5f: {  	[tilespmem:s2], [sflag:$0x1] =	stream.linear.gather [hbm4b:s1+s2], $0x980, $0x38;
	[tilespmem:$0x12D00] =	vst v63  }
0x60: {  	s3 =	rddreg [dreg:$0x1f];
	s4 =	simm.s32 $0x980  }
0x61: {  	[tilespmem:s4], [sflag:$0x1] =	stream.linear.gather [hbm4b:s3+s2], $0x980, $0x38;
	[tilespmem:$0x12D00] =	vst v63  }
0x62: {  	s3 =	sld [smem:$0x7FB];
	_ =	sdelay $0x1  }
0x63: {  	s4 =	simm.s32 $0x1300  }
0x64: {  	[tilespmem:s4], [sflag:$0x1] =	stream.linear.gather [hbm4b:s3+s2], $0x980, $0x38;
	[tilespmem:$0x12D00] =	vst v63  }
0x65: {  	s3 =	sld [smem:$0x7FC];
	_ =	sdelay $0x1  }
0x66: {  	s4 =	simm.s32 $0x1C80  }
0x67: {  	[tilespmem:s4], [sflag:$0x1] =	stream.linear.gather [hbm4b:s3+s2], $0x980, $0x38;
	[tilespmem:$0x12D00] =	vst v63  }
0x68: {  	s3 =	sld [smem:$0x7FD];
	_ =	sdelay $0x1  }
0x69: {  	s4 =	simm.s32 $0x2600  }
0x6a: {  	[tilespmem:s4], [sflag:$0x1] =	stream.linear.gather [hbm4b:s3+s2], $0x980, $0x38;
	[tilespmem:$0x12D00] =	vst v63  }
0x6b: {  	s1 =	simm.s32 $0x2F80  }
0x6c: {  	[tilespmem:s1], [sflag:$0x1] =	stream.linear.gather [hbm4b:s5+s2], $0x980, $0x38;
	[tilespmem:$0x12D00] =	vst v63  }
0x6d: {  	s3 =	simm.s32 $0x3900  }
0x6e: {  	[tilespmem:s3], [sflag:$0x1] =	stream.linear.gather [hbm4b:s6+s2], $0x980, $0x38;
	[tilespmem:$0x12D00] =	vst v63  }
0x6f: {  	s4 =	simm.s32 $0x4280  }
0x70: {  	[tilespmem:s4], [sflag:$0x1] =	stream.linear.gather [hbm4b:s7+s2], $0x980, $0x38;
	[tilespmem:$0x12D00] =	vst v63  }
0x71: {  	s1 =	simm.s32 $0x4C00  }
0x72: {  	[tilespmem:s1], [sflag:$0x1] =	stream.linear.gather [hbm4b:s8+s2], $0x980, $0x38;
	[tilespmem:$0x12D00] =	vst v63  }
0x73: {  	s3 =	simm.s32 $0x5580  }
0x74: {  	[tilespmem:s3], [sflag:$0x1] =	stream.linear.gather [hbm4b:s9+s2], $0x980, $0x38;
	[tilespmem:$0x12D00] =	vst v63  }
0x75: {  	s4 =	simm.s32 $0x5F00  }
0x76: {  	[tilespmem:s4], [sflag:$0x1] =	stream.linear.gather [hbm4b:s10+s2], $0x980, $0x38;
	[tilespmem:$0x12D00] =	vst v63  }
0x77: {  	s1 =	simm.s32 $0x6880  }
0x78: {  	[tilespmem:s1], [sflag:$0x1] =	stream.linear.gather [hbm4b:s11+s2], $0x980, $0x38;
	[tilespmem:$0x12D00] =	vst v63  }
0x79: {  	s3 =	simm.s32 $0x7200  }
0x7a: {  	[tilespmem:s3], [sflag:$0x1] =	stream.linear.gather [hbm4b:s12+s2], $0x980, $0x38;
	[tilespmem:$0x12D00] =	vst v63  }
0x7b: {  	s4 =	simm.s32 $0x7B80  }
0x7c: {  	[tilespmem:s4], [sflag:$0x1] =	stream.linear.gather [hbm4b:s13+s2], $0x980, $0x38;
	[tilespmem:$0x12D00] =	vst v63  }
0x7d: {  	s1 =	simm.s32 $0x8500  }
0x7e: {  	[tilespmem:s1], [sflag:$0x1] =	stream.linear.gather [hbm4b:s14+s2], $0x980, $0x38;
	[tilespmem:$0x12D00] =	vst v63  }
0x7f: {  	s3 =	simm.s32 $0x8E80  }
0x80: {  	[tilespmem:s3], [sflag:$0x1] =	stream.linear.gather [hbm4b:s15+s2], $0x980, $0x38;
	[tilespmem:$0x12D00] =	vst v63  }
0x81: {  	s4 =	simm.s32 $0x9800  }
0x82: {  	[tilespmem:s4], [sflag:$0x1] =	stream.linear.gather [hbm4b:s16+s2], $0x980, $0x38;
	[tilespmem:$0x12D00] =	vst v63  }
0x83: {  	s1 =	simm.s32 $0xA180  }
0x84: {  	[tilespmem:s1], [sflag:$0x1] =	stream.linear.gather [hbm4b:s17+s2], $0x980, $0x38;
	[tilespmem:$0x12D00] =	vst v63  }
0x85: {  	s3 =	simm.s32 $0xAB00  }
0x86: {  	[tilespmem:s3], [sflag:$0x1] =	stream.linear.gather [hbm4b:s18+s2], $0x980, $0x38;
	[tilespmem:$0x12D00] =	vst v63  }
0x87: {  	s4 =	simm.s32 $0xB480  }
0x88: {  	[tilespmem:s4], [sflag:$0x1] =	stream.linear.gather [hbm4b:s19+s2], $0x980, $0x38;
	[tilespmem:$0x12D00] =	vst v63  }
0x89: {  	s1 =	simm.s32 $0xBE00  }
0x8a: {  	[tilespmem:s1], [sflag:$0x1] =	stream.linear.gather [hbm4b:s20+s2], $0x980, $0x38;
	[tilespmem:$0x12D00] =	vst v63  }
0x8b: {  	s3 =	simm.s32 $0xC780  }
0x8c: {  	[tilespmem:s3], [sflag:$0x1] =	stream.linear.gather [hbm4b:s21+s2], $0x980, $0x38;
	[tilespmem:$0x12D00] =	vst v63  }
0x8d: {  	s4 =	simm.s32 $0xD100  }
0x8e: {  	[tilespmem:s4], [sflag:$0x1] =	stream.linear.gather [hbm4b:s22+s2], $0x980, $0x38;
	[tilespmem:$0x12D00] =	vst v63  }
0x8f: {  	s1 =	simm.s32 $0xDA80  }
0x90: {  	[tilespmem:s1], [sflag:$0x1] =	stream.linear.gather [hbm4b:s23+s2], $0x980, $0x38;
	[tilespmem:$0x12D00] =	vst v63  }
0x91: {  	s3 =	simm.s32 $0xE400  }
0x92: {  	[tilespmem:s3], [sflag:$0x1] =	stream.linear.gather [hbm4b:s24+s2], $0x980, $0x38;
	[tilespmem:$0x12D00] =	vst v63  }
0x93: {  	s4 =	simm.s32 $0xED80  }
0x94: {  	[tilespmem:s4], [sflag:$0x1] =	stream.linear.gather [hbm4b:s25+s2], $0x980, $0x38;
	[tilespmem:$0x12D00] =	vst v63  }
0x95: {  	_ =	swait.ge [sflag:s28], $0x200  }
0x96: {  	[sflag:s28] =	ssyncset.done $0x0  }
0x97: {  	[sflag:s28] =	ssyncadd.s32 $0xFFFFFE00  }
0x98: {  	_ =	swait.ge [sflag:s29], $0x980  }
0x99: {  	[sflag:s29] =	ssyncset.done $0x0  }
0x9a: {  	s1 =	simm.s32 $0x0;
	[sflag:s29] =	ssyncadd.s32 $0xFFFFF680  }
0x9b: {  	v0 =	vld [tilespmem:s1+$0xF700];
	_ =	sdelay $0x4  }
0x9c: {  	vm0 =	vgt.s32 v0, $0x97F;
	v1 =	vadd.s32 $0xFFFFF680, v0  }
0x9d: {  	v0 =	vsel vm0, v1, v0  }
0x9e: {  	s0 =	simm.s32 $0x10  }
0x9f: {  	v1 =	vld [tilespmem:s0+$0xF700];
	_ =	sdelay $0x2  }
0xa0: {  	v2 =	vld.idx.msk [tilespmem:v0+s2+$0x0], $0xffff;
	_ =	sdelay $0x1  }
0xa1: {  	vm1 =	vgt.s32 v1, $0x97F;
	v0 =	vadd.s32 $0xFFFFF680, v1  }
0xa2: {  	v0 =	vsel vm1, v0, v1;
	_ =	sdelay $0x1  }
0xa3: {  	s3 =	simm.s32 $0x20;
	s4 =	simm.s32 $0xC0;
	vm0 =	vmmov vm0;
	v1 =	vand.u32 $0xFFFF0000, v2;
	v2 =	vshll.u32 v2, $0x10  }
.LBB2_2:
0xa4: {  	p0 =	sne.s32 s4, $0x7C0;
	v3 =	vld [tilespmem:s3+$0xF700];
	v1 =	vsel vm0, v1, v2;
	vm0 =	vmmov vm1  }
0xa5: {  	[tilespmem:s1+$0x12B00] =	vst v1;
	s1 =	smov.u32 s0;
	s0 =	smov.u32 s3  }
0xa6: {  	v2 =	vld.idx.msk [tilespmem:v0+s2+$0x0], $0xffff;
	_ =	sdelay $0x1  }
.Ltmp0:
0xa7: {  	(pc) =	sbr.rel @p0 .LBB2_2-.Ltmp0, $3  }
0xa8: {  	vm1 =	vgt.s32 v3, $0x97F;
	v0 =	vadd.s32 $0xFFFFF680, v3  }
0xa9: {  	v0 =	vsel vm1, v0, v3;
	_ =	sdelay $0x1  }
0xaa: {  	s3 =	sshra.s32 s4, $0x2;
	s4 =	sadd.s32 $0x40, s4;
	v1 =	vand.u32 $0xFFFF0000, v2;
	v2 =	vshll.u32 v2, $0x10  }
0xab: {  	_ = 	snop  }
0xac: {  	v3 =	vld [tilespmem:s3+$0xF700]  }
0xad: {  	v1 =	vsel vm0, v1, v2  }
0xae: {  	[tilespmem:s1+$0x12B00] =	vst v1  }
0xaf: {  	v0 =	vld.idx.msk [tilespmem:v0+s2+$0x0], $0xffff;
	_ =	sdelay $0x1  }
0xb0: {  	vm0 =	vgt.s32 v3, $0x97F;
	v1 =	vadd.s32 $0xFFFFF680, v3  }
0xb1: {  	v1 =	vsel vm0, v1, v3;
	_ =	sdelay $0x1  }
0xb2: {  	vm1 =	vmmov vm1;
	v2 =	vand.u32 $0xFFFF0000, v0;
	v0 =	vshll.u32 v0, $0x10  }
0xb3: {  	v0 =	vsel vm1, v2, v0  }
0xb4: {  	[tilespmem:s0+$0x12B00] =	vst v0  }
0xb5: {  	v0 =	vld.idx.msk [tilespmem:v1+s2+$0x0], $0xffff;
	_ =	sdelay $0x4  }
0xb6: {  	vm0 =	vmmov vm0;
	v1 =	vand.u32 $0xFFFF0000, v0;
	v0 =	vshll.u32 v0, $0x10  }
0xb7: {  	v0 =	vsel vm0, v1, v0  }
0xb8: {  	[tilespmem:s3+$0x12B00] =	vst v0  }
0xb9: {  	_ =	swait.ge [sflag:s28], $0x200  }
0xba: {  	[sflag:s28] =	ssyncset.done $0x0  }
0xbb: {  	[sflag:s28] =	ssyncadd.s32 $0xFFFFFE00  }
0xbc: {  	_ =	swait.ge [sflag:s29], $0x980  }
0xbd: {  	[sflag:s29] =	ssyncset.done $0x0  }
0xbe: {  	s1 =	simm.s32 $0x0;
	[sflag:s29] =	ssyncadd.s32 $0xFFFFF680  }
0xbf: {  	v0 =	vld [tilespmem:s1+$0xF900];
	_ =	sdelay $0x4  }
0xc0: {  	vm0 =	vgt.s32 v0, $0x97F;
	v1 =	vadd.s32 $0xFFFFF680, v0  }
0xc1: {  	v0 =	vsel vm0, v1, v0  }
0xc2: {  	v0 =	vadd.s32 $0x980, v0;
	_ =	sdelay $0x2  }
0xc3: {  	s0 =	simm.s32 $0x10  }
0xc4: {  	v1 =	vld [tilespmem:s0+$0xF900]  }
0xc5: {  	v0 =	vld.idx.msk [tilespmem:v0+s2+$0x0], $0xffff;
	_ =	sdelay $0x2  }
0xc6: {  	v2 =	vld [tilespmem:s1+$0x12B00]  }
0xc7: {  	vm0 =	vmmov vm0;
	vm1 =	vgt.s32 v1, $0x97F;
	v3 =	vadd.s32 $0xFFFFF680, v1  }
0xc8: {  	v1 =	vsel vm1, v3, v1;
	v4 =	vand.u32 $0xFFFF0000, v0;
	v0 =	vshll.u32 v0, $0x10  }
0xc9: {  	v3 =	vsel vm0, v4, v0;
	v0 =	vadd.s32 $0x980, v1;
	_ =	sdelay $0x1  }
0xca: {  	v1 =	vadd.f32 v3, v2  }
0xcb: {  	s4 =	simm.s32 $0xC0;
	s3 =	simm.s32 $0x20;
	vm0 =	vmmov vm1  }
.LBB2_4:
0xcc: {  	p0 =	sne.s32 s4, $0x7C0;
	v2 =	vld [tilespmem:s3+$0xF900];
	[tilespmem:s1+$0x12B00] =	vst v1;
	s1 =	smov.u32 s0;
	s0 =	smov.u32 s3  }
0xcd: {  	v1 =	vld.idx.msk [tilespmem:v0+s2+$0x0], $0xffff;
	_ =	sdelay $0x2  }
0xce: {  	v3 =	vld [tilespmem:s1+$0x12B00]  }
0xcf: {  	vm1 =	vgt.s32 v2, $0x97F;
	v0 =	vadd.s32 $0xFFFFF680, v2  }
.Ltmp1:
0xd0: {  	v0 =	vsel vm1, v0, v2;
	(pc) =	sbr.rel @p0 .LBB2_4-.Ltmp1, $4  }
0xd1: {  	v2 =	vand.u32 $0xFFFF0000, v1;
	v1 =	vshll.u32 v1, $0x10;
	v0 =	vadd.s32 $0x980, v0  }
0xd2: {  	v1 =	vsel vm0, v2, v1;
	vm0 =	vmmov vm1  }
0xd3: {  	v1 =	vadd.f32 v1, v3  }
0xd4: {  	s3 =	sshra.s32 s4, $0x2;
	s4 =	sadd.s32 $0x40, s4  }
0xd5: {  	_ =	sdelay $0x1  }
0xd6: {  	v2 =	vld [tilespmem:s3+$0xF900]  }
0xd7: {  	[tilespmem:s1+$0x12B00] =	vst v1  }
0xd8: {  	v0 =	vld.idx.msk [tilespmem:v0+s2+$0x0], $0xffff;
	_ =	sdelay $0x1  }
0xd9: {  	v1 =	vld [tilespmem:s0+$0x12B00]  }
0xda: {  	vm1 =	vgt.s32 v2, $0x97F;
	v3 =	vadd.s32 $0xFFFFF680, v2  }
0xdb: {  	v2 =	vsel vm1, v3, v2  }
0xdc: {  	v3 =	vand.u32 $0xFFFF0000, v0;
	v0 =	vshll.u32 v0, $0x10;
	v2 =	vadd.s32 $0x980, v2  }
0xdd: {  	v0 =	vsel vm0, v3, v0  }
0xde: {  	v0 =	vadd.f32 v0, v1;
	_ =	sdelay $0x1  }
0xdf: {  	[tilespmem:s0+$0x12B00] =	vst v0  }
0xe0: {  	v0 =	vld.idx.msk [tilespmem:v2+s2+$0x0], $0xffff;
	_ =	sdelay $0x1  }
0xe1: {  	v1 =	vld [tilespmem:s3+$0x12B00];
	_ =	sdelay $0x2  }
0xe2: {  	vm0 =	vmmov vm1;
	v2 =	vand.u32 $0xFFFF0000, v0;
	v0 =	vshll.u32 v0, $0x10  }
0xe3: {  	v0 =	vsel vm0, v2, v0  }
0xe4: {  	v0 =	vadd.f32 v0, v1;
	_ =	sdelay $0x1  }
0xe5: {  	[tilespmem:s3+$0x12B00] =	vst v0  }
0xe6: {  	_ =	swait.ge [sflag:s28], $0x200  }
0xe7: {  	[sflag:s28] =	ssyncset.done $0x0  }
0xe8: {  	[sflag:s28] =	ssyncadd.s32 $0xFFFFFE00  }
0xe9: {  	_ =	swait.ge [sflag:s29], $0x980  }
0xea: {  	[sflag:s29] =	ssyncset.done $0x0  }
0xeb: {  	s1 =	simm.s32 $0x0;
	[sflag:s29] =	ssyncadd.s32 $0xFFFFF680  }
0xec: {  	v0 =	vld [tilespmem:s1+$0xFB00];
	_ =	sdelay $0x4  }
0xed: {  	vm0 =	vgt.s32 v0, $0x97F;
	v1 =	vadd.s32 $0xFFFFF680, v0  }
0xee: {  	v0 =	vsel vm0, v1, v0  }
0xef: {  	v0 =	vadd.s32 $0x1300, v0;
	_ =	sdelay $0x2  }
0xf0: {  	s0 =	simm.s32 $0x10  }
0xf1: {  	v1 =	vld [tilespmem:s0+$0xFB00]  }
0xf2: {  	v0 =	vld.idx.msk [tilespmem:v0+s2+$0x0], $0xffff;
	_ =	sdelay $0x2  }
0xf3: {  	v2 =	vld [tilespmem:s1+$0x12B00]  }
0xf4: {  	vm0 =	vmmov vm0;
	vm1 =	vgt.s32 v1, $0x97F;
	v3 =	vadd.s32 $0xFFFFF680, v1  }
0xf5: {  	v1 =	vsel vm1, v3, v1;
	v4 =	vand.u32 $0xFFFF0000, v0;
	v0 =	vshll.u32 v0, $0x10  }
0xf6: {  	v3 =	vsel vm0, v4, v0;
	v0 =	vadd.s32 $0x1300, v1;
	_ =	sdelay $0x1  }
0xf7: {  	v1 =	vadd.f32 v3, v2  }
0xf8: {  	s4 =	simm.s32 $0xC0;
	s3 =	simm.s32 $0x20;
	vm0 =	vmmov vm1  }
.LBB2_6:
0xf9: {  	p0 =	sne.s32 s4, $0x7C0;
	v2 =	vld [tilespmem:s3+$0xFB00];
	[tilespmem:s1+$0x12B00] =	vst v1;
	s1 =	smov.u32 s0;
	s0 =	smov.u32 s3  }
0xfa: {  	v1 =	vld.idx.msk [tilespmem:v0+s2+$0x0], $0xffff;
	_ =	sdelay $0x2  }
0xfb: {  	v3 =	vld [tilespmem:s1+$0x12B00]  }
0xfc: {  	vm1 =	vgt.s32 v2, $0x97F;
	v0 =	vadd.s32 $0xFFFFF680, v2  }
.Ltmp2:
0xfd: {  	v0 =	vsel vm1, v0, v2;
	(pc) =	sbr.rel @p0 .LBB2_6-.Ltmp2, $4  }
0xfe: {  	v2 =	vand.u32 $0xFFFF0000, v1;
	v1 =	vshll.u32 v1, $0x10;
	v0 =	vadd.s32 $0x1300, v0  }
0xff: {  	v1 =	vsel vm0, v2, v1;
	vm0 =	vmmov vm1  }
0x100: {  	v1 =	vadd.f32 v1, v3  }
0x101: {  	s3 =	sshra.s32 s4, $0x2;
	s4 =	sadd.s32 $0x40, s4  }
0x102: {  	_ =	sdelay $0x1  }
0x103: {  	v2 =	vld [tilespmem:s3+$0xFB00]  }
0x104: {  	[tilespmem:s1+$0x12B00] =	vst v1  }
0x105: {  	v0 =	vld.idx.msk [tilespmem:v0+s2+$0x0], $0xffff;
	_ =	sdelay $0x1  }
0x106: {  	v1 =	vld [tilespmem:s0+$0x12B00]  }
0x107: {  	vm1 =	vgt.s32 v2, $0x97F;
	v3 =	vadd.s32 $0xFFFFF680, v2  }
0x108: {  	v2 =	vsel vm1, v3, v2  }
0x109: {  	v3 =	vand.u32 $0xFFFF0000, v0;
	v0 =	vshll.u32 v0, $0x10;
	v2 =	vadd.s32 $0x1300, v2  }
0x10a: {  	v0 =	vsel vm0, v3, v0  }
0x10b: {  	v0 =	vadd.f32 v0, v1;
	_ =	sdelay $0x1  }
0x10c: {  	[tilespmem:s0+$0x12B00] =	vst v0  }
0x10d: {  	v0 =	vld.idx.msk [tilespmem:v2+s2+$0x0], $0xffff;
	_ =	sdelay $0x1  }
0x10e: {  	v1 =	vld [tilespmem:s3+$0x12B00];
	_ =	sdelay $0x2  }
0x10f: {  	vm0 =	vmmov vm1;
	v2 =	vand.u32 $0xFFFF0000, v0;
	v0 =	vshll.u32 v0, $0x10  }
0x110: {  	v0 =	vsel vm0, v2, v0  }
0x111: {  	v0 =	vadd.f32 v0, v1;
	_ =	sdelay $0x1  }
0x112: {  	[tilespmem:s3+$0x12B00] =	vst v0  }
0x113: {  	_ =	swait.ge [sflag:s28], $0x200  }
0x114: {  	[sflag:s28] =	ssyncset.done $0x0  }
0x115: {  	[sflag:s28] =	ssyncadd.s32 $0xFFFFFE00  }
0x116: {  	_ =	swait.ge [sflag:s29], $0x980  }
0x117: {  	[sflag:s29] =	ssyncset.done $0x0  }
0x118: {  	s1 =	simm.s32 $0x0;
	[sflag:s29] =	ssyncadd.s32 $0xFFFFF680  }
0x119: {  	v0 =	vld [tilespmem:s1+$0xFD00];
	_ =	sdelay $0x4  }
0x11a: {  	vm0 =	vgt.s32 v0, $0x97F;
	v1 =	vadd.s32 $0xFFFFF680, v0  }
0x11b: {  	v0 =	vsel vm0, v1, v0  }
0x11c: {  	v0 =	vadd.s32 $0x1C80, v0;
	_ =	sdelay $0x2  }
0x11d: {  	s0 =	simm.s32 $0x10  }
0x11e: {  	v1 =	vld [tilespmem:s0+$0xFD00]  }
0x11f: {  	v0 =	vld.idx.msk [tilespmem:v0+s2+$0x0], $0xffff;
	_ =	sdelay $0x2  }
0x120: {  	v2 =	vld [tilespmem:s1+$0x12B00]  }
0x121: {  	vm0 =	vmmov vm0;
	vm1 =	vgt.s32 v1, $0x97F;
	v3 =	vadd.s32 $0xFFFFF680, v1  }
0x122: {  	v1 =	vsel vm1, v3, v1;
	v4 =	vand.u32 $0xFFFF0000, v0;
	v0 =	vshll.u32 v0, $0x10  }
0x123: {  	v3 =	vsel vm0, v4, v0;
	v0 =	vadd.s32 $0x1C80, v1;
	_ =	sdelay $0x1  }
0x124: {  	v1 =	vadd.f32 v3, v2  }
0x125: {  	s4 =	simm.s32 $0xC0;
	s3 =	simm.s32 $0x20;
	vm0 =	vmmov vm1  }
.LBB2_8:
0x126: {  	p0 =	sne.s32 s4, $0x7C0;
	v2 =	vld [tilespmem:s3+$0xFD00];
	[tilespmem:s1+$0x12B00] =	vst v1;
	s1 =	smov.u32 s0;
	s0 =	smov.u32 s3  }
0x127: {  	v1 =	vld.idx.msk [tilespmem:v0+s2+$0x0], $0xffff;
	_ =	sdelay $0x2  }
0x128: {  	v3 =	vld [tilespmem:s1+$0x12B00]  }
0x129: {  	vm1 =	vgt.s32 v2, $0x97F;
	v0 =	vadd.s32 $0xFFFFF680, v2  }
.Ltmp3:
0x12a: {  	v0 =	vsel vm1, v0, v2;
	(pc) =	sbr.rel @p0 .LBB2_8-.Ltmp3, $4  }
0x12b: {  	v2 =	vand.u32 $0xFFFF0000, v1;
	v1 =	vshll.u32 v1, $0x10;
	v0 =	vadd.s32 $0x1C80, v0  }
0x12c: {  	v1 =	vsel vm0, v2, v1;
	vm0 =	vmmov vm1  }
0x12d: {  	v1 =	vadd.f32 v1, v3  }
0x12e: {  	s3 =	sshra.s32 s4, $0x2;
	s4 =	sadd.s32 $0x40, s4  }
0x12f: {  	_ =	sdelay $0x1  }
0x130: {  	v2 =	vld [tilespmem:s3+$0xFD00]  }
0x131: {  	[tilespmem:s1+$0x12B00] =	vst v1  }
0x132: {  	v0 =	vld.idx.msk [tilespmem:v0+s2+$0x0], $0xffff;
	_ =	sdelay $0x1  }
0x133: {  	v1 =	vld [tilespmem:s0+$0x12B00]  }
0x134: {  	vm1 =	vgt.s32 v2, $0x97F;
	v3 =	vadd.s32 $0xFFFFF680, v2  }
0x135: {  	v2 =	vsel vm1, v3, v2  }
0x136: {  	v3 =	vand.u32 $0xFFFF0000, v0;
	v0 =	vshll.u32 v0, $0x10;
	v2 =	vadd.s32 $0x1C80, v2  }
0x137: {  	v0 =	vsel vm0, v3, v0  }
0x138: {  	v0 =	vadd.f32 v0, v1;
	_ =	sdelay $0x1  }
0x139: {  	[tilespmem:s0+$0x12B00] =	vst v0  }
0x13a: {  	v0 =	vld.idx.msk [tilespmem:v2+s2+$0x0], $0xffff;
	_ =	sdelay $0x1  }
0x13b: {  	v1 =	vld [tilespmem:s3+$0x12B00];
	_ =	sdelay $0x2  }
0x13c: {  	vm0 =	vmmov vm1;
	v2 =	vand.u32 $0xFFFF0000, v0;
	v0 =	vshll.u32 v0, $0x10  }
0x13d: {  	v0 =	vsel vm0, v2, v0  }
0x13e: {  	v0 =	vadd.f32 v0, v1;
	_ =	sdelay $0x1  }
0x13f: {  	[tilespmem:s3+$0x12B00] =	vst v0  }
0x140: {  	_ =	swait.ge [sflag:s28], $0x200  }
0x141: {  	[sflag:s28] =	ssyncset.done $0x0  }
0x142: {  	[sflag:s28] =	ssyncadd.s32 $0xFFFFFE00  }
0x143: {  	_ =	swait.ge [sflag:s29], $0x980  }
0x144: {  	[sflag:s29] =	ssyncset.done $0x0  }
0x145: {  	s1 =	simm.s32 $0x0;
	[sflag:s29] =	ssyncadd.s32 $0xFFFFF680  }
0x146: {  	v0 =	vld [tilespmem:s1+$0xFF00];
	_ =	sdelay $0x4  }
0x147: {  	vm0 =	vgt.s32 v0, $0x97F;
	v1 =	vadd.s32 $0xFFFFF680, v0  }
0x148: {  	v0 =	vsel vm0, v1, v0  }
0x149: {  	v0 =	vadd.s32 $0x2600, v0;
	_ =	sdelay $0x2  }
0x14a: {  	s0 =	simm.s32 $0x10  }
0x14b: {  	v1 =	vld [tilespmem:s0+$0xFF00]  }
0x14c: {  	v0 =	vld.idx.msk [tilespmem:v0+s2+$0x0], $0xffff;
	_ =	sdelay $0x2  }
0x14d: {  	v2 =	vld [tilespmem:s1+$0x12B00]  }
0x14e: {  	vm0 =	vmmov vm0;
	vm1 =	vgt.s32 v1, $0x97F;
	v3 =	vadd.s32 $0xFFFFF680, v1  }
0x14f: {  	v1 =	vsel vm1, v3, v1;
	v4 =	vand.u32 $0xFFFF0000, v0;
	v0 =	vshll.u32 v0, $0x10  }
0x150: {  	v3 =	vsel vm0, v4, v0;
	v0 =	vadd.s32 $0x2600, v1;
	_ =	sdelay $0x1  }
0x151: {  	v1 =	vadd.f32 v3, v2  }
0x152: {  	s4 =	simm.s32 $0xC0;
	s3 =	simm.s32 $0x20;
	vm0 =	vmmov vm1  }
.LBB2_10:
0x153: {  	p0 =	sne.s32 s4, $0x7C0;
	v2 =	vld [tilespmem:s3+$0xFF00];
	[tilespmem:s1+$0x12B00] =	vst v1;
	s1 =	smov.u32 s0;
	s0 =	smov.u32 s3  }
0x154: {  	v1 =	vld.idx.msk [tilespmem:v0+s2+$0x0], $0xffff;
	_ =	sdelay $0x2  }
0x155: {  	v3 =	vld [tilespmem:s1+$0x12B00]  }
0x156: {  	vm1 =	vgt.s32 v2, $0x97F;
	v0 =	vadd.s32 $0xFFFFF680, v2  }
.Ltmp4:
0x157: {  	v0 =	vsel vm1, v0, v2;
	(pc) =	sbr.rel @p0 .LBB2_10-.Ltmp4, $4  }
0x158: {  	v2 =	vand.u32 $0xFFFF0000, v1;
	v1 =	vshll.u32 v1, $0x10;
	v0 =	vadd.s32 $0x2600, v0  }
0x159: {  	v1 =	vsel vm0, v2, v1;
	vm0 =	vmmov vm1  }
0x15a: {  	v1 =	vadd.f32 v1, v3  }
0x15b: {  	s3 =	sshra.s32 s4, $0x2;
	s4 =	sadd.s32 $0x40, s4  }
0x15c: {  	_ =	sdelay $0x1  }
0x15d: {  	v2 =	vld [tilespmem:s3+$0xFF00]  }
0x15e: {  	[tilespmem:s1+$0x12B00] =	vst v1  }
0x15f: {  	v0 =	vld.idx.msk [tilespmem:v0+s2+$0x0], $0xffff;
	_ =	sdelay $0x1  }
0x160: {  	v1 =	vld [tilespmem:s0+$0x12B00]  }
0x161: {  	vm1 =	vgt.s32 v2, $0x97F;
	v3 =	vadd.s32 $0xFFFFF680, v2  }
0x162: {  	v2 =	vsel vm1, v3, v2  }
0x163: {  	v3 =	vand.u32 $0xFFFF0000, v0;
	v0 =	vshll.u32 v0, $0x10;
	v2 =	vadd.s32 $0x2600, v2  }
0x164: {  	v0 =	vsel vm0, v3, v0  }
0x165: {  	v0 =	vadd.f32 v0, v1;
	_ =	sdelay $0x1  }
0x166: {  	[tilespmem:s0+$0x12B00] =	vst v0  }
0x167: {  	v0 =	vld.idx.msk [tilespmem:v2+s2+$0x0], $0xffff;
	_ =	sdelay $0x1  }
0x168: {  	v1 =	vld [tilespmem:s3+$0x12B00];
	_ =	sdelay $0x2  }
0x169: {  	vm0 =	vmmov vm1;
	v2 =	vand.u32 $0xFFFF0000, v0;
	v0 =	vshll.u32 v0, $0x10  }
0x16a: {  	v0 =	vsel vm0, v2, v0  }
0x16b: {  	v0 =	vadd.f32 v0, v1;
	_ =	sdelay $0x1  }
0x16c: {  	[tilespmem:s3+$0x12B00] =	vst v0  }
0x16d: {  	_ =	swait.ge [sflag:s28], $0x200  }
0x16e: {  	[sflag:s28] =	ssyncset.done $0x0  }
0x16f: {  	[sflag:s28] =	ssyncadd.s32 $0xFFFFFE00  }
0x170: {  	_ =	swait.ge [sflag:s29], $0x980  }
0x171: {  	[sflag:s29] =	ssyncset.done $0x0  }
0x172: {  	s1 =	simm.s32 $0x0;
	[sflag:s29] =	ssyncadd.s32 $0xFFFFF680  }
0x173: {  	v0 =	vld [tilespmem:s1+$0x10100];
	_ =	sdelay $0x4  }
0x174: {  	vm0 =	vgt.s32 v0, $0x97F;
	v1 =	vadd.s32 $0xFFFFF680, v0  }
0x175: {  	v0 =	vsel vm0, v1, v0  }
0x176: {  	v0 =	vadd.s32 $0x2F80, v0;
	_ =	sdelay $0x2  }
0x177: {  	s0 =	simm.s32 $0x10  }
0x178: {  	v1 =	vld [tilespmem:s0+$0x10100]  }
0x179: {  	v0 =	vld.idx.msk [tilespmem:v0+s2+$0x0], $0xffff;
	_ =	sdelay $0x2  }
0x17a: {  	v2 =	vld [tilespmem:s1+$0x12B00]  }
0x17b: {  	vm0 =	vmmov vm0;
	vm1 =	vgt.s32 v1, $0x97F;
	v3 =	vadd.s32 $0xFFFFF680, v1  }
0x17c: {  	v1 =	vsel vm1, v3, v1;
	v4 =	vand.u32 $0xFFFF0000, v0;
	v0 =	vshll.u32 v0, $0x10  }
0x17d: {  	v3 =	vsel vm0, v4, v0;
	v0 =	vadd.s32 $0x2F80, v1;
	_ =	sdelay $0x1  }
0x17e: {  	v1 =	vadd.f32 v3, v2  }
0x17f: {  	s4 =	simm.s32 $0xC0;
	s3 =	simm.s32 $0x20;
	vm0 =	vmmov vm1  }
.LBB2_12:
0x180: {  	p0 =	sne.s32 s4, $0x7C0;
	v2 =	vld [tilespmem:s3+$0x10100];
	[tilespmem:s1+$0x12B00] =	vst v1;
	s1 =	smov.u32 s0;
	s0 =	smov.u32 s3  }
0x181: {  	v1 =	vld.idx.msk [tilespmem:v0+s2+$0x0], $0xffff;
	_ =	sdelay $0x2  }
0x182: {  	v3 =	vld [tilespmem:s1+$0x12B00]  }
0x183: {  	vm1 =	vgt.s32 v2, $0x97F;
	v0 =	vadd.s32 $0xFFFFF680, v2  }
.Ltmp5:
0x184: {  	v0 =	vsel vm1, v0, v2;
	(pc) =	sbr.rel @p0 .LBB2_12-.Ltmp5, $4  }
0x185: {  	v2 =	vand.u32 $0xFFFF0000, v1;
	v1 =	vshll.u32 v1, $0x10;
	v0 =	vadd.s32 $0x2F80, v0  }
0x186: {  	v1 =	vsel vm0, v2, v1;
	vm0 =	vmmov vm1  }
0x187: {  	v1 =	vadd.f32 v1, v3  }
0x188: {  	s3 =	sshra.s32 s4, $0x2;
	s4 =	sadd.s32 $0x40, s4  }
0x189: {  	_ =	sdelay $0x1  }
0x18a: {  	v2 =	vld [tilespmem:s3+$0x10100]  }
0x18b: {  	[tilespmem:s1+$0x12B00] =	vst v1  }
0x18c: {  	v0 =	vld.idx.msk [tilespmem:v0+s2+$0x0], $0xffff;
	_ =	sdelay $0x1  }
0x18d: {  	v1 =	vld [tilespmem:s0+$0x12B00]  }
0x18e: {  	vm1 =	vgt.s32 v2, $0x97F;
	v3 =	vadd.s32 $0xFFFFF680, v2  }
0x18f: {  	v2 =	vsel vm1, v3, v2  }
0x190: {  	v3 =	vand.u32 $0xFFFF0000, v0;
	v0 =	vshll.u32 v0, $0x10;
	v2 =	vadd.s32 $0x2F80, v2  }
0x191: {  	v0 =	vsel vm0, v3, v0  }
0x192: {  	v0 =	vadd.f32 v0, v1;
	_ =	sdelay $0x1  }
0x193: {  	[tilespmem:s0+$0x12B00] =	vst v0  }
0x194: {  	v0 =	vld.idx.msk [tilespmem:v2+s2+$0x0], $0xffff;
	_ =	sdelay $0x1  }
0x195: {  	v1 =	vld [tilespmem:s3+$0x12B00];
	_ =	sdelay $0x2  }
0x196: {  	vm0 =	vmmov vm1;
	v2 =	vand.u32 $0xFFFF0000, v0;
	v0 =	vshll.u32 v0, $0x10  }
0x197: {  	v0 =	vsel vm0, v2, v0  }
0x198: {  	v0 =	vadd.f32 v0, v1;
	_ =	sdelay $0x1  }
0x199: {  	[tilespmem:s3+$0x12B00] =	vst v0  }
0x19a: {  	_ =	swait.ge [sflag:s28], $0x200  }
0x19b: {  	[sflag:s28] =	ssyncset.done $0x0  }
0x19c: {  	[sflag:s28] =	ssyncadd.s32 $0xFFFFFE00  }
0x19d: {  	_ =	swait.ge [sflag:s29], $0x980  }
0x19e: {  	[sflag:s29] =	ssyncset.done $0x0  }
0x19f: {  	s1 =	simm.s32 $0x0;
	[sflag:s29] =	ssyncadd.s32 $0xFFFFF680  }
0x1a0: {  	v0 =	vld [tilespmem:s1+$0x10300];
	_ =	sdelay $0x4  }
0x1a1: {  	vm0 =	vgt.s32 v0, $0x97F;
	v1 =	vadd.s32 $0xFFFFF680, v0  }
0x1a2: {  	v0 =	vsel vm0, v1, v0  }
0x1a3: {  	v0 =	vadd.s32 $0x3900, v0;
	_ =	sdelay $0x2  }
0x1a4: {  	s0 =	simm.s32 $0x10  }
0x1a5: {  	v1 =	vld [tilespmem:s0+$0x10300]  }
0x1a6: {  	v0 =	vld.idx.msk [tilespmem:v0+s2+$0x0], $0xffff;
	_ =	sdelay $0x2  }
0x1a7: {  	v2 =	vld [tilespmem:s1+$0x12B00]  }
0x1a8: {  	vm0 =	vmmov vm0;
	vm1 =	vgt.s32 v1, $0x97F;
	v3 =	vadd.s32 $0xFFFFF680, v1  }
0x1a9: {  	v1 =	vsel vm1, v3, v1;
	v4 =	vand.u32 $0xFFFF0000, v0;
	v0 =	vshll.u32 v0, $0x10  }
0x1aa: {  	v3 =	vsel vm0, v4, v0;
	v0 =	vadd.s32 $0x3900, v1;
	_ =	sdelay $0x1  }
0x1ab: {  	v1 =	vadd.f32 v3, v2  }
0x1ac: {  	s4 =	simm.s32 $0xC0;
	s3 =	simm.s32 $0x20;
	vm0 =	vmmov vm1  }
.LBB2_14:
0x1ad: {  	p0 =	sne.s32 s4, $0x7C0;
	v2 =	vld [tilespmem:s3+$0x10300];
	[tilespmem:s1+$0x12B00] =	vst v1;
	s1 =	smov.u32 s0;
	s0 =	smov.u32 s3  }
0x1ae: {  	v1 =	vld.idx.msk [tilespmem:v0+s2+$0x0], $0xffff;
	_ =	sdelay $0x2  }
0x1af: {  	v3 =	vld [tilespmem:s1+$0x12B00]  }
0x1b0: {  	vm1 =	vgt.s32 v2, $0x97F;
	v0 =	vadd.s32 $0xFFFFF680, v2  }
.Ltmp6:
0x1b1: {  	v0 =	vsel vm1, v0, v2;
	(pc) =	sbr.rel @p0 .LBB2_14-.Ltmp6, $4  }
0x1b2: {  	v2 =	vand.u32 $0xFFFF0000, v1;
	v1 =	vshll.u32 v1, $0x10;
	v0 =	vadd.s32 $0x3900, v0  }
0x1b3: {  	v1 =	vsel vm0, v2, v1;
	vm0 =	vmmov vm1  }
0x1b4: {  	v1 =	vadd.f32 v1, v3  }
0x1b5: {  	s3 =	sshra.s32 s4, $0x2;
	s4 =	sadd.s32 $0x40, s4  }
0x1b6: {  	_ =	sdelay $0x1  }
0x1b7: {  	v2 =	vld [tilespmem:s3+$0x10300]  }
0x1b8: {  	[tilespmem:s1+$0x12B00] =	vst v1  }
0x1b9: {  	v0 =	vld.idx.msk [tilespmem:v0+s2+$0x0], $0xffff;
	_ =	sdelay $0x1  }
0x1ba: {  	v1 =	vld [tilespmem:s0+$0x12B00]  }
0x1bb: {  	vm1 =	vgt.s32 v2, $0x97F;
	v3 =	vadd.s32 $0xFFFFF680, v2  }
0x1bc: {  	v2 =	vsel vm1, v3, v2  }
0x1bd: {  	v3 =	vand.u32 $0xFFFF0000, v0;
	v0 =	vshll.u32 v0, $0x10;
	v2 =	vadd.s32 $0x3900, v2  }
0x1be: {  	v0 =	vsel vm0, v3, v0  }
0x1bf: {  	v0 =	vadd.f32 v0, v1;
	_ =	sdelay $0x1  }
0x1c0: {  	[tilespmem:s0+$0x12B00] =	vst v0  }
0x1c1: {  	v0 =	vld.idx.msk [tilespmem:v2+s2+$0x0], $0xffff;
	_ =	sdelay $0x1  }
0x1c2: {  	v1 =	vld [tilespmem:s3+$0x12B00];
	_ =	sdelay $0x2  }
0x1c3: {  	vm0 =	vmmov vm1;
	v2 =	vand.u32 $0xFFFF0000, v0;
	v0 =	vshll.u32 v0, $0x10  }
0x1c4: {  	v0 =	vsel vm0, v2, v0  }
0x1c5: {  	v0 =	vadd.f32 v0, v1;
	_ =	sdelay $0x1  }
0x1c6: {  	[tilespmem:s3+$0x12B00] =	vst v0  }
0x1c7: {  	_ =	swait.ge [sflag:s28], $0x200  }
0x1c8: {  	[sflag:s28] =	ssyncset.done $0x0  }
0x1c9: {  	[sflag:s28] =	ssyncadd.s32 $0xFFFFFE00  }
0x1ca: {  	_ =	swait.ge [sflag:s29], $0x980  }
0x1cb: {  	[sflag:s29] =	ssyncset.done $0x0  }
0x1cc: {  	s1 =	simm.s32 $0x0;
	[sflag:s29] =	ssyncadd.s32 $0xFFFFF680  }
0x1cd: {  	v0 =	vld [tilespmem:s1+$0x10500];
	_ =	sdelay $0x4  }
0x1ce: {  	vm0 =	vgt.s32 v0, $0x97F;
	v1 =	vadd.s32 $0xFFFFF680, v0  }
0x1cf: {  	v0 =	vsel vm0, v1, v0  }
0x1d0: {  	v0 =	vadd.s32 $0x4280, v0;
	_ =	sdelay $0x2  }
0x1d1: {  	s0 =	simm.s32 $0x10  }
0x1d2: {  	v1 =	vld [tilespmem:s0+$0x10500]  }
0x1d3: {  	v0 =	vld.idx.msk [tilespmem:v0+s2+$0x0], $0xffff;
	_ =	sdelay $0x2  }
0x1d4: {  	v2 =	vld [tilespmem:s1+$0x12B00]  }
0x1d5: {  	vm0 =	vmmov vm0;
	vm1 =	vgt.s32 v1, $0x97F;
	v3 =	vadd.s32 $0xFFFFF680, v1  }
0x1d6: {  	v1 =	vsel vm1, v3, v1;
	v4 =	vand.u32 $0xFFFF0000, v0;
	v0 =	vshll.u32 v0, $0x10  }
0x1d7: {  	v3 =	vsel vm0, v4, v0;
	v0 =	vadd.s32 $0x4280, v1;
	_ =	sdelay $0x1  }
0x1d8: {  	v1 =	vadd.f32 v3, v2  }
0x1d9: {  	s4 =	simm.s32 $0xC0;
	s3 =	simm.s32 $0x20;
	vm0 =	vmmov vm1  }
.LBB2_16:
0x1da: {  	p0 =	sne.s32 s4, $0x7C0;
	v2 =	vld [tilespmem:s3+$0x10500];
	[tilespmem:s1+$0x12B00] =	vst v1;
	s1 =	smov.u32 s0;
	s0 =	smov.u32 s3  }
0x1db: {  	v1 =	vld.idx.msk [tilespmem:v0+s2+$0x0], $0xffff;
	_ =	sdelay $0x2  }
0x1dc: {  	v3 =	vld [tilespmem:s1+$0x12B00]  }
0x1dd: {  	vm1 =	vgt.s32 v2, $0x97F;
	v0 =	vadd.s32 $0xFFFFF680, v2  }
.Ltmp7:
0x1de: {  	v0 =	vsel vm1, v0, v2;
	(pc) =	sbr.rel @p0 .LBB2_16-.Ltmp7, $4  }
0x1df: {  	v2 =	vand.u32 $0xFFFF0000, v1;
	v1 =	vshll.u32 v1, $0x10;
	v0 =	vadd.s32 $0x4280, v0  }
0x1e0: {  	v1 =	vsel vm0, v2, v1;
	vm0 =	vmmov vm1  }
0x1e1: {  	v1 =	vadd.f32 v1, v3  }
0x1e2: {  	s3 =	sshra.s32 s4, $0x2;
	s4 =	sadd.s32 $0x40, s4  }
0x1e3: {  	_ =	sdelay $0x1  }
0x1e4: {  	v2 =	vld [tilespmem:s3+$0x10500]  }
0x1e5: {  	[tilespmem:s1+$0x12B00] =	vst v1  }
0x1e6: {  	v0 =	vld.idx.msk [tilespmem:v0+s2+$0x0], $0xffff;
	_ =	sdelay $0x1  }
0x1e7: {  	v1 =	vld [tilespmem:s0+$0x12B00]  }
0x1e8: {  	vm1 =	vgt.s32 v2, $0x97F;
	v3 =	vadd.s32 $0xFFFFF680, v2  }
0x1e9: {  	v2 =	vsel vm1, v3, v2  }
0x1ea: {  	v3 =	vand.u32 $0xFFFF0000, v0;
	v0 =	vshll.u32 v0, $0x10;
	v2 =	vadd.s32 $0x4280, v2  }
0x1eb: {  	v0 =	vsel vm0, v3, v0  }
0x1ec: {  	v0 =	vadd.f32 v0, v1;
	_ =	sdelay $0x1  }
0x1ed: {  	[tilespmem:s0+$0x12B00] =	vst v0  }
0x1ee: {  	v0 =	vld.idx.msk [tilespmem:v2+s2+$0x0], $0xffff;
	_ =	sdelay $0x1  }
0x1ef: {  	v1 =	vld [tilespmem:s3+$0x12B00];
	_ =	sdelay $0x2  }
0x1f0: {  	vm0 =	vmmov vm1;
	v2 =	vand.u32 $0xFFFF0000, v0;
	v0 =	vshll.u32 v0, $0x10  }
0x1f1: {  	v0 =	vsel vm0, v2, v0  }
0x1f2: {  	v0 =	vadd.f32 v0, v1;
	_ =	sdelay $0x1  }
0x1f3: {  	[tilespmem:s3+$0x12B00] =	vst v0  }
0x1f4: {  	_ =	swait.ge [sflag:s28], $0x200  }
0x1f5: {  	[sflag:s28] =	ssyncset.done $0x0  }
0x1f6: {  	[sflag:s28] =	ssyncadd.s32 $0xFFFFFE00  }
0x1f7: {  	_ =	swait.ge [sflag:s29], $0x980  }
0x1f8: {  	[sflag:s29] =	ssyncset.done $0x0  }
0x1f9: {  	s1 =	simm.s32 $0x0;
	[sflag:s29] =	ssyncadd.s32 $0xFFFFF680  }
0x1fa: {  	v0 =	vld [tilespmem:s1+$0x10700];
	_ =	sdelay $0x4  }
0x1fb: {  	vm0 =	vgt.s32 v0, $0x97F;
	v1 =	vadd.s32 $0xFFFFF680, v0  }
0x1fc: {  	v0 =	vsel vm0, v1, v0  }
0x1fd: {  	v0 =	vadd.s32 $0x4C00, v0;
	_ =	sdelay $0x2  }
0x1fe: {  	s0 =	simm.s32 $0x10  }
0x1ff: {  	v1 =	vld [tilespmem:s0+$0x10700]  }
0x200: {  	v0 =	vld.idx.msk [tilespmem:v0+s2+$0x0], $0xffff;
	_ =	sdelay $0x2  }
0x201: {  	v2 =	vld [tilespmem:s1+$0x12B00]  }
0x202: {  	vm0 =	vmmov vm0;
	vm1 =	vgt.s32 v1, $0x97F;
	v3 =	vadd.s32 $0xFFFFF680, v1  }
0x203: {  	v1 =	vsel vm1, v3, v1;
	v4 =	vand.u32 $0xFFFF0000, v0;
	v0 =	vshll.u32 v0, $0x10  }
0x204: {  	v3 =	vsel vm0, v4, v0;
	v0 =	vadd.s32 $0x4C00, v1;
	_ =	sdelay $0x1  }
0x205: {  	v1 =	vadd.f32 v3, v2  }
0x206: {  	s4 =	simm.s32 $0xC0;
	s3 =	simm.s32 $0x20;
	vm0 =	vmmov vm1  }
.LBB2_18:
0x207: {  	p0 =	sne.s32 s4, $0x7C0;
	v2 =	vld [tilespmem:s3+$0x10700];
	[tilespmem:s1+$0x12B00] =	vst v1;
	s1 =	smov.u32 s0;
	s0 =	smov.u32 s3  }
0x208: {  	v1 =	vld.idx.msk [tilespmem:v0+s2+$0x0], $0xffff;
	_ =	sdelay $0x2  }
0x209: {  	v3 =	vld [tilespmem:s1+$0x12B00]  }
0x20a: {  	vm1 =	vgt.s32 v2, $0x97F;
	v0 =	vadd.s32 $0xFFFFF680, v2  }
.Ltmp8:
0x20b: {  	v0 =	vsel vm1, v0, v2;
	(pc) =	sbr.rel @p0 .LBB2_18-.Ltmp8, $4  }
0x20c: {  	v2 =	vand.u32 $0xFFFF0000, v1;
	v1 =	vshll.u32 v1, $0x10;
	v0 =	vadd.s32 $0x4C00, v0  }
0x20d: {  	v1 =	vsel vm0, v2, v1;
	vm0 =	vmmov vm1  }
0x20e: {  	v1 =	vadd.f32 v1, v3  }
0x20f: {  	s3 =	sshra.s32 s4, $0x2;
	s4 =	sadd.s32 $0x40, s4  }
0x210: {  	_ =	sdelay $0x1  }
0x211: {  	v2 =	vld [tilespmem:s3+$0x10700]  }
0x212: {  	[tilespmem:s1+$0x12B00] =	vst v1  }
0x213: {  	v0 =	vld.idx.msk [tilespmem:v0+s2+$0x0], $0xffff;
	_ =	sdelay $0x1  }
0x214: {  	v1 =	vld [tilespmem:s0+$0x12B00]  }
0x215: {  	vm1 =	vgt.s32 v2, $0x97F;
	v3 =	vadd.s32 $0xFFFFF680, v2  }
0x216: {  	v2 =	vsel vm1, v3, v2  }
0x217: {  	v3 =	vand.u32 $0xFFFF0000, v0;
	v0 =	vshll.u32 v0, $0x10;
	v2 =	vadd.s32 $0x4C00, v2  }
0x218: {  	v0 =	vsel vm0, v3, v0  }
0x219: {  	v0 =	vadd.f32 v0, v1;
	_ =	sdelay $0x1  }
0x21a: {  	[tilespmem:s0+$0x12B00] =	vst v0  }
0x21b: {  	v0 =	vld.idx.msk [tilespmem:v2+s2+$0x0], $0xffff;
	_ =	sdelay $0x1  }
0x21c: {  	v1 =	vld [tilespmem:s3+$0x12B00];
	_ =	sdelay $0x2  }
0x21d: {  	vm0 =	vmmov vm1;
	v2 =	vand.u32 $0xFFFF0000, v0;
	v0 =	vshll.u32 v0, $0x10  }
0x21e: {  	v0 =	vsel vm0, v2, v0  }
0x21f: {  	v0 =	vadd.f32 v0, v1;
	_ =	sdelay $0x1  }
0x220: {  	[tilespmem:s3+$0x12B00] =	vst v0  }
0x221: {  	_ =	swait.ge [sflag:s28], $0x200  }
0x222: {  	[sflag:s28] =	ssyncset.done $0x0  }
0x223: {  	[sflag:s28] =	ssyncadd.s32 $0xFFFFFE00  }
0x224: {  	_ =	swait.ge [sflag:s29], $0x980  }
0x225: {  	[sflag:s29] =	ssyncset.done $0x0  }
0x226: {  	s1 =	simm.s32 $0x0;
	[sflag:s29] =	ssyncadd.s32 $0xFFFFF680  }
0x227: {  	v0 =	vld [tilespmem:s1+$0x10900];
	_ =	sdelay $0x4  }
0x228: {  	vm0 =	vgt.s32 v0, $0x97F;
	v1 =	vadd.s32 $0xFFFFF680, v0  }
0x229: {  	v0 =	vsel vm0, v1, v0  }
0x22a: {  	v0 =	vadd.s32 $0x5580, v0;
	_ =	sdelay $0x2  }
0x22b: {  	s0 =	simm.s32 $0x10  }
0x22c: {  	v1 =	vld [tilespmem:s0+$0x10900]  }
0x22d: {  	v0 =	vld.idx.msk [tilespmem:v0+s2+$0x0], $0xffff;
	_ =	sdelay $0x2  }
0x22e: {  	v2 =	vld [tilespmem:s1+$0x12B00]  }
0x22f: {  	vm0 =	vmmov vm0;
	vm1 =	vgt.s32 v1, $0x97F;
	v3 =	vadd.s32 $0xFFFFF680, v1  }
0x230: {  	v1 =	vsel vm1, v3, v1;
	v4 =	vand.u32 $0xFFFF0000, v0;
	v0 =	vshll.u32 v0, $0x10  }
0x231: {  	v3 =	vsel vm0, v4, v0;
	v0 =	vadd.s32 $0x5580, v1;
	_ =	sdelay $0x1  }
0x232: {  	v1 =	vadd.f32 v3, v2  }
0x233: {  	s4 =	simm.s32 $0xC0;
	s3 =	simm.s32 $0x20;
	vm0 =	vmmov vm1  }
.LBB2_20:
0x234: {  	p0 =	sne.s32 s4, $0x7C0;
	v2 =	vld [tilespmem:s3+$0x10900];
	[tilespmem:s1+$0x12B00] =	vst v1;
	s1 =	smov.u32 s0;
	s0 =	smov.u32 s3  }
0x235: {  	v1 =	vld.idx.msk [tilespmem:v0+s2+$0x0], $0xffff;
	_ =	sdelay $0x2  }
0x236: {  	v3 =	vld [tilespmem:s1+$0x12B00]  }
0x237: {  	vm1 =	vgt.s32 v2, $0x97F;
	v0 =	vadd.s32 $0xFFFFF680, v2  }
.Ltmp9:
0x238: {  	v0 =	vsel vm1, v0, v2;
	(pc) =	sbr.rel @p0 .LBB2_20-.Ltmp9, $4  }
0x239: {  	v2 =	vand.u32 $0xFFFF0000, v1;
	v1 =	vshll.u32 v1, $0x10;
	v0 =	vadd.s32 $0x5580, v0  }
0x23a: {  	v1 =	vsel vm0, v2, v1;
	vm0 =	vmmov vm1  }
0x23b: {  	v1 =	vadd.f32 v1, v3  }
0x23c: {  	s3 =	sshra.s32 s4, $0x2;
	s4 =	sadd.s32 $0x40, s4  }
0x23d: {  	_ =	sdelay $0x1  }
0x23e: {  	v2 =	vld [tilespmem:s3+$0x10900]  }
0x23f: {  	[tilespmem:s1+$0x12B00] =	vst v1  }
0x240: {  	v0 =	vld.idx.msk [tilespmem:v0+s2+$0x0], $0xffff;
	_ =	sdelay $0x1  }
0x241: {  	v1 =	vld [tilespmem:s0+$0x12B00]  }
0x242: {  	vm1 =	vgt.s32 v2, $0x97F;
	v3 =	vadd.s32 $0xFFFFF680, v2  }
0x243: {  	v2 =	vsel vm1, v3, v2  }
0x244: {  	v3 =	vand.u32 $0xFFFF0000, v0;
	v0 =	vshll.u32 v0, $0x10;
	v2 =	vadd.s32 $0x5580, v2  }
0x245: {  	v0 =	vsel vm0, v3, v0  }
0x246: {  	v0 =	vadd.f32 v0, v1;
	_ =	sdelay $0x1  }
0x247: {  	[tilespmem:s0+$0x12B00] =	vst v0  }
0x248: {  	v0 =	vld.idx.msk [tilespmem:v2+s2+$0x0], $0xffff;
	_ =	sdelay $0x1  }
0x249: {  	v1 =	vld [tilespmem:s3+$0x12B00];
	_ =	sdelay $0x2  }
0x24a: {  	vm0 =	vmmov vm1;
	v2 =	vand.u32 $0xFFFF0000, v0;
	v0 =	vshll.u32 v0, $0x10  }
0x24b: {  	v0 =	vsel vm0, v2, v0  }
0x24c: {  	v0 =	vadd.f32 v0, v1;
	_ =	sdelay $0x1  }
0x24d: {  	[tilespmem:s3+$0x12B00] =	vst v0  }
0x24e: {  	_ =	swait.ge [sflag:s28], $0x200  }
0x24f: {  	[sflag:s28] =	ssyncset.done $0x0  }
0x250: {  	[sflag:s28] =	ssyncadd.s32 $0xFFFFFE00  }
0x251: {  	_ =	swait.ge [sflag:s29], $0x980  }
0x252: {  	[sflag:s29] =	ssyncset.done $0x0  }
0x253: {  	s1 =	simm.s32 $0x0;
	[sflag:s29] =	ssyncadd.s32 $0xFFFFF680  }
0x254: {  	v0 =	vld [tilespmem:s1+$0x10B00];
	_ =	sdelay $0x4  }
0x255: {  	vm0 =	vgt.s32 v0, $0x97F;
	v1 =	vadd.s32 $0xFFFFF680, v0  }
0x256: {  	v0 =	vsel vm0, v1, v0  }
0x257: {  	v0 =	vadd.s32 $0x5F00, v0;
	_ =	sdelay $0x2  }
0x258: {  	s0 =	simm.s32 $0x10  }
0x259: {  	v1 =	vld [tilespmem:s0+$0x10B00]  }
0x25a: {  	v0 =	vld.idx.msk [tilespmem:v0+s2+$0x0], $0xffff;
	_ =	sdelay $0x2  }
0x25b: {  	v2 =	vld [tilespmem:s1+$0x12B00]  }
0x25c: {  	vm0 =	vmmov vm0;
	vm1 =	vgt.s32 v1, $0x97F;
	v3 =	vadd.s32 $0xFFFFF680, v1  }
0x25d: {  	v1 =	vsel vm1, v3, v1;
	v4 =	vand.u32 $0xFFFF0000, v0;
	v0 =	vshll.u32 v0, $0x10  }
0x25e: {  	v3 =	vsel vm0, v4, v0;
	v0 =	vadd.s32 $0x5F00, v1;
	_ =	sdelay $0x1  }
0x25f: {  	v1 =	vadd.f32 v3, v2  }
0x260: {  	s4 =	simm.s32 $0xC0;
	s3 =	simm.s32 $0x20;
	vm0 =	vmmov vm1  }
.LBB2_22:
0x261: {  	p0 =	sne.s32 s4, $0x7C0;
	v2 =	vld [tilespmem:s3+$0x10B00];
	[tilespmem:s1+$0x12B00] =	vst v1;
	s1 =	smov.u32 s0;
	s0 =	smov.u32 s3  }
0x262: {  	v1 =	vld.idx.msk [tilespmem:v0+s2+$0x0], $0xffff;
	_ =	sdelay $0x2  }
0x263: {  	v3 =	vld [tilespmem:s1+$0x12B00]  }
0x264: {  	vm1 =	vgt.s32 v2, $0x97F;
	v0 =	vadd.s32 $0xFFFFF680, v2  }
.Ltmp10:
0x265: {  	v0 =	vsel vm1, v0, v2;
	(pc) =	sbr.rel @p0 .LBB2_22-.Ltmp10, $4  }
0x266: {  	v2 =	vand.u32 $0xFFFF0000, v1;
	v1 =	vshll.u32 v1, $0x10;
	v0 =	vadd.s32 $0x5F00, v0  }
0x267: {  	v1 =	vsel vm0, v2, v1;
	vm0 =	vmmov vm1  }
0x268: {  	v1 =	vadd.f32 v1, v3  }
0x269: {  	s3 =	sshra.s32 s4, $0x2;
	s4 =	sadd.s32 $0x40, s4  }
0x26a: {  	_ =	sdelay $0x1  }
0x26b: {  	v2 =	vld [tilespmem:s3+$0x10B00]  }
0x26c: {  	[tilespmem:s1+$0x12B00] =	vst v1  }
0x26d: {  	v0 =	vld.idx.msk [tilespmem:v0+s2+$0x0], $0xffff;
	_ =	sdelay $0x1  }
0x26e: {  	v1 =	vld [tilespmem:s0+$0x12B00]  }
0x26f: {  	vm1 =	vgt.s32 v2, $0x97F;
	v3 =	vadd.s32 $0xFFFFF680, v2  }
0x270: {  	v2 =	vsel vm1, v3, v2  }
0x271: {  	v3 =	vand.u32 $0xFFFF0000, v0;
	v0 =	vshll.u32 v0, $0x10;
	v2 =	vadd.s32 $0x5F00, v2  }
0x272: {  	v0 =	vsel vm0, v3, v0  }
0x273: {  	v0 =	vadd.f32 v0, v1;
	_ =	sdelay $0x1  }
0x274: {  	[tilespmem:s0+$0x12B00] =	vst v0  }
0x275: {  	v0 =	vld.idx.msk [tilespmem:v2+s2+$0x0], $0xffff;
	_ =	sdelay $0x1  }
0x276: {  	v1 =	vld [tilespmem:s3+$0x12B00];
	_ =	sdelay $0x2  }
0x277: {  	vm0 =	vmmov vm1;
	v2 =	vand.u32 $0xFFFF0000, v0;
	v0 =	vshll.u32 v0, $0x10  }
0x278: {  	v0 =	vsel vm0, v2, v0  }
0x279: {  	v0 =	vadd.f32 v0, v1;
	_ =	sdelay $0x1  }
0x27a: {  	[tilespmem:s3+$0x12B00] =	vst v0  }
0x27b: {  	_ =	swait.ge [sflag:s28], $0x200  }
0x27c: {  	[sflag:s28] =	ssyncset.done $0x0  }
0x27d: {  	[sflag:s28] =	ssyncadd.s32 $0xFFFFFE00  }
0x27e: {  	_ =	swait.ge [sflag:s29], $0x980  }
0x27f: {  	[sflag:s29] =	ssyncset.done $0x0  }
0x280: {  	s1 =	simm.s32 $0x0;
	[sflag:s29] =	ssyncadd.s32 $0xFFFFF680  }
0x281: {  	v0 =	vld [tilespmem:s1+$0x10D00];
	_ =	sdelay $0x4  }
0x282: {  	vm0 =	vgt.s32 v0, $0x97F;
	v1 =	vadd.s32 $0xFFFFF680, v0  }
0x283: {  	v0 =	vsel vm0, v1, v0  }
0x284: {  	v0 =	vadd.s32 $0x6880, v0;
	_ =	sdelay $0x2  }
0x285: {  	s0 =	simm.s32 $0x10  }
0x286: {  	v1 =	vld [tilespmem:s0+$0x10D00]  }
0x287: {  	v0 =	vld.idx.msk [tilespmem:v0+s2+$0x0], $0xffff;
	_ =	sdelay $0x2  }
0x288: {  	v2 =	vld [tilespmem:s1+$0x12B00]  }
0x289: {  	vm0 =	vmmov vm0;
	vm1 =	vgt.s32 v1, $0x97F;
	v3 =	vadd.s32 $0xFFFFF680, v1  }
0x28a: {  	v1 =	vsel vm1, v3, v1;
	v4 =	vand.u32 $0xFFFF0000, v0;
	v0 =	vshll.u32 v0, $0x10  }
0x28b: {  	v3 =	vsel vm0, v4, v0;
	v0 =	vadd.s32 $0x6880, v1;
	_ =	sdelay $0x1  }
0x28c: {  	v1 =	vadd.f32 v3, v2  }
0x28d: {  	s4 =	simm.s32 $0xC0;
	s3 =	simm.s32 $0x20;
	vm0 =	vmmov vm1  }
.LBB2_24:
0x28e: {  	p0 =	sne.s32 s4, $0x7C0;
	v2 =	vld [tilespmem:s3+$0x10D00];
	[tilespmem:s1+$0x12B00] =	vst v1;
	s1 =	smov.u32 s0;
	s0 =	smov.u32 s3  }
0x28f: {  	v1 =	vld.idx.msk [tilespmem:v0+s2+$0x0], $0xffff;
	_ =	sdelay $0x2  }
0x290: {  	v3 =	vld [tilespmem:s1+$0x12B00]  }
0x291: {  	vm1 =	vgt.s32 v2, $0x97F;
	v0 =	vadd.s32 $0xFFFFF680, v2  }
.Ltmp11:
0x292: {  	v0 =	vsel vm1, v0, v2;
	(pc) =	sbr.rel @p0 .LBB2_24-.Ltmp11, $4  }
0x293: {  	v2 =	vand.u32 $0xFFFF0000, v1;
	v1 =	vshll.u32 v1, $0x10;
	v0 =	vadd.s32 $0x6880, v0  }
0x294: {  	v1 =	vsel vm0, v2, v1;
	vm0 =	vmmov vm1  }
0x295: {  	v1 =	vadd.f32 v1, v3  }
0x296: {  	s3 =	sshra.s32 s4, $0x2;
	s4 =	sadd.s32 $0x40, s4  }
0x297: {  	_ =	sdelay $0x1  }
0x298: {  	v2 =	vld [tilespmem:s3+$0x10D00]  }
0x299: {  	[tilespmem:s1+$0x12B00] =	vst v1  }
0x29a: {  	v0 =	vld.idx.msk [tilespmem:v0+s2+$0x0], $0xffff;
	_ =	sdelay $0x1  }
0x29b: {  	v1 =	vld [tilespmem:s0+$0x12B00]  }
0x29c: {  	vm1 =	vgt.s32 v2, $0x97F;
	v3 =	vadd.s32 $0xFFFFF680, v2  }
0x29d: {  	v2 =	vsel vm1, v3, v2  }
0x29e: {  	v3 =	vand.u32 $0xFFFF0000, v0;
	v0 =	vshll.u32 v0, $0x10;
	v2 =	vadd.s32 $0x6880, v2  }
0x29f: {  	v0 =	vsel vm0, v3, v0  }
0x2a0: {  	v0 =	vadd.f32 v0, v1;
	_ =	sdelay $0x1  }
0x2a1: {  	[tilespmem:s0+$0x12B00] =	vst v0  }
0x2a2: {  	v0 =	vld.idx.msk [tilespmem:v2+s2+$0x0], $0xffff;
	_ =	sdelay $0x1  }
0x2a3: {  	v1 =	vld [tilespmem:s3+$0x12B00];
	_ =	sdelay $0x2  }
0x2a4: {  	vm0 =	vmmov vm1;
	v2 =	vand.u32 $0xFFFF0000, v0;
	v0 =	vshll.u32 v0, $0x10  }
0x2a5: {  	v0 =	vsel vm0, v2, v0  }
0x2a6: {  	v0 =	vadd.f32 v0, v1;
	_ =	sdelay $0x1  }
0x2a7: {  	[tilespmem:s3+$0x12B00] =	vst v0  }
0x2a8: {  	_ =	swait.ge [sflag:s28], $0x200  }
0x2a9: {  	[sflag:s28] =	ssyncset.done $0x0  }
0x2aa: {  	[sflag:s28] =	ssyncadd.s32 $0xFFFFFE00  }
0x2ab: {  	_ =	swait.ge [sflag:s29], $0x980  }
0x2ac: {  	[sflag:s29] =	ssyncset.done $0x0  }
0x2ad: {  	s1 =	simm.s32 $0x0;
	[sflag:s29] =	ssyncadd.s32 $0xFFFFF680  }
0x2ae: {  	v0 =	vld [tilespmem:s1+$0x10F00];
	_ =	sdelay $0x4  }
0x2af: {  	vm0 =	vgt.s32 v0, $0x97F;
	v1 =	vadd.s32 $0xFFFFF680, v0  }
0x2b0: {  	v0 =	vsel vm0, v1, v0  }
0x2b1: {  	v0 =	vadd.s32 $0x7200, v0;
	_ =	sdelay $0x2  }
0x2b2: {  	s0 =	simm.s32 $0x10  }
0x2b3: {  	v1 =	vld [tilespmem:s0+$0x10F00]  }
0x2b4: {  	v0 =	vld.idx.msk [tilespmem:v0+s2+$0x0], $0xffff;
	_ =	sdelay $0x2  }
0x2b5: {  	v2 =	vld [tilespmem:s1+$0x12B00]  }
0x2b6: {  	vm0 =	vmmov vm0;
	vm1 =	vgt.s32 v1, $0x97F;
	v3 =	vadd.s32 $0xFFFFF680, v1  }
0x2b7: {  	v1 =	vsel vm1, v3, v1;
	v4 =	vand.u32 $0xFFFF0000, v0;
	v0 =	vshll.u32 v0, $0x10  }
0x2b8: {  	v3 =	vsel vm0, v4, v0;
	v0 =	vadd.s32 $0x7200, v1;
	_ =	sdelay $0x1  }
0x2b9: {  	v1 =	vadd.f32 v3, v2  }
0x2ba: {  	s4 =	simm.s32 $0xC0;
	s3 =	simm.s32 $0x20;
	vm0 =	vmmov vm1  }
.LBB2_26:
0x2bb: {  	p0 =	sne.s32 s4, $0x7C0;
	v2 =	vld [tilespmem:s3+$0x10F00];
	[tilespmem:s1+$0x12B00] =	vst v1;
	s1 =	smov.u32 s0;
	s0 =	smov.u32 s3  }
0x2bc: {  	v1 =	vld.idx.msk [tilespmem:v0+s2+$0x0], $0xffff;
	_ =	sdelay $0x2  }
0x2bd: {  	v3 =	vld [tilespmem:s1+$0x12B00]  }
0x2be: {  	vm1 =	vgt.s32 v2, $0x97F;
	v0 =	vadd.s32 $0xFFFFF680, v2  }
.Ltmp12:
0x2bf: {  	v0 =	vsel vm1, v0, v2;
	(pc) =	sbr.rel @p0 .LBB2_26-.Ltmp12, $4  }
0x2c0: {  	v2 =	vand.u32 $0xFFFF0000, v1;
	v1 =	vshll.u32 v1, $0x10;
	v0 =	vadd.s32 $0x7200, v0  }
0x2c1: {  	v1 =	vsel vm0, v2, v1;
	vm0 =	vmmov vm1  }
0x2c2: {  	v1 =	vadd.f32 v1, v3  }
0x2c3: {  	s3 =	sshra.s32 s4, $0x2;
	s4 =	sadd.s32 $0x40, s4  }
0x2c4: {  	_ =	sdelay $0x1  }
0x2c5: {  	v2 =	vld [tilespmem:s3+$0x10F00]  }
0x2c6: {  	[tilespmem:s1+$0x12B00] =	vst v1  }
0x2c7: {  	v0 =	vld.idx.msk [tilespmem:v0+s2+$0x0], $0xffff;
	_ =	sdelay $0x1  }
0x2c8: {  	v1 =	vld [tilespmem:s0+$0x12B00]  }
0x2c9: {  	vm1 =	vgt.s32 v2, $0x97F;
	v3 =	vadd.s32 $0xFFFFF680, v2  }
0x2ca: {  	v2 =	vsel vm1, v3, v2  }
0x2cb: {  	v3 =	vand.u32 $0xFFFF0000, v0;
	v0 =	vshll.u32 v0, $0x10;
	v2 =	vadd.s32 $0x7200, v2  }
0x2cc: {  	v0 =	vsel vm0, v3, v0  }
0x2cd: {  	v0 =	vadd.f32 v0, v1;
	_ =	sdelay $0x1  }
0x2ce: {  	[tilespmem:s0+$0x12B00] =	vst v0  }
0x2cf: {  	v0 =	vld.idx.msk [tilespmem:v2+s2+$0x0], $0xffff;
	_ =	sdelay $0x1  }
0x2d0: {  	v1 =	vld [tilespmem:s3+$0x12B00];
	_ =	sdelay $0x2  }
0x2d1: {  	vm0 =	vmmov vm1;
	v2 =	vand.u32 $0xFFFF0000, v0;
	v0 =	vshll.u32 v0, $0x10  }
0x2d2: {  	v0 =	vsel vm0, v2, v0  }
0x2d3: {  	v0 =	vadd.f32 v0, v1;
	_ =	sdelay $0x1  }
0x2d4: {  	[tilespmem:s3+$0x12B00] =	vst v0  }
0x2d5: {  	_ =	swait.ge [sflag:s28], $0x200  }
0x2d6: {  	[sflag:s28] =	ssyncset.done $0x0  }
0x2d7: {  	[sflag:s28] =	ssyncadd.s32 $0xFFFFFE00  }
0x2d8: {  	_ =	swait.ge [sflag:s29], $0x980  }
0x2d9: {  	[sflag:s29] =	ssyncset.done $0x0  }
0x2da: {  	s1 =	simm.s32 $0x0;
	[sflag:s29] =	ssyncadd.s32 $0xFFFFF680  }
0x2db: {  	v0 =	vld [tilespmem:s1+$0x11100];
	_ =	sdelay $0x4  }
0x2dc: {  	vm0 =	vgt.s32 v0, $0x97F;
	v1 =	vadd.s32 $0xFFFFF680, v0  }
0x2dd: {  	v0 =	vsel vm0, v1, v0  }
0x2de: {  	v0 =	vadd.s32 $0x7B80, v0;
	_ =	sdelay $0x2  }
0x2df: {  	s0 =	simm.s32 $0x10  }
0x2e0: {  	v1 =	vld [tilespmem:s0+$0x11100]  }
0x2e1: {  	v0 =	vld.idx.msk [tilespmem:v0+s2+$0x0], $0xffff;
	_ =	sdelay $0x2  }
0x2e2: {  	v2 =	vld [tilespmem:s1+$0x12B00]  }
0x2e3: {  	vm0 =	vmmov vm0;
	vm1 =	vgt.s32 v1, $0x97F;
	v3 =	vadd.s32 $0xFFFFF680, v1  }
0x2e4: {  	v1 =	vsel vm1, v3, v1;
	v4 =	vand.u32 $0xFFFF0000, v0;
	v0 =	vshll.u32 v0, $0x10  }
0x2e5: {  	v3 =	vsel vm0, v4, v0;
	v0 =	vadd.s32 $0x7B80, v1;
	_ =	sdelay $0x1  }
0x2e6: {  	v1 =	vadd.f32 v3, v2  }
0x2e7: {  	s4 =	simm.s32 $0xC0;
	s3 =	simm.s32 $0x20;
	vm0 =	vmmov vm1  }
.LBB2_28:
0x2e8: {  	p0 =	sne.s32 s4, $0x7C0;
	v2 =	vld [tilespmem:s3+$0x11100];
	[tilespmem:s1+$0x12B00] =	vst v1;
	s1 =	smov.u32 s0;
	s0 =	smov.u32 s3  }
0x2e9: {  	v1 =	vld.idx.msk [tilespmem:v0+s2+$0x0], $0xffff;
	_ =	sdelay $0x2  }
0x2ea: {  	v3 =	vld [tilespmem:s1+$0x12B00]  }
0x2eb: {  	vm1 =	vgt.s32 v2, $0x97F;
	v0 =	vadd.s32 $0xFFFFF680, v2  }
.Ltmp13:
0x2ec: {  	v0 =	vsel vm1, v0, v2;
	(pc) =	sbr.rel @p0 .LBB2_28-.Ltmp13, $4  }
0x2ed: {  	v2 =	vand.u32 $0xFFFF0000, v1;
	v1 =	vshll.u32 v1, $0x10;
	v0 =	vadd.s32 $0x7B80, v0  }
0x2ee: {  	v1 =	vsel vm0, v2, v1;
	vm0 =	vmmov vm1  }
0x2ef: {  	v1 =	vadd.f32 v1, v3  }
0x2f0: {  	s3 =	sshra.s32 s4, $0x2;
	s4 =	sadd.s32 $0x40, s4  }
0x2f1: {  	_ =	sdelay $0x1  }
0x2f2: {  	v2 =	vld [tilespmem:s3+$0x11100]  }
0x2f3: {  	[tilespmem:s1+$0x12B00] =	vst v1  }
0x2f4: {  	v0 =	vld.idx.msk [tilespmem:v0+s2+$0x0], $0xffff;
	_ =	sdelay $0x1  }
0x2f5: {  	v1 =	vld [tilespmem:s0+$0x12B00]  }
0x2f6: {  	vm1 =	vgt.s32 v2, $0x97F;
	v3 =	vadd.s32 $0xFFFFF680, v2  }
0x2f7: {  	v2 =	vsel vm1, v3, v2  }
0x2f8: {  	v3 =	vand.u32 $0xFFFF0000, v0;
	v0 =	vshll.u32 v0, $0x10;
	v2 =	vadd.s32 $0x7B80, v2  }
0x2f9: {  	v0 =	vsel vm0, v3, v0  }
0x2fa: {  	v0 =	vadd.f32 v0, v1;
	_ =	sdelay $0x1  }
0x2fb: {  	[tilespmem:s0+$0x12B00] =	vst v0  }
0x2fc: {  	v0 =	vld.idx.msk [tilespmem:v2+s2+$0x0], $0xffff;
	_ =	sdelay $0x1  }
0x2fd: {  	v1 =	vld [tilespmem:s3+$0x12B00];
	_ =	sdelay $0x2  }
0x2fe: {  	vm0 =	vmmov vm1;
	v2 =	vand.u32 $0xFFFF0000, v0;
	v0 =	vshll.u32 v0, $0x10  }
0x2ff: {  	v0 =	vsel vm0, v2, v0  }
0x300: {  	v0 =	vadd.f32 v0, v1;
	_ =	sdelay $0x1  }
0x301: {  	[tilespmem:s3+$0x12B00] =	vst v0  }
0x302: {  	_ =	swait.ge [sflag:s28], $0x200  }
0x303: {  	[sflag:s28] =	ssyncset.done $0x0  }
0x304: {  	[sflag:s28] =	ssyncadd.s32 $0xFFFFFE00  }
0x305: {  	_ =	swait.ge [sflag:s29], $0x980  }
0x306: {  	[sflag:s29] =	ssyncset.done $0x0  }
0x307: {  	s1 =	simm.s32 $0x0;
	[sflag:s29] =	ssyncadd.s32 $0xFFFFF680  }
0x308: {  	v0 =	vld [tilespmem:s1+$0x11300];
	_ =	sdelay $0x4  }
0x309: {  	vm0 =	vgt.s32 v0, $0x97F;
	v1 =	vadd.s32 $0xFFFFF680, v0  }
0x30a: {  	v0 =	vsel vm0, v1, v0  }
0x30b: {  	v0 =	vadd.s32 $0x8500, v0;
	_ =	sdelay $0x2  }
0x30c: {  	s0 =	simm.s32 $0x10  }
0x30d: {  	v1 =	vld [tilespmem:s0+$0x11300]  }
0x30e: {  	v0 =	vld.idx.msk [tilespmem:v0+s2+$0x0], $0xffff;
	_ =	sdelay $0x2  }
0x30f: {  	v2 =	vld [tilespmem:s1+$0x12B00]  }
0x310: {  	vm0 =	vmmov vm0;
	vm1 =	vgt.s32 v1, $0x97F;
	v3 =	vadd.s32 $0xFFFFF680, v1  }
0x311: {  	v1 =	vsel vm1, v3, v1;
	v4 =	vand.u32 $0xFFFF0000, v0;
	v0 =	vshll.u32 v0, $0x10  }
0x312: {  	v3 =	vsel vm0, v4, v0;
	v0 =	vadd.s32 $0x8500, v1;
	_ =	sdelay $0x1  }
0x313: {  	v1 =	vadd.f32 v3, v2  }
0x314: {  	s4 =	simm.s32 $0xC0;
	s3 =	simm.s32 $0x20;
	vm0 =	vmmov vm1  }
.LBB2_30:
0x315: {  	p0 =	sne.s32 s4, $0x7C0;
	v2 =	vld [tilespmem:s3+$0x11300];
	[tilespmem:s1+$0x12B00] =	vst v1;
	s1 =	smov.u32 s0;
	s0 =	smov.u32 s3  }
0x316: {  	v1 =	vld.idx.msk [tilespmem:v0+s2+$0x0], $0xffff;
	_ =	sdelay $0x2  }
0x317: {  	v3 =	vld [tilespmem:s1+$0x12B00]  }
0x318: {  	vm1 =	vgt.s32 v2, $0x97F;
	v0 =	vadd.s32 $0xFFFFF680, v2  }
.Ltmp14:
0x319: {  	v0 =	vsel vm1, v0, v2;
	(pc) =	sbr.rel @p0 .LBB2_30-.Ltmp14, $4  }
0x31a: {  	v2 =	vand.u32 $0xFFFF0000, v1;
	v1 =	vshll.u32 v1, $0x10;
	v0 =	vadd.s32 $0x8500, v0  }
0x31b: {  	v1 =	vsel vm0, v2, v1;
	vm0 =	vmmov vm1  }
0x31c: {  	v1 =	vadd.f32 v1, v3  }
0x31d: {  	s3 =	sshra.s32 s4, $0x2;
	s4 =	sadd.s32 $0x40, s4  }
0x31e: {  	_ =	sdelay $0x1  }
0x31f: {  	v2 =	vld [tilespmem:s3+$0x11300]  }
0x320: {  	[tilespmem:s1+$0x12B00] =	vst v1  }
0x321: {  	v0 =	vld.idx.msk [tilespmem:v0+s2+$0x0], $0xffff;
	_ =	sdelay $0x1  }
0x322: {  	v1 =	vld [tilespmem:s0+$0x12B00]  }
0x323: {  	vm1 =	vgt.s32 v2, $0x97F;
	v3 =	vadd.s32 $0xFFFFF680, v2  }
0x324: {  	v2 =	vsel vm1, v3, v2  }
0x325: {  	v3 =	vand.u32 $0xFFFF0000, v0;
	v0 =	vshll.u32 v0, $0x10;
	v2 =	vadd.s32 $0x8500, v2  }
0x326: {  	v0 =	vsel vm0, v3, v0  }
0x327: {  	v0 =	vadd.f32 v0, v1;
	_ =	sdelay $0x1  }
0x328: {  	[tilespmem:s0+$0x12B00] =	vst v0  }
0x329: {  	v0 =	vld.idx.msk [tilespmem:v2+s2+$0x0], $0xffff;
	_ =	sdelay $0x1  }
0x32a: {  	v1 =	vld [tilespmem:s3+$0x12B00];
	_ =	sdelay $0x2  }
0x32b: {  	vm0 =	vmmov vm1;
	v2 =	vand.u32 $0xFFFF0000, v0;
	v0 =	vshll.u32 v0, $0x10  }
0x32c: {  	v0 =	vsel vm0, v2, v0  }
0x32d: {  	v0 =	vadd.f32 v0, v1;
	_ =	sdelay $0x1  }
0x32e: {  	[tilespmem:s3+$0x12B00] =	vst v0  }
0x32f: {  	_ =	swait.ge [sflag:s28], $0x200  }
0x330: {  	[sflag:s28] =	ssyncset.done $0x0  }
0x331: {  	[sflag:s28] =	ssyncadd.s32 $0xFFFFFE00  }
0x332: {  	_ =	swait.ge [sflag:s29], $0x980  }
0x333: {  	[sflag:s29] =	ssyncset.done $0x0  }
0x334: {  	s1 =	simm.s32 $0x0;
	[sflag:s29] =	ssyncadd.s32 $0xFFFFF680  }
0x335: {  	v0 =	vld [tilespmem:s1+$0x11500];
	_ =	sdelay $0x4  }
0x336: {  	vm0 =	vgt.s32 v0, $0x97F;
	v1 =	vadd.s32 $0xFFFFF680, v0  }
0x337: {  	v0 =	vsel vm0, v1, v0  }
0x338: {  	v0 =	vadd.s32 $0x8E80, v0;
	_ =	sdelay $0x2  }
0x339: {  	s0 =	simm.s32 $0x10  }
0x33a: {  	v1 =	vld [tilespmem:s0+$0x11500]  }
0x33b: {  	v0 =	vld.idx.msk [tilespmem:v0+s2+$0x0], $0xffff;
	_ =	sdelay $0x2  }
0x33c: {  	v2 =	vld [tilespmem:s1+$0x12B00]  }
0x33d: {  	vm0 =	vmmov vm0;
	vm1 =	vgt.s32 v1, $0x97F;
	v3 =	vadd.s32 $0xFFFFF680, v1  }
0x33e: {  	v1 =	vsel vm1, v3, v1;
	v4 =	vand.u32 $0xFFFF0000, v0;
	v0 =	vshll.u32 v0, $0x10  }
0x33f: {  	v3 =	vsel vm0, v4, v0;
	v0 =	vadd.s32 $0x8E80, v1;
	_ =	sdelay $0x1  }
0x340: {  	v1 =	vadd.f32 v3, v2  }
0x341: {  	s4 =	simm.s32 $0xC0;
	s3 =	simm.s32 $0x20;
	vm0 =	vmmov vm1  }
.LBB2_32:
0x342: {  	p0 =	sne.s32 s4, $0x7C0;
	v2 =	vld [tilespmem:s3+$0x11500];
	[tilespmem:s1+$0x12B00] =	vst v1;
	s1 =	smov.u32 s0;
	s0 =	smov.u32 s3  }
0x343: {  	v1 =	vld.idx.msk [tilespmem:v0+s2+$0x0], $0xffff;
	_ =	sdelay $0x2  }
0x344: {  	v3 =	vld [tilespmem:s1+$0x12B00]  }
0x345: {  	vm1 =	vgt.s32 v2, $0x97F;
	v0 =	vadd.s32 $0xFFFFF680, v2  }
.Ltmp15:
0x346: {  	v0 =	vsel vm1, v0, v2;
	(pc) =	sbr.rel @p0 .LBB2_32-.Ltmp15, $4  }
0x347: {  	v2 =	vand.u32 $0xFFFF0000, v1;
	v1 =	vshll.u32 v1, $0x10;
	v0 =	vadd.s32 $0x8E80, v0  }
0x348: {  	v1 =	vsel vm0, v2, v1;
	vm0 =	vmmov vm1  }
0x349: {  	v1 =	vadd.f32 v1, v3  }
0x34a: {  	s3 =	sshra.s32 s4, $0x2;
	s4 =	sadd.s32 $0x40, s4  }
0x34b: {  	_ =	sdelay $0x1  }
0x34c: {  	v2 =	vld [tilespmem:s3+$0x11500]  }
0x34d: {  	[tilespmem:s1+$0x12B00] =	vst v1  }
0x34e: {  	v0 =	vld.idx.msk [tilespmem:v0+s2+$0x0], $0xffff;
	_ =	sdelay $0x1  }
0x34f: {  	v1 =	vld [tilespmem:s0+$0x12B00]  }
0x350: {  	vm1 =	vgt.s32 v2, $0x97F;
	v3 =	vadd.s32 $0xFFFFF680, v2  }
0x351: {  	v2 =	vsel vm1, v3, v2  }
0x352: {  	v3 =	vand.u32 $0xFFFF0000, v0;
	v0 =	vshll.u32 v0, $0x10;
	v2 =	vadd.s32 $0x8E80, v2  }
0x353: {  	v0 =	vsel vm0, v3, v0  }
0x354: {  	v0 =	vadd.f32 v0, v1;
	_ =	sdelay $0x1  }
0x355: {  	[tilespmem:s0+$0x12B00] =	vst v0  }
0x356: {  	v0 =	vld.idx.msk [tilespmem:v2+s2+$0x0], $0xffff;
	_ =	sdelay $0x1  }
0x357: {  	v1 =	vld [tilespmem:s3+$0x12B00];
	_ =	sdelay $0x2  }
0x358: {  	vm0 =	vmmov vm1;
	v2 =	vand.u32 $0xFFFF0000, v0;
	v0 =	vshll.u32 v0, $0x10  }
0x359: {  	v0 =	vsel vm0, v2, v0  }
0x35a: {  	v0 =	vadd.f32 v0, v1;
	_ =	sdelay $0x1  }
0x35b: {  	[tilespmem:s3+$0x12B00] =	vst v0  }
0x35c: {  	_ =	swait.ge [sflag:s28], $0x200  }
0x35d: {  	[sflag:s28] =	ssyncset.done $0x0  }
0x35e: {  	[sflag:s28] =	ssyncadd.s32 $0xFFFFFE00  }
0x35f: {  	_ =	swait.ge [sflag:s29], $0x980  }
0x360: {  	[sflag:s29] =	ssyncset.done $0x0  }
0x361: {  	s1 =	simm.s32 $0x0;
	[sflag:s29] =	ssyncadd.s32 $0xFFFFF680  }
0x362: {  	v0 =	vld [tilespmem:s1+$0x11700];
	_ =	sdelay $0x4  }
0x363: {  	vm0 =	vgt.s32 v0, $0x97F;
	v1 =	vadd.s32 $0xFFFFF680, v0  }
0x364: {  	v0 =	vsel vm0, v1, v0  }
0x365: {  	v0 =	vadd.s32 $0x9800, v0;
	_ =	sdelay $0x2  }
0x366: {  	s0 =	simm.s32 $0x10  }
0x367: {  	v1 =	vld [tilespmem:s0+$0x11700]  }
0x368: {  	v0 =	vld.idx.msk [tilespmem:v0+s2+$0x0], $0xffff;
	_ =	sdelay $0x2  }
0x369: {  	v2 =	vld [tilespmem:s1+$0x12B00]  }
0x36a: {  	vm0 =	vmmov vm0;
	vm1 =	vgt.s32 v1, $0x97F;
	v3 =	vadd.s32 $0xFFFFF680, v1  }
0x36b: {  	v1 =	vsel vm1, v3, v1;
	v4 =	vand.u32 $0xFFFF0000, v0;
	v0 =	vshll.u32 v0, $0x10  }
0x36c: {  	v3 =	vsel vm0, v4, v0;
	v0 =	vadd.s32 $0x9800, v1;
	_ =	sdelay $0x1  }
0x36d: {  	v1 =	vadd.f32 v3, v2  }
0x36e: {  	s4 =	simm.s32 $0xC0;
	s3 =	simm.s32 $0x20;
	vm0 =	vmmov vm1  }
.LBB2_34:
0x36f: {  	p0 =	sne.s32 s4, $0x7C0;
	v2 =	vld [tilespmem:s3+$0x11700];
	[tilespmem:s1+$0x12B00] =	vst v1;
	s1 =	smov.u32 s0;
	s0 =	smov.u32 s3  }
0x370: {  	v1 =	vld.idx.msk [tilespmem:v0+s2+$0x0], $0xffff;
	_ =	sdelay $0x2  }
0x371: {  	v3 =	vld [tilespmem:s1+$0x12B00]  }
0x372: {  	vm1 =	vgt.s32 v2, $0x97F;
	v0 =	vadd.s32 $0xFFFFF680, v2  }
.Ltmp16:
0x373: {  	v0 =	vsel vm1, v0, v2;
	(pc) =	sbr.rel @p0 .LBB2_34-.Ltmp16, $4  }
0x374: {  	v2 =	vand.u32 $0xFFFF0000, v1;
	v1 =	vshll.u32 v1, $0x10;
	v0 =	vadd.s32 $0x9800, v0  }
0x375: {  	v1 =	vsel vm0, v2, v1;
	vm0 =	vmmov vm1  }
0x376: {  	v1 =	vadd.f32 v1, v3  }
0x377: {  	s3 =	sshra.s32 s4, $0x2;
	s4 =	sadd.s32 $0x40, s4  }
0x378: {  	_ =	sdelay $0x1  }
0x379: {  	v2 =	vld [tilespmem:s3+$0x11700]  }
0x37a: {  	[tilespmem:s1+$0x12B00] =	vst v1  }
0x37b: {  	v0 =	vld.idx.msk [tilespmem:v0+s2+$0x0], $0xffff;
	_ =	sdelay $0x1  }
0x37c: {  	v1 =	vld [tilespmem:s0+$0x12B00]  }
0x37d: {  	vm1 =	vgt.s32 v2, $0x97F;
	v3 =	vadd.s32 $0xFFFFF680, v2  }
0x37e: {  	v2 =	vsel vm1, v3, v2  }
0x37f: {  	v3 =	vand.u32 $0xFFFF0000, v0;
	v0 =	vshll.u32 v0, $0x10;
	v2 =	vadd.s32 $0x9800, v2  }
0x380: {  	v0 =	vsel vm0, v3, v0  }
0x381: {  	v0 =	vadd.f32 v0, v1;
	_ =	sdelay $0x1  }
0x382: {  	[tilespmem:s0+$0x12B00] =	vst v0  }
0x383: {  	v0 =	vld.idx.msk [tilespmem:v2+s2+$0x0], $0xffff;
	_ =	sdelay $0x1  }
0x384: {  	v1 =	vld [tilespmem:s3+$0x12B00];
	_ =	sdelay $0x2  }
0x385: {  	vm0 =	vmmov vm1;
	v2 =	vand.u32 $0xFFFF0000, v0;
	v0 =	vshll.u32 v0, $0x10  }
0x386: {  	v0 =	vsel vm0, v2, v0  }
0x387: {  	v0 =	vadd.f32 v0, v1;
	_ =	sdelay $0x1  }
0x388: {  	[tilespmem:s3+$0x12B00] =	vst v0  }
0x389: {  	_ =	swait.ge [sflag:s28], $0x200  }
0x38a: {  	[sflag:s28] =	ssyncset.done $0x0  }
0x38b: {  	[sflag:s28] =	ssyncadd.s32 $0xFFFFFE00  }
0x38c: {  	_ =	swait.ge [sflag:s29], $0x980  }
0x38d: {  	[sflag:s29] =	ssyncset.done $0x0  }
0x38e: {  	s1 =	simm.s32 $0x0;
	[sflag:s29] =	ssyncadd.s32 $0xFFFFF680  }
0x38f: {  	v0 =	vld [tilespmem:s1+$0x11900];
	_ =	sdelay $0x4  }
0x390: {  	vm0 =	vgt.s32 v0, $0x97F;
	v1 =	vadd.s32 $0xFFFFF680, v0  }
0x391: {  	v0 =	vsel vm0, v1, v0  }
0x392: {  	v0 =	vadd.s32 $0xA180, v0;
	_ =	sdelay $0x2  }
0x393: {  	s0 =	simm.s32 $0x10  }
0x394: {  	v1 =	vld [tilespmem:s0+$0x11900]  }
0x395: {  	v0 =	vld.idx.msk [tilespmem:v0+s2+$0x0], $0xffff;
	_ =	sdelay $0x2  }
0x396: {  	v2 =	vld [tilespmem:s1+$0x12B00]  }
0x397: {  	vm0 =	vmmov vm0;
	vm1 =	vgt.s32 v1, $0x97F;
	v3 =	vadd.s32 $0xFFFFF680, v1  }
0x398: {  	v1 =	vsel vm1, v3, v1;
	v4 =	vand.u32 $0xFFFF0000, v0;
	v0 =	vshll.u32 v0, $0x10  }
0x399: {  	v3 =	vsel vm0, v4, v0;
	v0 =	vadd.s32 $0xA180, v1;
	_ =	sdelay $0x1  }
0x39a: {  	v1 =	vadd.f32 v3, v2  }
0x39b: {  	s4 =	simm.s32 $0xC0;
	s3 =	simm.s32 $0x20;
	vm0 =	vmmov vm1  }
.LBB2_36:
0x39c: {  	p0 =	sne.s32 s4, $0x7C0;
	v2 =	vld [tilespmem:s3+$0x11900];
	[tilespmem:s1+$0x12B00] =	vst v1;
	s1 =	smov.u32 s0;
	s0 =	smov.u32 s3  }
0x39d: {  	v1 =	vld.idx.msk [tilespmem:v0+s2+$0x0], $0xffff;
	_ =	sdelay $0x2  }
0x39e: {  	v3 =	vld [tilespmem:s1+$0x12B00]  }
0x39f: {  	vm1 =	vgt.s32 v2, $0x97F;
	v0 =	vadd.s32 $0xFFFFF680, v2  }
.Ltmp17:
0x3a0: {  	v0 =	vsel vm1, v0, v2;
	(pc) =	sbr.rel @p0 .LBB2_36-.Ltmp17, $4  }
0x3a1: {  	v2 =	vand.u32 $0xFFFF0000, v1;
	v1 =	vshll.u32 v1, $0x10;
	v0 =	vadd.s32 $0xA180, v0  }
0x3a2: {  	v1 =	vsel vm0, v2, v1;
	vm0 =	vmmov vm1  }
0x3a3: {  	v1 =	vadd.f32 v1, v3  }
0x3a4: {  	s3 =	sshra.s32 s4, $0x2;
	s4 =	sadd.s32 $0x40, s4  }
0x3a5: {  	_ =	sdelay $0x1  }
0x3a6: {  	v2 =	vld [tilespmem:s3+$0x11900]  }
0x3a7: {  	[tilespmem:s1+$0x12B00] =	vst v1  }
0x3a8: {  	v0 =	vld.idx.msk [tilespmem:v0+s2+$0x0], $0xffff;
	_ =	sdelay $0x1  }
0x3a9: {  	v1 =	vld [tilespmem:s0+$0x12B00]  }
0x3aa: {  	vm1 =	vgt.s32 v2, $0x97F;
	v3 =	vadd.s32 $0xFFFFF680, v2  }
0x3ab: {  	v2 =	vsel vm1, v3, v2  }
0x3ac: {  	v3 =	vand.u32 $0xFFFF0000, v0;
	v0 =	vshll.u32 v0, $0x10;
	v2 =	vadd.s32 $0xA180, v2  }
0x3ad: {  	v0 =	vsel vm0, v3, v0  }
0x3ae: {  	v0 =	vadd.f32 v0, v1;
	_ =	sdelay $0x1  }
0x3af: {  	[tilespmem:s0+$0x12B00] =	vst v0  }
0x3b0: {  	v0 =	vld.idx.msk [tilespmem:v2+s2+$0x0], $0xffff;
	_ =	sdelay $0x1  }
0x3b1: {  	v1 =	vld [tilespmem:s3+$0x12B00];
	_ =	sdelay $0x2  }
0x3b2: {  	vm0 =	vmmov vm1;
	v2 =	vand.u32 $0xFFFF0000, v0;
	v0 =	vshll.u32 v0, $0x10  }
0x3b3: {  	v0 =	vsel vm0, v2, v0  }
0x3b4: {  	v0 =	vadd.f32 v0, v1;
	_ =	sdelay $0x1  }
0x3b5: {  	[tilespmem:s3+$0x12B00] =	vst v0  }
0x3b6: {  	_ =	swait.ge [sflag:s28], $0x200  }
0x3b7: {  	[sflag:s28] =	ssyncset.done $0x0  }
0x3b8: {  	[sflag:s28] =	ssyncadd.s32 $0xFFFFFE00  }
0x3b9: {  	_ =	swait.ge [sflag:s29], $0x980  }
0x3ba: {  	[sflag:s29] =	ssyncset.done $0x0  }
0x3bb: {  	s1 =	simm.s32 $0x0;
	[sflag:s29] =	ssyncadd.s32 $0xFFFFF680  }
0x3bc: {  	v0 =	vld [tilespmem:s1+$0x11B00];
	_ =	sdelay $0x4  }
0x3bd: {  	vm0 =	vgt.s32 v0, $0x97F;
	v1 =	vadd.s32 $0xFFFFF680, v0  }
0x3be: {  	v0 =	vsel vm0, v1, v0  }
0x3bf: {  	v0 =	vadd.s32 $0xAB00, v0;
	_ =	sdelay $0x2  }
0x3c0: {  	s0 =	simm.s32 $0x10  }
0x3c1: {  	v1 =	vld [tilespmem:s0+$0x11B00]  }
0x3c2: {  	v0 =	vld.idx.msk [tilespmem:v0+s2+$0x0], $0xffff;
	_ =	sdelay $0x2  }
0x3c3: {  	v2 =	vld [tilespmem:s1+$0x12B00]  }
0x3c4: {  	vm0 =	vmmov vm0;
	vm1 =	vgt.s32 v1, $0x97F;
	v3 =	vadd.s32 $0xFFFFF680, v1  }
0x3c5: {  	v1 =	vsel vm1, v3, v1;
	v4 =	vand.u32 $0xFFFF0000, v0;
	v0 =	vshll.u32 v0, $0x10  }
0x3c6: {  	v3 =	vsel vm0, v4, v0;
	v0 =	vadd.s32 $0xAB00, v1;
	_ =	sdelay $0x1  }
0x3c7: {  	v1 =	vadd.f32 v3, v2  }
0x3c8: {  	s4 =	simm.s32 $0xC0;
	s3 =	simm.s32 $0x20;
	vm0 =	vmmov vm1  }
.LBB2_38:
0x3c9: {  	p0 =	sne.s32 s4, $0x7C0;
	v2 =	vld [tilespmem:s3+$0x11B00];
	[tilespmem:s1+$0x12B00] =	vst v1;
	s1 =	smov.u32 s0;
	s0 =	smov.u32 s3  }
0x3ca: {  	v1 =	vld.idx.msk [tilespmem:v0+s2+$0x0], $0xffff;
	_ =	sdelay $0x2  }
0x3cb: {  	v3 =	vld [tilespmem:s1+$0x12B00]  }
0x3cc: {  	vm1 =	vgt.s32 v2, $0x97F;
	v0 =	vadd.s32 $0xFFFFF680, v2  }
.Ltmp18:
0x3cd: {  	v0 =	vsel vm1, v0, v2;
	(pc) =	sbr.rel @p0 .LBB2_38-.Ltmp18, $4  }
0x3ce: {  	v2 =	vand.u32 $0xFFFF0000, v1;
	v1 =	vshll.u32 v1, $0x10;
	v0 =	vadd.s32 $0xAB00, v0  }
0x3cf: {  	v1 =	vsel vm0, v2, v1;
	vm0 =	vmmov vm1  }
0x3d0: {  	v1 =	vadd.f32 v1, v3  }
0x3d1: {  	s3 =	sshra.s32 s4, $0x2;
	s4 =	sadd.s32 $0x40, s4  }
0x3d2: {  	_ =	sdelay $0x1  }
0x3d3: {  	v2 =	vld [tilespmem:s3+$0x11B00]  }
0x3d4: {  	[tilespmem:s1+$0x12B00] =	vst v1  }
0x3d5: {  	v0 =	vld.idx.msk [tilespmem:v0+s2+$0x0], $0xffff;
	_ =	sdelay $0x1  }
0x3d6: {  	v1 =	vld [tilespmem:s0+$0x12B00]  }
0x3d7: {  	vm1 =	vgt.s32 v2, $0x97F;
	v3 =	vadd.s32 $0xFFFFF680, v2  }
0x3d8: {  	v2 =	vsel vm1, v3, v2  }
0x3d9: {  	v3 =	vand.u32 $0xFFFF0000, v0;
	v0 =	vshll.u32 v0, $0x10;
	v2 =	vadd.s32 $0xAB00, v2  }
0x3da: {  	v0 =	vsel vm0, v3, v0  }
0x3db: {  	v0 =	vadd.f32 v0, v1;
	_ =	sdelay $0x1  }
0x3dc: {  	[tilespmem:s0+$0x12B00] =	vst v0  }
0x3dd: {  	v0 =	vld.idx.msk [tilespmem:v2+s2+$0x0], $0xffff;
	_ =	sdelay $0x1  }
0x3de: {  	v1 =	vld [tilespmem:s3+$0x12B00];
	_ =	sdelay $0x2  }
0x3df: {  	vm0 =	vmmov vm1;
	v2 =	vand.u32 $0xFFFF0000, v0;
	v0 =	vshll.u32 v0, $0x10  }
0x3e0: {  	v0 =	vsel vm0, v2, v0  }
0x3e1: {  	v0 =	vadd.f32 v0, v1;
	_ =	sdelay $0x1  }
0x3e2: {  	[tilespmem:s3+$0x12B00] =	vst v0  }
0x3e3: {  	_ =	swait.ge [sflag:s28], $0x200  }
0x3e4: {  	[sflag:s28] =	ssyncset.done $0x0  }
0x3e5: {  	[sflag:s28] =	ssyncadd.s32 $0xFFFFFE00  }
0x3e6: {  	_ =	swait.ge [sflag:s29], $0x980  }
0x3e7: {  	[sflag:s29] =	ssyncset.done $0x0  }
0x3e8: {  	s1 =	simm.s32 $0x0;
	[sflag:s29] =	ssyncadd.s32 $0xFFFFF680  }
0x3e9: {  	v0 =	vld [tilespmem:s1+$0x11D00];
	_ =	sdelay $0x4  }
0x3ea: {  	vm0 =	vgt.s32 v0, $0x97F;
	v1 =	vadd.s32 $0xFFFFF680, v0  }
0x3eb: {  	v0 =	vsel vm0, v1, v0  }
0x3ec: {  	v0 =	vadd.s32 $0xB480, v0;
	_ =	sdelay $0x2  }
0x3ed: {  	s0 =	simm.s32 $0x10  }
0x3ee: {  	v1 =	vld [tilespmem:s0+$0x11D00]  }
0x3ef: {  	v0 =	vld.idx.msk [tilespmem:v0+s2+$0x0], $0xffff;
	_ =	sdelay $0x2  }
0x3f0: {  	v2 =	vld [tilespmem:s1+$0x12B00]  }
0x3f1: {  	vm0 =	vmmov vm0;
	vm1 =	vgt.s32 v1, $0x97F;
	v3 =	vadd.s32 $0xFFFFF680, v1  }
0x3f2: {  	v1 =	vsel vm1, v3, v1;
	v4 =	vand.u32 $0xFFFF0000, v0;
	v0 =	vshll.u32 v0, $0x10  }
0x3f3: {  	v3 =	vsel vm0, v4, v0;
	v0 =	vadd.s32 $0xB480, v1;
	_ =	sdelay $0x1  }
0x3f4: {  	v1 =	vadd.f32 v3, v2  }
0x3f5: {  	s4 =	simm.s32 $0xC0;
	s3 =	simm.s32 $0x20;
	vm0 =	vmmov vm1  }
.LBB2_40:
0x3f6: {  	p0 =	sne.s32 s4, $0x7C0;
	v2 =	vld [tilespmem:s3+$0x11D00];
	[tilespmem:s1+$0x12B00] =	vst v1;
	s1 =	smov.u32 s0;
	s0 =	smov.u32 s3  }
0x3f7: {  	v1 =	vld.idx.msk [tilespmem:v0+s2+$0x0], $0xffff;
	_ =	sdelay $0x2  }
0x3f8: {  	v3 =	vld [tilespmem:s1+$0x12B00]  }
0x3f9: {  	vm1 =	vgt.s32 v2, $0x97F;
	v0 =	vadd.s32 $0xFFFFF680, v2  }
.Ltmp19:
0x3fa: {  	v0 =	vsel vm1, v0, v2;
	(pc) =	sbr.rel @p0 .LBB2_40-.Ltmp19, $4  }
0x3fb: {  	v2 =	vand.u32 $0xFFFF0000, v1;
	v1 =	vshll.u32 v1, $0x10;
	v0 =	vadd.s32 $0xB480, v0  }
0x3fc: {  	v1 =	vsel vm0, v2, v1;
	vm0 =	vmmov vm1  }
0x3fd: {  	v1 =	vadd.f32 v1, v3  }
0x3fe: {  	s3 =	sshra.s32 s4, $0x2;
	s4 =	sadd.s32 $0x40, s4  }
0x3ff: {  	_ =	sdelay $0x1  }
0x400: {  	v2 =	vld [tilespmem:s3+$0x11D00]  }
0x401: {  	[tilespmem:s1+$0x12B00] =	vst v1  }
0x402: {  	v0 =	vld.idx.msk [tilespmem:v0+s2+$0x0], $0xffff;
	_ =	sdelay $0x1  }
0x403: {  	v1 =	vld [tilespmem:s0+$0x12B00]  }
0x404: {  	vm1 =	vgt.s32 v2, $0x97F;
	v3 =	vadd.s32 $0xFFFFF680, v2  }
0x405: {  	v2 =	vsel vm1, v3, v2  }
0x406: {  	v3 =	vand.u32 $0xFFFF0000, v0;
	v0 =	vshll.u32 v0, $0x10;
	v2 =	vadd.s32 $0xB480, v2  }
0x407: {  	v0 =	vsel vm0, v3, v0  }
0x408: {  	v0 =	vadd.f32 v0, v1;
	_ =	sdelay $0x1  }
0x409: {  	[tilespmem:s0+$0x12B00] =	vst v0  }
0x40a: {  	v0 =	vld.idx.msk [tilespmem:v2+s2+$0x0], $0xffff;
	_ =	sdelay $0x1  }
0x40b: {  	v1 =	vld [tilespmem:s3+$0x12B00];
	_ =	sdelay $0x2  }
0x40c: {  	vm0 =	vmmov vm1;
	v2 =	vand.u32 $0xFFFF0000, v0;
	v0 =	vshll.u32 v0, $0x10  }
0x40d: {  	v0 =	vsel vm0, v2, v0  }
0x40e: {  	v0 =	vadd.f32 v0, v1;
	_ =	sdelay $0x1  }
0x40f: {  	[tilespmem:s3+$0x12B00] =	vst v0  }
0x410: {  	_ =	swait.ge [sflag:s28], $0x200  }
0x411: {  	[sflag:s28] =	ssyncset.done $0x0  }
0x412: {  	[sflag:s28] =	ssyncadd.s32 $0xFFFFFE00  }
0x413: {  	_ =	swait.ge [sflag:s29], $0x980  }
0x414: {  	[sflag:s29] =	ssyncset.done $0x0  }
0x415: {  	s1 =	simm.s32 $0x0;
	[sflag:s29] =	ssyncadd.s32 $0xFFFFF680  }
0x416: {  	v0 =	vld [tilespmem:s1+$0x11F00];
	_ =	sdelay $0x4  }
0x417: {  	vm0 =	vgt.s32 v0, $0x97F;
	v1 =	vadd.s32 $0xFFFFF680, v0  }
0x418: {  	v0 =	vsel vm0, v1, v0  }
0x419: {  	v0 =	vadd.s32 $0xBE00, v0;
	_ =	sdelay $0x2  }
0x41a: {  	s0 =	simm.s32 $0x10  }
0x41b: {  	v1 =	vld [tilespmem:s0+$0x11F00]  }
0x41c: {  	v0 =	vld.idx.msk [tilespmem:v0+s2+$0x0], $0xffff;
	_ =	sdelay $0x2  }
0x41d: {  	v2 =	vld [tilespmem:s1+$0x12B00]  }
0x41e: {  	vm0 =	vmmov vm0;
	vm1 =	vgt.s32 v1, $0x97F;
	v3 =	vadd.s32 $0xFFFFF680, v1  }
0x41f: {  	v1 =	vsel vm1, v3, v1;
	v4 =	vand.u32 $0xFFFF0000, v0;
	v0 =	vshll.u32 v0, $0x10  }
0x420: {  	v3 =	vsel vm0, v4, v0;
	v0 =	vadd.s32 $0xBE00, v1;
	_ =	sdelay $0x1  }
0x421: {  	v1 =	vadd.f32 v3, v2  }
0x422: {  	s4 =	simm.s32 $0xC0;
	s3 =	simm.s32 $0x20;
	vm0 =	vmmov vm1  }
.LBB2_42:
0x423: {  	p0 =	sne.s32 s4, $0x7C0;
	v2 =	vld [tilespmem:s3+$0x11F00];
	[tilespmem:s1+$0x12B00] =	vst v1;
	s1 =	smov.u32 s0;
	s0 =	smov.u32 s3  }
0x424: {  	v1 =	vld.idx.msk [tilespmem:v0+s2+$0x0], $0xffff;
	_ =	sdelay $0x2  }
0x425: {  	v3 =	vld [tilespmem:s1+$0x12B00]  }
0x426: {  	vm1 =	vgt.s32 v2, $0x97F;
	v0 =	vadd.s32 $0xFFFFF680, v2  }
.Ltmp20:
0x427: {  	v0 =	vsel vm1, v0, v2;
	(pc) =	sbr.rel @p0 .LBB2_42-.Ltmp20, $4  }
0x428: {  	v2 =	vand.u32 $0xFFFF0000, v1;
	v1 =	vshll.u32 v1, $0x10;
	v0 =	vadd.s32 $0xBE00, v0  }
0x429: {  	v1 =	vsel vm0, v2, v1;
	vm0 =	vmmov vm1  }
0x42a: {  	v1 =	vadd.f32 v1, v3  }
0x42b: {  	s3 =	sshra.s32 s4, $0x2;
	s4 =	sadd.s32 $0x40, s4  }
0x42c: {  	_ =	sdelay $0x1  }
0x42d: {  	v2 =	vld [tilespmem:s3+$0x11F00]  }
0x42e: {  	[tilespmem:s1+$0x12B00] =	vst v1  }
0x42f: {  	v0 =	vld.idx.msk [tilespmem:v0+s2+$0x0], $0xffff;
	_ =	sdelay $0x1  }
0x430: {  	v1 =	vld [tilespmem:s0+$0x12B00]  }
0x431: {  	vm1 =	vgt.s32 v2, $0x97F;
	v3 =	vadd.s32 $0xFFFFF680, v2  }
0x432: {  	v2 =	vsel vm1, v3, v2  }
0x433: {  	v3 =	vand.u32 $0xFFFF0000, v0;
	v0 =	vshll.u32 v0, $0x10;
	v2 =	vadd.s32 $0xBE00, v2  }
0x434: {  	v0 =	vsel vm0, v3, v0  }
0x435: {  	v0 =	vadd.f32 v0, v1;
	_ =	sdelay $0x1  }
0x436: {  	[tilespmem:s0+$0x12B00] =	vst v0  }
0x437: {  	v0 =	vld.idx.msk [tilespmem:v2+s2+$0x0], $0xffff;
	_ =	sdelay $0x1  }
0x438: {  	v1 =	vld [tilespmem:s3+$0x12B00];
	_ =	sdelay $0x2  }
0x439: {  	vm0 =	vmmov vm1;
	v2 =	vand.u32 $0xFFFF0000, v0;
	v0 =	vshll.u32 v0, $0x10  }
0x43a: {  	v0 =	vsel vm0, v2, v0  }
0x43b: {  	v0 =	vadd.f32 v0, v1;
	_ =	sdelay $0x1  }
0x43c: {  	[tilespmem:s3+$0x12B00] =	vst v0  }
0x43d: {  	_ =	swait.ge [sflag:s28], $0x200  }
0x43e: {  	[sflag:s28] =	ssyncset.done $0x0  }
0x43f: {  	[sflag:s28] =	ssyncadd.s32 $0xFFFFFE00  }
0x440: {  	_ =	swait.ge [sflag:s29], $0x980  }
0x441: {  	[sflag:s29] =	ssyncset.done $0x0  }
0x442: {  	s1 =	simm.s32 $0x0;
	[sflag:s29] =	ssyncadd.s32 $0xFFFFF680  }
0x443: {  	v0 =	vld [tilespmem:s1+$0x12100];
	_ =	sdelay $0x4  }
0x444: {  	vm0 =	vgt.s32 v0, $0x97F;
	v1 =	vadd.s32 $0xFFFFF680, v0  }
0x445: {  	v0 =	vsel vm0, v1, v0  }
0x446: {  	v0 =	vadd.s32 $0xC780, v0;
	_ =	sdelay $0x2  }
0x447: {  	s0 =	simm.s32 $0x10  }
0x448: {  	v1 =	vld [tilespmem:s0+$0x12100]  }
0x449: {  	v0 =	vld.idx.msk [tilespmem:v0+s2+$0x0], $0xffff;
	_ =	sdelay $0x2  }
0x44a: {  	v2 =	vld [tilespmem:s1+$0x12B00]  }
0x44b: {  	vm0 =	vmmov vm0;
	vm1 =	vgt.s32 v1, $0x97F;
	v3 =	vadd.s32 $0xFFFFF680, v1  }
0x44c: {  	v1 =	vsel vm1, v3, v1;
	v4 =	vand.u32 $0xFFFF0000, v0;
	v0 =	vshll.u32 v0, $0x10  }
0x44d: {  	v3 =	vsel vm0, v4, v0;
	v0 =	vadd.s32 $0xC780, v1;
	_ =	sdelay $0x1  }
0x44e: {  	v1 =	vadd.f32 v3, v2  }
0x44f: {  	s4 =	simm.s32 $0xC0;
	s3 =	simm.s32 $0x20;
	vm0 =	vmmov vm1  }
.LBB2_44:
0x450: {  	p0 =	sne.s32 s4, $0x7C0;
	v2 =	vld [tilespmem:s3+$0x12100];
	[tilespmem:s1+$0x12B00] =	vst v1;
	s1 =	smov.u32 s0;
	s0 =	smov.u32 s3  }
0x451: {  	v1 =	vld.idx.msk [tilespmem:v0+s2+$0x0], $0xffff;
	_ =	sdelay $0x2  }
0x452: {  	v3 =	vld [tilespmem:s1+$0x12B00]  }
0x453: {  	vm1 =	vgt.s32 v2, $0x97F;
	v0 =	vadd.s32 $0xFFFFF680, v2  }
.Ltmp21:
0x454: {  	v0 =	vsel vm1, v0, v2;
	(pc) =	sbr.rel @p0 .LBB2_44-.Ltmp21, $4  }
0x455: {  	v2 =	vand.u32 $0xFFFF0000, v1;
	v1 =	vshll.u32 v1, $0x10;
	v0 =	vadd.s32 $0xC780, v0  }
0x456: {  	v1 =	vsel vm0, v2, v1;
	vm0 =	vmmov vm1  }
0x457: {  	v1 =	vadd.f32 v1, v3  }
0x458: {  	s3 =	sshra.s32 s4, $0x2;
	s4 =	sadd.s32 $0x40, s4  }
0x459: {  	_ =	sdelay $0x1  }
0x45a: {  	v2 =	vld [tilespmem:s3+$0x12100]  }
0x45b: {  	[tilespmem:s1+$0x12B00] =	vst v1  }
0x45c: {  	v0 =	vld.idx.msk [tilespmem:v0+s2+$0x0], $0xffff;
	_ =	sdelay $0x1  }
0x45d: {  	v1 =	vld [tilespmem:s0+$0x12B00]  }
0x45e: {  	vm1 =	vgt.s32 v2, $0x97F;
	v3 =	vadd.s32 $0xFFFFF680, v2  }
0x45f: {  	v2 =	vsel vm1, v3, v2  }
0x460: {  	v3 =	vand.u32 $0xFFFF0000, v0;
	v0 =	vshll.u32 v0, $0x10;
	v2 =	vadd.s32 $0xC780, v2  }
0x461: {  	v0 =	vsel vm0, v3, v0  }
0x462: {  	v0 =	vadd.f32 v0, v1;
	_ =	sdelay $0x1  }
0x463: {  	[tilespmem:s0+$0x12B00] =	vst v0  }
0x464: {  	v0 =	vld.idx.msk [tilespmem:v2+s2+$0x0], $0xffff;
	_ =	sdelay $0x1  }
0x465: {  	v1 =	vld [tilespmem:s3+$0x12B00];
	_ =	sdelay $0x2  }
0x466: {  	vm0 =	vmmov vm1;
	v2 =	vand.u32 $0xFFFF0000, v0;
	v0 =	vshll.u32 v0, $0x10  }
0x467: {  	v0 =	vsel vm0, v2, v0  }
0x468: {  	v0 =	vadd.f32 v0, v1;
	_ =	sdelay $0x1  }
0x469: {  	[tilespmem:s3+$0x12B00] =	vst v0  }
0x46a: {  	_ =	swait.ge [sflag:s28], $0x200  }
0x46b: {  	[sflag:s28] =	ssyncset.done $0x0  }
0x46c: {  	[sflag:s28] =	ssyncadd.s32 $0xFFFFFE00  }
0x46d: {  	_ =	swait.ge [sflag:s29], $0x980  }
0x46e: {  	[sflag:s29] =	ssyncset.done $0x0  }
0x46f: {  	s1 =	simm.s32 $0x0;
	[sflag:s29] =	ssyncadd.s32 $0xFFFFF680  }
0x470: {  	v0 =	vld [tilespmem:s1+$0x12300];
	_ =	sdelay $0x4  }
0x471: {  	vm0 =	vgt.s32 v0, $0x97F;
	v1 =	vadd.s32 $0xFFFFF680, v0  }
0x472: {  	v0 =	vsel vm0, v1, v0  }
0x473: {  	v0 =	vadd.s32 $0xD100, v0;
	_ =	sdelay $0x2  }
0x474: {  	s0 =	simm.s32 $0x10  }
0x475: {  	v1 =	vld [tilespmem:s0+$0x12300]  }
0x476: {  	v0 =	vld.idx.msk [tilespmem:v0+s2+$0x0], $0xffff;
	_ =	sdelay $0x2  }
0x477: {  	v2 =	vld [tilespmem:s1+$0x12B00]  }
0x478: {  	vm0 =	vmmov vm0;
	vm1 =	vgt.s32 v1, $0x97F;
	v3 =	vadd.s32 $0xFFFFF680, v1  }
0x479: {  	v1 =	vsel vm1, v3, v1;
	v4 =	vand.u32 $0xFFFF0000, v0;
	v0 =	vshll.u32 v0, $0x10  }
0x47a: {  	v3 =	vsel vm0, v4, v0;
	v0 =	vadd.s32 $0xD100, v1;
	_ =	sdelay $0x1  }
0x47b: {  	v1 =	vadd.f32 v3, v2  }
0x47c: {  	s4 =	simm.s32 $0xC0;
	s3 =	simm.s32 $0x20;
	vm0 =	vmmov vm1  }
.LBB2_46:
0x47d: {  	p0 =	sne.s32 s4, $0x7C0;
	v2 =	vld [tilespmem:s3+$0x12300];
	[tilespmem:s1+$0x12B00] =	vst v1;
	s1 =	smov.u32 s0;
	s0 =	smov.u32 s3  }
0x47e: {  	v1 =	vld.idx.msk [tilespmem:v0+s2+$0x0], $0xffff;
	_ =	sdelay $0x2  }
0x47f: {  	v3 =	vld [tilespmem:s1+$0x12B00]  }
0x480: {  	vm1 =	vgt.s32 v2, $0x97F;
	v0 =	vadd.s32 $0xFFFFF680, v2  }
.Ltmp22:
0x481: {  	v0 =	vsel vm1, v0, v2;
	(pc) =	sbr.rel @p0 .LBB2_46-.Ltmp22, $4  }
0x482: {  	v2 =	vand.u32 $0xFFFF0000, v1;
	v1 =	vshll.u32 v1, $0x10;
	v0 =	vadd.s32 $0xD100, v0  }
0x483: {  	v1 =	vsel vm0, v2, v1;
	vm0 =	vmmov vm1  }
0x484: {  	v1 =	vadd.f32 v1, v3  }
0x485: {  	s3 =	sshra.s32 s4, $0x2;
	s4 =	sadd.s32 $0x40, s4  }
0x486: {  	_ =	sdelay $0x1  }
0x487: {  	v2 =	vld [tilespmem:s3+$0x12300]  }
0x488: {  	[tilespmem:s1+$0x12B00] =	vst v1  }
0x489: {  	v0 =	vld.idx.msk [tilespmem:v0+s2+$0x0], $0xffff;
	_ =	sdelay $0x1  }
0x48a: {  	v1 =	vld [tilespmem:s0+$0x12B00]  }
0x48b: {  	vm1 =	vgt.s32 v2, $0x97F;
	v3 =	vadd.s32 $0xFFFFF680, v2  }
0x48c: {  	v2 =	vsel vm1, v3, v2  }
0x48d: {  	v3 =	vand.u32 $0xFFFF0000, v0;
	v0 =	vshll.u32 v0, $0x10;
	v2 =	vadd.s32 $0xD100, v2  }
0x48e: {  	v0 =	vsel vm0, v3, v0  }
0x48f: {  	v0 =	vadd.f32 v0, v1;
	_ =	sdelay $0x1  }
0x490: {  	[tilespmem:s0+$0x12B00] =	vst v0  }
0x491: {  	v0 =	vld.idx.msk [tilespmem:v2+s2+$0x0], $0xffff;
	_ =	sdelay $0x1  }
0x492: {  	v1 =	vld [tilespmem:s3+$0x12B00];
	_ =	sdelay $0x2  }
0x493: {  	vm0 =	vmmov vm1;
	v2 =	vand.u32 $0xFFFF0000, v0;
	v0 =	vshll.u32 v0, $0x10  }
0x494: {  	v0 =	vsel vm0, v2, v0  }
0x495: {  	v0 =	vadd.f32 v0, v1;
	_ =	sdelay $0x1  }
0x496: {  	[tilespmem:s3+$0x12B00] =	vst v0  }
0x497: {  	_ =	swait.ge [sflag:s28], $0x200  }
0x498: {  	[sflag:s28] =	ssyncset.done $0x0  }
0x499: {  	[sflag:s28] =	ssyncadd.s32 $0xFFFFFE00  }
0x49a: {  	_ =	swait.ge [sflag:s29], $0x980  }
0x49b: {  	[sflag:s29] =	ssyncset.done $0x0  }
0x49c: {  	s1 =	simm.s32 $0x0;
	[sflag:s29] =	ssyncadd.s32 $0xFFFFF680  }
0x49d: {  	v0 =	vld [tilespmem:s1+$0x12500];
	_ =	sdelay $0x4  }
0x49e: {  	vm0 =	vgt.s32 v0, $0x97F;
	v1 =	vadd.s32 $0xFFFFF680, v0  }
0x49f: {  	v0 =	vsel vm0, v1, v0  }
0x4a0: {  	v0 =	vadd.s32 $0xDA80, v0;
	_ =	sdelay $0x2  }
0x4a1: {  	s0 =	simm.s32 $0x10  }
0x4a2: {  	v1 =	vld [tilespmem:s0+$0x12500]  }
0x4a3: {  	v0 =	vld.idx.msk [tilespmem:v0+s2+$0x0], $0xffff;
	_ =	sdelay $0x2  }
0x4a4: {  	v2 =	vld [tilespmem:s1+$0x12B00]  }
0x4a5: {  	vm0 =	vmmov vm0;
	vm1 =	vgt.s32 v1, $0x97F;
	v3 =	vadd.s32 $0xFFFFF680, v1  }
0x4a6: {  	v1 =	vsel vm1, v3, v1;
	v4 =	vand.u32 $0xFFFF0000, v0;
	v0 =	vshll.u32 v0, $0x10  }
0x4a7: {  	v3 =	vsel vm0, v4, v0;
	v0 =	vadd.s32 $0xDA80, v1;
	_ =	sdelay $0x1  }
0x4a8: {  	v1 =	vadd.f32 v3, v2  }
0x4a9: {  	s4 =	simm.s32 $0xC0;
	s3 =	simm.s32 $0x20;
	vm0 =	vmmov vm1  }
.LBB2_48:
0x4aa: {  	p0 =	sne.s32 s4, $0x7C0;
	v2 =	vld [tilespmem:s3+$0x12500];
	[tilespmem:s1+$0x12B00] =	vst v1;
	s1 =	smov.u32 s0;
	s0 =	smov.u32 s3  }
0x4ab: {  	v1 =	vld.idx.msk [tilespmem:v0+s2+$0x0], $0xffff;
	_ =	sdelay $0x2  }
0x4ac: {  	v3 =	vld [tilespmem:s1+$0x12B00]  }
0x4ad: {  	vm1 =	vgt.s32 v2, $0x97F;
	v0 =	vadd.s32 $0xFFFFF680, v2  }
.Ltmp23:
0x4ae: {  	v0 =	vsel vm1, v0, v2;
	(pc) =	sbr.rel @p0 .LBB2_48-.Ltmp23, $4  }
0x4af: {  	v2 =	vand.u32 $0xFFFF0000, v1;
	v1 =	vshll.u32 v1, $0x10;
	v0 =	vadd.s32 $0xDA80, v0  }
0x4b0: {  	v1 =	vsel vm0, v2, v1;
	vm0 =	vmmov vm1  }
0x4b1: {  	v1 =	vadd.f32 v1, v3  }
0x4b2: {  	s3 =	sshra.s32 s4, $0x2;
	s4 =	sadd.s32 $0x40, s4  }
0x4b3: {  	_ =	sdelay $0x1  }
0x4b4: {  	v2 =	vld [tilespmem:s3+$0x12500]  }
0x4b5: {  	[tilespmem:s1+$0x12B00] =	vst v1  }
0x4b6: {  	v0 =	vld.idx.msk [tilespmem:v0+s2+$0x0], $0xffff;
	_ =	sdelay $0x1  }
0x4b7: {  	v1 =	vld [tilespmem:s0+$0x12B00]  }
0x4b8: {  	vm1 =	vgt.s32 v2, $0x97F;
	v3 =	vadd.s32 $0xFFFFF680, v2  }
0x4b9: {  	v2 =	vsel vm1, v3, v2  }
0x4ba: {  	v3 =	vand.u32 $0xFFFF0000, v0;
	v0 =	vshll.u32 v0, $0x10;
	v2 =	vadd.s32 $0xDA80, v2  }
0x4bb: {  	v0 =	vsel vm0, v3, v0  }
0x4bc: {  	v0 =	vadd.f32 v0, v1;
	_ =	sdelay $0x1  }
0x4bd: {  	[tilespmem:s0+$0x12B00] =	vst v0  }
0x4be: {  	v0 =	vld.idx.msk [tilespmem:v2+s2+$0x0], $0xffff;
	_ =	sdelay $0x1  }
0x4bf: {  	v1 =	vld [tilespmem:s3+$0x12B00];
	_ =	sdelay $0x2  }
0x4c0: {  	vm0 =	vmmov vm1;
	v2 =	vand.u32 $0xFFFF0000, v0;
	v0 =	vshll.u32 v0, $0x10  }
0x4c1: {  	v0 =	vsel vm0, v2, v0  }
0x4c2: {  	v0 =	vadd.f32 v0, v1;
	_ =	sdelay $0x1  }
0x4c3: {  	[tilespmem:s3+$0x12B00] =	vst v0  }
0x4c4: {  	_ =	swait.ge [sflag:s28], $0x200  }
0x4c5: {  	[sflag:s28] =	ssyncset.done $0x0  }
0x4c6: {  	[sflag:s28] =	ssyncadd.s32 $0xFFFFFE00  }
0x4c7: {  	_ =	swait.ge [sflag:s29], $0x980  }
0x4c8: {  	[sflag:s29] =	ssyncset.done $0x0  }
0x4c9: {  	s1 =	simm.s32 $0x0;
	[sflag:s29] =	ssyncadd.s32 $0xFFFFF680  }
0x4ca: {  	v0 =	vld [tilespmem:s1+$0x12700];
	_ =	sdelay $0x4  }
0x4cb: {  	vm0 =	vgt.s32 v0, $0x97F;
	v1 =	vadd.s32 $0xFFFFF680, v0  }
0x4cc: {  	v0 =	vsel vm0, v1, v0  }
0x4cd: {  	v0 =	vadd.s32 $0xE400, v0;
	_ =	sdelay $0x2  }
0x4ce: {  	s0 =	simm.s32 $0x10  }
0x4cf: {  	v1 =	vld [tilespmem:s0+$0x12700]  }
0x4d0: {  	v0 =	vld.idx.msk [tilespmem:v0+s2+$0x0], $0xffff;
	_ =	sdelay $0x2  }
0x4d1: {  	v2 =	vld [tilespmem:s1+$0x12B00]  }
0x4d2: {  	vm0 =	vmmov vm0;
	vm1 =	vgt.s32 v1, $0x97F;
	v3 =	vadd.s32 $0xFFFFF680, v1  }
0x4d3: {  	v1 =	vsel vm1, v3, v1;
	v4 =	vand.u32 $0xFFFF0000, v0;
	v0 =	vshll.u32 v0, $0x10  }
0x4d4: {  	v3 =	vsel vm0, v4, v0;
	v0 =	vadd.s32 $0xE400, v1;
	_ =	sdelay $0x1  }
0x4d5: {  	v1 =	vadd.f32 v3, v2  }
0x4d6: {  	s4 =	simm.s32 $0xC0;
	s3 =	simm.s32 $0x20;
	vm0 =	vmmov vm1  }
.LBB2_50:
0x4d7: {  	p0 =	sne.s32 s4, $0x7C0;
	v2 =	vld [tilespmem:s3+$0x12700];
	[tilespmem:s1+$0x12B00] =	vst v1;
	s1 =	smov.u32 s0;
	s0 =	smov.u32 s3  }
0x4d8: {  	v1 =	vld.idx.msk [tilespmem:v0+s2+$0x0], $0xffff;
	_ =	sdelay $0x2  }
0x4d9: {  	v3 =	vld [tilespmem:s1+$0x12B00]  }
0x4da: {  	vm1 =	vgt.s32 v2, $0x97F;
	v0 =	vadd.s32 $0xFFFFF680, v2  }
.Ltmp24:
0x4db: {  	v0 =	vsel vm1, v0, v2;
	(pc) =	sbr.rel @p0 .LBB2_50-.Ltmp24, $4  }
0x4dc: {  	v2 =	vand.u32 $0xFFFF0000, v1;
	v1 =	vshll.u32 v1, $0x10;
	v0 =	vadd.s32 $0xE400, v0  }
0x4dd: {  	v1 =	vsel vm0, v2, v1;
	vm0 =	vmmov vm1  }
0x4de: {  	v1 =	vadd.f32 v1, v3  }
0x4df: {  	s3 =	sshra.s32 s4, $0x2;
	s4 =	sadd.s32 $0x40, s4  }
0x4e0: {  	_ =	sdelay $0x1  }
0x4e1: {  	v2 =	vld [tilespmem:s3+$0x12700]  }
0x4e2: {  	[tilespmem:s1+$0x12B00] =	vst v1  }
0x4e3: {  	v0 =	vld.idx.msk [tilespmem:v0+s2+$0x0], $0xffff;
	_ =	sdelay $0x1  }
0x4e4: {  	v1 =	vld [tilespmem:s0+$0x12B00]  }
0x4e5: {  	vm1 =	vgt.s32 v2, $0x97F;
	v3 =	vadd.s32 $0xFFFFF680, v2  }
0x4e6: {  	v2 =	vsel vm1, v3, v2  }
0x4e7: {  	v3 =	vand.u32 $0xFFFF0000, v0;
	v0 =	vshll.u32 v0, $0x10;
	v2 =	vadd.s32 $0xE400, v2  }
0x4e8: {  	v0 =	vsel vm0, v3, v0  }
0x4e9: {  	v0 =	vadd.f32 v0, v1;
	_ =	sdelay $0x1  }
0x4ea: {  	[tilespmem:s0+$0x12B00] =	vst v0  }
0x4eb: {  	v0 =	vld.idx.msk [tilespmem:v2+s2+$0x0], $0xffff;
	_ =	sdelay $0x1  }
0x4ec: {  	v1 =	vld [tilespmem:s3+$0x12B00];
	_ =	sdelay $0x2  }
0x4ed: {  	vm0 =	vmmov vm1;
	v2 =	vand.u32 $0xFFFF0000, v0;
	v0 =	vshll.u32 v0, $0x10  }
0x4ee: {  	v0 =	vsel vm0, v2, v0  }
0x4ef: {  	v0 =	vadd.f32 v0, v1;
	_ =	sdelay $0x1  }
0x4f0: {  	[tilespmem:s3+$0x12B00] =	vst v0  }
0x4f1: {  	_ =	swait.ge [sflag:s28], $0x200  }
0x4f2: {  	[sflag:s28] =	ssyncset.done $0x0  }
0x4f3: {  	[sflag:s28] =	ssyncadd.s32 $0xFFFFFE00  }
0x4f4: {  	_ =	swait.ge [sflag:s29], $0x980  }
0x4f5: {  	[sflag:s29] =	ssyncset.done $0x0  }
0x4f6: {  	s1 =	simm.s32 $0x0;
	[sflag:s29] =	ssyncadd.s32 $0xFFFFF680  }
0x4f7: {  	v0 =	vld [tilespmem:s1+$0x12900];
	_ =	sdelay $0x4  }
0x4f8: {  	vm0 =	vgt.s32 v0, $0x97F;
	v1 =	vadd.s32 $0xFFFFF680, v0  }
0x4f9: {  	v0 =	vsel vm0, v1, v0  }
0x4fa: {  	v0 =	vadd.s32 $0xED80, v0;
	_ =	sdelay $0x2  }
0x4fb: {  	s0 =	simm.s32 $0x10  }
0x4fc: {  	v1 =	vld [tilespmem:s0+$0x12900]  }
0x4fd: {  	v0 =	vld.idx.msk [tilespmem:v0+s2+$0x0], $0xffff;
	_ =	sdelay $0x2  }
0x4fe: {  	v2 =	vld [tilespmem:s1+$0x12B00]  }
0x4ff: {  	vm0 =	vmmov vm0;
	vm1 =	vgt.s32 v1, $0x97F;
	v3 =	vadd.s32 $0xFFFFF680, v1  }
0x500: {  	v1 =	vsel vm1, v3, v1;
	v4 =	vand.u32 $0xFFFF0000, v0;
	v0 =	vshll.u32 v0, $0x10  }
0x501: {  	v3 =	vsel vm0, v4, v0;
	v0 =	vadd.s32 $0xED80, v1;
	_ =	sdelay $0x1  }
0x502: {  	v1 =	vadd.f32 v3, v2  }
0x503: {  	s4 =	simm.s32 $0xC0;
	s3 =	simm.s32 $0x20;
	vm0 =	vmmov vm1  }
.LBB2_52:
0x504: {  	p0 =	sne.s32 s4, $0x7C0;
	v2 =	vld [tilespmem:s3+$0x12900];
	[tilespmem:s1+$0x12B00] =	vst v1;
	s1 =	smov.u32 s0;
	s0 =	smov.u32 s3  }
0x505: {  	v1 =	vld.idx.msk [tilespmem:v0+s2+$0x0], $0xffff;
	_ =	sdelay $0x2  }
0x506: {  	v3 =	vld [tilespmem:s1+$0x12B00]  }
0x507: {  	vm1 =	vgt.s32 v2, $0x97F;
	v0 =	vadd.s32 $0xFFFFF680, v2  }
.Ltmp25:
0x508: {  	v0 =	vsel vm1, v0, v2;
	(pc) =	sbr.rel @p0 .LBB2_52-.Ltmp25, $4  }
0x509: {  	v2 =	vand.u32 $0xFFFF0000, v1;
	v1 =	vshll.u32 v1, $0x10;
	v0 =	vadd.s32 $0xED80, v0  }
0x50a: {  	v1 =	vsel vm0, v2, v1;
	vm0 =	vmmov vm1  }
0x50b: {  	v1 =	vadd.f32 v1, v3  }
0x50c: {  	s3 =	sshra.s32 s4, $0x2;
	s4 =	sadd.s32 $0x40, s4  }
0x50d: {  	_ =	sdelay $0x1  }
0x50e: {  	v2 =	vld [tilespmem:s3+$0x12900]  }
0x50f: {  	[tilespmem:s1+$0x12B00] =	vst v1  }
0x510: {  	v0 =	vld.idx.msk [tilespmem:v0+s2+$0x0], $0xffff;
	_ =	sdelay $0x1  }
0x511: {  	v1 =	vld [tilespmem:s0+$0x12B00]  }
0x512: {  	vm1 =	vgt.s32 v2, $0x97F;
	v3 =	vadd.s32 $0xFFFFF680, v2  }
0x513: {  	v2 =	vsel vm1, v3, v2  }
0x514: {  	v62 =	vand.u32 $0xFFFF0000, v0;
	v0 =	vshll.u32 v0, $0x10;
	v2 =	vadd.s32 $0xED80, v2  }
0x515: {  	v0 =	vsel vm0, v62, v0  }
0x516: {  	v0 =	vadd.f32 v0, v1;
	_ =	sdelay $0x1  }
0x517: {  	[tilespmem:s0+$0x12B00] =	vst v0  }
0x518: {  	v0 =	vld.idx.msk [tilespmem:v2+s2+$0x0], $0xffff;
	_ =	sdelay $0x1  }
0x519: {  	v63 =	vld [tilespmem:s3+$0x12B00];
	_ =	sdelay $0x2  }
0x51a: {  	vm15 =	vmmov vm1;
	v2 =	vand.u32 $0xFFFF0000, v0;
	v0 =	vshll.u32 v0, $0x10  }
0x51b: {  	v0 =	vsel vm15, v2, v0  }
0x51c: {  	s31 =	sadd.s32 $0x1, s31;
	v0 =	vadd.f32 v0, v63  }
0x51d: {  	p0 =	sne.s32 s31, s26  }
.Ltmp26:
0x51e: {  	s4 =	simm.s32 $0x12B00;
	[tilespmem:s3+$0x12B00] =	vst v0;
	s3 =	rddreg [dreg:$0x15];
	(pc) =	sbr.rel @p0 .LBB2_1-.Ltmp26, $4  }
0x51f: {  	[hbm4b:s3+s2] =	stream.linear.scatter [tilespmem:s4], [sflag:$0x3], $0x200, $0x38;
	[tilespmem:$0x12D00] =	vst v63  }
0x520: {  	_ =	swait.ge [sflag:s30], $0x200  }
0x521: {  	[sflag:s30] =	ssyncset.done $0x0  }
0x522: {  	[sflag:s30] =	ssyncadd.s32 $0xFFFFFE00  }
0x523: {  	_ =	sfence.sel $0x180000  }
0x524: {  	[bflag:$0x0] =	sbarrier.arrive $0xFFFF  }
0x525: {  	_ =	strace $0x90000047  }
0x526: {  	s0 =	stileid.u32;
	[bflag:$0x2] =	sbarrier.arrive $0xFFFF  }
0x527: {  	p0 =	sne.s32 s0, $0x0;
	s0 =	rddreg [dreg:$0x2]  }
0x528: {  	s0 =	sadd.s32 @!p0 $0x100000, s0  }
0x529: {  	[sflag:s0] =	ssyncadd.tile.s32 @!p0 $0x1;
	_ =	shalt  }
.Lfunc_end2:
_tile_overlayer_lowered:
.L_overlay_start_2:
0x52a: {  	(tag) =	ssettag $0x2  }
0x52b: {  	s0 =	rddreg [dreg:$0x0];
	s2 =	stileid.u32  }
0x52c: {  	s1 =	rddreg [dreg:$0x1];
	p0 =	sne.s32 s2, $0x0  }
0x52d: {  	s3 =	rddreg [dreg:$0x2];
	[bflag:$0x3] =	sbarrier.arrive $0xFFFF;
	s2 =	simm.s32 @!p0 $0x1C03  }
0x52e: {  	[timem:s3], [sflag:s2] =	dma.local @!p0 [hbm:s0], s1  }
0x52f: {  	s0 =	simm.s32 @!p0 $0x3  }
0x530: {  	_ =	swait.ge @!p0 [sflag:s0], s1  }
0x531: {  	s1 =	ssub.s32 @!p0 $0x0, s1;
	[sflag:s0] =	ssyncset.done @!p0 $0x0  }
0x532: {  	[sflag:s0] =	ssyncadd.s32 @!p0 s1  }
0x533: {  	[bflag:$0x3] =	sbarrier.arrive $0xFFFF  }
0x534: {  	_ =	shalt  }

</sc_bundles>
